<compile_context>
chip_gen: v7x
topology: tpu7x:2x2x1
jax: 0.10.2.dev20260603
libtpu: 0.0.44.dev20260713+nightly
codegen_flags: <defaults>
</compile_context>

<pallas_src>
import functools

import jax
import jax.numpy as jnp
from jax import lax
from jax.experimental import pallas as pl
from jax.experimental.pallas import tpu as pltpu, tpu_sc as plsc

N = 10000
E = 320000
D_IN = 128
D_HID = 128
D_OUT = 16

NC = 2
NS = 16
NPAD = 10240
RPT = NPAD // NS
CHUNK = 128
EC32 = 80
TOT_CHUNKS = 32 * EC32
EPAD = TOT_CHUNKS * CHUNK

_mesh = functools.partial(
    plsc.VectorSubcoreMesh, core_axis_name="c", subcore_axis_name="s")

_SC_PARAMS = pltpu.CompilerParams(use_tc_tiling_on_sc=False)


def _deg_kernel():
    G = 5
    NG = EC32 // G

    @functools.partial(
        pl.kernel,
        out_type=jax.ShapeDtypeStruct((NC * NPAD, 16), jnp.float32),
        mesh=_mesh(),
        compiler_params=_SC_PARAMS,
        scratch_types=[
            pltpu.VMEM((EC32, CHUNK), jnp.int32),
            pltpu.VMEM((CHUNK, 16), jnp.float32),
            pltpu.VMEM((RPT, 16), jnp.float32),
            pltpu.VMEM_SHARED((NPAD, 16), jnp.float32),
            pltpu.SemaphoreType.DMA,
            pltpu.SemaphoreType.DMA,
        ],
    )
    def deg_k(col_hbm, ones_hbm, zero_hbm, out_hbm,
              colv, onesv, stage, acc, semA, semB):
        c = lax.axis_index("c")
        s = lax.axis_index("s")
        wid = c * NS + s
        pltpu.sync_copy(col_hbm.at[pl.ds(wid * EC32, EC32)], colv)
        pltpu.sync_copy(ones_hbm, onesv)
        pltpu.sync_copy(zero_hbm.at[pl.ds(s * RPT, RPT)], stage)
        pltpu.sync_copy(stage, acc.at[pl.ds(s * RPT, RPT)])
        plsc.subcore_barrier()

        def scat(j, sem):
            pltpu.async_copy(onesv, acc.at[colv.at[j]], sem, add=True)

        def scat_wait(j, sem):
            pltpu.make_async_copy(onesv, acc.at[colv.at[j]], sem).wait()

        def body(t, carry):
            g = t * 2
            for k in range(G):
                scat(g * G + k, semA)

            @pl.when(g > 0)
            def _():
                for k in range(G):
                    scat_wait((g - 1) * G + k, semB)
            for k in range(G):
                scat((g + 1) * G + k, semB)
            for k in range(G):
                scat_wait(g * G + k, semA)
            return carry

        lax.fori_loop(0, NG // 2, body, 0)
        for k in range(G):
            scat_wait((NG - 1) * G + k, semB)
        plsc.subcore_barrier()
        pltpu.sync_copy(acc.at[pl.ds(s * RPT, RPT)], stage)
        pltpu.sync_copy(stage, out_hbm.at[pl.ds(c * NPAD + s * RPT, RPT)])

    return deg_k


def _agg_kernel(depth, G, STG, mode):
    ec = (2 * EC32) if mode == "feat" else EC32
    NG = ec // G
    HOPS = RPT // STG

    @functools.partial(
        pl.kernel,
        out_type=jax.ShapeDtypeStruct((NC * NPAD, depth), jnp.float32),
        mesh=_mesh(),
        compiler_params=_SC_PARAMS,
        scratch_types=[
            pltpu.VMEM((ec, CHUNK), jnp.int32),
            pltpu.VMEM((ec, CHUNK), jnp.int32),
            pltpu.VMEM((2 * G, CHUNK, depth), jnp.float32),
            pltpu.VMEM((STG, depth), jnp.float32),
            pltpu.VMEM_SHARED((NPAD, depth), jnp.float32),
            pltpu.SemaphoreType.DMA,
            pltpu.SemaphoreType.DMA,
            pltpu.SemaphoreType.DMA,
            pltpu.SemaphoreType.DMA,
        ],
    )
    def agg_k(row_hbm, col_hbm, tbl_hbm, out_hbm,
              rowv, colv, bufs, stage, acc, gA, gB, sA, sB):
        c = lax.axis_index("c")
        s = lax.axis_index("s")
        if mode == "feat":
            row_off = c * TOT_CHUNKS + s * ec
            col_off = s * ec
        else:
            row_off = col_off = (c * NS + s) * ec
        pltpu.sync_copy(row_hbm.at[pl.ds(row_off, ec)], rowv)
        pltpu.sync_copy(col_hbm.at[pl.ds(col_off, ec)], colv)
        for h in range(HOPS):
            off = s * RPT + h * STG
            pltpu.sync_copy(tbl_hbm.at[pl.ds(c * NPAD + off, STG)], stage)
            pltpu.sync_copy(stage, acc.at[pl.ds(off, STG)])
        plsc.subcore_barrier()

        def gath(j, bank, k, sem):
            pltpu.async_copy(tbl_hbm.at[rowv.at[j]], bufs.at[bank * G + k],
                             sem)

        def gath_wait(j, bank, k, sem):
            pltpu.make_async_copy(tbl_hbm.at[rowv.at[j]],
                                  bufs.at[bank * G + k], sem).wait()

        def scat(j, bank, k, sem):
            pltpu.async_copy(bufs.at[bank * G + k], acc.at[colv.at[j]], sem,
                             add=True)

        def scat_wait(j, bank, k, sem):
            pltpu.make_async_copy(bufs.at[bank * G + k],
                                  acc.at[colv.at[j]], sem).wait()

        for k in range(G):
            gath(k, 0, k, gA)

        def body(t, carry):
            g = t * 2

            @pl.when(g > 0)
            def _():
                for k in range(G):
                    scat_wait((g - 1) * G + k, 1, k, sB)
            for k in range(G):
                gath((g + 1) * G + k, 1, k, gB)
            for k in range(G):
                gath_wait(g * G + k, 0, k, gA)
            for k in range(G):
                scat(g * G + k, 0, k, sA)
            for k in range(G):
                scat_wait(g * G + k, 0, k, sA)

            @pl.when(g + 2 < NG)
            def _():
                for k in range(G):
                    gath((g + 2) * G + k, 0, k, gA)
            for k in range(G):
                gath_wait((g + 1) * G + k, 1, k, gB)
            for k in range(G):
                scat((g + 1) * G + k, 1, k, sB)
            return carry

        lax.fori_loop(0, NG // 2, body, 0)
        for k in range(G):
            scat_wait((NG - 1) * G + k, 1, k, sB)
        plsc.subcore_barrier()
        for h in range(HOPS):
            off = s * RPT + h * STG
            pltpu.sync_copy(acc.at[pl.ds(off, STG)], stage)
            pltpu.sync_copy(stage, out_hbm.at[pl.ds(c * NPAD + off, STG)])

    return agg_k


_BLK = 640


def _k1(x, W1, degp):
    def body(x_ref, w_ref, degp_ref, hcat_ref, dis_ref):
        deg = degp_ref[0, :, 0] + degp_ref[1, :, 0] + 1.0
        dis = lax.rsqrt(deg)
        h = lax.dot_general(x_ref[...], w_ref[...],
                            (((1,), (1,)), ((), ())),
                            precision=lax.Precision.HIGHEST)
        hs = h * dis[:, None]
        hcat_ref[0] = hs[:, :64]
        hcat_ref[1] = hs[:, 64:]
        dis_ref[...] = dis[:, None]

    return pl.pallas_call(
        body,
        grid=(NPAD // _BLK,),
        in_specs=[
            pl.BlockSpec((_BLK, D_IN), lambda i: (i, 0)),
            pl.BlockSpec((D_HID, D_IN), lambda i: (0, 0)),
            pl.BlockSpec((2, _BLK, 16), lambda i: (0, i, 0)),
        ],
        out_specs=[
            pl.BlockSpec((2, _BLK, 64), lambda i: (0, i, 0)),
            pl.BlockSpec((_BLK, 1), lambda i: (i, 0)),
        ],
        out_shape=[
            jax.ShapeDtypeStruct((2, NPAD, 64), jnp.float32),
            jax.ShapeDtypeStruct((NPAD, 1), jnp.float32),
        ],
    )(x, W1, degp)


def _k2(agg, dis, b1, W2):
    def body(a_ref, dis_ref, b1_ref, w2_ref, out_ref):
        dis = dis_ref[...]
        z = jnp.concatenate([a_ref[0], a_ref[1]], axis=1)
        z = jnp.maximum(z * dis + b1_ref[...], 0.0)
        y = lax.dot_general(z, w2_ref[...],
                            (((1,), (1,)), ((), ())),
                            precision=lax.Precision.HIGHEST)
        out_ref[0] = y * dis
        out_ref[1] = jnp.zeros_like(y)

    return pl.pallas_call(
        body,
        grid=(NPAD // _BLK,),
        in_specs=[
            pl.BlockSpec((2, _BLK, 64), lambda i: (0, i, 0)),
            pl.BlockSpec((_BLK, 1), lambda i: (i, 0)),
            pl.BlockSpec((1, D_HID), lambda i: (0, 0)),
            pl.BlockSpec((D_OUT, D_HID), lambda i: (0, 0)),
        ],
        out_specs=pl.BlockSpec((2, _BLK, D_OUT), lambda i: (0, i, 0)),
        out_shape=jax.ShapeDtypeStruct((2, NPAD, D_OUT), jnp.float32),
    )(agg, dis, b1, W2)


def _k3(p2, dis, b2):
    def body(p_ref, dis_ref, b2_ref, out_ref):
        out_ref[...] = (p_ref[0] + p_ref[1]) * dis_ref[...] + b2_ref[...]

    return pl.pallas_call(
        body,
        grid=(NPAD // _BLK,),
        in_specs=[
            pl.BlockSpec((2, _BLK, D_OUT), lambda i: (0, i, 0)),
            pl.BlockSpec((_BLK, 1), lambda i: (i, 0)),
            pl.BlockSpec((1, D_OUT), lambda i: (0, 0)),
        ],
        out_specs=pl.BlockSpec((_BLK, D_OUT), lambda i: (i, 0)),
        out_shape=jax.ShapeDtypeStruct((NPAD, D_OUT), jnp.float32),
    )(p2, dis, b2)


def kernel(x, edge_index, W1, b1, W2, b2):
    pad = EPAD - E
    row = edge_index[0].astype(jnp.int32)
    col = edge_index[1].astype(jnp.int32)
    rowp = jnp.concatenate([row, jnp.zeros((pad,), jnp.int32)])
    colp = jnp.concatenate([col, jnp.full((pad,), N, jnp.int32)])
    row2d = jnp.concatenate([rowp, rowp + NPAD]).reshape(2 * TOT_CHUNKS, CHUNK)
    col2d = colp.reshape(TOT_CHUNKS, CHUNK)

    ones16 = jnp.ones((CHUNK, 16), jnp.float32)
    zeros16 = jnp.zeros((NPAD, 16), jnp.float32)

    degp = _deg_kernel()(col2d, ones16, zeros16).reshape(2, NPAD, 16)

    xp = jnp.zeros((NPAD, D_IN), x.dtype).at[:N].set(x)
    hcat, dis = _k1(xp, W1, degp)
    hcat = hcat.reshape(2 * NPAD, 64)

    agg = _agg_kernel(64, 2, 160, "feat")(row2d, col2d, hcat).reshape(
        2, NPAD, 64)

    h2init = _k2(agg, dis, b1.reshape(1, D_HID),
                 W2).reshape(2 * NPAD, D_OUT)

    p2 = _agg_kernel(D_OUT, 10, RPT, "edge")(row2d, col2d, h2init).reshape(
        2, NPAD, D_OUT)

    return _k3(p2, dis, b2.reshape(1, D_OUT))[:N]

# --- scband reference (transcript-rebuilt; emitter-appended) ---
"""Pipeline reference for scband-gcn-15719580303440 (READ-ONLY COPY).

The authoritative reference and input builder live on the scoring server;
editing this copy changes nothing except your own understanding.
"""

import jax, jax.numpy as jnp
import numpy as np

N_NODES = 10000
N_EDGES = 320000
D_IN = 128
D_HID = 128
D_OUT = 16


def gcn_conv(x, edge_index, W, b):
    # Faithful PyG GCNConv: add self-loops, sym-normalize, aggregate, linear, bias.
    N = x.shape[0]
    loops = jnp.arange(N, dtype=edge_index.dtype)
    ei = jnp.concatenate([edge_index, jnp.stack([loops, loops])], axis=1)
    row, col = ei[0], ei[1]
    edge_weight = jnp.ones((ei.shape[1],), dtype=x.dtype)
    deg = jnp.zeros((N,), dtype=x.dtype).at[col].add(edge_weight)
    deg_inv_sqrt = jnp.where(deg > 0, deg ** -0.5, 0.0)
    norm = deg_inv_sqrt[row] * deg_inv_sqrt[col] * edge_weight
    h = x @ W.T  # PyG Linear: weight shape [out, in]
    msg = norm[:, None] * h[row]
    out = jax.ops.segment_sum(msg, col, num_segments=N)
    return out + b


def setup_inputs(seed: int = 0) -> dict:
    key = jax.random.key(seed)
    ks = jax.random.split(key, 6)
    x = jax.random.normal(ks[0], (N_NODES, D_IN), dtype=jnp.float32)
    edge_index = jax.random.randint(ks[1], (2, N_EDGES), 0, N_NODES, dtype=jnp.int32)
    W1 = jax.random.normal(ks[2], (D_HID, D_IN), dtype=jnp.float32) * (1.0 / np.sqrt(D_IN))
    b1 = jnp.zeros((D_HID,), dtype=jnp.float32)
    W2 = jax.random.normal(ks[3], (D_OUT, D_HID), dtype=jnp.float32) * (1.0 / np.sqrt(D_HID))
    b2 = jnp.zeros((D_OUT,), dtype=jnp.float32)
    return {"x": x, "edge_index": edge_index, "W1": W1, "b1": b1, "W2": W2, "b2": b2}


def reference(x, edge_index, W1, b1, W2, b2):
    h = gcn_conv(x, edge_index, W1, b1)
    h = jax.nn.relu(h)
    # F.dropout(p=0.5, training=self.training): eval-mode reference -> identity
    out = gcn_conv(h, edge_index, W2, b2)
    return out

if __name__ == "__main__":
    import jax
    _d = setup_inputs()
    print(jax.jit(kernel)(*tuple(_d.values())))

</pallas_src>

<mosaic_0001>
#map = affine_map<(d0, d1) -> (0, 0)>
module attributes {stable_mosaic.version = 14 : i64} {
  func.func @agg_k(%arg0: i32, %arg1: i32, %arg2: memref<5120x128xi32, #tpu.memory_space<hbm>>, %arg3: memref<2560x128xi32, #tpu.memory_space<hbm>>, %arg4: memref<20480x16xf32, #tpu.memory_space<hbm>>, %arg5: memref<20480x16xf32, #tpu.memory_space<hbm>>, %arg6: memref<80x128xi32, #tpu.memory_space<vmem>>, %arg7: memref<80x128xi32, #tpu.memory_space<vmem>>, %arg8: memref<20x128x16xf32, #tpu.memory_space<vmem>>, %arg9: memref<640x16xf32, #tpu.memory_space<vmem>>, %arg10: memref<10240x16xf32, #tpu.memory_space<vmem_shared>>, %arg11: memref<!tpu.dma_semaphore, #tpu.memory_space<semaphore_mem>>, %arg12: memref<!tpu.dma_semaphore, #tpu.memory_space<semaphore_mem>>, %arg13: memref<!tpu.dma_semaphore, #tpu.memory_space<semaphore_mem>>, %arg14: memref<!tpu.dma_semaphore, #tpu.memory_space<semaphore_mem>>) attributes {dimension_semantics = [#tpu.dimension_semantics<core_parallel>, #tpu.dimension_semantics<subcore_parallel>], iteration_bounds = array<i64: 2, 16>, scalar_prefetch = 0 : i64, scratch_operands = 9 : i64, tpu.core_type = #tpu.core_type<sc_vector_subcore>, window_params = [{transform_indices = #map}, {transform_indices = #map}, {transform_indices = #map}, {transform_indices = #map}]} {
    %mul3A = arith.constant 16 : i32
    %mul3A_0 = arith.muli %arg0, %mul3A : i32
    %add3A = arith.addi %mul3A_0, %arg1 : i32
    %mul3A_1 = arith.constant 80 : i32
    %mul3A_2 = arith.muli %add3A, %mul3A_1 : i32
    "tpu.region"() ({
      %run_scoped3A = tpu.sem_alloc : memref<!tpu.dma_semaphore, #tpu.memory_space<semaphore_mem>>
      %dma_start3A_261 = arith.constant 0 : i32
      %dma_start3A_262 = tpu.memref_slice %arg2[%mul3A_2, %dma_start3A_261] : memref<5120x128xi32, #tpu.memory_space<hbm>> -> memref<80x128xi32, #tpu.memory_space<hbm>>
      %dma_start3A_263 = arith.constant 0 : i32
      %dma_start3A_264 = tpu.memref_slice %arg2[%mul3A_2, %dma_start3A_263] : memref<5120x128xi32, #tpu.memory_space<hbm>> -> memref<80x128xi32, #tpu.memory_space<hbm>>
      tpu.enqueue_dma source(%dma_start3A_264 : memref<80x128xi32, #tpu.memory_space<hbm>>) target(%arg6 : memref<80x128xi32, #tpu.memory_space<vmem>>) target_semaphore(%run_scoped3A : memref<!tpu.dma_semaphore, #tpu.memory_space<semaphore_mem>>)
      %dma_wait3A_265 = arith.constant 0 : i32
      %dma_wait3A_266 = tpu.memref_slice %arg2[%mul3A_2, %dma_wait3A_265] : memref<5120x128xi32, #tpu.memory_space<hbm>> -> memref<80x128xi32, #tpu.memory_space<hbm>>
      %dma_wait3A_267 = arith.constant 0 : i32
      %dma_wait3A_268 = tpu.memref_slice %arg2[%mul3A_2, %dma_wait3A_267] : memref<5120x128xi32, #tpu.memory_space<hbm>> -> memref<80x128xi32, #tpu.memory_space<hbm>>
      tpu.wait_dma2 semaphore(%run_scoped3A : memref<!tpu.dma_semaphore, #tpu.memory_space<semaphore_mem>>) src(%dma_wait3A_268 : memref<80x128xi32, #tpu.memory_space<hbm>>) dst(%arg6 : memref<80x128xi32, #tpu.memory_space<vmem>>)
      tpu.yield
    }) : () -> ()
    "tpu.region"() ({
      %run_scoped3A = tpu.sem_alloc : memref<!tpu.dma_semaphore, #tpu.memory_space<semaphore_mem>>
      %dma_start3A_261 = arith.constant 0 : i32
      %dma_start3A_262 = tpu.memref_slice %arg3[%mul3A_2, %dma_start3A_261] : memref<2560x128xi32, #tpu.memory_space<hbm>> -> memref<80x128xi32, #tpu.memory_space<hbm>>
      %dma_start3A_263 = arith.constant 0 : i32
      %dma_start3A_264 = tpu.memref_slice %arg3[%mul3A_2, %dma_start3A_263] : memref<2560x128xi32, #tpu.memory_space<hbm>> -> memref<80x128xi32, #tpu.memory_space<hbm>>
      tpu.enqueue_dma source(%dma_start3A_264 : memref<80x128xi32, #tpu.memory_space<hbm>>) target(%arg7 : memref<80x128xi32, #tpu.memory_space<vmem>>) target_semaphore(%run_scoped3A : memref<!tpu.dma_semaphore, #tpu.memory_space<semaphore_mem>>)
      %dma_wait3A_265 = arith.constant 0 : i32
      %dma_wait3A_266 = tpu.memref_slice %arg3[%mul3A_2, %dma_wait3A_265] : memref<2560x128xi32, #tpu.memory_space<hbm>> -> memref<80x128xi32, #tpu.memory_space<hbm>>
      %dma_wait3A_267 = arith.constant 0 : i32
      %dma_wait3A_268 = tpu.memref_slice %arg3[%mul3A_2, %dma_wait3A_267] : memref<2560x128xi32, #tpu.memory_space<hbm>> -> memref<80x128xi32, #tpu.memory_space<hbm>>
      tpu.wait_dma2 semaphore(%run_scoped3A : memref<!tpu.dma_semaphore, #tpu.memory_space<semaphore_mem>>) src(%dma_wait3A_268 : memref<80x128xi32, #tpu.memory_space<hbm>>) dst(%arg7 : memref<80x128xi32, #tpu.memory_space<vmem>>)
      tpu.yield
    }) : () -> ()
    %mul3A_3 = arith.constant 640 : i32
    %mul3A_4 = arith.muli %arg1, %mul3A_3 : i32
    %add3A_5 = arith.constant 0 : i32
    %add3A_6 = arith.addi %mul3A_4, %add3A_5 : i32
    %mul3A_7 = arith.constant 10240 : i32
    %mul3A_8 = arith.muli %arg0, %mul3A_7 : i32
    %add3A_9 = arith.addi %mul3A_8, %add3A_6 : i32
    "tpu.region"() ({
      %run_scoped3A = tpu.sem_alloc : memref<!tpu.dma_semaphore, #tpu.memory_space<semaphore_mem>>
      %dma_start3A_261 = arith.constant 0 : i32
      %dma_start3A_262 = tpu.memref_slice %arg4[%add3A_9, %dma_start3A_261] : memref<20480x16xf32, #tpu.memory_space<hbm>> -> memref<640x16xf32, #tpu.memory_space<hbm>>
      %dma_start3A_263 = arith.constant 0 : i32
      %dma_start3A_264 = tpu.memref_slice %arg4[%add3A_9, %dma_start3A_263] : memref<20480x16xf32, #tpu.memory_space<hbm>> -> memref<640x16xf32, #tpu.memory_space<hbm>>
      tpu.enqueue_dma source(%dma_start3A_264 : memref<640x16xf32, #tpu.memory_space<hbm>>) target(%arg9 : memref<640x16xf32, #tpu.memory_space<vmem>>) target_semaphore(%run_scoped3A : memref<!tpu.dma_semaphore, #tpu.memory_space<semaphore_mem>>)
      %dma_wait3A_265 = arith.constant 0 : i32
      %dma_wait3A_266 = tpu.memref_slice %arg4[%add3A_9, %dma_wait3A_265] : memref<20480x16xf32, #tpu.memory_space<hbm>> -> memref<640x16xf32, #tpu.memory_space<hbm>>
      %dma_wait3A_267 = arith.constant 0 : i32
      %dma_wait3A_268 = tpu.memref_slice %arg4[%add3A_9, %dma_wait3A_267] : memref<20480x16xf32, #tpu.memory_space<hbm>> -> memref<640x16xf32, #tpu.memory_space<hbm>>
      tpu.wait_dma2 semaphore(%run_scoped3A : memref<!tpu.dma_semaphore, #tpu.memory_space<semaphore_mem>>) src(%dma_wait3A_268 : memref<640x16xf32, #tpu.memory_space<hbm>>) dst(%arg9 : memref<640x16xf32, #tpu.memory_space<vmem>>)
      tpu.yield
    }) : () -> ()
    "tpu.region"() ({
      %run_scoped3A = tpu.sem_alloc : memref<!tpu.dma_semaphore, #tpu.memory_space<semaphore_mem>>
      %dma_start3A_261 = arith.constant 0 : i32
      %dma_start3A_262 = tpu.memref_slice %arg10[%add3A_6, %dma_start3A_261] : memref<10240x16xf32, #tpu.memory_space<vmem_shared>> -> memref<640x16xf32, #tpu.memory_space<vmem_shared>>
      %dma_start3A_263 = arith.constant 0 : i32
      %dma_start3A_264 = tpu.memref_slice %arg10[%add3A_6, %dma_start3A_263] : memref<10240x16xf32, #tpu.memory_space<vmem_shared>> -> memref<640x16xf32, #tpu.memory_space<vmem_shared>>
      tpu.enqueue_dma source(%arg9 : memref<640x16xf32, #tpu.memory_space<vmem>>) target(%dma_start3A_264 : memref<640x16xf32, #tpu.memory_space<vmem_shared>>) target_semaphore(%run_scoped3A : memref<!tpu.dma_semaphore, #tpu.memory_space<semaphore_mem>>)
      %dma_wait3A_265 = arith.constant 0 : i32
      %dma_wait3A_266 = tpu.memref_slice %arg10[%add3A_6, %dma_wait3A_265] : memref<10240x16xf32, #tpu.memory_space<vmem_shared>> -> memref<640x16xf32, #tpu.memory_space<vmem_shared>>
      %dma_wait3A_267 = arith.constant 0 : i32
      %dma_wait3A_268 = tpu.memref_slice %arg10[%add3A_6, %dma_wait3A_267] : memref<10240x16xf32, #tpu.memory_space<vmem_shared>> -> memref<640x16xf32, #tpu.memory_space<vmem_shared>>
      tpu.wait_dma2 semaphore(%run_scoped3A : memref<!tpu.dma_semaphore, #tpu.memory_space<semaphore_mem>>) src(%arg9 : memref<640x16xf32, #tpu.memory_space<vmem>>) dst(%dma_wait3A_268 : memref<640x16xf32, #tpu.memory_space<vmem_shared>>)
      tpu.yield
    }) : () -> ()
    %barrier3A = arith.constant 0 : index
    tpu.barrier barrier_id(%barrier3A)
    %dma_start3A = arith.constant 0 : i32
    %dma_start3A_10 = arith.constant 0 : i32
    %dma_start3A_11 = arith.constant 0 : i32
    %dma_start3A_12 = arith.constant 0 : i32
    %dma_start3A_13 = tpu.memref_slice %arg8[%dma_start3A_10, %dma_start3A_11, %dma_start3A_12] : memref<20x128x16xf32, #tpu.memory_space<vmem>> -> memref<1x128x16xf32, #tpu.memory_space<vmem>>
    %dma_start3A_14 = tpu.memref_squeeze %dma_start3A_13 : memref<1x128x16xf32, #tpu.memory_space<vmem>> -> memref<128x16xf32, #tpu.memory_space<vmem>>
    %dma_start3A_15 = arith.constant 0 : i32
    %dma_start3A_16 = tpu.memref_slice %arg6[%dma_start3A, %dma_start3A_15] : memref<80x128xi32, #tpu.memory_space<vmem>> -> memref<1x128xi32, #tpu.memory_space<vmem>>
    %dma_start3A_17 = tpu.memref_squeeze %dma_start3A_16 : memref<1x128xi32, #tpu.memory_space<vmem>> -> memref<128xi32, #tpu.memory_space<vmem>>
    %dma_start3A_18 = arith.constant 0 : i32
    %dma_start3A_19 = arith.constant 0 : i32
    %dma_start3A_20 = tpu.memref_slice %arg4[%dma_start3A_18, %dma_start3A_19] : memref<20480x16xf32, #tpu.memory_space<hbm>> -> memref<20480x16xf32, #tpu.memory_space<hbm>>
    tpu.enqueue_indirect_dma source(%dma_start3A_20 : memref<20480x16xf32, #tpu.memory_space<hbm>>) target(%dma_start3A_14 : memref<128x16xf32, #tpu.memory_space<vmem>>) offsets(%dma_start3A_17 : memref<128xi32, #tpu.memory_space<vmem>>) semaphore(%arg11 : memref<!tpu.dma_semaphore, #tpu.memory_space<semaphore_mem>>)
    %dma_start3A_21 = arith.constant 1 : i32
    %dma_start3A_22 = arith.constant 1 : i32
    %dma_start3A_23 = arith.constant 0 : i32
    %dma_start3A_24 = arith.constant 0 : i32
    %dma_start3A_25 = tpu.memref_slice %arg8[%dma_start3A_22, %dma_start3A_23, %dma_start3A_24] : memref<20x128x16xf32, #tpu.memory_space<vmem>> -> memref<1x128x16xf32, #tpu.memory_space<vmem>>
    %dma_start3A_26 = tpu.memref_squeeze %dma_start3A_25 : memref<1x128x16xf32, #tpu.memory_space<vmem>> -> memref<128x16xf32, #tpu.memory_space<vmem>>
    %dma_start3A_27 = arith.constant 0 : i32
    %dma_start3A_28 = tpu.memref_slice %arg6[%dma_start3A_21, %dma_start3A_27] : memref<80x128xi32, #tpu.memory_space<vmem>> -> memref<1x128xi32, #tpu.memory_space<vmem>>
    %dma_start3A_29 = tpu.memref_squeeze %dma_start3A_28 : memref<1x128xi32, #tpu.memory_space<vmem>> -> memref<128xi32, #tpu.memory_space<vmem>>
    %dma_start3A_30 = arith.constant 0 : i32
    %dma_start3A_31 = arith.constant 0 : i32
    %dma_start3A_32 = tpu.memref_slice %arg4[%dma_start3A_30, %dma_start3A_31] : memref<20480x16xf32, #tpu.memory_space<hbm>> -> memref<20480x16xf32, #tpu.memory_space<hbm>>
    tpu.enqueue_indirect_dma source(%dma_start3A_32 : memref<20480x16xf32, #tpu.memory_space<hbm>>) target(%dma_start3A_26 : memref<128x16xf32, #tpu.memory_space<vmem>>) offsets(%dma_start3A_29 : memref<128xi32, #tpu.memory_space<vmem>>) semaphore(%arg11 : memref<!tpu.dma_semaphore, #tpu.memory_space<semaphore_mem>>)
    %dma_start3A_33 = arith.constant 2 : i32
    %dma_start3A_34 = arith.constant 2 : i32
    %dma_start3A_35 = arith.constant 0 : i32
    %dma_start3A_36 = arith.constant 0 : i32
    %dma_start3A_37 = tpu.memref_slice %arg8[%dma_start3A_34, %dma_start3A_35, %dma_start3A_36] : memref<20x128x16xf32, #tpu.memory_space<vmem>> -> memref<1x128x16xf32, #tpu.memory_space<vmem>>
    %dma_start3A_38 = tpu.memref_squeeze %dma_start3A_37 : memref<1x128x16xf32, #tpu.memory_space<vmem>> -> memref<128x16xf32, #tpu.memory_space<vmem>>
    %dma_start3A_39 = arith.constant 0 : i32
    %dma_start3A_40 = tpu.memref_slice %arg6[%dma_start3A_33, %dma_start3A_39] : memref<80x128xi32, #tpu.memory_space<vmem>> -> memref<1x128xi32, #tpu.memory_space<vmem>>
    %dma_start3A_41 = tpu.memref_squeeze %dma_start3A_40 : memref<1x128xi32, #tpu.memory_space<vmem>> -> memref<128xi32, #tpu.memory_space<vmem>>
    %dma_start3A_42 = arith.constant 0 : i32
    %dma_start3A_43 = arith.constant 0 : i32
    %dma_start3A_44 = tpu.memref_slice %arg4[%dma_start3A_42, %dma_start3A_43] : memref<20480x16xf32, #tpu.memory_space<hbm>> -> memref<20480x16xf32, #tpu.memory_space<hbm>>
    tpu.enqueue_indirect_dma source(%dma_start3A_44 : memref<20480x16xf32, #tpu.memory_space<hbm>>) target(%dma_start3A_38 : memref<128x16xf32, #tpu.memory_space<vmem>>) offsets(%dma_start3A_41 : memref<128xi32, #tpu.memory_space<vmem>>) semaphore(%arg11 : memref<!tpu.dma_semaphore, #tpu.memory_space<semaphore_mem>>)
    %dma_start3A_45 = arith.constant 3 : i32
    %dma_start3A_46 = arith.constant 3 : i32
    %dma_start3A_47 = arith.constant 0 : i32
    %dma_start3A_48 = arith.constant 0 : i32
    %dma_start3A_49 = tpu.memref_slice %arg8[%dma_start3A_46, %dma_start3A_47, %dma_start3A_48] : memref<20x128x16xf32, #tpu.memory_space<vmem>> -> memref<1x128x16xf32, #tpu.memory_space<vmem>>
    %dma_start3A_50 = tpu.memref_squeeze %dma_start3A_49 : memref<1x128x16xf32, #tpu.memory_space<vmem>> -> memref<128x16xf32, #tpu.memory_space<vmem>>
    %dma_start3A_51 = arith.constant 0 : i32
    %dma_start3A_52 = tpu.memref_slice %arg6[%dma_start3A_45, %dma_start3A_51] : memref<80x128xi32, #tpu.memory_space<vmem>> -> memref<1x128xi32, #tpu.memory_space<vmem>>
    %dma_start3A_53 = tpu.memref_squeeze %dma_start3A_52 : memref<1x128xi32, #tpu.memory_space<vmem>> -> memref<128xi32, #tpu.memory_space<vmem>>
    %dma_start3A_54 = arith.constant 0 : i32
    %dma_start3A_55 = arith.constant 0 : i32
    %dma_start3A_56 = tpu.memref_slice %arg4[%dma_start3A_54, %dma_start3A_55] : memref<20480x16xf32, #tpu.memory_space<hbm>> -> memref<20480x16xf32, #tpu.memory_space<hbm>>
    tpu.enqueue_indirect_dma source(%dma_start3A_56 : memref<20480x16xf32, #tpu.memory_space<hbm>>) target(%dma_start3A_50 : memref<128x16xf32, #tpu.memory_space<vmem>>) offsets(%dma_start3A_53 : memref<128xi32, #tpu.memory_space<vmem>>) semaphore(%arg11 : memref<!tpu.dma_semaphore, #tpu.memory_space<semaphore_mem>>)
    %dma_start3A_57 = arith.constant 4 : i32
    %dma_start3A_58 = arith.constant 4 : i32
    %dma_start3A_59 = arith.constant 0 : i32
    %dma_start3A_60 = arith.constant 0 : i32
    %dma_start3A_61 = tpu.memref_slice %arg8[%dma_start3A_58, %dma_start3A_59, %dma_start3A_60] : memref<20x128x16xf32, #tpu.memory_space<vmem>> -> memref<1x128x16xf32, #tpu.memory_space<vmem>>
    %dma_start3A_62 = tpu.memref_squeeze %dma_start3A_61 : memref<1x128x16xf32, #tpu.memory_space<vmem>> -> memref<128x16xf32, #tpu.memory_space<vmem>>
    %dma_start3A_63 = arith.constant 0 : i32
    %dma_start3A_64 = tpu.memref_slice %arg6[%dma_start3A_57, %dma_start3A_63] : memref<80x128xi32, #tpu.memory_space<vmem>> -> memref<1x128xi32, #tpu.memory_space<vmem>>
    %dma_start3A_65 = tpu.memref_squeeze %dma_start3A_64 : memref<1x128xi32, #tpu.memory_space<vmem>> -> memref<128xi32, #tpu.memory_space<vmem>>
    %dma_start3A_66 = arith.constant 0 : i32
    %dma_start3A_67 = arith.constant 0 : i32
    %dma_start3A_68 = tpu.memref_slice %arg4[%dma_start3A_66, %dma_start3A_67] : memref<20480x16xf32, #tpu.memory_space<hbm>> -> memref<20480x16xf32, #tpu.memory_space<hbm>>
    tpu.enqueue_indirect_dma source(%dma_start3A_68 : memref<20480x16xf32, #tpu.memory_space<hbm>>) target(%dma_start3A_62 : memref<128x16xf32, #tpu.memory_space<vmem>>) offsets(%dma_start3A_65 : memref<128xi32, #tpu.memory_space<vmem>>) semaphore(%arg11 : memref<!tpu.dma_semaphore, #tpu.memory_space<semaphore_mem>>)
    %dma_start3A_69 = arith.constant 5 : i32
    %dma_start3A_70 = arith.constant 5 : i32
    %dma_start3A_71 = arith.constant 0 : i32
    %dma_start3A_72 = arith.constant 0 : i32
    %dma_start3A_73 = tpu.memref_slice %arg8[%dma_start3A_70, %dma_start3A_71, %dma_start3A_72] : memref<20x128x16xf32, #tpu.memory_space<vmem>> -> memref<1x128x16xf32, #tpu.memory_space<vmem>>
    %dma_start3A_74 = tpu.memref_squeeze %dma_start3A_73 : memref<1x128x16xf32, #tpu.memory_space<vmem>> -> memref<128x16xf32, #tpu.memory_space<vmem>>
    %dma_start3A_75 = arith.constant 0 : i32
    %dma_start3A_76 = tpu.memref_slice %arg6[%dma_start3A_69, %dma_start3A_75] : memref<80x128xi32, #tpu.memory_space<vmem>> -> memref<1x128xi32, #tpu.memory_space<vmem>>
    %dma_start3A_77 = tpu.memref_squeeze %dma_start3A_76 : memref<1x128xi32, #tpu.memory_space<vmem>> -> memref<128xi32, #tpu.memory_space<vmem>>
    %dma_start3A_78 = arith.constant 0 : i32
    %dma_start3A_79 = arith.constant 0 : i32
    %dma_start3A_80 = tpu.memref_slice %arg4[%dma_start3A_78, %dma_start3A_79] : memref<20480x16xf32, #tpu.memory_space<hbm>> -> memref<20480x16xf32, #tpu.memory_space<hbm>>
    tpu.enqueue_indirect_dma source(%dma_start3A_80 : memref<20480x16xf32, #tpu.memory_space<hbm>>) target(%dma_start3A_74 : memref<128x16xf32, #tpu.memory_space<vmem>>) offsets(%dma_start3A_77 : memref<128xi32, #tpu.memory_space<vmem>>) semaphore(%arg11 : memref<!tpu.dma_semaphore, #tpu.memory_space<semaphore_mem>>)
    %dma_start3A_81 = arith.constant 6 : i32
    %dma_start3A_82 = arith.constant 6 : i32
    %dma_start3A_83 = arith.constant 0 : i32
    %dma_start3A_84 = arith.constant 0 : i32
    %dma_start3A_85 = tpu.memref_slice %arg8[%dma_start3A_82, %dma_start3A_83, %dma_start3A_84] : memref<20x128x16xf32, #tpu.memory_space<vmem>> -> memref<1x128x16xf32, #tpu.memory_space<vmem>>
    %dma_start3A_86 = tpu.memref_squeeze %dma_start3A_85 : memref<1x128x16xf32, #tpu.memory_space<vmem>> -> memref<128x16xf32, #tpu.memory_space<vmem>>
    %dma_start3A_87 = arith.constant 0 : i32
    %dma_start3A_88 = tpu.memref_slice %arg6[%dma_start3A_81, %dma_start3A_87] : memref<80x128xi32, #tpu.memory_space<vmem>> -> memref<1x128xi32, #tpu.memory_space<vmem>>
    %dma_start3A_89 = tpu.memref_squeeze %dma_start3A_88 : memref<1x128xi32, #tpu.memory_space<vmem>> -> memref<128xi32, #tpu.memory_space<vmem>>
    %dma_start3A_90 = arith.constant 0 : i32
    %dma_start3A_91 = arith.constant 0 : i32
    %dma_start3A_92 = tpu.memref_slice %arg4[%dma_start3A_90, %dma_start3A_91] : memref<20480x16xf32, #tpu.memory_space<hbm>> -> memref<20480x16xf32, #tpu.memory_space<hbm>>
    tpu.enqueue_indirect_dma source(%dma_start3A_92 : memref<20480x16xf32, #tpu.memory_space<hbm>>) target(%dma_start3A_86 : memref<128x16xf32, #tpu.memory_space<vmem>>) offsets(%dma_start3A_89 : memref<128xi32, #tpu.memory_space<vmem>>) semaphore(%arg11 : memref<!tpu.dma_semaphore, #tpu.memory_space<semaphore_mem>>)
    %dma_start3A_93 = arith.constant 7 : i32
    %dma_start3A_94 = arith.constant 7 : i32
    %dma_start3A_95 = arith.constant 0 : i32
    %dma_start3A_96 = arith.constant 0 : i32
    %dma_start3A_97 = tpu.memref_slice %arg8[%dma_start3A_94, %dma_start3A_95, %dma_start3A_96] : memref<20x128x16xf32, #tpu.memory_space<vmem>> -> memref<1x128x16xf32, #tpu.memory_space<vmem>>
    %dma_start3A_98 = tpu.memref_squeeze %dma_start3A_97 : memref<1x128x16xf32, #tpu.memory_space<vmem>> -> memref<128x16xf32, #tpu.memory_space<vmem>>
    %dma_start3A_99 = arith.constant 0 : i32
    %dma_start3A_100 = tpu.memref_slice %arg6[%dma_start3A_93, %dma_start3A_99] : memref<80x128xi32, #tpu.memory_space<vmem>> -> memref<1x128xi32, #tpu.memory_space<vmem>>
    %dma_start3A_101 = tpu.memref_squeeze %dma_start3A_100 : memref<1x128xi32, #tpu.memory_space<vmem>> -> memref<128xi32, #tpu.memory_space<vmem>>
    %dma_start3A_102 = arith.constant 0 : i32
    %dma_start3A_103 = arith.constant 0 : i32
    %dma_start3A_104 = tpu.memref_slice %arg4[%dma_start3A_102, %dma_start3A_103] : memref<20480x16xf32, #tpu.memory_space<hbm>> -> memref<20480x16xf32, #tpu.memory_space<hbm>>
    tpu.enqueue_indirect_dma source(%dma_start3A_104 : memref<20480x16xf32, #tpu.memory_space<hbm>>) target(%dma_start3A_98 : memref<128x16xf32, #tpu.memory_space<vmem>>) offsets(%dma_start3A_101 : memref<128xi32, #tpu.memory_space<vmem>>) semaphore(%arg11 : memref<!tpu.dma_semaphore, #tpu.memory_space<semaphore_mem>>)
    %dma_start3A_105 = arith.constant 8 : i32
    %dma_start3A_106 = arith.constant 8 : i32
    %dma_start3A_107 = arith.constant 0 : i32
    %dma_start3A_108 = arith.constant 0 : i32
    %dma_start3A_109 = tpu.memref_slice %arg8[%dma_start3A_106, %dma_start3A_107, %dma_start3A_108] : memref<20x128x16xf32, #tpu.memory_space<vmem>> -> memref<1x128x16xf32, #tpu.memory_space<vmem>>
    %dma_start3A_110 = tpu.memref_squeeze %dma_start3A_109 : memref<1x128x16xf32, #tpu.memory_space<vmem>> -> memref<128x16xf32, #tpu.memory_space<vmem>>
    %dma_start3A_111 = arith.constant 0 : i32
    %dma_start3A_112 = tpu.memref_slice %arg6[%dma_start3A_105, %dma_start3A_111] : memref<80x128xi32, #tpu.memory_space<vmem>> -> memref<1x128xi32, #tpu.memory_space<vmem>>
    %dma_start3A_113 = tpu.memref_squeeze %dma_start3A_112 : memref<1x128xi32, #tpu.memory_space<vmem>> -> memref<128xi32, #tpu.memory_space<vmem>>
    %dma_start3A_114 = arith.constant 0 : i32
    %dma_start3A_115 = arith.constant 0 : i32
    %dma_start3A_116 = tpu.memref_slice %arg4[%dma_start3A_114, %dma_start3A_115] : memref<20480x16xf32, #tpu.memory_space<hbm>> -> memref<20480x16xf32, #tpu.memory_space<hbm>>
    tpu.enqueue_indirect_dma source(%dma_start3A_116 : memref<20480x16xf32, #tpu.memory_space<hbm>>) target(%dma_start3A_110 : memref<128x16xf32, #tpu.memory_space<vmem>>) offsets(%dma_start3A_113 : memref<128xi32, #tpu.memory_space<vmem>>) semaphore(%arg11 : memref<!tpu.dma_semaphore, #tpu.memory_space<semaphore_mem>>)
    %dma_start3A_117 = arith.constant 9 : i32
    %dma_start3A_118 = arith.constant 9 : i32
    %dma_start3A_119 = arith.constant 0 : i32
    %dma_start3A_120 = arith.constant 0 : i32
    %dma_start3A_121 = tpu.memref_slice %arg8[%dma_start3A_118, %dma_start3A_119, %dma_start3A_120] : memref<20x128x16xf32, #tpu.memory_space<vmem>> -> memref<1x128x16xf32, #tpu.memory_space<vmem>>
    %dma_start3A_122 = tpu.memref_squeeze %dma_start3A_121 : memref<1x128x16xf32, #tpu.memory_space<vmem>> -> memref<128x16xf32, #tpu.memory_space<vmem>>
    %dma_start3A_123 = arith.constant 0 : i32
    %dma_start3A_124 = tpu.memref_slice %arg6[%dma_start3A_117, %dma_start3A_123] : memref<80x128xi32, #tpu.memory_space<vmem>> -> memref<1x128xi32, #tpu.memory_space<vmem>>
    %dma_start3A_125 = tpu.memref_squeeze %dma_start3A_124 : memref<1x128xi32, #tpu.memory_space<vmem>> -> memref<128xi32, #tpu.memory_space<vmem>>
    %dma_start3A_126 = arith.constant 0 : i32
    %dma_start3A_127 = arith.constant 0 : i32
    %dma_start3A_128 = tpu.memref_slice %arg4[%dma_start3A_126, %dma_start3A_127] : memref<20480x16xf32, #tpu.memory_space<hbm>> -> memref<20480x16xf32, #tpu.memory_space<hbm>>
    tpu.enqueue_indirect_dma source(%dma_start3A_128 : memref<20480x16xf32, #tpu.memory_space<hbm>>) target(%dma_start3A_122 : memref<128x16xf32, #tpu.memory_space<vmem>>) offsets(%dma_start3A_125 : memref<128xi32, #tpu.memory_space<vmem>>) semaphore(%arg11 : memref<!tpu.dma_semaphore, #tpu.memory_space<semaphore_mem>>)
    %scan3A = arith.constant 0 : i32
    %scan3A_129 = arith.constant 0 : i32
    %scan3A_130 = arith.constant 4 : i32
    %scan3A_131 = arith.addi %scan3A_129, %scan3A_130 : i32
    %scan3A_132 = arith.constant 1 : i32
    scf.for %scan3A_261 = %scan3A_129 to %scan3A_131 step %scan3A_132  : i32 {
      %mul3A_262 = arith.constant 2 : i32
      %mul3A_263 = arith.muli %scan3A_261, %mul3A_262 : i32
      %gt3A = arith.constant 0 : i32
      %gt3A_264 = arith.cmpi sgt, %mul3A_263, %gt3A : i32
      %convert_element_type3A = arith.extui %gt3A_264 : i1 to i32
      %cond3A = arith.constant 0 : i32
      %cond3A_265 = arith.cmpi ne, %convert_element_type3A, %cond3A : i32
      scf.if %cond3A_265 {
        %sub3A = arith.constant 1 : i32
        %sub3A_1232 = arith.subi %mul3A_263, %sub3A : i32
        %mul3A_1233 = arith.constant 10 : i32
        %mul3A_1234 = arith.muli %sub3A_1232, %mul3A_1233 : i32
        %add3A_1235 = arith.constant 0 : i32
        %add3A_1236 = arith.addi %mul3A_1234, %add3A_1235 : i32
        %dma_wait3A_1237 = arith.constant 10 : i32
        %dma_wait3A_1238 = arith.constant 0 : i32
        %dma_wait3A_1239 = arith.constant 0 : i32
        %dma_wait3A_1240 = tpu.memref_slice %arg8[%dma_wait3A_1237, %dma_wait3A_1238, %dma_wait3A_1239] : memref<20x128x16xf32, #tpu.memory_space<vmem>> -> memref<1x128x16xf32, #tpu.memory_space<vmem>>
        %dma_wait3A_1241 = tpu.memref_squeeze %dma_wait3A_1240 : memref<1x128x16xf32, #tpu.memory_space<vmem>> -> memref<128x16xf32, #tpu.memory_space<vmem>>
        %dma_wait3A_1242 = arith.constant 0 : i32
        %dma_wait3A_1243 = tpu.memref_slice %arg7[%add3A_1236, %dma_wait3A_1242] : memref<80x128xi32, #tpu.memory_space<vmem>> -> memref<1x128xi32, #tpu.memory_space<vmem>>
        %dma_wait3A_1244 = tpu.memref_squeeze %dma_wait3A_1243 : memref<1x128xi32, #tpu.memory_space<vmem>> -> memref<128xi32, #tpu.memory_space<vmem>>
        %dma_wait3A_1245 = arith.constant 0 : i32
        %dma_wait3A_1246 = arith.constant 0 : i32
        %dma_wait3A_1247 = tpu.memref_slice %arg10[%dma_wait3A_1245, %dma_wait3A_1246] : memref<10240x16xf32, #tpu.memory_space<vmem_shared>> -> memref<10240x16xf32, #tpu.memory_space<vmem_shared>>
        tpu.wait_indirect_dma semaphore(%arg14 : memref<!tpu.dma_semaphore, #tpu.memory_space<semaphore_mem>>) src(%dma_wait3A_1241 : memref<128x16xf32, #tpu.memory_space<vmem>>) dst(%dma_wait3A_1247 : memref<10240x16xf32, #tpu.memory_space<vmem_shared>>)
        %sub3A_1248 = arith.constant 1 : i32
        %sub3A_1249 = arith.subi %mul3A_263, %sub3A_1248 : i32
        %mul3A_1250 = arith.constant 10 : i32
        %mul3A_1251 = arith.muli %sub3A_1249, %mul3A_1250 : i32
        %add3A_1252 = arith.constant 1 : i32
        %add3A_1253 = arith.addi %mul3A_1251, %add3A_1252 : i32
        %dma_wait3A_1254 = arith.constant 11 : i32
        %dma_wait3A_1255 = arith.constant 0 : i32
        %dma_wait3A_1256 = arith.constant 0 : i32
        %dma_wait3A_1257 = tpu.memref_slice %arg8[%dma_wait3A_1254, %dma_wait3A_1255, %dma_wait3A_1256] : memref<20x128x16xf32, #tpu.memory_space<vmem>> -> memref<1x128x16xf32, #tpu.memory_space<vmem>>
        %dma_wait3A_1258 = tpu.memref_squeeze %dma_wait3A_1257 : memref<1x128x16xf32, #tpu.memory_space<vmem>> -> memref<128x16xf32, #tpu.memory_space<vmem>>
        %dma_wait3A_1259 = arith.constant 0 : i32
        %dma_wait3A_1260 = tpu.memref_slice %arg7[%add3A_1253, %dma_wait3A_1259] : memref<80x128xi32, #tpu.memory_space<vmem>> -> memref<1x128xi32, #tpu.memory_space<vmem>>
        %dma_wait3A_1261 = tpu.memref_squeeze %dma_wait3A_1260 : memref<1x128xi32, #tpu.memory_space<vmem>> -> memref<128xi32, #tpu.memory_space<vmem>>
        %dma_wait3A_1262 = arith.constant 0 : i32
        %dma_wait3A_1263 = arith.constant 0 : i32
        %dma_wait3A_1264 = tpu.memref_slice %arg10[%dma_wait3A_1262, %dma_wait3A_1263] : memref<10240x16xf32, #tpu.memory_space<vmem_shared>> -> memref<10240x16xf32, #tpu.memory_space<vmem_shared>>
        tpu.wait_indirect_dma semaphore(%arg14 : memref<!tpu.dma_semaphore, #tpu.memory_space<semaphore_mem>>) src(%dma_wait3A_1258 : memref<128x16xf32, #tpu.memory_space<vmem>>) dst(%dma_wait3A_1264 : memref<10240x16xf32, #tpu.memory_space<vmem_shared>>)
        %sub3A_1265 = arith.constant 1 : i32
        %sub3A_1266 = arith.subi %mul3A_263, %sub3A_1265 : i32
        %mul3A_1267 = arith.constant 10 : i32
        %mul3A_1268 = arith.muli %sub3A_1266, %mul3A_1267 : i32
        %add3A_1269 = arith.constant 2 : i32
        %add3A_1270 = arith.addi %mul3A_1268, %add3A_1269 : i32
        %dma_wait3A_1271 = arith.constant 12 : i32
        %dma_wait3A_1272 = arith.constant 0 : i32
        %dma_wait3A_1273 = arith.constant 0 : i32
        %dma_wait3A_1274 = tpu.memref_slice %arg8[%dma_wait3A_1271, %dma_wait3A_1272, %dma_wait3A_1273] : memref<20x128x16xf32, #tpu.memory_space<vmem>> -> memref<1x128x16xf32, #tpu.memory_space<vmem>>
        %dma_wait3A_1275 = tpu.memref_squeeze %dma_wait3A_1274 : memref<1x128x16xf32, #tpu.memory_space<vmem>> -> memref<128x16xf32, #tpu.memory_space<vmem>>
        %dma_wait3A_1276 = arith.constant 0 : i32
        %dma_wait3A_1277 = tpu.memref_slice %arg7[%add3A_1270, %dma_wait3A_1276] : memref<80x128xi32, #tpu.memory_space<vmem>> -> memref<1x128xi32, #tpu.memory_space<vmem>>
        %dma_wait3A_1278 = tpu.memref_squeeze %dma_wait3A_1277 : memref<1x128xi32, #tpu.memory_space<vmem>> -> memref<128xi32, #tpu.memory_space<vmem>>
        %dma_wait3A_1279 = arith.constant 0 : i32
        %dma_wait3A_1280 = arith.constant 0 : i32
        %dma_wait3A_1281 = tpu.memref_slice %arg10[%dma_wait3A_1279, %dma_wait3A_1280] : memref<10240x16xf32, #tpu.memory_space<vmem_shared>> -> memref<10240x16xf32, #tpu.memory_space<vmem_shared>>
        tpu.wait_indirect_dma semaphore(%arg14 : memref<!tpu.dma_semaphore, #tpu.memory_space<semaphore_mem>>) src(%dma_wait3A_1275 : memref<128x16xf32, #tpu.memory_space<vmem>>) dst(%dma_wait3A_1281 : memref<10240x16xf32, #tpu.memory_space<vmem_shared>>)
        %sub3A_1282 = arith.constant 1 : i32
        %sub3A_1283 = arith.subi %mul3A_263, %sub3A_1282 : i32
        %mul3A_1284 = arith.constant 10 : i32
        %mul3A_1285 = arith.muli %sub3A_1283, %mul3A_1284 : i32
        %add3A_1286 = arith.constant 3 : i32
        %add3A_1287 = arith.addi %mul3A_1285, %add3A_1286 : i32
        %dma_wait3A_1288 = arith.constant 13 : i32
        %dma_wait3A_1289 = arith.constant 0 : i32
        %dma_wait3A_1290 = arith.constant 0 : i32
        %dma_wait3A_1291 = tpu.memref_slice %arg8[%dma_wait3A_1288, %dma_wait3A_1289, %dma_wait3A_1290] : memref<20x128x16xf32, #tpu.memory_space<vmem>> -> memref<1x128x16xf32, #tpu.memory_space<vmem>>
        %dma_wait3A_1292 = tpu.memref_squeeze %dma_wait3A_1291 : memref<1x128x16xf32, #tpu.memory_space<vmem>> -> memref<128x16xf32, #tpu.memory_space<vmem>>
        %dma_wait3A_1293 = arith.constant 0 : i32
        %dma_wait3A_1294 = tpu.memref_slice %arg7[%add3A_1287, %dma_wait3A_1293] : memref<80x128xi32, #tpu.memory_space<vmem>> -> memref<1x128xi32, #tpu.memory_space<vmem>>
        %dma_wait3A_1295 = tpu.memref_squeeze %dma_wait3A_1294 : memref<1x128xi32, #tpu.memory_space<vmem>> -> memref<128xi32, #tpu.memory_space<vmem>>
        %dma_wait3A_1296 = arith.constant 0 : i32
        %dma_wait3A_1297 = arith.constant 0 : i32
        %dma_wait3A_1298 = tpu.memref_slice %arg10[%dma_wait3A_1296, %dma_wait3A_1297] : memref<10240x16xf32, #tpu.memory_space<vmem_shared>> -> memref<10240x16xf32, #tpu.memory_space<vmem_shared>>
        tpu.wait_indirect_dma semaphore(%arg14 : memref<!tpu.dma_semaphore, #tpu.memory_space<semaphore_mem>>) src(%dma_wait3A_1292 : memref<128x16xf32, #tpu.memory_space<vmem>>) dst(%dma_wait3A_1298 : memref<10240x16xf32, #tpu.memory_space<vmem_shared>>)
        %sub3A_1299 = arith.constant 1 : i32
        %sub3A_1300 = arith.subi %mul3A_263, %sub3A_1299 : i32
        %mul3A_1301 = arith.constant 10 : i32
        %mul3A_1302 = arith.muli %sub3A_1300, %mul3A_1301 : i32
        %add3A_1303 = arith.constant 4 : i32
        %add3A_1304 = arith.addi %mul3A_1302, %add3A_1303 : i32
        %dma_wait3A_1305 = arith.constant 14 : i32
        %dma_wait3A_1306 = arith.constant 0 : i32
        %dma_wait3A_1307 = arith.constant 0 : i32
        %dma_wait3A_1308 = tpu.memref_slice %arg8[%dma_wait3A_1305, %dma_wait3A_1306, %dma_wait3A_1307] : memref<20x128x16xf32, #tpu.memory_space<vmem>> -> memref<1x128x16xf32, #tpu.memory_space<vmem>>
        %dma_wait3A_1309 = tpu.memref_squeeze %dma_wait3A_1308 : memref<1x128x16xf32, #tpu.memory_space<vmem>> -> memref<128x16xf32, #tpu.memory_space<vmem>>
        %dma_wait3A_1310 = arith.constant 0 : i32
        %dma_wait3A_1311 = tpu.memref_slice %arg7[%add3A_1304, %dma_wait3A_1310] : memref<80x128xi32, #tpu.memory_space<vmem>> -> memref<1x128xi32, #tpu.memory_space<vmem>>
        %dma_wait3A_1312 = tpu.memref_squeeze %dma_wait3A_1311 : memref<1x128xi32, #tpu.memory_space<vmem>> -> memref<128xi32, #tpu.memory_space<vmem>>
        %dma_wait3A_1313 = arith.constant 0 : i32
        %dma_wait3A_1314 = arith.constant 0 : i32
        %dma_wait3A_1315 = tpu.memref_slice %arg10[%dma_wait3A_1313, %dma_wait3A_1314] : memref<10240x16xf32, #tpu.memory_space<vmem_shared>> -> memref<10240x16xf32, #tpu.memory_space<vmem_shared>>
        tpu.wait_indirect_dma semaphore(%arg14 : memref<!tpu.dma_semaphore, #tpu.memory_space<semaphore_mem>>) src(%dma_wait3A_1309 : memref<128x16xf32, #tpu.memory_space<vmem>>) dst(%dma_wait3A_1315 : memref<10240x16xf32, #tpu.memory_space<vmem_shared>>)
        %sub3A_1316 = arith.constant 1 : i32
        %sub3A_1317 = arith.subi %mul3A_263, %sub3A_1316 : i32
        %mul3A_1318 = arith.constant 10 : i32
        %mul3A_1319 = arith.muli %sub3A_1317, %mul3A_1318 : i32
        %add3A_1320 = arith.constant 5 : i32
        %add3A_1321 = arith.addi %mul3A_1319, %add3A_1320 : i32
        %dma_wait3A_1322 = arith.constant 15 : i32
        %dma_wait3A_1323 = arith.constant 0 : i32
        %dma_wait3A_1324 = arith.constant 0 : i32
        %dma_wait3A_1325 = tpu.memref_slice %arg8[%dma_wait3A_1322, %dma_wait3A_1323, %dma_wait3A_1324] : memref<20x128x16xf32, #tpu.memory_space<vmem>> -> memref<1x128x16xf32, #tpu.memory_space<vmem>>
        %dma_wait3A_1326 = tpu.memref_squeeze %dma_wait3A_1325 : memref<1x128x16xf32, #tpu.memory_space<vmem>> -> memref<128x16xf32, #tpu.memory_space<vmem>>
        %dma_wait3A_1327 = arith.constant 0 : i32
        %dma_wait3A_1328 = tpu.memref_slice %arg7[%add3A_1321, %dma_wait3A_1327] : memref<80x128xi32, #tpu.memory_space<vmem>> -> memref<1x128xi32, #tpu.memory_space<vmem>>
        %dma_wait3A_1329 = tpu.memref_squeeze %dma_wait3A_1328 : memref<1x128xi32, #tpu.memory_space<vmem>> -> memref<128xi32, #tpu.memory_space<vmem>>
        %dma_wait3A_1330 = arith.constant 0 : i32
        %dma_wait3A_1331 = arith.constant 0 : i32
        %dma_wait3A_1332 = tpu.memref_slice %arg10[%dma_wait3A_1330, %dma_wait3A_1331] : memref<10240x16xf32, #tpu.memory_space<vmem_shared>> -> memref<10240x16xf32, #tpu.memory_space<vmem_shared>>
        tpu.wait_indirect_dma semaphore(%arg14 : memref<!tpu.dma_semaphore, #tpu.memory_space<semaphore_mem>>) src(%dma_wait3A_1326 : memref<128x16xf32, #tpu.memory_space<vmem>>) dst(%dma_wait3A_1332 : memref<10240x16xf32, #tpu.memory_space<vmem_shared>>)
        %sub3A_1333 = arith.constant 1 : i32
        %sub3A_1334 = arith.subi %mul3A_263, %sub3A_1333 : i32
        %mul3A_1335 = arith.constant 10 : i32
        %mul3A_1336 = arith.muli %sub3A_1334, %mul3A_1335 : i32
        %add3A_1337 = arith.constant 6 : i32
        %add3A_1338 = arith.addi %mul3A_1336, %add3A_1337 : i32
        %dma_wait3A_1339 = arith.constant 16 : i32
        %dma_wait3A_1340 = arith.constant 0 : i32
        %dma_wait3A_1341 = arith.constant 0 : i32
        %dma_wait3A_1342 = tpu.memref_slice %arg8[%dma_wait3A_1339, %dma_wait3A_1340, %dma_wait3A_1341] : memref<20x128x16xf32, #tpu.memory_space<vmem>> -> memref<1x128x16xf32, #tpu.memory_space<vmem>>
        %dma_wait3A_1343 = tpu.memref_squeeze %dma_wait3A_1342 : memref<1x128x16xf32, #tpu.memory_space<vmem>> -> memref<128x16xf32, #tpu.memory_space<vmem>>
        %dma_wait3A_1344 = arith.constant 0 : i32
        %dma_wait3A_1345 = tpu.memref_slice %arg7[%add3A_1338, %dma_wait3A_1344] : memref<80x128xi32, #tpu.memory_space<vmem>> -> memref<1x128xi32, #tpu.memory_space<vmem>>
        %dma_wait3A_1346 = tpu.memref_squeeze %dma_wait3A_1345 : memref<1x128xi32, #tpu.memory_space<vmem>> -> memref<128xi32, #tpu.memory_space<vmem>>
        %dma_wait3A_1347 = arith.constant 0 : i32
        %dma_wait3A_1348 = arith.constant 0 : i32
        %dma_wait3A_1349 = tpu.memref_slice %arg10[%dma_wait3A_1347, %dma_wait3A_1348] : memref<10240x16xf32, #tpu.memory_space<vmem_shared>> -> memref<10240x16xf32, #tpu.memory_space<vmem_shared>>
        tpu.wait_indirect_dma semaphore(%arg14 : memref<!tpu.dma_semaphore, #tpu.memory_space<semaphore_mem>>) src(%dma_wait3A_1343 : memref<128x16xf32, #tpu.memory_space<vmem>>) dst(%dma_wait3A_1349 : memref<10240x16xf32, #tpu.memory_space<vmem_shared>>)
        %sub3A_1350 = arith.constant 1 : i32
        %sub3A_1351 = arith.subi %mul3A_263, %sub3A_1350 : i32
        %mul3A_1352 = arith.constant 10 : i32
        %mul3A_1353 = arith.muli %sub3A_1351, %mul3A_1352 : i32
        %add3A_1354 = arith.constant 7 : i32
        %add3A_1355 = arith.addi %mul3A_1353, %add3A_1354 : i32
        %dma_wait3A_1356 = arith.constant 17 : i32
        %dma_wait3A_1357 = arith.constant 0 : i32
        %dma_wait3A_1358 = arith.constant 0 : i32
        %dma_wait3A_1359 = tpu.memref_slice %arg8[%dma_wait3A_1356, %dma_wait3A_1357, %dma_wait3A_1358] : memref<20x128x16xf32, #tpu.memory_space<vmem>> -> memref<1x128x16xf32, #tpu.memory_space<vmem>>
        %dma_wait3A_1360 = tpu.memref_squeeze %dma_wait3A_1359 : memref<1x128x16xf32, #tpu.memory_space<vmem>> -> memref<128x16xf32, #tpu.memory_space<vmem>>
        %dma_wait3A_1361 = arith.constant 0 : i32
        %dma_wait3A_1362 = tpu.memref_slice %arg7[%add3A_1355, %dma_wait3A_1361] : memref<80x128xi32, #tpu.memory_space<vmem>> -> memref<1x128xi32, #tpu.memory_space<vmem>>
        %dma_wait3A_1363 = tpu.memref_squeeze %dma_wait3A_1362 : memref<1x128xi32, #tpu.memory_space<vmem>> -> memref<128xi32, #tpu.memory_space<vmem>>
        %dma_wait3A_1364 = arith.constant 0 : i32
        %dma_wait3A_1365 = arith.constant 0 : i32
        %dma_wait3A_1366 = tpu.memref_slice %arg10[%dma_wait3A_1364, %dma_wait3A_1365] : memref<10240x16xf32, #tpu.memory_space<vmem_shared>> -> memref<10240x16xf32, #tpu.memory_space<vmem_shared>>
        tpu.wait_indirect_dma semaphore(%arg14 : memref<!tpu.dma_semaphore, #tpu.memory_space<semaphore_mem>>) src(%dma_wait3A_1360 : memref<128x16xf32, #tpu.memory_space<vmem>>) dst(%dma_wait3A_1366 : memref<10240x16xf32, #tpu.memory_space<vmem_shared>>)
        %sub3A_1367 = arith.constant 1 : i32
        %sub3A_1368 = arith.subi %mul3A_263, %sub3A_1367 : i32
        %mul3A_1369 = arith.constant 10 : i32
        %mul3A_1370 = arith.muli %sub3A_1368, %mul3A_1369 : i32
        %add3A_1371 = arith.constant 8 : i32
        %add3A_1372 = arith.addi %mul3A_1370, %add3A_1371 : i32
        %dma_wait3A_1373 = arith.constant 18 : i32
        %dma_wait3A_1374 = arith.constant 0 : i32
        %dma_wait3A_1375 = arith.constant 0 : i32
        %dma_wait3A_1376 = tpu.memref_slice %arg8[%dma_wait3A_1373, %dma_wait3A_1374, %dma_wait3A_1375] : memref<20x128x16xf32, #tpu.memory_space<vmem>> -> memref<1x128x16xf32, #tpu.memory_space<vmem>>
        %dma_wait3A_1377 = tpu.memref_squeeze %dma_wait3A_1376 : memref<1x128x16xf32, #tpu.memory_space<vmem>> -> memref<128x16xf32, #tpu.memory_space<vmem>>
        %dma_wait3A_1378 = arith.constant 0 : i32
        %dma_wait3A_1379 = tpu.memref_slice %arg7[%add3A_1372, %dma_wait3A_1378] : memref<80x128xi32, #tpu.memory_space<vmem>> -> memref<1x128xi32, #tpu.memory_space<vmem>>
        %dma_wait3A_1380 = tpu.memref_squeeze %dma_wait3A_1379 : memref<1x128xi32, #tpu.memory_space<vmem>> -> memref<128xi32, #tpu.memory_space<vmem>>
        %dma_wait3A_1381 = arith.constant 0 : i32
        %dma_wait3A_1382 = arith.constant 0 : i32
        %dma_wait3A_1383 = tpu.memref_slice %arg10[%dma_wait3A_1381, %dma_wait3A_1382] : memref<10240x16xf32, #tpu.memory_space<vmem_shared>> -> memref<10240x16xf32, #tpu.memory_space<vmem_shared>>
        tpu.wait_indirect_dma semaphore(%arg14 : memref<!tpu.dma_semaphore, #tpu.memory_space<semaphore_mem>>) src(%dma_wait3A_1377 : memref<128x16xf32, #tpu.memory_space<vmem>>) dst(%dma_wait3A_1383 : memref<10240x16xf32, #tpu.memory_space<vmem_shared>>)
        %sub3A_1384 = arith.constant 1 : i32
        %sub3A_1385 = arith.subi %mul3A_263, %sub3A_1384 : i32
        %mul3A_1386 = arith.constant 10 : i32
        %mul3A_1387 = arith.muli %sub3A_1385, %mul3A_1386 : i32
        %add3A_1388 = arith.constant 9 : i32
        %add3A_1389 = arith.addi %mul3A_1387, %add3A_1388 : i32
        %dma_wait3A_1390 = arith.constant 19 : i32
        %dma_wait3A_1391 = arith.constant 0 : i32
        %dma_wait3A_1392 = arith.constant 0 : i32
        %dma_wait3A_1393 = tpu.memref_slice %arg8[%dma_wait3A_1390, %dma_wait3A_1391, %dma_wait3A_1392] : memref<20x128x16xf32, #tpu.memory_space<vmem>> -> memref<1x128x16xf32, #tpu.memory_space<vmem>>
        %dma_wait3A_1394 = tpu.memref_squeeze %dma_wait3A_1393 : memref<1x128x16xf32, #tpu.memory_space<vmem>> -> memref<128x16xf32, #tpu.memory_space<vmem>>
        %dma_wait3A_1395 = arith.constant 0 : i32
        %dma_wait3A_1396 = tpu.memref_slice %arg7[%add3A_1389, %dma_wait3A_1395] : memref<80x128xi32, #tpu.memory_space<vmem>> -> memref<1x128xi32, #tpu.memory_space<vmem>>
        %dma_wait3A_1397 = tpu.memref_squeeze %dma_wait3A_1396 : memref<1x128xi32, #tpu.memory_space<vmem>> -> memref<128xi32, #tpu.memory_space<vmem>>
        %dma_wait3A_1398 = arith.constant 0 : i32
        %dma_wait3A_1399 = arith.constant 0 : i32
        %dma_wait3A_1400 = tpu.memref_slice %arg10[%dma_wait3A_1398, %dma_wait3A_1399] : memref<10240x16xf32, #tpu.memory_space<vmem_shared>> -> memref<10240x16xf32, #tpu.memory_space<vmem_shared>>
        tpu.wait_indirect_dma semaphore(%arg14 : memref<!tpu.dma_semaphore, #tpu.memory_space<semaphore_mem>>) src(%dma_wait3A_1394 : memref<128x16xf32, #tpu.memory_space<vmem>>) dst(%dma_wait3A_1400 : memref<10240x16xf32, #tpu.memory_space<vmem_shared>>)
      } else {
      }
      %add3A_266 = arith.constant 1 : i32
      %add3A_267 = arith.addi %mul3A_263, %add3A_266 : i32
      %mul3A_268 = arith.constant 10 : i32
      %mul3A_269 = arith.muli %add3A_267, %mul3A_268 : i32
      %add3A_270 = arith.constant 0 : i32
      %add3A_271 = arith.addi %mul3A_269, %add3A_270 : i32
      %dma_start3A_272 = arith.constant 10 : i32
      %dma_start3A_273 = arith.constant 0 : i32
      %dma_start3A_274 = arith.constant 0 : i32
      %dma_start3A_275 = tpu.memref_slice %arg8[%dma_start3A_272, %dma_start3A_273, %dma_start3A_274] : memref<20x128x16xf32, #tpu.memory_space<vmem>> -> memref<1x128x16xf32, #tpu.memory_space<vmem>>
      %dma_start3A_276 = tpu.memref_squeeze %dma_start3A_275 : memref<1x128x16xf32, #tpu.memory_space<vmem>> -> memref<128x16xf32, #tpu.memory_space<vmem>>
      %dma_start3A_277 = arith.constant 0 : i32
      %dma_start3A_278 = tpu.memref_slice %arg6[%add3A_271, %dma_start3A_277] : memref<80x128xi32, #tpu.memory_space<vmem>> -> memref<1x128xi32, #tpu.memory_space<vmem>>
      %dma_start3A_279 = tpu.memref_squeeze %dma_start3A_278 : memref<1x128xi32, #tpu.memory_space<vmem>> -> memref<128xi32, #tpu.memory_space<vmem>>
      %dma_start3A_280 = arith.constant 0 : i32
      %dma_start3A_281 = arith.constant 0 : i32
      %dma_start3A_282 = tpu.memref_slice %arg4[%dma_start3A_280, %dma_start3A_281] : memref<20480x16xf32, #tpu.memory_space<hbm>> -> memref<20480x16xf32, #tpu.memory_space<hbm>>
      tpu.enqueue_indirect_dma source(%dma_start3A_282 : memref<20480x16xf32, #tpu.memory_space<hbm>>) target(%dma_start3A_276 : memref<128x16xf32, #tpu.memory_space<vmem>>) offsets(%dma_start3A_279 : memref<128xi32, #tpu.memory_space<vmem>>) semaphore(%arg12 : memref<!tpu.dma_semaphore, #tpu.memory_space<semaphore_mem>>)
      %add3A_283 = arith.constant 1 : i32
      %add3A_284 = arith.addi %mul3A_263, %add3A_283 : i32
      %mul3A_285 = arith.constant 10 : i32
      %mul3A_286 = arith.muli %add3A_284, %mul3A_285 : i32
      %add3A_287 = arith.constant 1 : i32
      %add3A_288 = arith.addi %mul3A_286, %add3A_287 : i32
      %dma_start3A_289 = arith.constant 11 : i32
      %dma_start3A_290 = arith.constant 0 : i32
      %dma_start3A_291 = arith.constant 0 : i32
      %dma_start3A_292 = tpu.memref_slice %arg8[%dma_start3A_289, %dma_start3A_290, %dma_start3A_291] : memref<20x128x16xf32, #tpu.memory_space<vmem>> -> memref<1x128x16xf32, #tpu.memory_space<vmem>>
      %dma_start3A_293 = tpu.memref_squeeze %dma_start3A_292 : memref<1x128x16xf32, #tpu.memory_space<vmem>> -> memref<128x16xf32, #tpu.memory_space<vmem>>
      %dma_start3A_294 = arith.constant 0 : i32
      %dma_start3A_295 = tpu.memref_slice %arg6[%add3A_288, %dma_start3A_294] : memref<80x128xi32, #tpu.memory_space<vmem>> -> memref<1x128xi32, #tpu.memory_space<vmem>>
      %dma_start3A_296 = tpu.memref_squeeze %dma_start3A_295 : memref<1x128xi32, #tpu.memory_space<vmem>> -> memref<128xi32, #tpu.memory_space<vmem>>
      %dma_start3A_297 = arith.constant 0 : i32
      %dma_start3A_298 = arith.constant 0 : i32
      %dma_start3A_299 = tpu.memref_slice %arg4[%dma_start3A_297, %dma_start3A_298] : memref<20480x16xf32, #tpu.memory_space<hbm>> -> memref<20480x16xf32, #tpu.memory_space<hbm>>
      tpu.enqueue_indirect_dma source(%dma_start3A_299 : memref<20480x16xf32, #tpu.memory_space<hbm>>) target(%dma_start3A_293 : memref<128x16xf32, #tpu.memory_space<vmem>>) offsets(%dma_start3A_296 : memref<128xi32, #tpu.memory_space<vmem>>) semaphore(%arg12 : memref<!tpu.dma_semaphore, #tpu.memory_space<semaphore_mem>>)
      %add3A_300 = arith.constant 1 : i32
      %add3A_301 = arith.addi %mul3A_263, %add3A_300 : i32
      %mul3A_302 = arith.constant 10 : i32
      %mul3A_303 = arith.muli %add3A_301, %mul3A_302 : i32
      %add3A_304 = arith.constant 2 : i32
      %add3A_305 = arith.addi %mul3A_303, %add3A_304 : i32
      %dma_start3A_306 = arith.constant 12 : i32
      %dma_start3A_307 = arith.constant 0 : i32
      %dma_start3A_308 = arith.constant 0 : i32
      %dma_start3A_309 = tpu.memref_slice %arg8[%dma_start3A_306, %dma_start3A_307, %dma_start3A_308] : memref<20x128x16xf32, #tpu.memory_space<vmem>> -> memref<1x128x16xf32, #tpu.memory_space<vmem>>
      %dma_start3A_310 = tpu.memref_squeeze %dma_start3A_309 : memref<1x128x16xf32, #tpu.memory_space<vmem>> -> memref<128x16xf32, #tpu.memory_space<vmem>>
      %dma_start3A_311 = arith.constant 0 : i32
      %dma_start3A_312 = tpu.memref_slice %arg6[%add3A_305, %dma_start3A_311] : memref<80x128xi32, #tpu.memory_space<vmem>> -> memref<1x128xi32, #tpu.memory_space<vmem>>
      %dma_start3A_313 = tpu.memref_squeeze %dma_start3A_312 : memref<1x128xi32, #tpu.memory_space<vmem>> -> memref<128xi32, #tpu.memory_space<vmem>>
      %dma_start3A_314 = arith.constant 0 : i32
      %dma_start3A_315 = arith.constant 0 : i32
      %dma_start3A_316 = tpu.memref_slice %arg4[%dma_start3A_314, %dma_start3A_315] : memref<20480x16xf32, #tpu.memory_space<hbm>> -> memref<20480x16xf32, #tpu.memory_space<hbm>>
      tpu.enqueue_indirect_dma source(%dma_start3A_316 : memref<20480x16xf32, #tpu.memory_space<hbm>>) target(%dma_start3A_310 : memref<128x16xf32, #tpu.memory_space<vmem>>) offsets(%dma_start3A_313 : memref<128xi32, #tpu.memory_space<vmem>>) semaphore(%arg12 : memref<!tpu.dma_semaphore, #tpu.memory_space<semaphore_mem>>)
      %add3A_317 = arith.constant 1 : i32
      %add3A_318 = arith.addi %mul3A_263, %add3A_317 : i32
      %mul3A_319 = arith.constant 10 : i32
      %mul3A_320 = arith.muli %add3A_318, %mul3A_319 : i32
      %add3A_321 = arith.constant 3 : i32
      %add3A_322 = arith.addi %mul3A_320, %add3A_321 : i32
      %dma_start3A_323 = arith.constant 13 : i32
      %dma_start3A_324 = arith.constant 0 : i32
      %dma_start3A_325 = arith.constant 0 : i32
      %dma_start3A_326 = tpu.memref_slice %arg8[%dma_start3A_323, %dma_start3A_324, %dma_start3A_325] : memref<20x128x16xf32, #tpu.memory_space<vmem>> -> memref<1x128x16xf32, #tpu.memory_space<vmem>>
      %dma_start3A_327 = tpu.memref_squeeze %dma_start3A_326 : memref<1x128x16xf32, #tpu.memory_space<vmem>> -> memref<128x16xf32, #tpu.memory_space<vmem>>
      %dma_start3A_328 = arith.constant 0 : i32
      %dma_start3A_329 = tpu.memref_slice %arg6[%add3A_322, %dma_start3A_328] : memref<80x128xi32, #tpu.memory_space<vmem>> -> memref<1x128xi32, #tpu.memory_space<vmem>>
      %dma_start3A_330 = tpu.memref_squeeze %dma_start3A_329 : memref<1x128xi32, #tpu.memory_space<vmem>> -> memref<128xi32, #tpu.memory_space<vmem>>
      %dma_start3A_331 = arith.constant 0 : i32
      %dma_start3A_332 = arith.constant 0 : i32
      %dma_start3A_333 = tpu.memref_slice %arg4[%dma_start3A_331, %dma_start3A_332] : memref<20480x16xf32, #tpu.memory_space<hbm>> -> memref<20480x16xf32, #tpu.memory_space<hbm>>
      tpu.enqueue_indirect_dma source(%dma_start3A_333 : memref<20480x16xf32, #tpu.memory_space<hbm>>) target(%dma_start3A_327 : memref<128x16xf32, #tpu.memory_space<vmem>>) offsets(%dma_start3A_330 : memref<128xi32, #tpu.memory_space<vmem>>) semaphore(%arg12 : memref<!tpu.dma_semaphore, #tpu.memory_space<semaphore_mem>>)
      %add3A_334 = arith.constant 1 : i32
      %add3A_335 = arith.addi %mul3A_263, %add3A_334 : i32
      %mul3A_336 = arith.constant 10 : i32
      %mul3A_337 = arith.muli %add3A_335, %mul3A_336 : i32
      %add3A_338 = arith.constant 4 : i32
      %add3A_339 = arith.addi %mul3A_337, %add3A_338 : i32
      %dma_start3A_340 = arith.constant 14 : i32
      %dma_start3A_341 = arith.constant 0 : i32
      %dma_start3A_342 = arith.constant 0 : i32
      %dma_start3A_343 = tpu.memref_slice %arg8[%dma_start3A_340, %dma_start3A_341, %dma_start3A_342] : memref<20x128x16xf32, #tpu.memory_space<vmem>> -> memref<1x128x16xf32, #tpu.memory_space<vmem>>
      %dma_start3A_344 = tpu.memref_squeeze %dma_start3A_343 : memref<1x128x16xf32, #tpu.memory_space<vmem>> -> memref<128x16xf32, #tpu.memory_space<vmem>>
      %dma_start3A_345 = arith.constant 0 : i32
      %dma_start3A_346 = tpu.memref_slice %arg6[%add3A_339, %dma_start3A_345] : memref<80x128xi32, #tpu.memory_space<vmem>> -> memref<1x128xi32, #tpu.memory_space<vmem>>
      %dma_start3A_347 = tpu.memref_squeeze %dma_start3A_346 : memref<1x128xi32, #tpu.memory_space<vmem>> -> memref<128xi32, #tpu.memory_space<vmem>>
      %dma_start3A_348 = arith.constant 0 : i32
      %dma_start3A_349 = arith.constant 0 : i32
      %dma_start3A_350 = tpu.memref_slice %arg4[%dma_start3A_348, %dma_start3A_349] : memref<20480x16xf32, #tpu.memory_space<hbm>> -> memref<20480x16xf32, #tpu.memory_space<hbm>>
      tpu.enqueue_indirect_dma source(%dma_start3A_350 : memref<20480x16xf32, #tpu.memory_space<hbm>>) target(%dma_start3A_344 : memref<128x16xf32, #tpu.memory_space<vmem>>) offsets(%dma_start3A_347 : memref<128xi32, #tpu.memory_space<vmem>>) semaphore(%arg12 : memref<!tpu.dma_semaphore, #tpu.memory_space<semaphore_mem>>)
      %add3A_351 = arith.constant 1 : i32
      %add3A_352 = arith.addi %mul3A_263, %add3A_351 : i32
      %mul3A_353 = arith.constant 10 : i32
      %mul3A_354 = arith.muli %add3A_352, %mul3A_353 : i32
      %add3A_355 = arith.constant 5 : i32
      %add3A_356 = arith.addi %mul3A_354, %add3A_355 : i32
      %dma_start3A_357 = arith.constant 15 : i32
      %dma_start3A_358 = arith.constant 0 : i32
      %dma_start3A_359 = arith.constant 0 : i32
      %dma_start3A_360 = tpu.memref_slice %arg8[%dma_start3A_357, %dma_start3A_358, %dma_start3A_359] : memref<20x128x16xf32, #tpu.memory_space<vmem>> -> memref<1x128x16xf32, #tpu.memory_space<vmem>>
      %dma_start3A_361 = tpu.memref_squeeze %dma_start3A_360 : memref<1x128x16xf32, #tpu.memory_space<vmem>> -> memref<128x16xf32, #tpu.memory_space<vmem>>
      %dma_start3A_362 = arith.constant 0 : i32
      %dma_start3A_363 = tpu.memref_slice %arg6[%add3A_356, %dma_start3A_362] : memref<80x128xi32, #tpu.memory_space<vmem>> -> memref<1x128xi32, #tpu.memory_space<vmem>>
      %dma_start3A_364 = tpu.memref_squeeze %dma_start3A_363 : memref<1x128xi32, #tpu.memory_space<vmem>> -> memref<128xi32, #tpu.memory_space<vmem>>
      %dma_start3A_365 = arith.constant 0 : i32
      %dma_start3A_366 = arith.constant 0 : i32
      %dma_start3A_367 = tpu.memref_slice %arg4[%dma_start3A_365, %dma_start3A_366] : memref<20480x16xf32, #tpu.memory_space<hbm>> -> memref<20480x16xf32, #tpu.memory_space<hbm>>
      tpu.enqueue_indirect_dma source(%dma_start3A_367 : memref<20480x16xf32, #tpu.memory_space<hbm>>) target(%dma_start3A_361 : memref<128x16xf32, #tpu.memory_space<vmem>>) offsets(%dma_start3A_364 : memref<128xi32, #tpu.memory_space<vmem>>) semaphore(%arg12 : memref<!tpu.dma_semaphore, #tpu.memory_space<semaphore_mem>>)
      %add3A_368 = arith.constant 1 : i32
      %add3A_369 = arith.addi %mul3A_263, %add3A_368 : i32
      %mul3A_370 = arith.constant 10 : i32
      %mul3A_371 = arith.muli %add3A_369, %mul3A_370 : i32
      %add3A_372 = arith.constant 6 : i32
      %add3A_373 = arith.addi %mul3A_371, %add3A_372 : i32
      %dma_start3A_374 = arith.constant 16 : i32
      %dma_start3A_375 = arith.constant 0 : i32
      %dma_start3A_376 = arith.constant 0 : i32
      %dma_start3A_377 = tpu.memref_slice %arg8[%dma_start3A_374, %dma_start3A_375, %dma_start3A_376] : memref<20x128x16xf32, #tpu.memory_space<vmem>> -> memref<1x128x16xf32, #tpu.memory_space<vmem>>
      %dma_start3A_378 = tpu.memref_squeeze %dma_start3A_377 : memref<1x128x16xf32, #tpu.memory_space<vmem>> -> memref<128x16xf32, #tpu.memory_space<vmem>>
      %dma_start3A_379 = arith.constant 0 : i32
      %dma_start3A_380 = tpu.memref_slice %arg6[%add3A_373, %dma_start3A_379] : memref<80x128xi32, #tpu.memory_space<vmem>> -> memref<1x128xi32, #tpu.memory_space<vmem>>
      %dma_start3A_381 = tpu.memref_squeeze %dma_start3A_380 : memref<1x128xi32, #tpu.memory_space<vmem>> -> memref<128xi32, #tpu.memory_space<vmem>>
      %dma_start3A_382 = arith.constant 0 : i32
      %dma_start3A_383 = arith.constant 0 : i32
      %dma_start3A_384 = tpu.memref_slice %arg4[%dma_start3A_382, %dma_start3A_383] : memref<20480x16xf32, #tpu.memory_space<hbm>> -> memref<20480x16xf32, #tpu.memory_space<hbm>>
      tpu.enqueue_indirect_dma source(%dma_start3A_384 : memref<20480x16xf32, #tpu.memory_space<hbm>>) target(%dma_start3A_378 : memref<128x16xf32, #tpu.memory_space<vmem>>) offsets(%dma_start3A_381 : memref<128xi32, #tpu.memory_space<vmem>>) semaphore(%arg12 : memref<!tpu.dma_semaphore, #tpu.memory_space<semaphore_mem>>)
      %add3A_385 = arith.constant 1 : i32
      %add3A_386 = arith.addi %mul3A_263, %add3A_385 : i32
      %mul3A_387 = arith.constant 10 : i32
      %mul3A_388 = arith.muli %add3A_386, %mul3A_387 : i32
      %add3A_389 = arith.constant 7 : i32
      %add3A_390 = arith.addi %mul3A_388, %add3A_389 : i32
      %dma_start3A_391 = arith.constant 17 : i32
      %dma_start3A_392 = arith.constant 0 : i32
      %dma_start3A_393 = arith.constant 0 : i32
      %dma_start3A_394 = tpu.memref_slice %arg8[%dma_start3A_391, %dma_start3A_392, %dma_start3A_393] : memref<20x128x16xf32, #tpu.memory_space<vmem>> -> memref<1x128x16xf32, #tpu.memory_space<vmem>>
      %dma_start3A_395 = tpu.memref_squeeze %dma_start3A_394 : memref<1x128x16xf32, #tpu.memory_space<vmem>> -> memref<128x16xf32, #tpu.memory_space<vmem>>
      %dma_start3A_396 = arith.constant 0 : i32
      %dma_start3A_397 = tpu.memref_slice %arg6[%add3A_390, %dma_start3A_396] : memref<80x128xi32, #tpu.memory_space<vmem>> -> memref<1x128xi32, #tpu.memory_space<vmem>>
      %dma_start3A_398 = tpu.memref_squeeze %dma_start3A_397 : memref<1x128xi32, #tpu.memory_space<vmem>> -> memref<128xi32, #tpu.memory_space<vmem>>
      %dma_start3A_399 = arith.constant 0 : i32
      %dma_start3A_400 = arith.constant 0 : i32
      %dma_start3A_401 = tpu.memref_slice %arg4[%dma_start3A_399, %dma_start3A_400] : memref<20480x16xf32, #tpu.memory_space<hbm>> -> memref<20480x16xf32, #tpu.memory_space<hbm>>
      tpu.enqueue_indirect_dma source(%dma_start3A_401 : memref<20480x16xf32, #tpu.memory_space<hbm>>) target(%dma_start3A_395 : memref<128x16xf32, #tpu.memory_space<vmem>>) offsets(%dma_start3A_398 : memref<128xi32, #tpu.memory_space<vmem>>) semaphore(%arg12 : memref<!tpu.dma_semaphore, #tpu.memory_space<semaphore_mem>>)
      %add3A_402 = arith.constant 1 : i32
      %add3A_403 = arith.addi %mul3A_263, %add3A_402 : i32
      %mul3A_404 = arith.constant 10 : i32
      %mul3A_405 = arith.muli %add3A_403, %mul3A_404 : i32
      %add3A_406 = arith.constant 8 : i32
      %add3A_407 = arith.addi %mul3A_405, %add3A_406 : i32
      %dma_start3A_408 = arith.constant 18 : i32
      %dma_start3A_409 = arith.constant 0 : i32
      %dma_start3A_410 = arith.constant 0 : i32
      %dma_start3A_411 = tpu.memref_slice %arg8[%dma_start3A_408, %dma_start3A_409, %dma_start3A_410] : memref<20x128x16xf32, #tpu.memory_space<vmem>> -> memref<1x128x16xf32, #tpu.memory_space<vmem>>
      %dma_start3A_412 = tpu.memref_squeeze %dma_start3A_411 : memref<1x128x16xf32, #tpu.memory_space<vmem>> -> memref<128x16xf32, #tpu.memory_space<vmem>>
      %dma_start3A_413 = arith.constant 0 : i32
      %dma_start3A_414 = tpu.memref_slice %arg6[%add3A_407, %dma_start3A_413] : memref<80x128xi32, #tpu.memory_space<vmem>> -> memref<1x128xi32, #tpu.memory_space<vmem>>
      %dma_start3A_415 = tpu.memref_squeeze %dma_start3A_414 : memref<1x128xi32, #tpu.memory_space<vmem>> -> memref<128xi32, #tpu.memory_space<vmem>>
      %dma_start3A_416 = arith.constant 0 : i32
      %dma_start3A_417 = arith.constant 0 : i32
      %dma_start3A_418 = tpu.memref_slice %arg4[%dma_start3A_416, %dma_start3A_417] : memref<20480x16xf32, #tpu.memory_space<hbm>> -> memref<20480x16xf32, #tpu.memory_space<hbm>>
      tpu.enqueue_indirect_dma source(%dma_start3A_418 : memref<20480x16xf32, #tpu.memory_space<hbm>>) target(%dma_start3A_412 : memref<128x16xf32, #tpu.memory_space<vmem>>) offsets(%dma_start3A_415 : memref<128xi32, #tpu.memory_space<vmem>>) semaphore(%arg12 : memref<!tpu.dma_semaphore, #tpu.memory_space<semaphore_mem>>)
      %add3A_419 = arith.constant 1 : i32
      %add3A_420 = arith.addi %mul3A_263, %add3A_419 : i32
      %mul3A_421 = arith.constant 10 : i32
      %mul3A_422 = arith.muli %add3A_420, %mul3A_421 : i32
      %add3A_423 = arith.constant 9 : i32
      %add3A_424 = arith.addi %mul3A_422, %add3A_423 : i32
      %dma_start3A_425 = arith.constant 19 : i32
      %dma_start3A_426 = arith.constant 0 : i32
      %dma_start3A_427 = arith.constant 0 : i32
      %dma_start3A_428 = tpu.memref_slice %arg8[%dma_start3A_425, %dma_start3A_426, %dma_start3A_427] : memref<20x128x16xf32, #tpu.memory_space<vmem>> -> memref<1x128x16xf32, #tpu.memory_space<vmem>>
      %dma_start3A_429 = tpu.memref_squeeze %dma_start3A_428 : memref<1x128x16xf32, #tpu.memory_space<vmem>> -> memref<128x16xf32, #tpu.memory_space<vmem>>
      %dma_start3A_430 = arith.constant 0 : i32
      %dma_start3A_431 = tpu.memref_slice %arg6[%add3A_424, %dma_start3A_430] : memref<80x128xi32, #tpu.memory_space<vmem>> -> memref<1x128xi32, #tpu.memory_space<vmem>>
      %dma_start3A_432 = tpu.memref_squeeze %dma_start3A_431 : memref<1x128xi32, #tpu.memory_space<vmem>> -> memref<128xi32, #tpu.memory_space<vmem>>
      %dma_start3A_433 = arith.constant 0 : i32
      %dma_start3A_434 = arith.constant 0 : i32
      %dma_start3A_435 = tpu.memref_slice %arg4[%dma_start3A_433, %dma_start3A_434] : memref<20480x16xf32, #tpu.memory_space<hbm>> -> memref<20480x16xf32, #tpu.memory_space<hbm>>
      tpu.enqueue_indirect_dma source(%dma_start3A_435 : memref<20480x16xf32, #tpu.memory_space<hbm>>) target(%dma_start3A_429 : memref<128x16xf32, #tpu.memory_space<vmem>>) offsets(%dma_start3A_432 : memref<128xi32, #tpu.memory_space<vmem>>) semaphore(%arg12 : memref<!tpu.dma_semaphore, #tpu.memory_space<semaphore_mem>>)
      %mul3A_436 = arith.constant 10 : i32
      %mul3A_437 = arith.muli %mul3A_263, %mul3A_436 : i32
      %add3A_438 = arith.constant 0 : i32
      %add3A_439 = arith.addi %mul3A_437, %add3A_438 : i32
      %dma_wait3A_440 = arith.constant 0 : i32
      %dma_wait3A_441 = arith.constant 0 : i32
      %dma_wait3A_442 = arith.constant 0 : i32
      %dma_wait3A_443 = tpu.memref_slice %arg8[%dma_wait3A_440, %dma_wait3A_441, %dma_wait3A_442] : memref<20x128x16xf32, #tpu.memory_space<vmem>> -> memref<1x128x16xf32, #tpu.memory_space<vmem>>
      %dma_wait3A_444 = tpu.memref_squeeze %dma_wait3A_443 : memref<1x128x16xf32, #tpu.memory_space<vmem>> -> memref<128x16xf32, #tpu.memory_space<vmem>>
      %dma_wait3A_445 = arith.constant 0 : i32
      %dma_wait3A_446 = tpu.memref_slice %arg6[%add3A_439, %dma_wait3A_445] : memref<80x128xi32, #tpu.memory_space<vmem>> -> memref<1x128xi32, #tpu.memory_space<vmem>>
      %dma_wait3A_447 = tpu.memref_squeeze %dma_wait3A_446 : memref<1x128xi32, #tpu.memory_space<vmem>> -> memref<128xi32, #tpu.memory_space<vmem>>
      %dma_wait3A_448 = arith.constant 0 : i32
      %dma_wait3A_449 = arith.constant 0 : i32
      %dma_wait3A_450 = tpu.memref_slice %arg4[%dma_wait3A_448, %dma_wait3A_449] : memref<20480x16xf32, #tpu.memory_space<hbm>> -> memref<20480x16xf32, #tpu.memory_space<hbm>>
      tpu.wait_indirect_dma semaphore(%arg11 : memref<!tpu.dma_semaphore, #tpu.memory_space<semaphore_mem>>) src(%dma_wait3A_450 : memref<20480x16xf32, #tpu.memory_space<hbm>>) dst(%dma_wait3A_444 : memref<128x16xf32, #tpu.memory_space<vmem>>)
      %mul3A_451 = arith.constant 10 : i32
      %mul3A_452 = arith.muli %mul3A_263, %mul3A_451 : i32
      %add3A_453 = arith.constant 1 : i32
      %add3A_454 = arith.addi %mul3A_452, %add3A_453 : i32
      %dma_wait3A_455 = arith.constant 1 : i32
      %dma_wait3A_456 = arith.constant 0 : i32
      %dma_wait3A_457 = arith.constant 0 : i32
      %dma_wait3A_458 = tpu.memref_slice %arg8[%dma_wait3A_455, %dma_wait3A_456, %dma_wait3A_457] : memref<20x128x16xf32, #tpu.memory_space<vmem>> -> memref<1x128x16xf32, #tpu.memory_space<vmem>>
      %dma_wait3A_459 = tpu.memref_squeeze %dma_wait3A_458 : memref<1x128x16xf32, #tpu.memory_space<vmem>> -> memref<128x16xf32, #tpu.memory_space<vmem>>
      %dma_wait3A_460 = arith.constant 0 : i32
      %dma_wait3A_461 = tpu.memref_slice %arg6[%add3A_454, %dma_wait3A_460] : memref<80x128xi32, #tpu.memory_space<vmem>> -> memref<1x128xi32, #tpu.memory_space<vmem>>
      %dma_wait3A_462 = tpu.memref_squeeze %dma_wait3A_461 : memref<1x128xi32, #tpu.memory_space<vmem>> -> memref<128xi32, #tpu.memory_space<vmem>>
      %dma_wait3A_463 = arith.constant 0 : i32
      %dma_wait3A_464 = arith.constant 0 : i32
      %dma_wait3A_465 = tpu.memref_slice %arg4[%dma_wait3A_463, %dma_wait3A_464] : memref<20480x16xf32, #tpu.memory_space<hbm>> -> memref<20480x16xf32, #tpu.memory_space<hbm>>
      tpu.wait_indirect_dma semaphore(%arg11 : memref<!tpu.dma_semaphore, #tpu.memory_space<semaphore_mem>>) src(%dma_wait3A_465 : memref<20480x16xf32, #tpu.memory_space<hbm>>) dst(%dma_wait3A_459 : memref<128x16xf32, #tpu.memory_space<vmem>>)
      %mul3A_466 = arith.constant 10 : i32
      %mul3A_467 = arith.muli %mul3A_263, %mul3A_466 : i32
      %add3A_468 = arith.constant 2 : i32
      %add3A_469 = arith.addi %mul3A_467, %add3A_468 : i32
      %dma_wait3A_470 = arith.constant 2 : i32
      %dma_wait3A_471 = arith.constant 0 : i32
      %dma_wait3A_472 = arith.constant 0 : i32
      %dma_wait3A_473 = tpu.memref_slice %arg8[%dma_wait3A_470, %dma_wait3A_471, %dma_wait3A_472] : memref<20x128x16xf32, #tpu.memory_space<vmem>> -> memref<1x128x16xf32, #tpu.memory_space<vmem>>
      %dma_wait3A_474 = tpu.memref_squeeze %dma_wait3A_473 : memref<1x128x16xf32, #tpu.memory_space<vmem>> -> memref<128x16xf32, #tpu.memory_space<vmem>>
      %dma_wait3A_475 = arith.constant 0 : i32
      %dma_wait3A_476 = tpu.memref_slice %arg6[%add3A_469, %dma_wait3A_475] : memref<80x128xi32, #tpu.memory_space<vmem>> -> memref<1x128xi32, #tpu.memory_space<vmem>>
      %dma_wait3A_477 = tpu.memref_squeeze %dma_wait3A_476 : memref<1x128xi32, #tpu.memory_space<vmem>> -> memref<128xi32, #tpu.memory_space<vmem>>
      %dma_wait3A_478 = arith.constant 0 : i32
      %dma_wait3A_479 = arith.constant 0 : i32
      %dma_wait3A_480 = tpu.memref_slice %arg4[%dma_wait3A_478, %dma_wait3A_479] : memref<20480x16xf32, #tpu.memory_space<hbm>> -> memref<20480x16xf32, #tpu.memory_space<hbm>>
      tpu.wait_indirect_dma semaphore(%arg11 : memref<!tpu.dma_semaphore, #tpu.memory_space<semaphore_mem>>) src(%dma_wait3A_480 : memref<20480x16xf32, #tpu.memory_space<hbm>>) dst(%dma_wait3A_474 : memref<128x16xf32, #tpu.memory_space<vmem>>)
      %mul3A_481 = arith.constant 10 : i32
      %mul3A_482 = arith.muli %mul3A_263, %mul3A_481 : i32
      %add3A_483 = arith.constant 3 : i32
      %add3A_484 = arith.addi %mul3A_482, %add3A_483 : i32
      %dma_wait3A_485 = arith.constant 3 : i32
      %dma_wait3A_486 = arith.constant 0 : i32
      %dma_wait3A_487 = arith.constant 0 : i32
      %dma_wait3A_488 = tpu.memref_slice %arg8[%dma_wait3A_485, %dma_wait3A_486, %dma_wait3A_487] : memref<20x128x16xf32, #tpu.memory_space<vmem>> -> memref<1x128x16xf32, #tpu.memory_space<vmem>>
      %dma_wait3A_489 = tpu.memref_squeeze %dma_wait3A_488 : memref<1x128x16xf32, #tpu.memory_space<vmem>> -> memref<128x16xf32, #tpu.memory_space<vmem>>
      %dma_wait3A_490 = arith.constant 0 : i32
      %dma_wait3A_491 = tpu.memref_slice %arg6[%add3A_484, %dma_wait3A_490] : memref<80x128xi32, #tpu.memory_space<vmem>> -> memref<1x128xi32, #tpu.memory_space<vmem>>
      %dma_wait3A_492 = tpu.memref_squeeze %dma_wait3A_491 : memref<1x128xi32, #tpu.memory_space<vmem>> -> memref<128xi32, #tpu.memory_space<vmem>>
      %dma_wait3A_493 = arith.constant 0 : i32
      %dma_wait3A_494 = arith.constant 0 : i32
      %dma_wait3A_495 = tpu.memref_slice %arg4[%dma_wait3A_493, %dma_wait3A_494] : memref<20480x16xf32, #tpu.memory_space<hbm>> -> memref<20480x16xf32, #tpu.memory_space<hbm>>
      tpu.wait_indirect_dma semaphore(%arg11 : memref<!tpu.dma_semaphore, #tpu.memory_space<semaphore_mem>>) src(%dma_wait3A_495 : memref<20480x16xf32, #tpu.memory_space<hbm>>) dst(%dma_wait3A_489 : memref<128x16xf32, #tpu.memory_space<vmem>>)
      %mul3A_496 = arith.constant 10 : i32
      %mul3A_497 = arith.muli %mul3A_263, %mul3A_496 : i32
      %add3A_498 = arith.constant 4 : i32
      %add3A_499 = arith.addi %mul3A_497, %add3A_498 : i32
      %dma_wait3A_500 = arith.constant 4 : i32
      %dma_wait3A_501 = arith.constant 0 : i32
      %dma_wait3A_502 = arith.constant 0 : i32
      %dma_wait3A_503 = tpu.memref_slice %arg8[%dma_wait3A_500, %dma_wait3A_501, %dma_wait3A_502] : memref<20x128x16xf32, #tpu.memory_space<vmem>> -> memref<1x128x16xf32, #tpu.memory_space<vmem>>
      %dma_wait3A_504 = tpu.memref_squeeze %dma_wait3A_503 : memref<1x128x16xf32, #tpu.memory_space<vmem>> -> memref<128x16xf32, #tpu.memory_space<vmem>>
      %dma_wait3A_505 = arith.constant 0 : i32
      %dma_wait3A_506 = tpu.memref_slice %arg6[%add3A_499, %dma_wait3A_505] : memref<80x128xi32, #tpu.memory_space<vmem>> -> memref<1x128xi32, #tpu.memory_space<vmem>>
      %dma_wait3A_507 = tpu.memref_squeeze %dma_wait3A_506 : memref<1x128xi32, #tpu.memory_space<vmem>> -> memref<128xi32, #tpu.memory_space<vmem>>
      %dma_wait3A_508 = arith.constant 0 : i32
      %dma_wait3A_509 = arith.constant 0 : i32
      %dma_wait3A_510 = tpu.memref_slice %arg4[%dma_wait3A_508, %dma_wait3A_509] : memref<20480x16xf32, #tpu.memory_space<hbm>> -> memref<20480x16xf32, #tpu.memory_space<hbm>>
      tpu.wait_indirect_dma semaphore(%arg11 : memref<!tpu.dma_semaphore, #tpu.memory_space<semaphore_mem>>) src(%dma_wait3A_510 : memref<20480x16xf32, #tpu.memory_space<hbm>>) dst(%dma_wait3A_504 : memref<128x16xf32, #tpu.memory_space<vmem>>)
      %mul3A_511 = arith.constant 10 : i32
      %mul3A_512 = arith.muli %mul3A_263, %mul3A_511 : i32
      %add3A_513 = arith.constant 5 : i32
      %add3A_514 = arith.addi %mul3A_512, %add3A_513 : i32
      %dma_wait3A_515 = arith.constant 5 : i32
      %dma_wait3A_516 = arith.constant 0 : i32
      %dma_wait3A_517 = arith.constant 0 : i32
      %dma_wait3A_518 = tpu.memref_slice %arg8[%dma_wait3A_515, %dma_wait3A_516, %dma_wait3A_517] : memref<20x128x16xf32, #tpu.memory_space<vmem>> -> memref<1x128x16xf32, #tpu.memory_space<vmem>>
      %dma_wait3A_519 = tpu.memref_squeeze %dma_wait3A_518 : memref<1x128x16xf32, #tpu.memory_space<vmem>> -> memref<128x16xf32, #tpu.memory_space<vmem>>
      %dma_wait3A_520 = arith.constant 0 : i32
      %dma_wait3A_521 = tpu.memref_slice %arg6[%add3A_514, %dma_wait3A_520] : memref<80x128xi32, #tpu.memory_space<vmem>> -> memref<1x128xi32, #tpu.memory_space<vmem>>
      %dma_wait3A_522 = tpu.memref_squeeze %dma_wait3A_521 : memref<1x128xi32, #tpu.memory_space<vmem>> -> memref<128xi32, #tpu.memory_space<vmem>>
      %dma_wait3A_523 = arith.constant 0 : i32
      %dma_wait3A_524 = arith.constant 0 : i32
      %dma_wait3A_525 = tpu.memref_slice %arg4[%dma_wait3A_523, %dma_wait3A_524] : memref<20480x16xf32, #tpu.memory_space<hbm>> -> memref<20480x16xf32, #tpu.memory_space<hbm>>
      tpu.wait_indirect_dma semaphore(%arg11 : memref<!tpu.dma_semaphore, #tpu.memory_space<semaphore_mem>>) src(%dma_wait3A_525 : memref<20480x16xf32, #tpu.memory_space<hbm>>) dst(%dma_wait3A_519 : memref<128x16xf32, #tpu.memory_space<vmem>>)
      %mul3A_526 = arith.constant 10 : i32
      %mul3A_527 = arith.muli %mul3A_263, %mul3A_526 : i32
      %add3A_528 = arith.constant 6 : i32
      %add3A_529 = arith.addi %mul3A_527, %add3A_528 : i32
      %dma_wait3A_530 = arith.constant 6 : i32
      %dma_wait3A_531 = arith.constant 0 : i32
      %dma_wait3A_532 = arith.constant 0 : i32
      %dma_wait3A_533 = tpu.memref_slice %arg8[%dma_wait3A_530, %dma_wait3A_531, %dma_wait3A_532] : memref<20x128x16xf32, #tpu.memory_space<vmem>> -> memref<1x128x16xf32, #tpu.memory_space<vmem>>
      %dma_wait3A_534 = tpu.memref_squeeze %dma_wait3A_533 : memref<1x128x16xf32, #tpu.memory_space<vmem>> -> memref<128x16xf32, #tpu.memory_space<vmem>>
      %dma_wait3A_535 = arith.constant 0 : i32
      %dma_wait3A_536 = tpu.memref_slice %arg6[%add3A_529, %dma_wait3A_535] : memref<80x128xi32, #tpu.memory_space<vmem>> -> memref<1x128xi32, #tpu.memory_space<vmem>>
      %dma_wait3A_537 = tpu.memref_squeeze %dma_wait3A_536 : memref<1x128xi32, #tpu.memory_space<vmem>> -> memref<128xi32, #tpu.memory_space<vmem>>
      %dma_wait3A_538 = arith.constant 0 : i32
      %dma_wait3A_539 = arith.constant 0 : i32
      %dma_wait3A_540 = tpu.memref_slice %arg4[%dma_wait3A_538, %dma_wait3A_539] : memref<20480x16xf32, #tpu.memory_space<hbm>> -> memref<20480x16xf32, #tpu.memory_space<hbm>>
      tpu.wait_indirect_dma semaphore(%arg11 : memref<!tpu.dma_semaphore, #tpu.memory_space<semaphore_mem>>) src(%dma_wait3A_540 : memref<20480x16xf32, #tpu.memory_space<hbm>>) dst(%dma_wait3A_534 : memref<128x16xf32, #tpu.memory_space<vmem>>)
      %mul3A_541 = arith.constant 10 : i32
      %mul3A_542 = arith.muli %mul3A_263, %mul3A_541 : i32
      %add3A_543 = arith.constant 7 : i32
      %add3A_544 = arith.addi %mul3A_542, %add3A_543 : i32
      %dma_wait3A_545 = arith.constant 7 : i32
      %dma_wait3A_546 = arith.constant 0 : i32
      %dma_wait3A_547 = arith.constant 0 : i32
      %dma_wait3A_548 = tpu.memref_slice %arg8[%dma_wait3A_545, %dma_wait3A_546, %dma_wait3A_547] : memref<20x128x16xf32, #tpu.memory_space<vmem>> -> memref<1x128x16xf32, #tpu.memory_space<vmem>>
      %dma_wait3A_549 = tpu.memref_squeeze %dma_wait3A_548 : memref<1x128x16xf32, #tpu.memory_space<vmem>> -> memref<128x16xf32, #tpu.memory_space<vmem>>
      %dma_wait3A_550 = arith.constant 0 : i32
      %dma_wait3A_551 = tpu.memref_slice %arg6[%add3A_544, %dma_wait3A_550] : memref<80x128xi32, #tpu.memory_space<vmem>> -> memref<1x128xi32, #tpu.memory_space<vmem>>
      %dma_wait3A_552 = tpu.memref_squeeze %dma_wait3A_551 : memref<1x128xi32, #tpu.memory_space<vmem>> -> memref<128xi32, #tpu.memory_space<vmem>>
      %dma_wait3A_553 = arith.constant 0 : i32
      %dma_wait3A_554 = arith.constant 0 : i32
      %dma_wait3A_555 = tpu.memref_slice %arg4[%dma_wait3A_553, %dma_wait3A_554] : memref<20480x16xf32, #tpu.memory_space<hbm>> -> memref<20480x16xf32, #tpu.memory_space<hbm>>
      tpu.wait_indirect_dma semaphore(%arg11 : memref<!tpu.dma_semaphore, #tpu.memory_space<semaphore_mem>>) src(%dma_wait3A_555 : memref<20480x16xf32, #tpu.memory_space<hbm>>) dst(%dma_wait3A_549 : memref<128x16xf32, #tpu.memory_space<vmem>>)
      %mul3A_556 = arith.constant 10 : i32
      %mul3A_557 = arith.muli %mul3A_263, %mul3A_556 : i32
      %add3A_558 = arith.constant 8 : i32
      %add3A_559 = arith.addi %mul3A_557, %add3A_558 : i32
      %dma_wait3A_560 = arith.constant 8 : i32
      %dma_wait3A_561 = arith.constant 0 : i32
      %dma_wait3A_562 = arith.constant 0 : i32
      %dma_wait3A_563 = tpu.memref_slice %arg8[%dma_wait3A_560, %dma_wait3A_561, %dma_wait3A_562] : memref<20x128x16xf32, #tpu.memory_space<vmem>> -> memref<1x128x16xf32, #tpu.memory_space<vmem>>
      %dma_wait3A_564 = tpu.memref_squeeze %dma_wait3A_563 : memref<1x128x16xf32, #tpu.memory_space<vmem>> -> memref<128x16xf32, #tpu.memory_space<vmem>>
      %dma_wait3A_565 = arith.constant 0 : i32
      %dma_wait3A_566 = tpu.memref_slice %arg6[%add3A_559, %dma_wait3A_565] : memref<80x128xi32, #tpu.memory_space<vmem>> -> memref<1x128xi32, #tpu.memory_space<vmem>>
      %dma_wait3A_567 = tpu.memref_squeeze %dma_wait3A_566 : memref<1x128xi32, #tpu.memory_space<vmem>> -> memref<128xi32, #tpu.memory_space<vmem>>
      %dma_wait3A_568 = arith.constant 0 : i32
      %dma_wait3A_569 = arith.constant 0 : i32
      %dma_wait3A_570 = tpu.memref_slice %arg4[%dma_wait3A_568, %dma_wait3A_569] : memref<20480x16xf32, #tpu.memory_space<hbm>> -> memref<20480x16xf32, #tpu.memory_space<hbm>>
      tpu.wait_indirect_dma semaphore(%arg11 : memref<!tpu.dma_semaphore, #tpu.memory_space<semaphore_mem>>) src(%dma_wait3A_570 : memref<20480x16xf32, #tpu.memory_space<hbm>>) dst(%dma_wait3A_564 : memref<128x16xf32, #tpu.memory_space<vmem>>)
      %mul3A_571 = arith.constant 10 : i32
      %mul3A_572 = arith.muli %mul3A_263, %mul3A_571 : i32
      %add3A_573 = arith.constant 9 : i32
      %add3A_574 = arith.addi %mul3A_572, %add3A_573 : i32
      %dma_wait3A_575 = arith.constant 9 : i32
      %dma_wait3A_576 = arith.constant 0 : i32
      %dma_wait3A_577 = arith.constant 0 : i32
      %dma_wait3A_578 = tpu.memref_slice %arg8[%dma_wait3A_575, %dma_wait3A_576, %dma_wait3A_577] : memref<20x128x16xf32, #tpu.memory_space<vmem>> -> memref<1x128x16xf32, #tpu.memory_space<vmem>>
      %dma_wait3A_579 = tpu.memref_squeeze %dma_wait3A_578 : memref<1x128x16xf32, #tpu.memory_space<vmem>> -> memref<128x16xf32, #tpu.memory_space<vmem>>
      %dma_wait3A_580 = arith.constant 0 : i32
      %dma_wait3A_581 = tpu.memref_slice %arg6[%add3A_574, %dma_wait3A_580] : memref<80x128xi32, #tpu.memory_space<vmem>> -> memref<1x128xi32, #tpu.memory_space<vmem>>
      %dma_wait3A_582 = tpu.memref_squeeze %dma_wait3A_581 : memref<1x128xi32, #tpu.memory_space<vmem>> -> memref<128xi32, #tpu.memory_space<vmem>>
      %dma_wait3A_583 = arith.constant 0 : i32
      %dma_wait3A_584 = arith.constant 0 : i32
      %dma_wait3A_585 = tpu.memref_slice %arg4[%dma_wait3A_583, %dma_wait3A_584] : memref<20480x16xf32, #tpu.memory_space<hbm>> -> memref<20480x16xf32, #tpu.memory_space<hbm>>
      tpu.wait_indirect_dma semaphore(%arg11 : memref<!tpu.dma_semaphore, #tpu.memory_space<semaphore_mem>>) src(%dma_wait3A_585 : memref<20480x16xf32, #tpu.memory_space<hbm>>) dst(%dma_wait3A_579 : memref<128x16xf32, #tpu.memory_space<vmem>>)
      %mul3A_586 = arith.constant 10 : i32
      %mul3A_587 = arith.muli %mul3A_263, %mul3A_586 : i32
      %add3A_588 = arith.constant 0 : i32
      %add3A_589 = arith.addi %mul3A_587, %add3A_588 : i32
      %dma_start3A_590 = arith.constant 0 : i32
      %dma_start3A_591 = arith.constant 0 : i32
      %dma_start3A_592 = arith.constant 0 : i32
      %dma_start3A_593 = tpu.memref_slice %arg8[%dma_start3A_590, %dma_start3A_591, %dma_start3A_592] : memref<20x128x16xf32, #tpu.memory_space<vmem>> -> memref<1x128x16xf32, #tpu.memory_space<vmem>>
      %dma_start3A_594 = tpu.memref_squeeze %dma_start3A_593 : memref<1x128x16xf32, #tpu.memory_space<vmem>> -> memref<128x16xf32, #tpu.memory_space<vmem>>
      %dma_start3A_595 = arith.constant 0 : i32
      %dma_start3A_596 = tpu.memref_slice %arg7[%add3A_589, %dma_start3A_595] : memref<80x128xi32, #tpu.memory_space<vmem>> -> memref<1x128xi32, #tpu.memory_space<vmem>>
      %dma_start3A_597 = tpu.memref_squeeze %dma_start3A_596 : memref<1x128xi32, #tpu.memory_space<vmem>> -> memref<128xi32, #tpu.memory_space<vmem>>
      %dma_start3A_598 = arith.constant 0 : i32
      %dma_start3A_599 = arith.constant 0 : i32
      %dma_start3A_600 = tpu.memref_slice %arg10[%dma_start3A_598, %dma_start3A_599] : memref<10240x16xf32, #tpu.memory_space<vmem_shared>> -> memref<10240x16xf32, #tpu.memory_space<vmem_shared>>
      tpu.enqueue_indirect_dma source(%dma_start3A_594 : memref<128x16xf32, #tpu.memory_space<vmem>>) target(%dma_start3A_600 : memref<10240x16xf32, #tpu.memory_space<vmem_shared>>) offsets(%dma_start3A_597 : memref<128xi32, #tpu.memory_space<vmem>>) semaphore(%arg13 : memref<!tpu.dma_semaphore, #tpu.memory_space<semaphore_mem>>) {add = true}
      %mul3A_601 = arith.constant 10 : i32
      %mul3A_602 = arith.muli %mul3A_263, %mul3A_601 : i32
      %add3A_603 = arith.constant 1 : i32
      %add3A_604 = arith.addi %mul3A_602, %add3A_603 : i32
      %dma_start3A_605 = arith.constant 1 : i32
      %dma_start3A_606 = arith.constant 0 : i32
      %dma_start3A_607 = arith.constant 0 : i32
      %dma_start3A_608 = tpu.memref_slice %arg8[%dma_start3A_605, %dma_start3A_606, %dma_start3A_607] : memref<20x128x16xf32, #tpu.memory_space<vmem>> -> memref<1x128x16xf32, #tpu.memory_space<vmem>>
      %dma_start3A_609 = tpu.memref_squeeze %dma_start3A_608 : memref<1x128x16xf32, #tpu.memory_space<vmem>> -> memref<128x16xf32, #tpu.memory_space<vmem>>
      %dma_start3A_610 = arith.constant 0 : i32
      %dma_start3A_611 = tpu.memref_slice %arg7[%add3A_604, %dma_start3A_610] : memref<80x128xi32, #tpu.memory_space<vmem>> -> memref<1x128xi32, #tpu.memory_space<vmem>>
      %dma_start3A_612 = tpu.memref_squeeze %dma_start3A_611 : memref<1x128xi32, #tpu.memory_space<vmem>> -> memref<128xi32, #tpu.memory_space<vmem>>
      %dma_start3A_613 = arith.constant 0 : i32
      %dma_start3A_614 = arith.constant 0 : i32
      %dma_start3A_615 = tpu.memref_slice %arg10[%dma_start3A_613, %dma_start3A_614] : memref<10240x16xf32, #tpu.memory_space<vmem_shared>> -> memref<10240x16xf32, #tpu.memory_space<vmem_shared>>
      tpu.enqueue_indirect_dma source(%dma_start3A_609 : memref<128x16xf32, #tpu.memory_space<vmem>>) target(%dma_start3A_615 : memref<10240x16xf32, #tpu.memory_space<vmem_shared>>) offsets(%dma_start3A_612 : memref<128xi32, #tpu.memory_space<vmem>>) semaphore(%arg13 : memref<!tpu.dma_semaphore, #tpu.memory_space<semaphore_mem>>) {add = true}
      %mul3A_616 = arith.constant 10 : i32
      %mul3A_617 = arith.muli %mul3A_263, %mul3A_616 : i32
      %add3A_618 = arith.constant 2 : i32
      %add3A_619 = arith.addi %mul3A_617, %add3A_618 : i32
      %dma_start3A_620 = arith.constant 2 : i32
      %dma_start3A_621 = arith.constant 0 : i32
      %dma_start3A_622 = arith.constant 0 : i32
      %dma_start3A_623 = tpu.memref_slice %arg8[%dma_start3A_620, %dma_start3A_621, %dma_start3A_622] : memref<20x128x16xf32, #tpu.memory_space<vmem>> -> memref<1x128x16xf32, #tpu.memory_space<vmem>>
      %dma_start3A_624 = tpu.memref_squeeze %dma_start3A_623 : memref<1x128x16xf32, #tpu.memory_space<vmem>> -> memref<128x16xf32, #tpu.memory_space<vmem>>
      %dma_start3A_625 = arith.constant 0 : i32
      %dma_start3A_626 = tpu.memref_slice %arg7[%add3A_619, %dma_start3A_625] : memref<80x128xi32, #tpu.memory_space<vmem>> -> memref<1x128xi32, #tpu.memory_space<vmem>>
      %dma_start3A_627 = tpu.memref_squeeze %dma_start3A_626 : memref<1x128xi32, #tpu.memory_space<vmem>> -> memref<128xi32, #tpu.memory_space<vmem>>
      %dma_start3A_628 = arith.constant 0 : i32
      %dma_start3A_629 = arith.constant 0 : i32
      %dma_start3A_630 = tpu.memref_slice %arg10[%dma_start3A_628, %dma_start3A_629] : memref<10240x16xf32, #tpu.memory_space<vmem_shared>> -> memref<10240x16xf32, #tpu.memory_space<vmem_shared>>
      tpu.enqueue_indirect_dma source(%dma_start3A_624 : memref<128x16xf32, #tpu.memory_space<vmem>>) target(%dma_start3A_630 : memref<10240x16xf32, #tpu.memory_space<vmem_shared>>) offsets(%dma_start3A_627 : memref<128xi32, #tpu.memory_space<vmem>>) semaphore(%arg13 : memref<!tpu.dma_semaphore, #tpu.memory_space<semaphore_mem>>) {add = true}
      %mul3A_631 = arith.constant 10 : i32
      %mul3A_632 = arith.muli %mul3A_263, %mul3A_631 : i32
      %add3A_633 = arith.constant 3 : i32
      %add3A_634 = arith.addi %mul3A_632, %add3A_633 : i32
      %dma_start3A_635 = arith.constant 3 : i32
      %dma_start3A_636 = arith.constant 0 : i32
      %dma_start3A_637 = arith.constant 0 : i32
      %dma_start3A_638 = tpu.memref_slice %arg8[%dma_start3A_635, %dma_start3A_636, %dma_start3A_637] : memref<20x128x16xf32, #tpu.memory_space<vmem>> -> memref<1x128x16xf32, #tpu.memory_space<vmem>>
      %dma_start3A_639 = tpu.memref_squeeze %dma_start3A_638 : memref<1x128x16xf32, #tpu.memory_space<vmem>> -> memref<128x16xf32, #tpu.memory_space<vmem>>
      %dma_start3A_640 = arith.constant 0 : i32
      %dma_start3A_641 = tpu.memref_slice %arg7[%add3A_634, %dma_start3A_640] : memref<80x128xi32, #tpu.memory_space<vmem>> -> memref<1x128xi32, #tpu.memory_space<vmem>>
      %dma_start3A_642 = tpu.memref_squeeze %dma_start3A_641 : memref<1x128xi32, #tpu.memory_space<vmem>> -> memref<128xi32, #tpu.memory_space<vmem>>
      %dma_start3A_643 = arith.constant 0 : i32
      %dma_start3A_644 = arith.constant 0 : i32
      %dma_start3A_645 = tpu.memref_slice %arg10[%dma_start3A_643, %dma_start3A_644] : memref<10240x16xf32, #tpu.memory_space<vmem_shared>> -> memref<10240x16xf32, #tpu.memory_space<vmem_shared>>
      tpu.enqueue_indirect_dma source(%dma_start3A_639 : memref<128x16xf32, #tpu.memory_space<vmem>>) target(%dma_start3A_645 : memref<10240x16xf32, #tpu.memory_space<vmem_shared>>) offsets(%dma_start3A_642 : memref<128xi32, #tpu.memory_space<vmem>>) semaphore(%arg13 : memref<!tpu.dma_semaphore, #tpu.memory_space<semaphore_mem>>) {add = true}
      %mul3A_646 = arith.constant 10 : i32
      %mul3A_647 = arith.muli %mul3A_263, %mul3A_646 : i32
      %add3A_648 = arith.constant 4 : i32
      %add3A_649 = arith.addi %mul3A_647, %add3A_648 : i32
      %dma_start3A_650 = arith.constant 4 : i32
      %dma_start3A_651 = arith.constant 0 : i32
      %dma_start3A_652 = arith.constant 0 : i32
      %dma_start3A_653 = tpu.memref_slice %arg8[%dma_start3A_650, %dma_start3A_651, %dma_start3A_652] : memref<20x128x16xf32, #tpu.memory_space<vmem>> -> memref<1x128x16xf32, #tpu.memory_space<vmem>>
      %dma_start3A_654 = tpu.memref_squeeze %dma_start3A_653 : memref<1x128x16xf32, #tpu.memory_space<vmem>> -> memref<128x16xf32, #tpu.memory_space<vmem>>
      %dma_start3A_655 = arith.constant 0 : i32
      %dma_start3A_656 = tpu.memref_slice %arg7[%add3A_649, %dma_start3A_655] : memref<80x128xi32, #tpu.memory_space<vmem>> -> memref<1x128xi32, #tpu.memory_space<vmem>>
      %dma_start3A_657 = tpu.memref_squeeze %dma_start3A_656 : memref<1x128xi32, #tpu.memory_space<vmem>> -> memref<128xi32, #tpu.memory_space<vmem>>
      %dma_start3A_658 = arith.constant 0 : i32
      %dma_start3A_659 = arith.constant 0 : i32
      %dma_start3A_660 = tpu.memref_slice %arg10[%dma_start3A_658, %dma_start3A_659] : memref<10240x16xf32, #tpu.memory_space<vmem_shared>> -> memref<10240x16xf32, #tpu.memory_space<vmem_shared>>
      tpu.enqueue_indirect_dma source(%dma_start3A_654 : memref<128x16xf32, #tpu.memory_space<vmem>>) target(%dma_start3A_660 : memref<10240x16xf32, #tpu.memory_space<vmem_shared>>) offsets(%dma_start3A_657 : memref<128xi32, #tpu.memory_space<vmem>>) semaphore(%arg13 : memref<!tpu.dma_semaphore, #tpu.memory_space<semaphore_mem>>) {add = true}
      %mul3A_661 = arith.constant 10 : i32
      %mul3A_662 = arith.muli %mul3A_263, %mul3A_661 : i32
      %add3A_663 = arith.constant 5 : i32
      %add3A_664 = arith.addi %mul3A_662, %add3A_663 : i32
      %dma_start3A_665 = arith.constant 5 : i32
      %dma_start3A_666 = arith.constant 0 : i32
      %dma_start3A_667 = arith.constant 0 : i32
      %dma_start3A_668 = tpu.memref_slice %arg8[%dma_start3A_665, %dma_start3A_666, %dma_start3A_667] : memref<20x128x16xf32, #tpu.memory_space<vmem>> -> memref<1x128x16xf32, #tpu.memory_space<vmem>>
      %dma_start3A_669 = tpu.memref_squeeze %dma_start3A_668 : memref<1x128x16xf32, #tpu.memory_space<vmem>> -> memref<128x16xf32, #tpu.memory_space<vmem>>
      %dma_start3A_670 = arith.constant 0 : i32
      %dma_start3A_671 = tpu.memref_slice %arg7[%add3A_664, %dma_start3A_670] : memref<80x128xi32, #tpu.memory_space<vmem>> -> memref<1x128xi32, #tpu.memory_space<vmem>>
      %dma_start3A_672 = tpu.memref_squeeze %dma_start3A_671 : memref<1x128xi32, #tpu.memory_space<vmem>> -> memref<128xi32, #tpu.memory_space<vmem>>
      %dma_start3A_673 = arith.constant 0 : i32
      %dma_start3A_674 = arith.constant 0 : i32
      %dma_start3A_675 = tpu.memref_slice %arg10[%dma_start3A_673, %dma_start3A_674] : memref<10240x16xf32, #tpu.memory_space<vmem_shared>> -> memref<10240x16xf32, #tpu.memory_space<vmem_shared>>
      tpu.enqueue_indirect_dma source(%dma_start3A_669 : memref<128x16xf32, #tpu.memory_space<vmem>>) target(%dma_start3A_675 : memref<10240x16xf32, #tpu.memory_space<vmem_shared>>) offsets(%dma_start3A_672 : memref<128xi32, #tpu.memory_space<vmem>>) semaphore(%arg13 : memref<!tpu.dma_semaphore, #tpu.memory_space<semaphore_mem>>) {add = true}
      %mul3A_676 = arith.constant 10 : i32
      %mul3A_677 = arith.muli %mul3A_263, %mul3A_676 : i32
      %add3A_678 = arith.constant 6 : i32
      %add3A_679 = arith.addi %mul3A_677, %add3A_678 : i32
      %dma_start3A_680 = arith.constant 6 : i32
      %dma_start3A_681 = arith.constant 0 : i32
      %dma_start3A_682 = arith.constant 0 : i32
      %dma_start3A_683 = tpu.memref_slice %arg8[%dma_start3A_680, %dma_start3A_681, %dma_start3A_682] : memref<20x128x16xf32, #tpu.memory_space<vmem>> -> memref<1x128x16xf32, #tpu.memory_space<vmem>>
      %dma_start3A_684 = tpu.memref_squeeze %dma_start3A_683 : memref<1x128x16xf32, #tpu.memory_space<vmem>> -> memref<128x16xf32, #tpu.memory_space<vmem>>
      %dma_start3A_685 = arith.constant 0 : i32
      %dma_start3A_686 = tpu.memref_slice %arg7[%add3A_679, %dma_start3A_685] : memref<80x128xi32, #tpu.memory_space<vmem>> -> memref<1x128xi32, #tpu.memory_space<vmem>>
      %dma_start3A_687 = tpu.memref_squeeze %dma_start3A_686 : memref<1x128xi32, #tpu.memory_space<vmem>> -> memref<128xi32, #tpu.memory_space<vmem>>
      %dma_start3A_688 = arith.constant 0 : i32
      %dma_start3A_689 = arith.constant 0 : i32
      %dma_start3A_690 = tpu.memref_slice %arg10[%dma_start3A_688, %dma_start3A_689] : memref<10240x16xf32, #tpu.memory_space<vmem_shared>> -> memref<10240x16xf32, #tpu.memory_space<vmem_shared>>
      tpu.enqueue_indirect_dma source(%dma_start3A_684 : memref<128x16xf32, #tpu.memory_space<vmem>>) target(%dma_start3A_690 : memref<10240x16xf32, #tpu.memory_space<vmem_shared>>) offsets(%dma_start3A_687 : memref<128xi32, #tpu.memory_space<vmem>>) semaphore(%arg13 : memref<!tpu.dma_semaphore, #tpu.memory_space<semaphore_mem>>) {add = true}
      %mul3A_691 = arith.constant 10 : i32
      %mul3A_692 = arith.muli %mul3A_263, %mul3A_691 : i32
      %add3A_693 = arith.constant 7 : i32
      %add3A_694 = arith.addi %mul3A_692, %add3A_693 : i32
      %dma_start3A_695 = arith.constant 7 : i32
      %dma_start3A_696 = arith.constant 0 : i32
      %dma_start3A_697 = arith.constant 0 : i32
      %dma_start3A_698 = tpu.memref_slice %arg8[%dma_start3A_695, %dma_start3A_696, %dma_start3A_697] : memref<20x128x16xf32, #tpu.memory_space<vmem>> -> memref<1x128x16xf32, #tpu.memory_space<vmem>>
      %dma_start3A_699 = tpu.memref_squeeze %dma_start3A_698 : memref<1x128x16xf32, #tpu.memory_space<vmem>> -> memref<128x16xf32, #tpu.memory_space<vmem>>
      %dma_start3A_700 = arith.constant 0 : i32
      %dma_start3A_701 = tpu.memref_slice %arg7[%add3A_694, %dma_start3A_700] : memref<80x128xi32, #tpu.memory_space<vmem>> -> memref<1x128xi32, #tpu.memory_space<vmem>>
      %dma_start3A_702 = tpu.memref_squeeze %dma_start3A_701 : memref<1x128xi32, #tpu.memory_space<vmem>> -> memref<128xi32, #tpu.memory_space<vmem>>
      %dma_start3A_703 = arith.constant 0 : i32
      %dma_start3A_704 = arith.constant 0 : i32
      %dma_start3A_705 = tpu.memref_slice %arg10[%dma_start3A_703, %dma_start3A_704] : memref<10240x16xf32, #tpu.memory_space<vmem_shared>> -> memref<10240x16xf32, #tpu.memory_space<vmem_shared>>
      tpu.enqueue_indirect_dma source(%dma_start3A_699 : memref<128x16xf32, #tpu.memory_space<vmem>>) target(%dma_start3A_705 : memref<10240x16xf32, #tpu.memory_space<vmem_shared>>) offsets(%dma_start3A_702 : memref<128xi32, #tpu.memory_space<vmem>>) semaphore(%arg13 : memref<!tpu.dma_semaphore, #tpu.memory_space<semaphore_mem>>) {add = true}
      %mul3A_706 = arith.constant 10 : i32
      %mul3A_707 = arith.muli %mul3A_263, %mul3A_706 : i32
      %add3A_708 = arith.constant 8 : i32
      %add3A_709 = arith.addi %mul3A_707, %add3A_708 : i32
      %dma_start3A_710 = arith.constant 8 : i32
      %dma_start3A_711 = arith.constant 0 : i32
      %dma_start3A_712 = arith.constant 0 : i32
      %dma_start3A_713 = tpu.memref_slice %arg8[%dma_start3A_710, %dma_start3A_711, %dma_start3A_712] : memref<20x128x16xf32, #tpu.memory_space<vmem>> -> memref<1x128x16xf32, #tpu.memory_space<vmem>>
      %dma_start3A_714 = tpu.memref_squeeze %dma_start3A_713 : memref<1x128x16xf32, #tpu.memory_space<vmem>> -> memref<128x16xf32, #tpu.memory_space<vmem>>
      %dma_start3A_715 = arith.constant 0 : i32
      %dma_start3A_716 = tpu.memref_slice %arg7[%add3A_709, %dma_start3A_715] : memref<80x128xi32, #tpu.memory_space<vmem>> -> memref<1x128xi32, #tpu.memory_space<vmem>>
      %dma_start3A_717 = tpu.memref_squeeze %dma_start3A_716 : memref<1x128xi32, #tpu.memory_space<vmem>> -> memref<128xi32, #tpu.memory_space<vmem>>
      %dma_start3A_718 = arith.constant 0 : i32
      %dma_start3A_719 = arith.constant 0 : i32
      %dma_start3A_720 = tpu.memref_slice %arg10[%dma_start3A_718, %dma_start3A_719] : memref<10240x16xf32, #tpu.memory_space<vmem_shared>> -> memref<10240x16xf32, #tpu.memory_space<vmem_shared>>
      tpu.enqueue_indirect_dma source(%dma_start3A_714 : memref<128x16xf32, #tpu.memory_space<vmem>>) target(%dma_start3A_720 : memref<10240x16xf32, #tpu.memory_space<vmem_shared>>) offsets(%dma_start3A_717 : memref<128xi32, #tpu.memory_space<vmem>>) semaphore(%arg13 : memref<!tpu.dma_semaphore, #tpu.memory_space<semaphore_mem>>) {add = true}
      %mul3A_721 = arith.constant 10 : i32
      %mul3A_722 = arith.muli %mul3A_263, %mul3A_721 : i32
      %add3A_723 = arith.constant 9 : i32
      %add3A_724 = arith.addi %mul3A_722, %add3A_723 : i32
      %dma_start3A_725 = arith.constant 9 : i32
      %dma_start3A_726 = arith.constant 0 : i32
      %dma_start3A_727 = arith.constant 0 : i32
      %dma_start3A_728 = tpu.memref_slice %arg8[%dma_start3A_725, %dma_start3A_726, %dma_start3A_727] : memref<20x128x16xf32, #tpu.memory_space<vmem>> -> memref<1x128x16xf32, #tpu.memory_space<vmem>>
      %dma_start3A_729 = tpu.memref_squeeze %dma_start3A_728 : memref<1x128x16xf32, #tpu.memory_space<vmem>> -> memref<128x16xf32, #tpu.memory_space<vmem>>
      %dma_start3A_730 = arith.constant 0 : i32
      %dma_start3A_731 = tpu.memref_slice %arg7[%add3A_724, %dma_start3A_730] : memref<80x128xi32, #tpu.memory_space<vmem>> -> memref<1x128xi32, #tpu.memory_space<vmem>>
      %dma_start3A_732 = tpu.memref_squeeze %dma_start3A_731 : memref<1x128xi32, #tpu.memory_space<vmem>> -> memref<128xi32, #tpu.memory_space<vmem>>
      %dma_start3A_733 = arith.constant 0 : i32
      %dma_start3A_734 = arith.constant 0 : i32
      %dma_start3A_735 = tpu.memref_slice %arg10[%dma_start3A_733, %dma_start3A_734] : memref<10240x16xf32, #tpu.memory_space<vmem_shared>> -> memref<10240x16xf32, #tpu.memory_space<vmem_shared>>
      tpu.enqueue_indirect_dma source(%dma_start3A_729 : memref<128x16xf32, #tpu.memory_space<vmem>>) target(%dma_start3A_735 : memref<10240x16xf32, #tpu.memory_space<vmem_shared>>) offsets(%dma_start3A_732 : memref<128xi32, #tpu.memory_space<vmem>>) semaphore(%arg13 : memref<!tpu.dma_semaphore, #tpu.memory_space<semaphore_mem>>) {add = true}
      %mul3A_736 = arith.constant 10 : i32
      %mul3A_737 = arith.muli %mul3A_263, %mul3A_736 : i32
      %add3A_738 = arith.constant 0 : i32
      %add3A_739 = arith.addi %mul3A_737, %add3A_738 : i32
      %dma_wait3A_740 = arith.constant 0 : i32
      %dma_wait3A_741 = arith.constant 0 : i32
      %dma_wait3A_742 = arith.constant 0 : i32
      %dma_wait3A_743 = tpu.memref_slice %arg8[%dma_wait3A_740, %dma_wait3A_741, %dma_wait3A_742] : memref<20x128x16xf32, #tpu.memory_space<vmem>> -> memref<1x128x16xf32, #tpu.memory_space<vmem>>
      %dma_wait3A_744 = tpu.memref_squeeze %dma_wait3A_743 : memref<1x128x16xf32, #tpu.memory_space<vmem>> -> memref<128x16xf32, #tpu.memory_space<vmem>>
      %dma_wait3A_745 = arith.constant 0 : i32
      %dma_wait3A_746 = tpu.memref_slice %arg7[%add3A_739, %dma_wait3A_745] : memref<80x128xi32, #tpu.memory_space<vmem>> -> memref<1x128xi32, #tpu.memory_space<vmem>>
      %dma_wait3A_747 = tpu.memref_squeeze %dma_wait3A_746 : memref<1x128xi32, #tpu.memory_space<vmem>> -> memref<128xi32, #tpu.memory_space<vmem>>
      %dma_wait3A_748 = arith.constant 0 : i32
      %dma_wait3A_749 = arith.constant 0 : i32
      %dma_wait3A_750 = tpu.memref_slice %arg10[%dma_wait3A_748, %dma_wait3A_749] : memref<10240x16xf32, #tpu.memory_space<vmem_shared>> -> memref<10240x16xf32, #tpu.memory_space<vmem_shared>>
      tpu.wait_indirect_dma semaphore(%arg13 : memref<!tpu.dma_semaphore, #tpu.memory_space<semaphore_mem>>) src(%dma_wait3A_744 : memref<128x16xf32, #tpu.memory_space<vmem>>) dst(%dma_wait3A_750 : memref<10240x16xf32, #tpu.memory_space<vmem_shared>>)
      %mul3A_751 = arith.constant 10 : i32
      %mul3A_752 = arith.muli %mul3A_263, %mul3A_751 : i32
      %add3A_753 = arith.constant 1 : i32
      %add3A_754 = arith.addi %mul3A_752, %add3A_753 : i32
      %dma_wait3A_755 = arith.constant 1 : i32
      %dma_wait3A_756 = arith.constant 0 : i32
      %dma_wait3A_757 = arith.constant 0 : i32
      %dma_wait3A_758 = tpu.memref_slice %arg8[%dma_wait3A_755, %dma_wait3A_756, %dma_wait3A_757] : memref<20x128x16xf32, #tpu.memory_space<vmem>> -> memref<1x128x16xf32, #tpu.memory_space<vmem>>
      %dma_wait3A_759 = tpu.memref_squeeze %dma_wait3A_758 : memref<1x128x16xf32, #tpu.memory_space<vmem>> -> memref<128x16xf32, #tpu.memory_space<vmem>>
      %dma_wait3A_760 = arith.constant 0 : i32
      %dma_wait3A_761 = tpu.memref_slice %arg7[%add3A_754, %dma_wait3A_760] : memref<80x128xi32, #tpu.memory_space<vmem>> -> memref<1x128xi32, #tpu.memory_space<vmem>>
      %dma_wait3A_762 = tpu.memref_squeeze %dma_wait3A_761 : memref<1x128xi32, #tpu.memory_space<vmem>> -> memref<128xi32, #tpu.memory_space<vmem>>
      %dma_wait3A_763 = arith.constant 0 : i32
      %dma_wait3A_764 = arith.constant 0 : i32
      %dma_wait3A_765 = tpu.memref_slice %arg10[%dma_wait3A_763, %dma_wait3A_764] : memref<10240x16xf32, #tpu.memory_space<vmem_shared>> -> memref<10240x16xf32, #tpu.memory_space<vmem_shared>>
      tpu.wait_indirect_dma semaphore(%arg13 : memref<!tpu.dma_semaphore, #tpu.memory_space<semaphore_mem>>) src(%dma_wait3A_759 : memref<128x16xf32, #tpu.memory_space<vmem>>) dst(%dma_wait3A_765 : memref<10240x16xf32, #tpu.memory_space<vmem_shared>>)
      %mul3A_766 = arith.constant 10 : i32
      %mul3A_767 = arith.muli %mul3A_263, %mul3A_766 : i32
      %add3A_768 = arith.constant 2 : i32
      %add3A_769 = arith.addi %mul3A_767, %add3A_768 : i32
      %dma_wait3A_770 = arith.constant 2 : i32
      %dma_wait3A_771 = arith.constant 0 : i32
      %dma_wait3A_772 = arith.constant 0 : i32
      %dma_wait3A_773 = tpu.memref_slice %arg8[%dma_wait3A_770, %dma_wait3A_771, %dma_wait3A_772] : memref<20x128x16xf32, #tpu.memory_space<vmem>> -> memref<1x128x16xf32, #tpu.memory_space<vmem>>
      %dma_wait3A_774 = tpu.memref_squeeze %dma_wait3A_773 : memref<1x128x16xf32, #tpu.memory_space<vmem>> -> memref<128x16xf32, #tpu.memory_space<vmem>>
      %dma_wait3A_775 = arith.constant 0 : i32
      %dma_wait3A_776 = tpu.memref_slice %arg7[%add3A_769, %dma_wait3A_775] : memref<80x128xi32, #tpu.memory_space<vmem>> -> memref<1x128xi32, #tpu.memory_space<vmem>>
      %dma_wait3A_777 = tpu.memref_squeeze %dma_wait3A_776 : memref<1x128xi32, #tpu.memory_space<vmem>> -> memref<128xi32, #tpu.memory_space<vmem>>
      %dma_wait3A_778 = arith.constant 0 : i32
      %dma_wait3A_779 = arith.constant 0 : i32
      %dma_wait3A_780 = tpu.memref_slice %arg10[%dma_wait3A_778, %dma_wait3A_779] : memref<10240x16xf32, #tpu.memory_space<vmem_shared>> -> memref<10240x16xf32, #tpu.memory_space<vmem_shared>>
      tpu.wait_indirect_dma semaphore(%arg13 : memref<!tpu.dma_semaphore, #tpu.memory_space<semaphore_mem>>) src(%dma_wait3A_774 : memref<128x16xf32, #tpu.memory_space<vmem>>) dst(%dma_wait3A_780 : memref<10240x16xf32, #tpu.memory_space<vmem_shared>>)
      %mul3A_781 = arith.constant 10 : i32
      %mul3A_782 = arith.muli %mul3A_263, %mul3A_781 : i32
      %add3A_783 = arith.constant 3 : i32
      %add3A_784 = arith.addi %mul3A_782, %add3A_783 : i32
      %dma_wait3A_785 = arith.constant 3 : i32
      %dma_wait3A_786 = arith.constant 0 : i32
      %dma_wait3A_787 = arith.constant 0 : i32
      %dma_wait3A_788 = tpu.memref_slice %arg8[%dma_wait3A_785, %dma_wait3A_786, %dma_wait3A_787] : memref<20x128x16xf32, #tpu.memory_space<vmem>> -> memref<1x128x16xf32, #tpu.memory_space<vmem>>
      %dma_wait3A_789 = tpu.memref_squeeze %dma_wait3A_788 : memref<1x128x16xf32, #tpu.memory_space<vmem>> -> memref<128x16xf32, #tpu.memory_space<vmem>>
      %dma_wait3A_790 = arith.constant 0 : i32
      %dma_wait3A_791 = tpu.memref_slice %arg7[%add3A_784, %dma_wait3A_790] : memref<80x128xi32, #tpu.memory_space<vmem>> -> memref<1x128xi32, #tpu.memory_space<vmem>>
      %dma_wait3A_792 = tpu.memref_squeeze %dma_wait3A_791 : memref<1x128xi32, #tpu.memory_space<vmem>> -> memref<128xi32, #tpu.memory_space<vmem>>
      %dma_wait3A_793 = arith.constant 0 : i32
      %dma_wait3A_794 = arith.constant 0 : i32
      %dma_wait3A_795 = tpu.memref_slice %arg10[%dma_wait3A_793, %dma_wait3A_794] : memref<10240x16xf32, #tpu.memory_space<vmem_shared>> -> memref<10240x16xf32, #tpu.memory_space<vmem_shared>>
      tpu.wait_indirect_dma semaphore(%arg13 : memref<!tpu.dma_semaphore, #tpu.memory_space<semaphore_mem>>) src(%dma_wait3A_789 : memref<128x16xf32, #tpu.memory_space<vmem>>) dst(%dma_wait3A_795 : memref<10240x16xf32, #tpu.memory_space<vmem_shared>>)
      %mul3A_796 = arith.constant 10 : i32
      %mul3A_797 = arith.muli %mul3A_263, %mul3A_796 : i32
      %add3A_798 = arith.constant 4 : i32
      %add3A_799 = arith.addi %mul3A_797, %add3A_798 : i32
      %dma_wait3A_800 = arith.constant 4 : i32
      %dma_wait3A_801 = arith.constant 0 : i32
      %dma_wait3A_802 = arith.constant 0 : i32
      %dma_wait3A_803 = tpu.memref_slice %arg8[%dma_wait3A_800, %dma_wait3A_801, %dma_wait3A_802] : memref<20x128x16xf32, #tpu.memory_space<vmem>> -> memref<1x128x16xf32, #tpu.memory_space<vmem>>
      %dma_wait3A_804 = tpu.memref_squeeze %dma_wait3A_803 : memref<1x128x16xf32, #tpu.memory_space<vmem>> -> memref<128x16xf32, #tpu.memory_space<vmem>>
      %dma_wait3A_805 = arith.constant 0 : i32
      %dma_wait3A_806 = tpu.memref_slice %arg7[%add3A_799, %dma_wait3A_805] : memref<80x128xi32, #tpu.memory_space<vmem>> -> memref<1x128xi32, #tpu.memory_space<vmem>>
      %dma_wait3A_807 = tpu.memref_squeeze %dma_wait3A_806 : memref<1x128xi32, #tpu.memory_space<vmem>> -> memref<128xi32, #tpu.memory_space<vmem>>
      %dma_wait3A_808 = arith.constant 0 : i32
      %dma_wait3A_809 = arith.constant 0 : i32
      %dma_wait3A_810 = tpu.memref_slice %arg10[%dma_wait3A_808, %dma_wait3A_809] : memref<10240x16xf32, #tpu.memory_space<vmem_shared>> -> memref<10240x16xf32, #tpu.memory_space<vmem_shared>>
      tpu.wait_indirect_dma semaphore(%arg13 : memref<!tpu.dma_semaphore, #tpu.memory_space<semaphore_mem>>) src(%dma_wait3A_804 : memref<128x16xf32, #tpu.memory_space<vmem>>) dst(%dma_wait3A_810 : memref<10240x16xf32, #tpu.memory_space<vmem_shared>>)
      %mul3A_811 = arith.constant 10 : i32
      %mul3A_812 = arith.muli %mul3A_263, %mul3A_811 : i32
      %add3A_813 = arith.constant 5 : i32
      %add3A_814 = arith.addi %mul3A_812, %add3A_813 : i32
      %dma_wait3A_815 = arith.constant 5 : i32
      %dma_wait3A_816 = arith.constant 0 : i32
      %dma_wait3A_817 = arith.constant 0 : i32
      %dma_wait3A_818 = tpu.memref_slice %arg8[%dma_wait3A_815, %dma_wait3A_816, %dma_wait3A_817] : memref<20x128x16xf32, #tpu.memory_space<vmem>> -> memref<1x128x16xf32, #tpu.memory_space<vmem>>
      %dma_wait3A_819 = tpu.memref_squeeze %dma_wait3A_818 : memref<1x128x16xf32, #tpu.memory_space<vmem>> -> memref<128x16xf32, #tpu.memory_space<vmem>>
      %dma_wait3A_820 = arith.constant 0 : i32
      %dma_wait3A_821 = tpu.memref_slice %arg7[%add3A_814, %dma_wait3A_820] : memref<80x128xi32, #tpu.memory_space<vmem>> -> memref<1x128xi32, #tpu.memory_space<vmem>>
      %dma_wait3A_822 = tpu.memref_squeeze %dma_wait3A_821 : memref<1x128xi32, #tpu.memory_space<vmem>> -> memref<128xi32, #tpu.memory_space<vmem>>
      %dma_wait3A_823 = arith.constant 0 : i32
      %dma_wait3A_824 = arith.constant 0 : i32
      %dma_wait3A_825 = tpu.memref_slice %arg10[%dma_wait3A_823, %dma_wait3A_824] : memref<10240x16xf32, #tpu.memory_space<vmem_shared>> -> memref<10240x16xf32, #tpu.memory_space<vmem_shared>>
      tpu.wait_indirect_dma semaphore(%arg13 : memref<!tpu.dma_semaphore, #tpu.memory_space<semaphore_mem>>) src(%dma_wait3A_819 : memref<128x16xf32, #tpu.memory_space<vmem>>) dst(%dma_wait3A_825 : memref<10240x16xf32, #tpu.memory_space<vmem_shared>>)
      %mul3A_826 = arith.constant 10 : i32
      %mul3A_827 = arith.muli %mul3A_263, %mul3A_826 : i32
      %add3A_828 = arith.constant 6 : i32
      %add3A_829 = arith.addi %mul3A_827, %add3A_828 : i32
      %dma_wait3A_830 = arith.constant 6 : i32
      %dma_wait3A_831 = arith.constant 0 : i32
      %dma_wait3A_832 = arith.constant 0 : i32
      %dma_wait3A_833 = tpu.memref_slice %arg8[%dma_wait3A_830, %dma_wait3A_831, %dma_wait3A_832] : memref<20x128x16xf32, #tpu.memory_space<vmem>> -> memref<1x128x16xf32, #tpu.memory_space<vmem>>
      %dma_wait3A_834 = tpu.memref_squeeze %dma_wait3A_833 : memref<1x128x16xf32, #tpu.memory_space<vmem>> -> memref<128x16xf32, #tpu.memory_space<vmem>>
      %dma_wait3A_835 = arith.constant 0 : i32
      %dma_wait3A_836 = tpu.memref_slice %arg7[%add3A_829, %dma_wait3A_835] : memref<80x128xi32, #tpu.memory_space<vmem>> -> memref<1x128xi32, #tpu.memory_space<vmem>>
      %dma_wait3A_837 = tpu.memref_squeeze %dma_wait3A_836 : memref<1x128xi32, #tpu.memory_space<vmem>> -> memref<128xi32, #tpu.memory_space<vmem>>
      %dma_wait3A_838 = arith.constant 0 : i32
      %dma_wait3A_839 = arith.constant 0 : i32
      %dma_wait3A_840 = tpu.memref_slice %arg10[%dma_wait3A_838, %dma_wait3A_839] : memref<10240x16xf32, #tpu.memory_space<vmem_shared>> -> memref<10240x16xf32, #tpu.memory_space<vmem_shared>>
      tpu.wait_indirect_dma semaphore(%arg13 : memref<!tpu.dma_semaphore, #tpu.memory_space<semaphore_mem>>) src(%dma_wait3A_834 : memref<128x16xf32, #tpu.memory_space<vmem>>) dst(%dma_wait3A_840 : memref<10240x16xf32, #tpu.memory_space<vmem_shared>>)
      %mul3A_841 = arith.constant 10 : i32
      %mul3A_842 = arith.muli %mul3A_263, %mul3A_841 : i32
      %add3A_843 = arith.constant 7 : i32
      %add3A_844 = arith.addi %mul3A_842, %add3A_843 : i32
      %dma_wait3A_845 = arith.constant 7 : i32
      %dma_wait3A_846 = arith.constant 0 : i32
      %dma_wait3A_847 = arith.constant 0 : i32
      %dma_wait3A_848 = tpu.memref_slice %arg8[%dma_wait3A_845, %dma_wait3A_846, %dma_wait3A_847] : memref<20x128x16xf32, #tpu.memory_space<vmem>> -> memref<1x128x16xf32, #tpu.memory_space<vmem>>
      %dma_wait3A_849 = tpu.memref_squeeze %dma_wait3A_848 : memref<1x128x16xf32, #tpu.memory_space<vmem>> -> memref<128x16xf32, #tpu.memory_space<vmem>>
      %dma_wait3A_850 = arith.constant 0 : i32
      %dma_wait3A_851 = tpu.memref_slice %arg7[%add3A_844, %dma_wait3A_850] : memref<80x128xi32, #tpu.memory_space<vmem>> -> memref<1x128xi32, #tpu.memory_space<vmem>>
      %dma_wait3A_852 = tpu.memref_squeeze %dma_wait3A_851 : memref<1x128xi32, #tpu.memory_space<vmem>> -> memref<128xi32, #tpu.memory_space<vmem>>
      %dma_wait3A_853 = arith.constant 0 : i32
      %dma_wait3A_854 = arith.constant 0 : i32
      %dma_wait3A_855 = tpu.memref_slice %arg10[%dma_wait3A_853, %dma_wait3A_854] : memref<10240x16xf32, #tpu.memory_space<vmem_shared>> -> memref<10240x16xf32, #tpu.memory_space<vmem_shared>>
      tpu.wait_indirect_dma semaphore(%arg13 : memref<!tpu.dma_semaphore, #tpu.memory_space<semaphore_mem>>) src(%dma_wait3A_849 : memref<128x16xf32, #tpu.memory_space<vmem>>) dst(%dma_wait3A_855 : memref<10240x16xf32, #tpu.memory_space<vmem_shared>>)
      %mul3A_856 = arith.constant 10 : i32
      %mul3A_857 = arith.muli %mul3A_263, %mul3A_856 : i32
      %add3A_858 = arith.constant 8 : i32
      %add3A_859 = arith.addi %mul3A_857, %add3A_858 : i32
      %dma_wait3A_860 = arith.constant 8 : i32
      %dma_wait3A_861 = arith.constant 0 : i32
      %dma_wait3A_862 = arith.constant 0 : i32
      %dma_wait3A_863 = tpu.memref_slice %arg8[%dma_wait3A_860, %dma_wait3A_861, %dma_wait3A_862] : memref<20x128x16xf32, #tpu.memory_space<vmem>> -> memref<1x128x16xf32, #tpu.memory_space<vmem>>
      %dma_wait3A_864 = tpu.memref_squeeze %dma_wait3A_863 : memref<1x128x16xf32, #tpu.memory_space<vmem>> -> memref<128x16xf32, #tpu.memory_space<vmem>>
      %dma_wait3A_865 = arith.constant 0 : i32
      %dma_wait3A_866 = tpu.memref_slice %arg7[%add3A_859, %dma_wait3A_865] : memref<80x128xi32, #tpu.memory_space<vmem>> -> memref<1x128xi32, #tpu.memory_space<vmem>>
      %dma_wait3A_867 = tpu.memref_squeeze %dma_wait3A_866 : memref<1x128xi32, #tpu.memory_space<vmem>> -> memref<128xi32, #tpu.memory_space<vmem>>
      %dma_wait3A_868 = arith.constant 0 : i32
      %dma_wait3A_869 = arith.constant 0 : i32
      %dma_wait3A_870 = tpu.memref_slice %arg10[%dma_wait3A_868, %dma_wait3A_869] : memref<10240x16xf32, #tpu.memory_space<vmem_shared>> -> memref<10240x16xf32, #tpu.memory_space<vmem_shared>>
      tpu.wait_indirect_dma semaphore(%arg13 : memref<!tpu.dma_semaphore, #tpu.memory_space<semaphore_mem>>) src(%dma_wait3A_864 : memref<128x16xf32, #tpu.memory_space<vmem>>) dst(%dma_wait3A_870 : memref<10240x16xf32, #tpu.memory_space<vmem_shared>>)
      %mul3A_871 = arith.constant 10 : i32
      %mul3A_872 = arith.muli %mul3A_263, %mul3A_871 : i32
      %add3A_873 = arith.constant 9 : i32
      %add3A_874 = arith.addi %mul3A_872, %add3A_873 : i32
      %dma_wait3A_875 = arith.constant 9 : i32
      %dma_wait3A_876 = arith.constant 0 : i32
      %dma_wait3A_877 = arith.constant 0 : i32
      %dma_wait3A_878 = tpu.memref_slice %arg8[%dma_wait3A_875, %dma_wait3A_876, %dma_wait3A_877] : memref<20x128x16xf32, #tpu.memory_space<vmem>> -> memref<1x128x16xf32, #tpu.memory_space<vmem>>
      %dma_wait3A_879 = tpu.memref_squeeze %dma_wait3A_878 : memref<1x128x16xf32, #tpu.memory_space<vmem>> -> memref<128x16xf32, #tpu.memory_space<vmem>>
      %dma_wait3A_880 = arith.constant 0 : i32
      %dma_wait3A_881 = tpu.memref_slice %arg7[%add3A_874, %dma_wait3A_880] : memref<80x128xi32, #tpu.memory_space<vmem>> -> memref<1x128xi32, #tpu.memory_space<vmem>>
      %dma_wait3A_882 = tpu.memref_squeeze %dma_wait3A_881 : memref<1x128xi32, #tpu.memory_space<vmem>> -> memref<128xi32, #tpu.memory_space<vmem>>
      %dma_wait3A_883 = arith.constant 0 : i32
      %dma_wait3A_884 = arith.constant 0 : i32
      %dma_wait3A_885 = tpu.memref_slice %arg10[%dma_wait3A_883, %dma_wait3A_884] : memref<10240x16xf32, #tpu.memory_space<vmem_shared>> -> memref<10240x16xf32, #tpu.memory_space<vmem_shared>>
      tpu.wait_indirect_dma semaphore(%arg13 : memref<!tpu.dma_semaphore, #tpu.memory_space<semaphore_mem>>) src(%dma_wait3A_879 : memref<128x16xf32, #tpu.memory_space<vmem>>) dst(%dma_wait3A_885 : memref<10240x16xf32, #tpu.memory_space<vmem_shared>>)
      %add3A_886 = arith.constant 2 : i32
      %add3A_887 = arith.addi %mul3A_263, %add3A_886 : i32
      %lt3A = arith.constant 8 : i32
      %lt3A_888 = arith.cmpi slt, %add3A_887, %lt3A : i32
      %convert_element_type3A_889 = arith.extui %lt3A_888 : i1 to i32
      %cond3A_890 = arith.constant 0 : i32
      %cond3A_891 = arith.cmpi ne, %convert_element_type3A_889, %cond3A_890 : i32
      scf.if %cond3A_891 {
        %add3A_1232 = arith.constant 2 : i32
        %add3A_1233 = arith.addi %mul3A_263, %add3A_1232 : i32
        %mul3A_1234 = arith.constant 10 : i32
        %mul3A_1235 = arith.muli %add3A_1233, %mul3A_1234 : i32
        %add3A_1236 = arith.constant 0 : i32
        %add3A_1237 = arith.addi %mul3A_1235, %add3A_1236 : i32
        %dma_start3A_1238 = arith.constant 0 : i32
        %dma_start3A_1239 = arith.constant 0 : i32
        %dma_start3A_1240 = arith.constant 0 : i32
        %dma_start3A_1241 = tpu.memref_slice %arg8[%dma_start3A_1238, %dma_start3A_1239, %dma_start3A_1240] : memref<20x128x16xf32, #tpu.memory_space<vmem>> -> memref<1x128x16xf32, #tpu.memory_space<vmem>>
        %dma_start3A_1242 = tpu.memref_squeeze %dma_start3A_1241 : memref<1x128x16xf32, #tpu.memory_space<vmem>> -> memref<128x16xf32, #tpu.memory_space<vmem>>
        %dma_start3A_1243 = arith.constant 0 : i32
        %dma_start3A_1244 = tpu.memref_slice %arg6[%add3A_1237, %dma_start3A_1243] : memref<80x128xi32, #tpu.memory_space<vmem>> -> memref<1x128xi32, #tpu.memory_space<vmem>>
        %dma_start3A_1245 = tpu.memref_squeeze %dma_start3A_1244 : memref<1x128xi32, #tpu.memory_space<vmem>> -> memref<128xi32, #tpu.memory_space<vmem>>
        %dma_start3A_1246 = arith.constant 0 : i32
        %dma_start3A_1247 = arith.constant 0 : i32
        %dma_start3A_1248 = tpu.memref_slice %arg4[%dma_start3A_1246, %dma_start3A_1247] : memref<20480x16xf32, #tpu.memory_space<hbm>> -> memref<20480x16xf32, #tpu.memory_space<hbm>>
        tpu.enqueue_indirect_dma source(%dma_start3A_1248 : memref<20480x16xf32, #tpu.memory_space<hbm>>) target(%dma_start3A_1242 : memref<128x16xf32, #tpu.memory_space<vmem>>) offsets(%dma_start3A_1245 : memref<128xi32, #tpu.memory_space<vmem>>) semaphore(%arg11 : memref<!tpu.dma_semaphore, #tpu.memory_space<semaphore_mem>>)
        %add3A_1249 = arith.constant 2 : i32
        %add3A_1250 = arith.addi %mul3A_263, %add3A_1249 : i32
        %mul3A_1251 = arith.constant 10 : i32
        %mul3A_1252 = arith.muli %add3A_1250, %mul3A_1251 : i32
        %add3A_1253 = arith.constant 1 : i32
        %add3A_1254 = arith.addi %mul3A_1252, %add3A_1253 : i32
        %dma_start3A_1255 = arith.constant 1 : i32
        %dma_start3A_1256 = arith.constant 0 : i32
        %dma_start3A_1257 = arith.constant 0 : i32
        %dma_start3A_1258 = tpu.memref_slice %arg8[%dma_start3A_1255, %dma_start3A_1256, %dma_start3A_1257] : memref<20x128x16xf32, #tpu.memory_space<vmem>> -> memref<1x128x16xf32, #tpu.memory_space<vmem>>
        %dma_start3A_1259 = tpu.memref_squeeze %dma_start3A_1258 : memref<1x128x16xf32, #tpu.memory_space<vmem>> -> memref<128x16xf32, #tpu.memory_space<vmem>>
        %dma_start3A_1260 = arith.constant 0 : i32
        %dma_start3A_1261 = tpu.memref_slice %arg6[%add3A_1254, %dma_start3A_1260] : memref<80x128xi32, #tpu.memory_space<vmem>> -> memref<1x128xi32, #tpu.memory_space<vmem>>
        %dma_start3A_1262 = tpu.memref_squeeze %dma_start3A_1261 : memref<1x128xi32, #tpu.memory_space<vmem>> -> memref<128xi32, #tpu.memory_space<vmem>>
        %dma_start3A_1263 = arith.constant 0 : i32
        %dma_start3A_1264 = arith.constant 0 : i32
        %dma_start3A_1265 = tpu.memref_slice %arg4[%dma_start3A_1263, %dma_start3A_1264] : memref<20480x16xf32, #tpu.memory_space<hbm>> -> memref<20480x16xf32, #tpu.memory_space<hbm>>
        tpu.enqueue_indirect_dma source(%dma_start3A_1265 : memref<20480x16xf32, #tpu.memory_space<hbm>>) target(%dma_start3A_1259 : memref<128x16xf32, #tpu.memory_space<vmem>>) offsets(%dma_start3A_1262 : memref<128xi32, #tpu.memory_space<vmem>>) semaphore(%arg11 : memref<!tpu.dma_semaphore, #tpu.memory_space<semaphore_mem>>)
        %add3A_1266 = arith.constant 2 : i32
        %add3A_1267 = arith.addi %mul3A_263, %add3A_1266 : i32
        %mul3A_1268 = arith.constant 10 : i32
        %mul3A_1269 = arith.muli %add3A_1267, %mul3A_1268 : i32
        %add3A_1270 = arith.constant 2 : i32
        %add3A_1271 = arith.addi %mul3A_1269, %add3A_1270 : i32
        %dma_start3A_1272 = arith.constant 2 : i32
        %dma_start3A_1273 = arith.constant 0 : i32
        %dma_start3A_1274 = arith.constant 0 : i32
        %dma_start3A_1275 = tpu.memref_slice %arg8[%dma_start3A_1272, %dma_start3A_1273, %dma_start3A_1274] : memref<20x128x16xf32, #tpu.memory_space<vmem>> -> memref<1x128x16xf32, #tpu.memory_space<vmem>>
        %dma_start3A_1276 = tpu.memref_squeeze %dma_start3A_1275 : memref<1x128x16xf32, #tpu.memory_space<vmem>> -> memref<128x16xf32, #tpu.memory_space<vmem>>
        %dma_start3A_1277 = arith.constant 0 : i32
        %dma_start3A_1278 = tpu.memref_slice %arg6[%add3A_1271, %dma_start3A_1277] : memref<80x128xi32, #tpu.memory_space<vmem>> -> memref<1x128xi32, #tpu.memory_space<vmem>>
        %dma_start3A_1279 = tpu.memref_squeeze %dma_start3A_1278 : memref<1x128xi32, #tpu.memory_space<vmem>> -> memref<128xi32, #tpu.memory_space<vmem>>
        %dma_start3A_1280 = arith.constant 0 : i32
        %dma_start3A_1281 = arith.constant 0 : i32
        %dma_start3A_1282 = tpu.memref_slice %arg4[%dma_start3A_1280, %dma_start3A_1281] : memref<20480x16xf32, #tpu.memory_space<hbm>> -> memref<20480x16xf32, #tpu.memory_space<hbm>>
        tpu.enqueue_indirect_dma source(%dma_start3A_1282 : memref<20480x16xf32, #tpu.memory_space<hbm>>) target(%dma_start3A_1276 : memref<128x16xf32, #tpu.memory_space<vmem>>) offsets(%dma_start3A_1279 : memref<128xi32, #tpu.memory_space<vmem>>) semaphore(%arg11 : memref<!tpu.dma_semaphore, #tpu.memory_space<semaphore_mem>>)
        %add3A_1283 = arith.constant 2 : i32
        %add3A_1284 = arith.addi %mul3A_263, %add3A_1283 : i32
        %mul3A_1285 = arith.constant 10 : i32
        %mul3A_1286 = arith.muli %add3A_1284, %mul3A_1285 : i32
        %add3A_1287 = arith.constant 3 : i32
        %add3A_1288 = arith.addi %mul3A_1286, %add3A_1287 : i32
        %dma_start3A_1289 = arith.constant 3 : i32
        %dma_start3A_1290 = arith.constant 0 : i32
        %dma_start3A_1291 = arith.constant 0 : i32
        %dma_start3A_1292 = tpu.memref_slice %arg8[%dma_start3A_1289, %dma_start3A_1290, %dma_start3A_1291] : memref<20x128x16xf32, #tpu.memory_space<vmem>> -> memref<1x128x16xf32, #tpu.memory_space<vmem>>
        %dma_start3A_1293 = tpu.memref_squeeze %dma_start3A_1292 : memref<1x128x16xf32, #tpu.memory_space<vmem>> -> memref<128x16xf32, #tpu.memory_space<vmem>>
        %dma_start3A_1294 = arith.constant 0 : i32
        %dma_start3A_1295 = tpu.memref_slice %arg6[%add3A_1288, %dma_start3A_1294] : memref<80x128xi32, #tpu.memory_space<vmem>> -> memref<1x128xi32, #tpu.memory_space<vmem>>
        %dma_start3A_1296 = tpu.memref_squeeze %dma_start3A_1295 : memref<1x128xi32, #tpu.memory_space<vmem>> -> memref<128xi32, #tpu.memory_space<vmem>>
        %dma_start3A_1297 = arith.constant 0 : i32
        %dma_start3A_1298 = arith.constant 0 : i32
        %dma_start3A_1299 = tpu.memref_slice %arg4[%dma_start3A_1297, %dma_start3A_1298] : memref<20480x16xf32, #tpu.memory_space<hbm>> -> memref<20480x16xf32, #tpu.memory_space<hbm>>
        tpu.enqueue_indirect_dma source(%dma_start3A_1299 : memref<20480x16xf32, #tpu.memory_space<hbm>>) target(%dma_start3A_1293 : memref<128x16xf32, #tpu.memory_space<vmem>>) offsets(%dma_start3A_1296 : memref<128xi32, #tpu.memory_space<vmem>>) semaphore(%arg11 : memref<!tpu.dma_semaphore, #tpu.memory_space<semaphore_mem>>)
        %add3A_1300 = arith.constant 2 : i32
        %add3A_1301 = arith.addi %mul3A_263, %add3A_1300 : i32
        %mul3A_1302 = arith.constant 10 : i32
        %mul3A_1303 = arith.muli %add3A_1301, %mul3A_1302 : i32
        %add3A_1304 = arith.constant 4 : i32
        %add3A_1305 = arith.addi %mul3A_1303, %add3A_1304 : i32
        %dma_start3A_1306 = arith.constant 4 : i32
        %dma_start3A_1307 = arith.constant 0 : i32
        %dma_start3A_1308 = arith.constant 0 : i32
        %dma_start3A_1309 = tpu.memref_slice %arg8[%dma_start3A_1306, %dma_start3A_1307, %dma_start3A_1308] : memref<20x128x16xf32, #tpu.memory_space<vmem>> -> memref<1x128x16xf32, #tpu.memory_space<vmem>>
        %dma_start3A_1310 = tpu.memref_squeeze %dma_start3A_1309 : memref<1x128x16xf32, #tpu.memory_space<vmem>> -> memref<128x16xf32, #tpu.memory_space<vmem>>
        %dma_start3A_1311 = arith.constant 0 : i32
        %dma_start3A_1312 = tpu.memref_slice %arg6[%add3A_1305, %dma_start3A_1311] : memref<80x128xi32, #tpu.memory_space<vmem>> -> memref<1x128xi32, #tpu.memory_space<vmem>>
        %dma_start3A_1313 = tpu.memref_squeeze %dma_start3A_1312 : memref<1x128xi32, #tpu.memory_space<vmem>> -> memref<128xi32, #tpu.memory_space<vmem>>
        %dma_start3A_1314 = arith.constant 0 : i32
        %dma_start3A_1315 = arith.constant 0 : i32
        %dma_start3A_1316 = tpu.memref_slice %arg4[%dma_start3A_1314, %dma_start3A_1315] : memref<20480x16xf32, #tpu.memory_space<hbm>> -> memref<20480x16xf32, #tpu.memory_space<hbm>>
        tpu.enqueue_indirect_dma source(%dma_start3A_1316 : memref<20480x16xf32, #tpu.memory_space<hbm>>) target(%dma_start3A_1310 : memref<128x16xf32, #tpu.memory_space<vmem>>) offsets(%dma_start3A_1313 : memref<128xi32, #tpu.memory_space<vmem>>) semaphore(%arg11 : memref<!tpu.dma_semaphore, #tpu.memory_space<semaphore_mem>>)
        %add3A_1317 = arith.constant 2 : i32
        %add3A_1318 = arith.addi %mul3A_263, %add3A_1317 : i32
        %mul3A_1319 = arith.constant 10 : i32
        %mul3A_1320 = arith.muli %add3A_1318, %mul3A_1319 : i32
        %add3A_1321 = arith.constant 5 : i32
        %add3A_1322 = arith.addi %mul3A_1320, %add3A_1321 : i32
        %dma_start3A_1323 = arith.constant 5 : i32
        %dma_start3A_1324 = arith.constant 0 : i32
        %dma_start3A_1325 = arith.constant 0 : i32
        %dma_start3A_1326 = tpu.memref_slice %arg8[%dma_start3A_1323, %dma_start3A_1324, %dma_start3A_1325] : memref<20x128x16xf32, #tpu.memory_space<vmem>> -> memref<1x128x16xf32, #tpu.memory_space<vmem>>
        %dma_start3A_1327 = tpu.memref_squeeze %dma_start3A_1326 : memref<1x128x16xf32, #tpu.memory_space<vmem>> -> memref<128x16xf32, #tpu.memory_space<vmem>>
        %dma_start3A_1328 = arith.constant 0 : i32
        %dma_start3A_1329 = tpu.memref_slice %arg6[%add3A_1322, %dma_start3A_1328] : memref<80x128xi32, #tpu.memory_space<vmem>> -> memref<1x128xi32, #tpu.memory_space<vmem>>
        %dma_start3A_1330 = tpu.memref_squeeze %dma_start3A_1329 : memref<1x128xi32, #tpu.memory_space<vmem>> -> memref<128xi32, #tpu.memory_space<vmem>>
        %dma_start3A_1331 = arith.constant 0 : i32
        %dma_start3A_1332 = arith.constant 0 : i32
        %dma_start3A_1333 = tpu.memref_slice %arg4[%dma_start3A_1331, %dma_start3A_1332] : memref<20480x16xf32, #tpu.memory_space<hbm>> -> memref<20480x16xf32, #tpu.memory_space<hbm>>
        tpu.enqueue_indirect_dma source(%dma_start3A_1333 : memref<20480x16xf32, #tpu.memory_space<hbm>>) target(%dma_start3A_1327 : memref<128x16xf32, #tpu.memory_space<vmem>>) offsets(%dma_start3A_1330 : memref<128xi32, #tpu.memory_space<vmem>>) semaphore(%arg11 : memref<!tpu.dma_semaphore, #tpu.memory_space<semaphore_mem>>)
        %add3A_1334 = arith.constant 2 : i32
        %add3A_1335 = arith.addi %mul3A_263, %add3A_1334 : i32
        %mul3A_1336 = arith.constant 10 : i32
        %mul3A_1337 = arith.muli %add3A_1335, %mul3A_1336 : i32
        %add3A_1338 = arith.constant 6 : i32
        %add3A_1339 = arith.addi %mul3A_1337, %add3A_1338 : i32
        %dma_start3A_1340 = arith.constant 6 : i32
        %dma_start3A_1341 = arith.constant 0 : i32
        %dma_start3A_1342 = arith.constant 0 : i32
        %dma_start3A_1343 = tpu.memref_slice %arg8[%dma_start3A_1340, %dma_start3A_1341, %dma_start3A_1342] : memref<20x128x16xf32, #tpu.memory_space<vmem>> -> memref<1x128x16xf32, #tpu.memory_space<vmem>>
        %dma_start3A_1344 = tpu.memref_squeeze %dma_start3A_1343 : memref<1x128x16xf32, #tpu.memory_space<vmem>> -> memref<128x16xf32, #tpu.memory_space<vmem>>
        %dma_start3A_1345 = arith.constant 0 : i32
        %dma_start3A_1346 = tpu.memref_slice %arg6[%add3A_1339, %dma_start3A_1345] : memref<80x128xi32, #tpu.memory_space<vmem>> -> memref<1x128xi32, #tpu.memory_space<vmem>>
        %dma_start3A_1347 = tpu.memref_squeeze %dma_start3A_1346 : memref<1x128xi32, #tpu.memory_space<vmem>> -> memref<128xi32, #tpu.memory_space<vmem>>
        %dma_start3A_1348 = arith.constant 0 : i32
        %dma_start3A_1349 = arith.constant 0 : i32
        %dma_start3A_1350 = tpu.memref_slice %arg4[%dma_start3A_1348, %dma_start3A_1349] : memref<20480x16xf32, #tpu.memory_space<hbm>> -> memref<20480x16xf32, #tpu.memory_space<hbm>>
        tpu.enqueue_indirect_dma source(%dma_start3A_1350 : memref<20480x16xf32, #tpu.memory_space<hbm>>) target(%dma_start3A_1344 : memref<128x16xf32, #tpu.memory_space<vmem>>) offsets(%dma_start3A_1347 : memref<128xi32, #tpu.memory_space<vmem>>) semaphore(%arg11 : memref<!tpu.dma_semaphore, #tpu.memory_space<semaphore_mem>>)
        %add3A_1351 = arith.constant 2 : i32
        %add3A_1352 = arith.addi %mul3A_263, %add3A_1351 : i32
        %mul3A_1353 = arith.constant 10 : i32
        %mul3A_1354 = arith.muli %add3A_1352, %mul3A_1353 : i32
        %add3A_1355 = arith.constant 7 : i32
        %add3A_1356 = arith.addi %mul3A_1354, %add3A_1355 : i32
        %dma_start3A_1357 = arith.constant 7 : i32
        %dma_start3A_1358 = arith.constant 0 : i32
        %dma_start3A_1359 = arith.constant 0 : i32
        %dma_start3A_1360 = tpu.memref_slice %arg8[%dma_start3A_1357, %dma_start3A_1358, %dma_start3A_1359] : memref<20x128x16xf32, #tpu.memory_space<vmem>> -> memref<1x128x16xf32, #tpu.memory_space<vmem>>
        %dma_start3A_1361 = tpu.memref_squeeze %dma_start3A_1360 : memref<1x128x16xf32, #tpu.memory_space<vmem>> -> memref<128x16xf32, #tpu.memory_space<vmem>>
        %dma_start3A_1362 = arith.constant 0 : i32
        %dma_start3A_1363 = tpu.memref_slice %arg6[%add3A_1356, %dma_start3A_1362] : memref<80x128xi32, #tpu.memory_space<vmem>> -> memref<1x128xi32, #tpu.memory_space<vmem>>
        %dma_start3A_1364 = tpu.memref_squeeze %dma_start3A_1363 : memref<1x128xi32, #tpu.memory_space<vmem>> -> memref<128xi32, #tpu.memory_space<vmem>>
        %dma_start3A_1365 = arith.constant 0 : i32
        %dma_start3A_1366 = arith.constant 0 : i32
        %dma_start3A_1367 = tpu.memref_slice %arg4[%dma_start3A_1365, %dma_start3A_1366] : memref<20480x16xf32, #tpu.memory_space<hbm>> -> memref<20480x16xf32, #tpu.memory_space<hbm>>
        tpu.enqueue_indirect_dma source(%dma_start3A_1367 : memref<20480x16xf32, #tpu.memory_space<hbm>>) target(%dma_start3A_1361 : memref<128x16xf32, #tpu.memory_space<vmem>>) offsets(%dma_start3A_1364 : memref<128xi32, #tpu.memory_space<vmem>>) semaphore(%arg11 : memref<!tpu.dma_semaphore, #tpu.memory_space<semaphore_mem>>)
        %add3A_1368 = arith.constant 2 : i32
        %add3A_1369 = arith.addi %mul3A_263, %add3A_1368 : i32
        %mul3A_1370 = arith.constant 10 : i32
        %mul3A_1371 = arith.muli %add3A_1369, %mul3A_1370 : i32
        %add3A_1372 = arith.constant 8 : i32
        %add3A_1373 = arith.addi %mul3A_1371, %add3A_1372 : i32
        %dma_start3A_1374 = arith.constant 8 : i32
        %dma_start3A_1375 = arith.constant 0 : i32
        %dma_start3A_1376 = arith.constant 0 : i32
        %dma_start3A_1377 = tpu.memref_slice %arg8[%dma_start3A_1374, %dma_start3A_1375, %dma_start3A_1376] : memref<20x128x16xf32, #tpu.memory_space<vmem>> -> memref<1x128x16xf32, #tpu.memory_space<vmem>>
        %dma_start3A_1378 = tpu.memref_squeeze %dma_start3A_1377 : memref<1x128x16xf32, #tpu.memory_space<vmem>> -> memref<128x16xf32, #tpu.memory_space<vmem>>
        %dma_start3A_1379 = arith.constant 0 : i32
        %dma_start3A_1380 = tpu.memref_slice %arg6[%add3A_1373, %dma_start3A_1379] : memref<80x128xi32, #tpu.memory_space<vmem>> -> memref<1x128xi32, #tpu.memory_space<vmem>>
        %dma_start3A_1381 = tpu.memref_squeeze %dma_start3A_1380 : memref<1x128xi32, #tpu.memory_space<vmem>> -> memref<128xi32, #tpu.memory_space<vmem>>
        %dma_start3A_1382 = arith.constant 0 : i32
        %dma_start3A_1383 = arith.constant 0 : i32
        %dma_start3A_1384 = tpu.memref_slice %arg4[%dma_start3A_1382, %dma_start3A_1383] : memref<20480x16xf32, #tpu.memory_space<hbm>> -> memref<20480x16xf32, #tpu.memory_space<hbm>>
        tpu.enqueue_indirect_dma source(%dma_start3A_1384 : memref<20480x16xf32, #tpu.memory_space<hbm>>) target(%dma_start3A_1378 : memref<128x16xf32, #tpu.memory_space<vmem>>) offsets(%dma_start3A_1381 : memref<128xi32, #tpu.memory_space<vmem>>) semaphore(%arg11 : memref<!tpu.dma_semaphore, #tpu.memory_space<semaphore_mem>>)
        %add3A_1385 = arith.constant 2 : i32
        %add3A_1386 = arith.addi %mul3A_263, %add3A_1385 : i32
        %mul3A_1387 = arith.constant 10 : i32
        %mul3A_1388 = arith.muli %add3A_1386, %mul3A_1387 : i32
        %add3A_1389 = arith.constant 9 : i32
        %add3A_1390 = arith.addi %mul3A_1388, %add3A_1389 : i32
        %dma_start3A_1391 = arith.constant 9 : i32
        %dma_start3A_1392 = arith.constant 0 : i32
        %dma_start3A_1393 = arith.constant 0 : i32
        %dma_start3A_1394 = tpu.memref_slice %arg8[%dma_start3A_1391, %dma_start3A_1392, %dma_start3A_1393] : memref<20x128x16xf32, #tpu.memory_space<vmem>> -> memref<1x128x16xf32, #tpu.memory_space<vmem>>
        %dma_start3A_1395 = tpu.memref_squeeze %dma_start3A_1394 : memref<1x128x16xf32, #tpu.memory_space<vmem>> -> memref<128x16xf32, #tpu.memory_space<vmem>>
        %dma_start3A_1396 = arith.constant 0 : i32
        %dma_start3A_1397 = tpu.memref_slice %arg6[%add3A_1390, %dma_start3A_1396] : memref<80x128xi32, #tpu.memory_space<vmem>> -> memref<1x128xi32, #tpu.memory_space<vmem>>
        %dma_start3A_1398 = tpu.memref_squeeze %dma_start3A_1397 : memref<1x128xi32, #tpu.memory_space<vmem>> -> memref<128xi32, #tpu.memory_space<vmem>>
        %dma_start3A_1399 = arith.constant 0 : i32
        %dma_start3A_1400 = arith.constant 0 : i32
        %dma_start3A_1401 = tpu.memref_slice %arg4[%dma_start3A_1399, %dma_start3A_1400] : memref<20480x16xf32, #tpu.memory_space<hbm>> -> memref<20480x16xf32, #tpu.memory_space<hbm>>
        tpu.enqueue_indirect_dma source(%dma_start3A_1401 : memref<20480x16xf32, #tpu.memory_space<hbm>>) target(%dma_start3A_1395 : memref<128x16xf32, #tpu.memory_space<vmem>>) offsets(%dma_start3A_1398 : memref<128xi32, #tpu.memory_space<vmem>>) semaphore(%arg11 : memref<!tpu.dma_semaphore, #tpu.memory_space<semaphore_mem>>)
      } else {
      }
      %add3A_892 = arith.constant 1 : i32
      %add3A_893 = arith.addi %mul3A_263, %add3A_892 : i32
      %mul3A_894 = arith.constant 10 : i32
      %mul3A_895 = arith.muli %add3A_893, %mul3A_894 : i32
      %add3A_896 = arith.constant 0 : i32
      %add3A_897 = arith.addi %mul3A_895, %add3A_896 : i32
      %dma_wait3A_898 = arith.constant 10 : i32
      %dma_wait3A_899 = arith.constant 0 : i32
      %dma_wait3A_900 = arith.constant 0 : i32
      %dma_wait3A_901 = tpu.memref_slice %arg8[%dma_wait3A_898, %dma_wait3A_899, %dma_wait3A_900] : memref<20x128x16xf32, #tpu.memory_space<vmem>> -> memref<1x128x16xf32, #tpu.memory_space<vmem>>
      %dma_wait3A_902 = tpu.memref_squeeze %dma_wait3A_901 : memref<1x128x16xf32, #tpu.memory_space<vmem>> -> memref<128x16xf32, #tpu.memory_space<vmem>>
      %dma_wait3A_903 = arith.constant 0 : i32
      %dma_wait3A_904 = tpu.memref_slice %arg6[%add3A_897, %dma_wait3A_903] : memref<80x128xi32, #tpu.memory_space<vmem>> -> memref<1x128xi32, #tpu.memory_space<vmem>>
      %dma_wait3A_905 = tpu.memref_squeeze %dma_wait3A_904 : memref<1x128xi32, #tpu.memory_space<vmem>> -> memref<128xi32, #tpu.memory_space<vmem>>
      %dma_wait3A_906 = arith.constant 0 : i32
      %dma_wait3A_907 = arith.constant 0 : i32
      %dma_wait3A_908 = tpu.memref_slice %arg4[%dma_wait3A_906, %dma_wait3A_907] : memref<20480x16xf32, #tpu.memory_space<hbm>> -> memref<20480x16xf32, #tpu.memory_space<hbm>>
      tpu.wait_indirect_dma semaphore(%arg12 : memref<!tpu.dma_semaphore, #tpu.memory_space<semaphore_mem>>) src(%dma_wait3A_908 : memref<20480x16xf32, #tpu.memory_space<hbm>>) dst(%dma_wait3A_902 : memref<128x16xf32, #tpu.memory_space<vmem>>)
      %add3A_909 = arith.constant 1 : i32
      %add3A_910 = arith.addi %mul3A_263, %add3A_909 : i32
      %mul3A_911 = arith.constant 10 : i32
      %mul3A_912 = arith.muli %add3A_910, %mul3A_911 : i32
      %add3A_913 = arith.constant 1 : i32
      %add3A_914 = arith.addi %mul3A_912, %add3A_913 : i32
      %dma_wait3A_915 = arith.constant 11 : i32
      %dma_wait3A_916 = arith.constant 0 : i32
      %dma_wait3A_917 = arith.constant 0 : i32
      %dma_wait3A_918 = tpu.memref_slice %arg8[%dma_wait3A_915, %dma_wait3A_916, %dma_wait3A_917] : memref<20x128x16xf32, #tpu.memory_space<vmem>> -> memref<1x128x16xf32, #tpu.memory_space<vmem>>
      %dma_wait3A_919 = tpu.memref_squeeze %dma_wait3A_918 : memref<1x128x16xf32, #tpu.memory_space<vmem>> -> memref<128x16xf32, #tpu.memory_space<vmem>>
      %dma_wait3A_920 = arith.constant 0 : i32
      %dma_wait3A_921 = tpu.memref_slice %arg6[%add3A_914, %dma_wait3A_920] : memref<80x128xi32, #tpu.memory_space<vmem>> -> memref<1x128xi32, #tpu.memory_space<vmem>>
      %dma_wait3A_922 = tpu.memref_squeeze %dma_wait3A_921 : memref<1x128xi32, #tpu.memory_space<vmem>> -> memref<128xi32, #tpu.memory_space<vmem>>
      %dma_wait3A_923 = arith.constant 0 : i32
      %dma_wait3A_924 = arith.constant 0 : i32
      %dma_wait3A_925 = tpu.memref_slice %arg4[%dma_wait3A_923, %dma_wait3A_924] : memref<20480x16xf32, #tpu.memory_space<hbm>> -> memref<20480x16xf32, #tpu.memory_space<hbm>>
      tpu.wait_indirect_dma semaphore(%arg12 : memref<!tpu.dma_semaphore, #tpu.memory_space<semaphore_mem>>) src(%dma_wait3A_925 : memref<20480x16xf32, #tpu.memory_space<hbm>>) dst(%dma_wait3A_919 : memref<128x16xf32, #tpu.memory_space<vmem>>)
      %add3A_926 = arith.constant 1 : i32
      %add3A_927 = arith.addi %mul3A_263, %add3A_926 : i32
      %mul3A_928 = arith.constant 10 : i32
      %mul3A_929 = arith.muli %add3A_927, %mul3A_928 : i32
      %add3A_930 = arith.constant 2 : i32
      %add3A_931 = arith.addi %mul3A_929, %add3A_930 : i32
      %dma_wait3A_932 = arith.constant 12 : i32
      %dma_wait3A_933 = arith.constant 0 : i32
      %dma_wait3A_934 = arith.constant 0 : i32
      %dma_wait3A_935 = tpu.memref_slice %arg8[%dma_wait3A_932, %dma_wait3A_933, %dma_wait3A_934] : memref<20x128x16xf32, #tpu.memory_space<vmem>> -> memref<1x128x16xf32, #tpu.memory_space<vmem>>
      %dma_wait3A_936 = tpu.memref_squeeze %dma_wait3A_935 : memref<1x128x16xf32, #tpu.memory_space<vmem>> -> memref<128x16xf32, #tpu.memory_space<vmem>>
      %dma_wait3A_937 = arith.constant 0 : i32
      %dma_wait3A_938 = tpu.memref_slice %arg6[%add3A_931, %dma_wait3A_937] : memref<80x128xi32, #tpu.memory_space<vmem>> -> memref<1x128xi32, #tpu.memory_space<vmem>>
      %dma_wait3A_939 = tpu.memref_squeeze %dma_wait3A_938 : memref<1x128xi32, #tpu.memory_space<vmem>> -> memref<128xi32, #tpu.memory_space<vmem>>
      %dma_wait3A_940 = arith.constant 0 : i32
      %dma_wait3A_941 = arith.constant 0 : i32
      %dma_wait3A_942 = tpu.memref_slice %arg4[%dma_wait3A_940, %dma_wait3A_941] : memref<20480x16xf32, #tpu.memory_space<hbm>> -> memref<20480x16xf32, #tpu.memory_space<hbm>>
      tpu.wait_indirect_dma semaphore(%arg12 : memref<!tpu.dma_semaphore, #tpu.memory_space<semaphore_mem>>) src(%dma_wait3A_942 : memref<20480x16xf32, #tpu.memory_space<hbm>>) dst(%dma_wait3A_936 : memref<128x16xf32, #tpu.memory_space<vmem>>)
      %add3A_943 = arith.constant 1 : i32
      %add3A_944 = arith.addi %mul3A_263, %add3A_943 : i32
      %mul3A_945 = arith.constant 10 : i32
      %mul3A_946 = arith.muli %add3A_944, %mul3A_945 : i32
      %add3A_947 = arith.constant 3 : i32
      %add3A_948 = arith.addi %mul3A_946, %add3A_947 : i32
      %dma_wait3A_949 = arith.constant 13 : i32
      %dma_wait3A_950 = arith.constant 0 : i32
      %dma_wait3A_951 = arith.constant 0 : i32
      %dma_wait3A_952 = tpu.memref_slice %arg8[%dma_wait3A_949, %dma_wait3A_950, %dma_wait3A_951] : memref<20x128x16xf32, #tpu.memory_space<vmem>> -> memref<1x128x16xf32, #tpu.memory_space<vmem>>
      %dma_wait3A_953 = tpu.memref_squeeze %dma_wait3A_952 : memref<1x128x16xf32, #tpu.memory_space<vmem>> -> memref<128x16xf32, #tpu.memory_space<vmem>>
      %dma_wait3A_954 = arith.constant 0 : i32
      %dma_wait3A_955 = tpu.memref_slice %arg6[%add3A_948, %dma_wait3A_954] : memref<80x128xi32, #tpu.memory_space<vmem>> -> memref<1x128xi32, #tpu.memory_space<vmem>>
      %dma_wait3A_956 = tpu.memref_squeeze %dma_wait3A_955 : memref<1x128xi32, #tpu.memory_space<vmem>> -> memref<128xi32, #tpu.memory_space<vmem>>
      %dma_wait3A_957 = arith.constant 0 : i32
      %dma_wait3A_958 = arith.constant 0 : i32
      %dma_wait3A_959 = tpu.memref_slice %arg4[%dma_wait3A_957, %dma_wait3A_958] : memref<20480x16xf32, #tpu.memory_space<hbm>> -> memref<20480x16xf32, #tpu.memory_space<hbm>>
      tpu.wait_indirect_dma semaphore(%arg12 : memref<!tpu.dma_semaphore, #tpu.memory_space<semaphore_mem>>) src(%dma_wait3A_959 : memref<20480x16xf32, #tpu.memory_space<hbm>>) dst(%dma_wait3A_953 : memref<128x16xf32, #tpu.memory_space<vmem>>)
      %add3A_960 = arith.constant 1 : i32
      %add3A_961 = arith.addi %mul3A_263, %add3A_960 : i32
      %mul3A_962 = arith.constant 10 : i32
      %mul3A_963 = arith.muli %add3A_961, %mul3A_962 : i32
      %add3A_964 = arith.constant 4 : i32
      %add3A_965 = arith.addi %mul3A_963, %add3A_964 : i32
      %dma_wait3A_966 = arith.constant 14 : i32
      %dma_wait3A_967 = arith.constant 0 : i32
      %dma_wait3A_968 = arith.constant 0 : i32
      %dma_wait3A_969 = tpu.memref_slice %arg8[%dma_wait3A_966, %dma_wait3A_967, %dma_wait3A_968] : memref<20x128x16xf32, #tpu.memory_space<vmem>> -> memref<1x128x16xf32, #tpu.memory_space<vmem>>
      %dma_wait3A_970 = tpu.memref_squeeze %dma_wait3A_969 : memref<1x128x16xf32, #tpu.memory_space<vmem>> -> memref<128x16xf32, #tpu.memory_space<vmem>>
      %dma_wait3A_971 = arith.constant 0 : i32
      %dma_wait3A_972 = tpu.memref_slice %arg6[%add3A_965, %dma_wait3A_971] : memref<80x128xi32, #tpu.memory_space<vmem>> -> memref<1x128xi32, #tpu.memory_space<vmem>>
      %dma_wait3A_973 = tpu.memref_squeeze %dma_wait3A_972 : memref<1x128xi32, #tpu.memory_space<vmem>> -> memref<128xi32, #tpu.memory_space<vmem>>
      %dma_wait3A_974 = arith.constant 0 : i32
      %dma_wait3A_975 = arith.constant 0 : i32
      %dma_wait3A_976 = tpu.memref_slice %arg4[%dma_wait3A_974, %dma_wait3A_975] : memref<20480x16xf32, #tpu.memory_space<hbm>> -> memref<20480x16xf32, #tpu.memory_space<hbm>>
      tpu.wait_indirect_dma semaphore(%arg12 : memref<!tpu.dma_semaphore, #tpu.memory_space<semaphore_mem>>) src(%dma_wait3A_976 : memref<20480x16xf32, #tpu.memory_space<hbm>>) dst(%dma_wait3A_970 : memref<128x16xf32, #tpu.memory_space<vmem>>)
      %add3A_977 = arith.constant 1 : i32
      %add3A_978 = arith.addi %mul3A_263, %add3A_977 : i32
      %mul3A_979 = arith.constant 10 : i32
      %mul3A_980 = arith.muli %add3A_978, %mul3A_979 : i32
      %add3A_981 = arith.constant 5 : i32
      %add3A_982 = arith.addi %mul3A_980, %add3A_981 : i32
      %dma_wait3A_983 = arith.constant 15 : i32
      %dma_wait3A_984 = arith.constant 0 : i32
      %dma_wait3A_985 = arith.constant 0 : i32
      %dma_wait3A_986 = tpu.memref_slice %arg8[%dma_wait3A_983, %dma_wait3A_984, %dma_wait3A_985] : memref<20x128x16xf32, #tpu.memory_space<vmem>> -> memref<1x128x16xf32, #tpu.memory_space<vmem>>
      %dma_wait3A_987 = tpu.memref_squeeze %dma_wait3A_986 : memref<1x128x16xf32, #tpu.memory_space<vmem>> -> memref<128x16xf32, #tpu.memory_space<vmem>>
      %dma_wait3A_988 = arith.constant 0 : i32
      %dma_wait3A_989 = tpu.memref_slice %arg6[%add3A_982, %dma_wait3A_988] : memref<80x128xi32, #tpu.memory_space<vmem>> -> memref<1x128xi32, #tpu.memory_space<vmem>>
      %dma_wait3A_990 = tpu.memref_squeeze %dma_wait3A_989 : memref<1x128xi32, #tpu.memory_space<vmem>> -> memref<128xi32, #tpu.memory_space<vmem>>
      %dma_wait3A_991 = arith.constant 0 : i32
      %dma_wait3A_992 = arith.constant 0 : i32
      %dma_wait3A_993 = tpu.memref_slice %arg4[%dma_wait3A_991, %dma_wait3A_992] : memref<20480x16xf32, #tpu.memory_space<hbm>> -> memref<20480x16xf32, #tpu.memory_space<hbm>>
      tpu.wait_indirect_dma semaphore(%arg12 : memref<!tpu.dma_semaphore, #tpu.memory_space<semaphore_mem>>) src(%dma_wait3A_993 : memref<20480x16xf32, #tpu.memory_space<hbm>>) dst(%dma_wait3A_987 : memref<128x16xf32, #tpu.memory_space<vmem>>)
      %add3A_994 = arith.constant 1 : i32
      %add3A_995 = arith.addi %mul3A_263, %add3A_994 : i32
      %mul3A_996 = arith.constant 10 : i32
      %mul3A_997 = arith.muli %add3A_995, %mul3A_996 : i32
      %add3A_998 = arith.constant 6 : i32
      %add3A_999 = arith.addi %mul3A_997, %add3A_998 : i32
      %dma_wait3A_1000 = arith.constant 16 : i32
      %dma_wait3A_1001 = arith.constant 0 : i32
      %dma_wait3A_1002 = arith.constant 0 : i32
      %dma_wait3A_1003 = tpu.memref_slice %arg8[%dma_wait3A_1000, %dma_wait3A_1001, %dma_wait3A_1002] : memref<20x128x16xf32, #tpu.memory_space<vmem>> -> memref<1x128x16xf32, #tpu.memory_space<vmem>>
      %dma_wait3A_1004 = tpu.memref_squeeze %dma_wait3A_1003 : memref<1x128x16xf32, #tpu.memory_space<vmem>> -> memref<128x16xf32, #tpu.memory_space<vmem>>
      %dma_wait3A_1005 = arith.constant 0 : i32
      %dma_wait3A_1006 = tpu.memref_slice %arg6[%add3A_999, %dma_wait3A_1005] : memref<80x128xi32, #tpu.memory_space<vmem>> -> memref<1x128xi32, #tpu.memory_space<vmem>>
      %dma_wait3A_1007 = tpu.memref_squeeze %dma_wait3A_1006 : memref<1x128xi32, #tpu.memory_space<vmem>> -> memref<128xi32, #tpu.memory_space<vmem>>
      %dma_wait3A_1008 = arith.constant 0 : i32
      %dma_wait3A_1009 = arith.constant 0 : i32
      %dma_wait3A_1010 = tpu.memref_slice %arg4[%dma_wait3A_1008, %dma_wait3A_1009] : memref<20480x16xf32, #tpu.memory_space<hbm>> -> memref<20480x16xf32, #tpu.memory_space<hbm>>
      tpu.wait_indirect_dma semaphore(%arg12 : memref<!tpu.dma_semaphore, #tpu.memory_space<semaphore_mem>>) src(%dma_wait3A_1010 : memref<20480x16xf32, #tpu.memory_space<hbm>>) dst(%dma_wait3A_1004 : memref<128x16xf32, #tpu.memory_space<vmem>>)
      %add3A_1011 = arith.constant 1 : i32
      %add3A_1012 = arith.addi %mul3A_263, %add3A_1011 : i32
      %mul3A_1013 = arith.constant 10 : i32
      %mul3A_1014 = arith.muli %add3A_1012, %mul3A_1013 : i32
      %add3A_1015 = arith.constant 7 : i32
      %add3A_1016 = arith.addi %mul3A_1014, %add3A_1015 : i32
      %dma_wait3A_1017 = arith.constant 17 : i32
      %dma_wait3A_1018 = arith.constant 0 : i32
      %dma_wait3A_1019 = arith.constant 0 : i32
      %dma_wait3A_1020 = tpu.memref_slice %arg8[%dma_wait3A_1017, %dma_wait3A_1018, %dma_wait3A_1019] : memref<20x128x16xf32, #tpu.memory_space<vmem>> -> memref<1x128x16xf32, #tpu.memory_space<vmem>>
      %dma_wait3A_1021 = tpu.memref_squeeze %dma_wait3A_1020 : memref<1x128x16xf32, #tpu.memory_space<vmem>> -> memref<128x16xf32, #tpu.memory_space<vmem>>
      %dma_wait3A_1022 = arith.constant 0 : i32
      %dma_wait3A_1023 = tpu.memref_slice %arg6[%add3A_1016, %dma_wait3A_1022] : memref<80x128xi32, #tpu.memory_space<vmem>> -> memref<1x128xi32, #tpu.memory_space<vmem>>
      %dma_wait3A_1024 = tpu.memref_squeeze %dma_wait3A_1023 : memref<1x128xi32, #tpu.memory_space<vmem>> -> memref<128xi32, #tpu.memory_space<vmem>>
      %dma_wait3A_1025 = arith.constant 0 : i32
      %dma_wait3A_1026 = arith.constant 0 : i32
      %dma_wait3A_1027 = tpu.memref_slice %arg4[%dma_wait3A_1025, %dma_wait3A_1026] : memref<20480x16xf32, #tpu.memory_space<hbm>> -> memref<20480x16xf32, #tpu.memory_space<hbm>>
      tpu.wait_indirect_dma semaphore(%arg12 : memref<!tpu.dma_semaphore, #tpu.memory_space<semaphore_mem>>) src(%dma_wait3A_1027 : memref<20480x16xf32, #tpu.memory_space<hbm>>) dst(%dma_wait3A_1021 : memref<128x16xf32, #tpu.memory_space<vmem>>)
      %add3A_1028 = arith.constant 1 : i32
      %add3A_1029 = arith.addi %mul3A_263, %add3A_1028 : i32
      %mul3A_1030 = arith.constant 10 : i32
      %mul3A_1031 = arith.muli %add3A_1029, %mul3A_1030 : i32
      %add3A_1032 = arith.constant 8 : i32
      %add3A_1033 = arith.addi %mul3A_1031, %add3A_1032 : i32
      %dma_wait3A_1034 = arith.constant 18 : i32
      %dma_wait3A_1035 = arith.constant 0 : i32
      %dma_wait3A_1036 = arith.constant 0 : i32
      %dma_wait3A_1037 = tpu.memref_slice %arg8[%dma_wait3A_1034, %dma_wait3A_1035, %dma_wait3A_1036] : memref<20x128x16xf32, #tpu.memory_space<vmem>> -> memref<1x128x16xf32, #tpu.memory_space<vmem>>
      %dma_wait3A_1038 = tpu.memref_squeeze %dma_wait3A_1037 : memref<1x128x16xf32, #tpu.memory_space<vmem>> -> memref<128x16xf32, #tpu.memory_space<vmem>>
      %dma_wait3A_1039 = arith.constant 0 : i32
      %dma_wait3A_1040 = tpu.memref_slice %arg6[%add3A_1033, %dma_wait3A_1039] : memref<80x128xi32, #tpu.memory_space<vmem>> -> memref<1x128xi32, #tpu.memory_space<vmem>>
      %dma_wait3A_1041 = tpu.memref_squeeze %dma_wait3A_1040 : memref<1x128xi32, #tpu.memory_space<vmem>> -> memref<128xi32, #tpu.memory_space<vmem>>
      %dma_wait3A_1042 = arith.constant 0 : i32
      %dma_wait3A_1043 = arith.constant 0 : i32
      %dma_wait3A_1044 = tpu.memref_slice %arg4[%dma_wait3A_1042, %dma_wait3A_1043] : memref<20480x16xf32, #tpu.memory_space<hbm>> -> memref<20480x16xf32, #tpu.memory_space<hbm>>
      tpu.wait_indirect_dma semaphore(%arg12 : memref<!tpu.dma_semaphore, #tpu.memory_space<semaphore_mem>>) src(%dma_wait3A_1044 : memref<20480x16xf32, #tpu.memory_space<hbm>>) dst(%dma_wait3A_1038 : memref<128x16xf32, #tpu.memory_space<vmem>>)
      %add3A_1045 = arith.constant 1 : i32
      %add3A_1046 = arith.addi %mul3A_263, %add3A_1045 : i32
      %mul3A_1047 = arith.constant 10 : i32
      %mul3A_1048 = arith.muli %add3A_1046, %mul3A_1047 : i32
      %add3A_1049 = arith.constant 9 : i32
      %add3A_1050 = arith.addi %mul3A_1048, %add3A_1049 : i32
      %dma_wait3A_1051 = arith.constant 19 : i32
      %dma_wait3A_1052 = arith.constant 0 : i32
      %dma_wait3A_1053 = arith.constant 0 : i32
      %dma_wait3A_1054 = tpu.memref_slice %arg8[%dma_wait3A_1051, %dma_wait3A_1052, %dma_wait3A_1053] : memref<20x128x16xf32, #tpu.memory_space<vmem>> -> memref<1x128x16xf32, #tpu.memory_space<vmem>>
      %dma_wait3A_1055 = tpu.memref_squeeze %dma_wait3A_1054 : memref<1x128x16xf32, #tpu.memory_space<vmem>> -> memref<128x16xf32, #tpu.memory_space<vmem>>
      %dma_wait3A_1056 = arith.constant 0 : i32
      %dma_wait3A_1057 = tpu.memref_slice %arg6[%add3A_1050, %dma_wait3A_1056] : memref<80x128xi32, #tpu.memory_space<vmem>> -> memref<1x128xi32, #tpu.memory_space<vmem>>
      %dma_wait3A_1058 = tpu.memref_squeeze %dma_wait3A_1057 : memref<1x128xi32, #tpu.memory_space<vmem>> -> memref<128xi32, #tpu.memory_space<vmem>>
      %dma_wait3A_1059 = arith.constant 0 : i32
      %dma_wait3A_1060 = arith.constant 0 : i32
      %dma_wait3A_1061 = tpu.memref_slice %arg4[%dma_wait3A_1059, %dma_wait3A_1060] : memref<20480x16xf32, #tpu.memory_space<hbm>> -> memref<20480x16xf32, #tpu.memory_space<hbm>>
      tpu.wait_indirect_dma semaphore(%arg12 : memref<!tpu.dma_semaphore, #tpu.memory_space<semaphore_mem>>) src(%dma_wait3A_1061 : memref<20480x16xf32, #tpu.memory_space<hbm>>) dst(%dma_wait3A_1055 : memref<128x16xf32, #tpu.memory_space<vmem>>)
      %add3A_1062 = arith.constant 1 : i32
      %add3A_1063 = arith.addi %mul3A_263, %add3A_1062 : i32
      %mul3A_1064 = arith.constant 10 : i32
      %mul3A_1065 = arith.muli %add3A_1063, %mul3A_1064 : i32
      %add3A_1066 = arith.constant 0 : i32
      %add3A_1067 = arith.addi %mul3A_1065, %add3A_1066 : i32
      %dma_start3A_1068 = arith.constant 10 : i32
      %dma_start3A_1069 = arith.constant 0 : i32
      %dma_start3A_1070 = arith.constant 0 : i32
      %dma_start3A_1071 = tpu.memref_slice %arg8[%dma_start3A_1068, %dma_start3A_1069, %dma_start3A_1070] : memref<20x128x16xf32, #tpu.memory_space<vmem>> -> memref<1x128x16xf32, #tpu.memory_space<vmem>>
      %dma_start3A_1072 = tpu.memref_squeeze %dma_start3A_1071 : memref<1x128x16xf32, #tpu.memory_space<vmem>> -> memref<128x16xf32, #tpu.memory_space<vmem>>
      %dma_start3A_1073 = arith.constant 0 : i32
      %dma_start3A_1074 = tpu.memref_slice %arg7[%add3A_1067, %dma_start3A_1073] : memref<80x128xi32, #tpu.memory_space<vmem>> -> memref<1x128xi32, #tpu.memory_space<vmem>>
      %dma_start3A_1075 = tpu.memref_squeeze %dma_start3A_1074 : memref<1x128xi32, #tpu.memory_space<vmem>> -> memref<128xi32, #tpu.memory_space<vmem>>
      %dma_start3A_1076 = arith.constant 0 : i32
      %dma_start3A_1077 = arith.constant 0 : i32
      %dma_start3A_1078 = tpu.memref_slice %arg10[%dma_start3A_1076, %dma_start3A_1077] : memref<10240x16xf32, #tpu.memory_space<vmem_shared>> -> memref<10240x16xf32, #tpu.memory_space<vmem_shared>>
      tpu.enqueue_indirect_dma source(%dma_start3A_1072 : memref<128x16xf32, #tpu.memory_space<vmem>>) target(%dma_start3A_1078 : memref<10240x16xf32, #tpu.memory_space<vmem_shared>>) offsets(%dma_start3A_1075 : memref<128xi32, #tpu.memory_space<vmem>>) semaphore(%arg14 : memref<!tpu.dma_semaphore, #tpu.memory_space<semaphore_mem>>) {add = true}
      %add3A_1079 = arith.constant 1 : i32
      %add3A_1080 = arith.addi %mul3A_263, %add3A_1079 : i32
      %mul3A_1081 = arith.constant 10 : i32
      %mul3A_1082 = arith.muli %add3A_1080, %mul3A_1081 : i32
      %add3A_1083 = arith.constant 1 : i32
      %add3A_1084 = arith.addi %mul3A_1082, %add3A_1083 : i32
      %dma_start3A_1085 = arith.constant 11 : i32
      %dma_start3A_1086 = arith.constant 0 : i32
      %dma_start3A_1087 = arith.constant 0 : i32
      %dma_start3A_1088 = tpu.memref_slice %arg8[%dma_start3A_1085, %dma_start3A_1086, %dma_start3A_1087] : memref<20x128x16xf32, #tpu.memory_space<vmem>> -> memref<1x128x16xf32, #tpu.memory_space<vmem>>
      %dma_start3A_1089 = tpu.memref_squeeze %dma_start3A_1088 : memref<1x128x16xf32, #tpu.memory_space<vmem>> -> memref<128x16xf32, #tpu.memory_space<vmem>>
      %dma_start3A_1090 = arith.constant 0 : i32
      %dma_start3A_1091 = tpu.memref_slice %arg7[%add3A_1084, %dma_start3A_1090] : memref<80x128xi32, #tpu.memory_space<vmem>> -> memref<1x128xi32, #tpu.memory_space<vmem>>
      %dma_start3A_1092 = tpu.memref_squeeze %dma_start3A_1091 : memref<1x128xi32, #tpu.memory_space<vmem>> -> memref<128xi32, #tpu.memory_space<vmem>>
      %dma_start3A_1093 = arith.constant 0 : i32
      %dma_start3A_1094 = arith.constant 0 : i32
      %dma_start3A_1095 = tpu.memref_slice %arg10[%dma_start3A_1093, %dma_start3A_1094] : memref<10240x16xf32, #tpu.memory_space<vmem_shared>> -> memref<10240x16xf32, #tpu.memory_space<vmem_shared>>
      tpu.enqueue_indirect_dma source(%dma_start3A_1089 : memref<128x16xf32, #tpu.memory_space<vmem>>) target(%dma_start3A_1095 : memref<10240x16xf32, #tpu.memory_space<vmem_shared>>) offsets(%dma_start3A_1092 : memref<128xi32, #tpu.memory_space<vmem>>) semaphore(%arg14 : memref<!tpu.dma_semaphore, #tpu.memory_space<semaphore_mem>>) {add = true}
      %add3A_1096 = arith.constant 1 : i32
      %add3A_1097 = arith.addi %mul3A_263, %add3A_1096 : i32
      %mul3A_1098 = arith.constant 10 : i32
      %mul3A_1099 = arith.muli %add3A_1097, %mul3A_1098 : i32
      %add3A_1100 = arith.constant 2 : i32
      %add3A_1101 = arith.addi %mul3A_1099, %add3A_1100 : i32
      %dma_start3A_1102 = arith.constant 12 : i32
      %dma_start3A_1103 = arith.constant 0 : i32
      %dma_start3A_1104 = arith.constant 0 : i32
      %dma_start3A_1105 = tpu.memref_slice %arg8[%dma_start3A_1102, %dma_start3A_1103, %dma_start3A_1104] : memref<20x128x16xf32, #tpu.memory_space<vmem>> -> memref<1x128x16xf32, #tpu.memory_space<vmem>>
      %dma_start3A_1106 = tpu.memref_squeeze %dma_start3A_1105 : memref<1x128x16xf32, #tpu.memory_space<vmem>> -> memref<128x16xf32, #tpu.memory_space<vmem>>
      %dma_start3A_1107 = arith.constant 0 : i32
      %dma_start3A_1108 = tpu.memref_slice %arg7[%add3A_1101, %dma_start3A_1107] : memref<80x128xi32, #tpu.memory_space<vmem>> -> memref<1x128xi32, #tpu.memory_space<vmem>>
      %dma_start3A_1109 = tpu.memref_squeeze %dma_start3A_1108 : memref<1x128xi32, #tpu.memory_space<vmem>> -> memref<128xi32, #tpu.memory_space<vmem>>
      %dma_start3A_1110 = arith.constant 0 : i32
      %dma_start3A_1111 = arith.constant 0 : i32
      %dma_start3A_1112 = tpu.memref_slice %arg10[%dma_start3A_1110, %dma_start3A_1111] : memref<10240x16xf32, #tpu.memory_space<vmem_shared>> -> memref<10240x16xf32, #tpu.memory_space<vmem_shared>>
      tpu.enqueue_indirect_dma source(%dma_start3A_1106 : memref<128x16xf32, #tpu.memory_space<vmem>>) target(%dma_start3A_1112 : memref<10240x16xf32, #tpu.memory_space<vmem_shared>>) offsets(%dma_start3A_1109 : memref<128xi32, #tpu.memory_space<vmem>>) semaphore(%arg14 : memref<!tpu.dma_semaphore, #tpu.memory_space<semaphore_mem>>) {add = true}
      %add3A_1113 = arith.constant 1 : i32
      %add3A_1114 = arith.addi %mul3A_263, %add3A_1113 : i32
      %mul3A_1115 = arith.constant 10 : i32
      %mul3A_1116 = arith.muli %add3A_1114, %mul3A_1115 : i32
      %add3A_1117 = arith.constant 3 : i32
      %add3A_1118 = arith.addi %mul3A_1116, %add3A_1117 : i32
      %dma_start3A_1119 = arith.constant 13 : i32
      %dma_start3A_1120 = arith.constant 0 : i32
      %dma_start3A_1121 = arith.constant 0 : i32
      %dma_start3A_1122 = tpu.memref_slice %arg8[%dma_start3A_1119, %dma_start3A_1120, %dma_start3A_1121] : memref<20x128x16xf32, #tpu.memory_space<vmem>> -> memref<1x128x16xf32, #tpu.memory_space<vmem>>
      %dma_start3A_1123 = tpu.memref_squeeze %dma_start3A_1122 : memref<1x128x16xf32, #tpu.memory_space<vmem>> -> memref<128x16xf32, #tpu.memory_space<vmem>>
      %dma_start3A_1124 = arith.constant 0 : i32
      %dma_start3A_1125 = tpu.memref_slice %arg7[%add3A_1118, %dma_start3A_1124] : memref<80x128xi32, #tpu.memory_space<vmem>> -> memref<1x128xi32, #tpu.memory_space<vmem>>
      %dma_start3A_1126 = tpu.memref_squeeze %dma_start3A_1125 : memref<1x128xi32, #tpu.memory_space<vmem>> -> memref<128xi32, #tpu.memory_space<vmem>>
      %dma_start3A_1127 = arith.constant 0 : i32
      %dma_start3A_1128 = arith.constant 0 : i32
      %dma_start3A_1129 = tpu.memref_slice %arg10[%dma_start3A_1127, %dma_start3A_1128] : memref<10240x16xf32, #tpu.memory_space<vmem_shared>> -> memref<10240x16xf32, #tpu.memory_space<vmem_shared>>
      tpu.enqueue_indirect_dma source(%dma_start3A_1123 : memref<128x16xf32, #tpu.memory_space<vmem>>) target(%dma_start3A_1129 : memref<10240x16xf32, #tpu.memory_space<vmem_shared>>) offsets(%dma_start3A_1126 : memref<128xi32, #tpu.memory_space<vmem>>) semaphore(%arg14 : memref<!tpu.dma_semaphore, #tpu.memory_space<semaphore_mem>>) {add = true}
      %add3A_1130 = arith.constant 1 : i32
      %add3A_1131 = arith.addi %mul3A_263, %add3A_1130 : i32
      %mul3A_1132 = arith.constant 10 : i32
      %mul3A_1133 = arith.muli %add3A_1131, %mul3A_1132 : i32
      %add3A_1134 = arith.constant 4 : i32
      %add3A_1135 = arith.addi %mul3A_1133, %add3A_1134 : i32
      %dma_start3A_1136 = arith.constant 14 : i32
      %dma_start3A_1137 = arith.constant 0 : i32
      %dma_start3A_1138 = arith.constant 0 : i32
      %dma_start3A_1139 = tpu.memref_slice %arg8[%dma_start3A_1136, %dma_start3A_1137, %dma_start3A_1138] : memref<20x128x16xf32, #tpu.memory_space<vmem>> -> memref<1x128x16xf32, #tpu.memory_space<vmem>>
      %dma_start3A_1140 = tpu.memref_squeeze %dma_start3A_1139 : memref<1x128x16xf32, #tpu.memory_space<vmem>> -> memref<128x16xf32, #tpu.memory_space<vmem>>
      %dma_start3A_1141 = arith.constant 0 : i32
      %dma_start3A_1142 = tpu.memref_slice %arg7[%add3A_1135, %dma_start3A_1141] : memref<80x128xi32, #tpu.memory_space<vmem>> -> memref<1x128xi32, #tpu.memory_space<vmem>>
      %dma_start3A_1143 = tpu.memref_squeeze %dma_start3A_1142 : memref<1x128xi32, #tpu.memory_space<vmem>> -> memref<128xi32, #tpu.memory_space<vmem>>
      %dma_start3A_1144 = arith.constant 0 : i32
      %dma_start3A_1145 = arith.constant 0 : i32
      %dma_start3A_1146 = tpu.memref_slice %arg10[%dma_start3A_1144, %dma_start3A_1145] : memref<10240x16xf32, #tpu.memory_space<vmem_shared>> -> memref<10240x16xf32, #tpu.memory_space<vmem_shared>>
      tpu.enqueue_indirect_dma source(%dma_start3A_1140 : memref<128x16xf32, #tpu.memory_space<vmem>>) target(%dma_start3A_1146 : memref<10240x16xf32, #tpu.memory_space<vmem_shared>>) offsets(%dma_start3A_1143 : memref<128xi32, #tpu.memory_space<vmem>>) semaphore(%arg14 : memref<!tpu.dma_semaphore, #tpu.memory_space<semaphore_mem>>) {add = true}
      %add3A_1147 = arith.constant 1 : i32
      %add3A_1148 = arith.addi %mul3A_263, %add3A_1147 : i32
      %mul3A_1149 = arith.constant 10 : i32
      %mul3A_1150 = arith.muli %add3A_1148, %mul3A_1149 : i32
      %add3A_1151 = arith.constant 5 : i32
      %add3A_1152 = arith.addi %mul3A_1150, %add3A_1151 : i32
      %dma_start3A_1153 = arith.constant 15 : i32
      %dma_start3A_1154 = arith.constant 0 : i32
      %dma_start3A_1155 = arith.constant 0 : i32
      %dma_start3A_1156 = tpu.memref_slice %arg8[%dma_start3A_1153, %dma_start3A_1154, %dma_start3A_1155] : memref<20x128x16xf32, #tpu.memory_space<vmem>> -> memref<1x128x16xf32, #tpu.memory_space<vmem>>
      %dma_start3A_1157 = tpu.memref_squeeze %dma_start3A_1156 : memref<1x128x16xf32, #tpu.memory_space<vmem>> -> memref<128x16xf32, #tpu.memory_space<vmem>>
      %dma_start3A_1158 = arith.constant 0 : i32
      %dma_start3A_1159 = tpu.memref_slice %arg7[%add3A_1152, %dma_start3A_1158] : memref<80x128xi32, #tpu.memory_space<vmem>> -> memref<1x128xi32, #tpu.memory_space<vmem>>
      %dma_start3A_1160 = tpu.memref_squeeze %dma_start3A_1159 : memref<1x128xi32, #tpu.memory_space<vmem>> -> memref<128xi32, #tpu.memory_space<vmem>>
      %dma_start3A_1161 = arith.constant 0 : i32
      %dma_start3A_1162 = arith.constant 0 : i32
      %dma_start3A_1163 = tpu.memref_slice %arg10[%dma_start3A_1161, %dma_start3A_1162] : memref<10240x16xf32, #tpu.memory_space<vmem_shared>> -> memref<10240x16xf32, #tpu.memory_space<vmem_shared>>
      tpu.enqueue_indirect_dma source(%dma_start3A_1157 : memref<128x16xf32, #tpu.memory_space<vmem>>) target(%dma_start3A_1163 : memref<10240x16xf32, #tpu.memory_space<vmem_shared>>) offsets(%dma_start3A_1160 : memref<128xi32, #tpu.memory_space<vmem>>) semaphore(%arg14 : memref<!tpu.dma_semaphore, #tpu.memory_space<semaphore_mem>>) {add = true}
      %add3A_1164 = arith.constant 1 : i32
      %add3A_1165 = arith.addi %mul3A_263, %add3A_1164 : i32
      %mul3A_1166 = arith.constant 10 : i32
      %mul3A_1167 = arith.muli %add3A_1165, %mul3A_1166 : i32
      %add3A_1168 = arith.constant 6 : i32
      %add3A_1169 = arith.addi %mul3A_1167, %add3A_1168 : i32
      %dma_start3A_1170 = arith.constant 16 : i32
      %dma_start3A_1171 = arith.constant 0 : i32
      %dma_start3A_1172 = arith.constant 0 : i32
      %dma_start3A_1173 = tpu.memref_slice %arg8[%dma_start3A_1170, %dma_start3A_1171, %dma_start3A_1172] : memref<20x128x16xf32, #tpu.memory_space<vmem>> -> memref<1x128x16xf32, #tpu.memory_space<vmem>>
      %dma_start3A_1174 = tpu.memref_squeeze %dma_start3A_1173 : memref<1x128x16xf32, #tpu.memory_space<vmem>> -> memref<128x16xf32, #tpu.memory_space<vmem>>
      %dma_start3A_1175 = arith.constant 0 : i32
      %dma_start3A_1176 = tpu.memref_slice %arg7[%add3A_1169, %dma_start3A_1175] : memref<80x128xi32, #tpu.memory_space<vmem>> -> memref<1x128xi32, #tpu.memory_space<vmem>>
      %dma_start3A_1177 = tpu.memref_squeeze %dma_start3A_1176 : memref<1x128xi32, #tpu.memory_space<vmem>> -> memref<128xi32, #tpu.memory_space<vmem>>
      %dma_start3A_1178 = arith.constant 0 : i32
      %dma_start3A_1179 = arith.constant 0 : i32
      %dma_start3A_1180 = tpu.memref_slice %arg10[%dma_start3A_1178, %dma_start3A_1179] : memref<10240x16xf32, #tpu.memory_space<vmem_shared>> -> memref<10240x16xf32, #tpu.memory_space<vmem_shared>>
      tpu.enqueue_indirect_dma source(%dma_start3A_1174 : memref<128x16xf32, #tpu.memory_space<vmem>>) target(%dma_start3A_1180 : memref<10240x16xf32, #tpu.memory_space<vmem_shared>>) offsets(%dma_start3A_1177 : memref<128xi32, #tpu.memory_space<vmem>>) semaphore(%arg14 : memref<!tpu.dma_semaphore, #tpu.memory_space<semaphore_mem>>) {add = true}
      %add3A_1181 = arith.constant 1 : i32
      %add3A_1182 = arith.addi %mul3A_263, %add3A_1181 : i32
      %mul3A_1183 = arith.constant 10 : i32
      %mul3A_1184 = arith.muli %add3A_1182, %mul3A_1183 : i32
      %add3A_1185 = arith.constant 7 : i32
      %add3A_1186 = arith.addi %mul3A_1184, %add3A_1185 : i32
      %dma_start3A_1187 = arith.constant 17 : i32
      %dma_start3A_1188 = arith.constant 0 : i32
      %dma_start3A_1189 = arith.constant 0 : i32
      %dma_start3A_1190 = tpu.memref_slice %arg8[%dma_start3A_1187, %dma_start3A_1188, %dma_start3A_1189] : memref<20x128x16xf32, #tpu.memory_space<vmem>> -> memref<1x128x16xf32, #tpu.memory_space<vmem>>
      %dma_start3A_1191 = tpu.memref_squeeze %dma_start3A_1190 : memref<1x128x16xf32, #tpu.memory_space<vmem>> -> memref<128x16xf32, #tpu.memory_space<vmem>>
      %dma_start3A_1192 = arith.constant 0 : i32
      %dma_start3A_1193 = tpu.memref_slice %arg7[%add3A_1186, %dma_start3A_1192] : memref<80x128xi32, #tpu.memory_space<vmem>> -> memref<1x128xi32, #tpu.memory_space<vmem>>
      %dma_start3A_1194 = tpu.memref_squeeze %dma_start3A_1193 : memref<1x128xi32, #tpu.memory_space<vmem>> -> memref<128xi32, #tpu.memory_space<vmem>>
      %dma_start3A_1195 = arith.constant 0 : i32
      %dma_start3A_1196 = arith.constant 0 : i32
      %dma_start3A_1197 = tpu.memref_slice %arg10[%dma_start3A_1195, %dma_start3A_1196] : memref<10240x16xf32, #tpu.memory_space<vmem_shared>> -> memref<10240x16xf32, #tpu.memory_space<vmem_shared>>
      tpu.enqueue_indirect_dma source(%dma_start3A_1191 : memref<128x16xf32, #tpu.memory_space<vmem>>) target(%dma_start3A_1197 : memref<10240x16xf32, #tpu.memory_space<vmem_shared>>) offsets(%dma_start3A_1194 : memref<128xi32, #tpu.memory_space<vmem>>) semaphore(%arg14 : memref<!tpu.dma_semaphore, #tpu.memory_space<semaphore_mem>>) {add = true}
      %add3A_1198 = arith.constant 1 : i32
      %add3A_1199 = arith.addi %mul3A_263, %add3A_1198 : i32
      %mul3A_1200 = arith.constant 10 : i32
      %mul3A_1201 = arith.muli %add3A_1199, %mul3A_1200 : i32
      %add3A_1202 = arith.constant 8 : i32
      %add3A_1203 = arith.addi %mul3A_1201, %add3A_1202 : i32
      %dma_start3A_1204 = arith.constant 18 : i32
      %dma_start3A_1205 = arith.constant 0 : i32
      %dma_start3A_1206 = arith.constant 0 : i32
      %dma_start3A_1207 = tpu.memref_slice %arg8[%dma_start3A_1204, %dma_start3A_1205, %dma_start3A_1206] : memref<20x128x16xf32, #tpu.memory_space<vmem>> -> memref<1x128x16xf32, #tpu.memory_space<vmem>>
      %dma_start3A_1208 = tpu.memref_squeeze %dma_start3A_1207 : memref<1x128x16xf32, #tpu.memory_space<vmem>> -> memref<128x16xf32, #tpu.memory_space<vmem>>
      %dma_start3A_1209 = arith.constant 0 : i32
      %dma_start3A_1210 = tpu.memref_slice %arg7[%add3A_1203, %dma_start3A_1209] : memref<80x128xi32, #tpu.memory_space<vmem>> -> memref<1x128xi32, #tpu.memory_space<vmem>>
      %dma_start3A_1211 = tpu.memref_squeeze %dma_start3A_1210 : memref<1x128xi32, #tpu.memory_space<vmem>> -> memref<128xi32, #tpu.memory_space<vmem>>
      %dma_start3A_1212 = arith.constant 0 : i32
      %dma_start3A_1213 = arith.constant 0 : i32
      %dma_start3A_1214 = tpu.memref_slice %arg10[%dma_start3A_1212, %dma_start3A_1213] : memref<10240x16xf32, #tpu.memory_space<vmem_shared>> -> memref<10240x16xf32, #tpu.memory_space<vmem_shared>>
      tpu.enqueue_indirect_dma source(%dma_start3A_1208 : memref<128x16xf32, #tpu.memory_space<vmem>>) target(%dma_start3A_1214 : memref<10240x16xf32, #tpu.memory_space<vmem_shared>>) offsets(%dma_start3A_1211 : memref<128xi32, #tpu.memory_space<vmem>>) semaphore(%arg14 : memref<!tpu.dma_semaphore, #tpu.memory_space<semaphore_mem>>) {add = true}
      %add3A_1215 = arith.constant 1 : i32
      %add3A_1216 = arith.addi %mul3A_263, %add3A_1215 : i32
      %mul3A_1217 = arith.constant 10 : i32
      %mul3A_1218 = arith.muli %add3A_1216, %mul3A_1217 : i32
      %add3A_1219 = arith.constant 9 : i32
      %add3A_1220 = arith.addi %mul3A_1218, %add3A_1219 : i32
      %dma_start3A_1221 = arith.constant 19 : i32
      %dma_start3A_1222 = arith.constant 0 : i32
      %dma_start3A_1223 = arith.constant 0 : i32
      %dma_start3A_1224 = tpu.memref_slice %arg8[%dma_start3A_1221, %dma_start3A_1222, %dma_start3A_1223] : memref<20x128x16xf32, #tpu.memory_space<vmem>> -> memref<1x128x16xf32, #tpu.memory_space<vmem>>
      %dma_start3A_1225 = tpu.memref_squeeze %dma_start3A_1224 : memref<1x128x16xf32, #tpu.memory_space<vmem>> -> memref<128x16xf32, #tpu.memory_space<vmem>>
      %dma_start3A_1226 = arith.constant 0 : i32
      %dma_start3A_1227 = tpu.memref_slice %arg7[%add3A_1220, %dma_start3A_1226] : memref<80x128xi32, #tpu.memory_space<vmem>> -> memref<1x128xi32, #tpu.memory_space<vmem>>
      %dma_start3A_1228 = tpu.memref_squeeze %dma_start3A_1227 : memref<1x128xi32, #tpu.memory_space<vmem>> -> memref<128xi32, #tpu.memory_space<vmem>>
      %dma_start3A_1229 = arith.constant 0 : i32
      %dma_start3A_1230 = arith.constant 0 : i32
      %dma_start3A_1231 = tpu.memref_slice %arg10[%dma_start3A_1229, %dma_start3A_1230] : memref<10240x16xf32, #tpu.memory_space<vmem_shared>> -> memref<10240x16xf32, #tpu.memory_space<vmem_shared>>
      tpu.enqueue_indirect_dma source(%dma_start3A_1225 : memref<128x16xf32, #tpu.memory_space<vmem>>) target(%dma_start3A_1231 : memref<10240x16xf32, #tpu.memory_space<vmem_shared>>) offsets(%dma_start3A_1228 : memref<128xi32, #tpu.memory_space<vmem>>) semaphore(%arg14 : memref<!tpu.dma_semaphore, #tpu.memory_space<semaphore_mem>>) {add = true}
    }
    %scan3A_133 = arith.constant 4 : i32
    %dma_wait3A = arith.constant 10 : i32
    %dma_wait3A_134 = arith.constant 70 : i32
    %dma_wait3A_135 = arith.constant 0 : i32
    %dma_wait3A_136 = arith.constant 0 : i32
    %dma_wait3A_137 = tpu.memref_slice %arg8[%dma_wait3A, %dma_wait3A_135, %dma_wait3A_136] : memref<20x128x16xf32, #tpu.memory_space<vmem>> -> memref<1x128x16xf32, #tpu.memory_space<vmem>>
    %dma_wait3A_138 = tpu.memref_squeeze %dma_wait3A_137 : memref<1x128x16xf32, #tpu.memory_space<vmem>> -> memref<128x16xf32, #tpu.memory_space<vmem>>
    %dma_wait3A_139 = arith.constant 0 : i32
    %dma_wait3A_140 = tpu.memref_slice %arg7[%dma_wait3A_134, %dma_wait3A_139] : memref<80x128xi32, #tpu.memory_space<vmem>> -> memref<1x128xi32, #tpu.memory_space<vmem>>
    %dma_wait3A_141 = tpu.memref_squeeze %dma_wait3A_140 : memref<1x128xi32, #tpu.memory_space<vmem>> -> memref<128xi32, #tpu.memory_space<vmem>>
    %dma_wait3A_142 = arith.constant 0 : i32
    %dma_wait3A_143 = arith.constant 0 : i32
    %dma_wait3A_144 = tpu.memref_slice %arg10[%dma_wait3A_142, %dma_wait3A_143] : memref<10240x16xf32, #tpu.memory_space<vmem_shared>> -> memref<10240x16xf32, #tpu.memory_space<vmem_shared>>
    tpu.wait_indirect_dma semaphore(%arg14 : memref<!tpu.dma_semaphore, #tpu.memory_space<semaphore_mem>>) src(%dma_wait3A_138 : memref<128x16xf32, #tpu.memory_space<vmem>>) dst(%dma_wait3A_144 : memref<10240x16xf32, #tpu.memory_space<vmem_shared>>)
    %dma_wait3A_145 = arith.constant 11 : i32
    %dma_wait3A_146 = arith.constant 71 : i32
    %dma_wait3A_147 = arith.constant 0 : i32
    %dma_wait3A_148 = arith.constant 0 : i32
    %dma_wait3A_149 = tpu.memref_slice %arg8[%dma_wait3A_145, %dma_wait3A_147, %dma_wait3A_148] : memref<20x128x16xf32, #tpu.memory_space<vmem>> -> memref<1x128x16xf32, #tpu.memory_space<vmem>>
    %dma_wait3A_150 = tpu.memref_squeeze %dma_wait3A_149 : memref<1x128x16xf32, #tpu.memory_space<vmem>> -> memref<128x16xf32, #tpu.memory_space<vmem>>
    %dma_wait3A_151 = arith.constant 0 : i32
    %dma_wait3A_152 = tpu.memref_slice %arg7[%dma_wait3A_146, %dma_wait3A_151] : memref<80x128xi32, #tpu.memory_space<vmem>> -> memref<1x128xi32, #tpu.memory_space<vmem>>
    %dma_wait3A_153 = tpu.memref_squeeze %dma_wait3A_152 : memref<1x128xi32, #tpu.memory_space<vmem>> -> memref<128xi32, #tpu.memory_space<vmem>>
    %dma_wait3A_154 = arith.constant 0 : i32
    %dma_wait3A_155 = arith.constant 0 : i32
    %dma_wait3A_156 = tpu.memref_slice %arg10[%dma_wait3A_154, %dma_wait3A_155] : memref<10240x16xf32, #tpu.memory_space<vmem_shared>> -> memref<10240x16xf32, #tpu.memory_space<vmem_shared>>
    tpu.wait_indirect_dma semaphore(%arg14 : memref<!tpu.dma_semaphore, #tpu.memory_space<semaphore_mem>>) src(%dma_wait3A_150 : memref<128x16xf32, #tpu.memory_space<vmem>>) dst(%dma_wait3A_156 : memref<10240x16xf32, #tpu.memory_space<vmem_shared>>)
    %dma_wait3A_157 = arith.constant 12 : i32
    %dma_wait3A_158 = arith.constant 72 : i32
    %dma_wait3A_159 = arith.constant 0 : i32
    %dma_wait3A_160 = arith.constant 0 : i32
    %dma_wait3A_161 = tpu.memref_slice %arg8[%dma_wait3A_157, %dma_wait3A_159, %dma_wait3A_160] : memref<20x128x16xf32, #tpu.memory_space<vmem>> -> memref<1x128x16xf32, #tpu.memory_space<vmem>>
    %dma_wait3A_162 = tpu.memref_squeeze %dma_wait3A_161 : memref<1x128x16xf32, #tpu.memory_space<vmem>> -> memref<128x16xf32, #tpu.memory_space<vmem>>
    %dma_wait3A_163 = arith.constant 0 : i32
    %dma_wait3A_164 = tpu.memref_slice %arg7[%dma_wait3A_158, %dma_wait3A_163] : memref<80x128xi32, #tpu.memory_space<vmem>> -> memref<1x128xi32, #tpu.memory_space<vmem>>
    %dma_wait3A_165 = tpu.memref_squeeze %dma_wait3A_164 : memref<1x128xi32, #tpu.memory_space<vmem>> -> memref<128xi32, #tpu.memory_space<vmem>>
    %dma_wait3A_166 = arith.constant 0 : i32
    %dma_wait3A_167 = arith.constant 0 : i32
    %dma_wait3A_168 = tpu.memref_slice %arg10[%dma_wait3A_166, %dma_wait3A_167] : memref<10240x16xf32, #tpu.memory_space<vmem_shared>> -> memref<10240x16xf32, #tpu.memory_space<vmem_shared>>
    tpu.wait_indirect_dma semaphore(%arg14 : memref<!tpu.dma_semaphore, #tpu.memory_space<semaphore_mem>>) src(%dma_wait3A_162 : memref<128x16xf32, #tpu.memory_space<vmem>>) dst(%dma_wait3A_168 : memref<10240x16xf32, #tpu.memory_space<vmem_shared>>)
    %dma_wait3A_169 = arith.constant 13 : i32
    %dma_wait3A_170 = arith.constant 73 : i32
    %dma_wait3A_171 = arith.constant 0 : i32
    %dma_wait3A_172 = arith.constant 0 : i32
    %dma_wait3A_173 = tpu.memref_slice %arg8[%dma_wait3A_169, %dma_wait3A_171, %dma_wait3A_172] : memref<20x128x16xf32, #tpu.memory_space<vmem>> -> memref<1x128x16xf32, #tpu.memory_space<vmem>>
    %dma_wait3A_174 = tpu.memref_squeeze %dma_wait3A_173 : memref<1x128x16xf32, #tpu.memory_space<vmem>> -> memref<128x16xf32, #tpu.memory_space<vmem>>
    %dma_wait3A_175 = arith.constant 0 : i32
    %dma_wait3A_176 = tpu.memref_slice %arg7[%dma_wait3A_170, %dma_wait3A_175] : memref<80x128xi32, #tpu.memory_space<vmem>> -> memref<1x128xi32, #tpu.memory_space<vmem>>
    %dma_wait3A_177 = tpu.memref_squeeze %dma_wait3A_176 : memref<1x128xi32, #tpu.memory_space<vmem>> -> memref<128xi32, #tpu.memory_space<vmem>>
    %dma_wait3A_178 = arith.constant 0 : i32
    %dma_wait3A_179 = arith.constant 0 : i32
    %dma_wait3A_180 = tpu.memref_slice %arg10[%dma_wait3A_178, %dma_wait3A_179] : memref<10240x16xf32, #tpu.memory_space<vmem_shared>> -> memref<10240x16xf32, #tpu.memory_space<vmem_shared>>
    tpu.wait_indirect_dma semaphore(%arg14 : memref<!tpu.dma_semaphore, #tpu.memory_space<semaphore_mem>>) src(%dma_wait3A_174 : memref<128x16xf32, #tpu.memory_space<vmem>>) dst(%dma_wait3A_180 : memref<10240x16xf32, #tpu.memory_space<vmem_shared>>)
    %dma_wait3A_181 = arith.constant 14 : i32
    %dma_wait3A_182 = arith.constant 74 : i32
    %dma_wait3A_183 = arith.constant 0 : i32
    %dma_wait3A_184 = arith.constant 0 : i32
    %dma_wait3A_185 = tpu.memref_slice %arg8[%dma_wait3A_181, %dma_wait3A_183, %dma_wait3A_184] : memref<20x128x16xf32, #tpu.memory_space<vmem>> -> memref<1x128x16xf32, #tpu.memory_space<vmem>>
    %dma_wait3A_186 = tpu.memref_squeeze %dma_wait3A_185 : memref<1x128x16xf32, #tpu.memory_space<vmem>> -> memref<128x16xf32, #tpu.memory_space<vmem>>
    %dma_wait3A_187 = arith.constant 0 : i32
    %dma_wait3A_188 = tpu.memref_slice %arg7[%dma_wait3A_182, %dma_wait3A_187] : memref<80x128xi32, #tpu.memory_space<vmem>> -> memref<1x128xi32, #tpu.memory_space<vmem>>
    %dma_wait3A_189 = tpu.memref_squeeze %dma_wait3A_188 : memref<1x128xi32, #tpu.memory_space<vmem>> -> memref<128xi32, #tpu.memory_space<vmem>>
    %dma_wait3A_190 = arith.constant 0 : i32
    %dma_wait3A_191 = arith.constant 0 : i32
    %dma_wait3A_192 = tpu.memref_slice %arg10[%dma_wait3A_190, %dma_wait3A_191] : memref<10240x16xf32, #tpu.memory_space<vmem_shared>> -> memref<10240x16xf32, #tpu.memory_space<vmem_shared>>
    tpu.wait_indirect_dma semaphore(%arg14 : memref<!tpu.dma_semaphore, #tpu.memory_space<semaphore_mem>>) src(%dma_wait3A_186 : memref<128x16xf32, #tpu.memory_space<vmem>>) dst(%dma_wait3A_192 : memref<10240x16xf32, #tpu.memory_space<vmem_shared>>)
    %dma_wait3A_193 = arith.constant 15 : i32
    %dma_wait3A_194 = arith.constant 75 : i32
    %dma_wait3A_195 = arith.constant 0 : i32
    %dma_wait3A_196 = arith.constant 0 : i32
    %dma_wait3A_197 = tpu.memref_slice %arg8[%dma_wait3A_193, %dma_wait3A_195, %dma_wait3A_196] : memref<20x128x16xf32, #tpu.memory_space<vmem>> -> memref<1x128x16xf32, #tpu.memory_space<vmem>>
    %dma_wait3A_198 = tpu.memref_squeeze %dma_wait3A_197 : memref<1x128x16xf32, #tpu.memory_space<vmem>> -> memref<128x16xf32, #tpu.memory_space<vmem>>
    %dma_wait3A_199 = arith.constant 0 : i32
    %dma_wait3A_200 = tpu.memref_slice %arg7[%dma_wait3A_194, %dma_wait3A_199] : memref<80x128xi32, #tpu.memory_space<vmem>> -> memref<1x128xi32, #tpu.memory_space<vmem>>
    %dma_wait3A_201 = tpu.memref_squeeze %dma_wait3A_200 : memref<1x128xi32, #tpu.memory_space<vmem>> -> memref<128xi32, #tpu.memory_space<vmem>>
    %dma_wait3A_202 = arith.constant 0 : i32
    %dma_wait3A_203 = arith.constant 0 : i32
    %dma_wait3A_204 = tpu.memref_slice %arg10[%dma_wait3A_202, %dma_wait3A_203] : memref<10240x16xf32, #tpu.memory_space<vmem_shared>> -> memref<10240x16xf32, #tpu.memory_space<vmem_shared>>
    tpu.wait_indirect_dma semaphore(%arg14 : memref<!tpu.dma_semaphore, #tpu.memory_space<semaphore_mem>>) src(%dma_wait3A_198 : memref<128x16xf32, #tpu.memory_space<vmem>>) dst(%dma_wait3A_204 : memref<10240x16xf32, #tpu.memory_space<vmem_shared>>)
    %dma_wait3A_205 = arith.constant 16 : i32
    %dma_wait3A_206 = arith.constant 76 : i32
    %dma_wait3A_207 = arith.constant 0 : i32
    %dma_wait3A_208 = arith.constant 0 : i32
    %dma_wait3A_209 = tpu.memref_slice %arg8[%dma_wait3A_205, %dma_wait3A_207, %dma_wait3A_208] : memref<20x128x16xf32, #tpu.memory_space<vmem>> -> memref<1x128x16xf32, #tpu.memory_space<vmem>>
    %dma_wait3A_210 = tpu.memref_squeeze %dma_wait3A_209 : memref<1x128x16xf32, #tpu.memory_space<vmem>> -> memref<128x16xf32, #tpu.memory_space<vmem>>
    %dma_wait3A_211 = arith.constant 0 : i32
    %dma_wait3A_212 = tpu.memref_slice %arg7[%dma_wait3A_206, %dma_wait3A_211] : memref<80x128xi32, #tpu.memory_space<vmem>> -> memref<1x128xi32, #tpu.memory_space<vmem>>
    %dma_wait3A_213 = tpu.memref_squeeze %dma_wait3A_212 : memref<1x128xi32, #tpu.memory_space<vmem>> -> memref<128xi32, #tpu.memory_space<vmem>>
    %dma_wait3A_214 = arith.constant 0 : i32
    %dma_wait3A_215 = arith.constant 0 : i32
    %dma_wait3A_216 = tpu.memref_slice %arg10[%dma_wait3A_214, %dma_wait3A_215] : memref<10240x16xf32, #tpu.memory_space<vmem_shared>> -> memref<10240x16xf32, #tpu.memory_space<vmem_shared>>
    tpu.wait_indirect_dma semaphore(%arg14 : memref<!tpu.dma_semaphore, #tpu.memory_space<semaphore_mem>>) src(%dma_wait3A_210 : memref<128x16xf32, #tpu.memory_space<vmem>>) dst(%dma_wait3A_216 : memref<10240x16xf32, #tpu.memory_space<vmem_shared>>)
    %dma_wait3A_217 = arith.constant 17 : i32
    %dma_wait3A_218 = arith.constant 77 : i32
    %dma_wait3A_219 = arith.constant 0 : i32
    %dma_wait3A_220 = arith.constant 0 : i32
    %dma_wait3A_221 = tpu.memref_slice %arg8[%dma_wait3A_217, %dma_wait3A_219, %dma_wait3A_220] : memref<20x128x16xf32, #tpu.memory_space<vmem>> -> memref<1x128x16xf32, #tpu.memory_space<vmem>>
    %dma_wait3A_222 = tpu.memref_squeeze %dma_wait3A_221 : memref<1x128x16xf32, #tpu.memory_space<vmem>> -> memref<128x16xf32, #tpu.memory_space<vmem>>
    %dma_wait3A_223 = arith.constant 0 : i32
    %dma_wait3A_224 = tpu.memref_slice %arg7[%dma_wait3A_218, %dma_wait3A_223] : memref<80x128xi32, #tpu.memory_space<vmem>> -> memref<1x128xi32, #tpu.memory_space<vmem>>
    %dma_wait3A_225 = tpu.memref_squeeze %dma_wait3A_224 : memref<1x128xi32, #tpu.memory_space<vmem>> -> memref<128xi32, #tpu.memory_space<vmem>>
    %dma_wait3A_226 = arith.constant 0 : i32
    %dma_wait3A_227 = arith.constant 0 : i32
    %dma_wait3A_228 = tpu.memref_slice %arg10[%dma_wait3A_226, %dma_wait3A_227] : memref<10240x16xf32, #tpu.memory_space<vmem_shared>> -> memref<10240x16xf32, #tpu.memory_space<vmem_shared>>
    tpu.wait_indirect_dma semaphore(%arg14 : memref<!tpu.dma_semaphore, #tpu.memory_space<semaphore_mem>>) src(%dma_wait3A_222 : memref<128x16xf32, #tpu.memory_space<vmem>>) dst(%dma_wait3A_228 : memref<10240x16xf32, #tpu.memory_space<vmem_shared>>)
    %dma_wait3A_229 = arith.constant 18 : i32
    %dma_wait3A_230 = arith.constant 78 : i32
    %dma_wait3A_231 = arith.constant 0 : i32
    %dma_wait3A_232 = arith.constant 0 : i32
    %dma_wait3A_233 = tpu.memref_slice %arg8[%dma_wait3A_229, %dma_wait3A_231, %dma_wait3A_232] : memref<20x128x16xf32, #tpu.memory_space<vmem>> -> memref<1x128x16xf32, #tpu.memory_space<vmem>>
    %dma_wait3A_234 = tpu.memref_squeeze %dma_wait3A_233 : memref<1x128x16xf32, #tpu.memory_space<vmem>> -> memref<128x16xf32, #tpu.memory_space<vmem>>
    %dma_wait3A_235 = arith.constant 0 : i32
    %dma_wait3A_236 = tpu.memref_slice %arg7[%dma_wait3A_230, %dma_wait3A_235] : memref<80x128xi32, #tpu.memory_space<vmem>> -> memref<1x128xi32, #tpu.memory_space<vmem>>
    %dma_wait3A_237 = tpu.memref_squeeze %dma_wait3A_236 : memref<1x128xi32, #tpu.memory_space<vmem>> -> memref<128xi32, #tpu.memory_space<vmem>>
    %dma_wait3A_238 = arith.constant 0 : i32
    %dma_wait3A_239 = arith.constant 0 : i32
    %dma_wait3A_240 = tpu.memref_slice %arg10[%dma_wait3A_238, %dma_wait3A_239] : memref<10240x16xf32, #tpu.memory_space<vmem_shared>> -> memref<10240x16xf32, #tpu.memory_space<vmem_shared>>
    tpu.wait_indirect_dma semaphore(%arg14 : memref<!tpu.dma_semaphore, #tpu.memory_space<semaphore_mem>>) src(%dma_wait3A_234 : memref<128x16xf32, #tpu.memory_space<vmem>>) dst(%dma_wait3A_240 : memref<10240x16xf32, #tpu.memory_space<vmem_shared>>)
    %dma_wait3A_241 = arith.constant 19 : i32
    %dma_wait3A_242 = arith.constant 79 : i32
    %dma_wait3A_243 = arith.constant 0 : i32
    %dma_wait3A_244 = arith.constant 0 : i32
    %dma_wait3A_245 = tpu.memref_slice %arg8[%dma_wait3A_241, %dma_wait3A_243, %dma_wait3A_244] : memref<20x128x16xf32, #tpu.memory_space<vmem>> -> memref<1x128x16xf32, #tpu.memory_space<vmem>>
    %dma_wait3A_246 = tpu.memref_squeeze %dma_wait3A_245 : memref<1x128x16xf32, #tpu.memory_space<vmem>> -> memref<128x16xf32, #tpu.memory_space<vmem>>
    %dma_wait3A_247 = arith.constant 0 : i32
    %dma_wait3A_248 = tpu.memref_slice %arg7[%dma_wait3A_242, %dma_wait3A_247] : memref<80x128xi32, #tpu.memory_space<vmem>> -> memref<1x128xi32, #tpu.memory_space<vmem>>
    %dma_wait3A_249 = tpu.memref_squeeze %dma_wait3A_248 : memref<1x128xi32, #tpu.memory_space<vmem>> -> memref<128xi32, #tpu.memory_space<vmem>>
    %dma_wait3A_250 = arith.constant 0 : i32
    %dma_wait3A_251 = arith.constant 0 : i32
    %dma_wait3A_252 = tpu.memref_slice %arg10[%dma_wait3A_250, %dma_wait3A_251] : memref<10240x16xf32, #tpu.memory_space<vmem_shared>> -> memref<10240x16xf32, #tpu.memory_space<vmem_shared>>
    tpu.wait_indirect_dma semaphore(%arg14 : memref<!tpu.dma_semaphore, #tpu.memory_space<semaphore_mem>>) src(%dma_wait3A_246 : memref<128x16xf32, #tpu.memory_space<vmem>>) dst(%dma_wait3A_252 : memref<10240x16xf32, #tpu.memory_space<vmem_shared>>)
    %barrier3A_253 = arith.constant 0 : index
    tpu.barrier barrier_id(%barrier3A_253)
    %mul3A_254 = arith.constant 640 : i32
    %mul3A_255 = arith.muli %arg1, %mul3A_254 : i32
    %add3A_256 = arith.constant 0 : i32
    %add3A_257 = arith.addi %mul3A_255, %add3A_256 : i32
    "tpu.region"() ({
      %run_scoped3A = tpu.sem_alloc : memref<!tpu.dma_semaphore, #tpu.memory_space<semaphore_mem>>
      %dma_start3A_261 = arith.constant 0 : i32
      %dma_start3A_262 = tpu.memref_slice %arg10[%add3A_257, %dma_start3A_261] : memref<10240x16xf32, #tpu.memory_space<vmem_shared>> -> memref<640x16xf32, #tpu.memory_space<vmem_shared>>
      %dma_start3A_263 = arith.constant 0 : i32
      %dma_start3A_264 = tpu.memref_slice %arg10[%add3A_257, %dma_start3A_263] : memref<10240x16xf32, #tpu.memory_space<vmem_shared>> -> memref<640x16xf32, #tpu.memory_space<vmem_shared>>
      tpu.enqueue_dma source(%dma_start3A_264 : memref<640x16xf32, #tpu.memory_space<vmem_shared>>) target(%arg9 : memref<640x16xf32, #tpu.memory_space<vmem>>) target_semaphore(%run_scoped3A : memref<!tpu.dma_semaphore, #tpu.memory_space<semaphore_mem>>)
      %dma_wait3A_265 = arith.constant 0 : i32
      %dma_wait3A_266 = tpu.memref_slice %arg10[%add3A_257, %dma_wait3A_265] : memref<10240x16xf32, #tpu.memory_space<vmem_shared>> -> memref<640x16xf32, #tpu.memory_space<vmem_shared>>
      %dma_wait3A_267 = arith.constant 0 : i32
      %dma_wait3A_268 = tpu.memref_slice %arg10[%add3A_257, %dma_wait3A_267] : memref<10240x16xf32, #tpu.memory_space<vmem_shared>> -> memref<640x16xf32, #tpu.memory_space<vmem_shared>>
      tpu.wait_dma2 semaphore(%run_scoped3A : memref<!tpu.dma_semaphore, #tpu.memory_space<semaphore_mem>>) src(%dma_wait3A_268 : memref<640x16xf32, #tpu.memory_space<vmem_shared>>) dst(%arg9 : memref<640x16xf32, #tpu.memory_space<vmem>>)
      tpu.yield
    }) : () -> ()
    %mul3A_258 = arith.constant 10240 : i32
    %mul3A_259 = arith.muli %arg0, %mul3A_258 : i32
    %add3A_260 = arith.addi %mul3A_259, %add3A_257 : i32
    "tpu.region"() ({
      %run_scoped3A = tpu.sem_alloc : memref<!tpu.dma_semaphore, #tpu.memory_space<semaphore_mem>>
      %dma_start3A_261 = arith.constant 0 : i32
      %dma_start3A_262 = tpu.memref_slice %arg5[%add3A_260, %dma_start3A_261] : memref<20480x16xf32, #tpu.memory_space<hbm>> -> memref<640x16xf32, #tpu.memory_space<hbm>>
      %dma_start3A_263 = arith.constant 0 : i32
      %dma_start3A_264 = tpu.memref_slice %arg5[%add3A_260, %dma_start3A_263] : memref<20480x16xf32, #tpu.memory_space<hbm>> -> memref<640x16xf32, #tpu.memory_space<hbm>>
      tpu.enqueue_dma source(%arg9 : memref<640x16xf32, #tpu.memory_space<vmem>>) target(%dma_start3A_264 : memref<640x16xf32, #tpu.memory_space<hbm>>) target_semaphore(%run_scoped3A : memref<!tpu.dma_semaphore, #tpu.memory_space<semaphore_mem>>)
      %dma_wait3A_265 = arith.constant 0 : i32
      %dma_wait3A_266 = tpu.memref_slice %arg5[%add3A_260, %dma_wait3A_265] : memref<20480x16xf32, #tpu.memory_space<hbm>> -> memref<640x16xf32, #tpu.memory_space<hbm>>
      %dma_wait3A_267 = arith.constant 0 : i32
      %dma_wait3A_268 = tpu.memref_slice %arg5[%add3A_260, %dma_wait3A_267] : memref<20480x16xf32, #tpu.memory_space<hbm>> -> memref<640x16xf32, #tpu.memory_space<hbm>>
      tpu.wait_dma2 semaphore(%run_scoped3A : memref<!tpu.dma_semaphore, #tpu.memory_space<semaphore_mem>>) src(%arg9 : memref<640x16xf32, #tpu.memory_space<vmem>>) dst(%dma_wait3A_268 : memref<640x16xf32, #tpu.memory_space<hbm>>)
      tpu.yield
    }) : () -> ()
    return
  }
}

#map = affine_map<(d0, d1) -> (0, 0)>
module attributes {stable_mosaic.version = 14 : i64} {
  func.func @deg_k(%arg0: i32, %arg1: i32, %arg2: memref<2560x128xi32, #tpu.memory_space<hbm>>, %arg3: memref<128x16xf32, #tpu.memory_space<hbm>>, %arg4: memref<10240x16xf32, #tpu.memory_space<hbm>>, %arg5: memref<20480x16xf32, #tpu.memory_space<hbm>>, %arg6: memref<80x128xi32, #tpu.memory_space<vmem>>, %arg7: memref<128x16xf32, #tpu.memory_space<vmem>>, %arg8: memref<640x16xf32, #tpu.memory_space<vmem>>, %arg9: memref<10240x16xf32, #tpu.memory_space<vmem_shared>>, %arg10: memref<!tpu.dma_semaphore, #tpu.memory_space<semaphore_mem>>, %arg11: memref<!tpu.dma_semaphore, #tpu.memory_space<semaphore_mem>>) attributes {dimension_semantics = [#tpu.dimension_semantics<core_parallel>, #tpu.dimension_semantics<subcore_parallel>], iteration_bounds = array<i64: 2, 16>, scalar_prefetch = 0 : i64, scratch_operands = 6 : i64, tpu.core_type = #tpu.core_type<sc_vector_subcore>, window_params = [{transform_indices = #map}, {transform_indices = #map}, {transform_indices = #map}, {transform_indices = #map}]} {
    %mul3A = arith.constant 16 : i32
    %mul3A_0 = arith.muli %arg0, %mul3A : i32
    %add3A = arith.addi %mul3A_0, %arg1 : i32
    %mul3A_1 = arith.constant 80 : i32
    %mul3A_2 = arith.muli %add3A, %mul3A_1 : i32
    "tpu.region"() ({
      %run_scoped3A = tpu.sem_alloc : memref<!tpu.dma_semaphore, #tpu.memory_space<semaphore_mem>>
      %dma_start3A = arith.constant 0 : i32
      %dma_start3A_54 = tpu.memref_slice %arg2[%mul3A_2, %dma_start3A] : memref<2560x128xi32, #tpu.memory_space<hbm>> -> memref<80x128xi32, #tpu.memory_space<hbm>>
      %dma_start3A_55 = arith.constant 0 : i32
      %dma_start3A_56 = tpu.memref_slice %arg2[%mul3A_2, %dma_start3A_55] : memref<2560x128xi32, #tpu.memory_space<hbm>> -> memref<80x128xi32, #tpu.memory_space<hbm>>
      tpu.enqueue_dma source(%dma_start3A_56 : memref<80x128xi32, #tpu.memory_space<hbm>>) target(%arg6 : memref<80x128xi32, #tpu.memory_space<vmem>>) target_semaphore(%run_scoped3A : memref<!tpu.dma_semaphore, #tpu.memory_space<semaphore_mem>>)
      %dma_wait3A_57 = arith.constant 0 : i32
      %dma_wait3A_58 = tpu.memref_slice %arg2[%mul3A_2, %dma_wait3A_57] : memref<2560x128xi32, #tpu.memory_space<hbm>> -> memref<80x128xi32, #tpu.memory_space<hbm>>
      %dma_wait3A_59 = arith.constant 0 : i32
      %dma_wait3A_60 = tpu.memref_slice %arg2[%mul3A_2, %dma_wait3A_59] : memref<2560x128xi32, #tpu.memory_space<hbm>> -> memref<80x128xi32, #tpu.memory_space<hbm>>
      tpu.wait_dma2 semaphore(%run_scoped3A : memref<!tpu.dma_semaphore, #tpu.memory_space<semaphore_mem>>) src(%dma_wait3A_60 : memref<80x128xi32, #tpu.memory_space<hbm>>) dst(%arg6 : memref<80x128xi32, #tpu.memory_space<vmem>>)
      tpu.yield
    }) : () -> ()
    "tpu.region"() ({
      %run_scoped3A = tpu.sem_alloc : memref<!tpu.dma_semaphore, #tpu.memory_space<semaphore_mem>>
      tpu.enqueue_dma source(%arg3 : memref<128x16xf32, #tpu.memory_space<hbm>>) target(%arg7 : memref<128x16xf32, #tpu.memory_space<vmem>>) target_semaphore(%run_scoped3A : memref<!tpu.dma_semaphore, #tpu.memory_space<semaphore_mem>>)
      tpu.wait_dma2 semaphore(%run_scoped3A : memref<!tpu.dma_semaphore, #tpu.memory_space<semaphore_mem>>) src(%arg3 : memref<128x16xf32, #tpu.memory_space<hbm>>) dst(%arg7 : memref<128x16xf32, #tpu.memory_space<vmem>>)
      tpu.yield
    }) : () -> ()
    %mul3A_3 = arith.constant 640 : i32
    %mul3A_4 = arith.muli %arg1, %mul3A_3 : i32
    "tpu.region"() ({
      %run_scoped3A = tpu.sem_alloc : memref<!tpu.dma_semaphore, #tpu.memory_space<semaphore_mem>>
      %dma_start3A = arith.constant 0 : i32
      %dma_start3A_54 = tpu.memref_slice %arg4[%mul3A_4, %dma_start3A] : memref<10240x16xf32, #tpu.memory_space<hbm>> -> memref<640x16xf32, #tpu.memory_space<hbm>>
      %dma_start3A_55 = arith.constant 0 : i32
      %dma_start3A_56 = tpu.memref_slice %arg4[%mul3A_4, %dma_start3A_55] : memref<10240x16xf32, #tpu.memory_space<hbm>> -> memref<640x16xf32, #tpu.memory_space<hbm>>
      tpu.enqueue_dma source(%dma_start3A_56 : memref<640x16xf32, #tpu.memory_space<hbm>>) target(%arg8 : memref<640x16xf32, #tpu.memory_space<vmem>>) target_semaphore(%run_scoped3A : memref<!tpu.dma_semaphore, #tpu.memory_space<semaphore_mem>>)
      %dma_wait3A_57 = arith.constant 0 : i32
      %dma_wait3A_58 = tpu.memref_slice %arg4[%mul3A_4, %dma_wait3A_57] : memref<10240x16xf32, #tpu.memory_space<hbm>> -> memref<640x16xf32, #tpu.memory_space<hbm>>
      %dma_wait3A_59 = arith.constant 0 : i32
      %dma_wait3A_60 = tpu.memref_slice %arg4[%mul3A_4, %dma_wait3A_59] : memref<10240x16xf32, #tpu.memory_space<hbm>> -> memref<640x16xf32, #tpu.memory_space<hbm>>
      tpu.wait_dma2 semaphore(%run_scoped3A : memref<!tpu.dma_semaphore, #tpu.memory_space<semaphore_mem>>) src(%dma_wait3A_60 : memref<640x16xf32, #tpu.memory_space<hbm>>) dst(%arg8 : memref<640x16xf32, #tpu.memory_space<vmem>>)
      tpu.yield
    }) : () -> ()
    %mul3A_5 = arith.constant 640 : i32
    %mul3A_6 = arith.muli %arg1, %mul3A_5 : i32
    "tpu.region"() ({
      %run_scoped3A = tpu.sem_alloc : memref<!tpu.dma_semaphore, #tpu.memory_space<semaphore_mem>>
      %dma_start3A = arith.constant 0 : i32
      %dma_start3A_54 = tpu.memref_slice %arg9[%mul3A_6, %dma_start3A] : memref<10240x16xf32, #tpu.memory_space<vmem_shared>> -> memref<640x16xf32, #tpu.memory_space<vmem_shared>>
      %dma_start3A_55 = arith.constant 0 : i32
      %dma_start3A_56 = tpu.memref_slice %arg9[%mul3A_6, %dma_start3A_55] : memref<10240x16xf32, #tpu.memory_space<vmem_shared>> -> memref<640x16xf32, #tpu.memory_space<vmem_shared>>
      tpu.enqueue_dma source(%arg8 : memref<640x16xf32, #tpu.memory_space<vmem>>) target(%dma_start3A_56 : memref<640x16xf32, #tpu.memory_space<vmem_shared>>) target_semaphore(%run_scoped3A : memref<!tpu.dma_semaphore, #tpu.memory_space<semaphore_mem>>)
      %dma_wait3A_57 = arith.constant 0 : i32
      %dma_wait3A_58 = tpu.memref_slice %arg9[%mul3A_6, %dma_wait3A_57] : memref<10240x16xf32, #tpu.memory_space<vmem_shared>> -> memref<640x16xf32, #tpu.memory_space<vmem_shared>>
      %dma_wait3A_59 = arith.constant 0 : i32
      %dma_wait3A_60 = tpu.memref_slice %arg9[%mul3A_6, %dma_wait3A_59] : memref<10240x16xf32, #tpu.memory_space<vmem_shared>> -> memref<640x16xf32, #tpu.memory_space<vmem_shared>>
      tpu.wait_dma2 semaphore(%run_scoped3A : memref<!tpu.dma_semaphore, #tpu.memory_space<semaphore_mem>>) src(%arg8 : memref<640x16xf32, #tpu.memory_space<vmem>>) dst(%dma_wait3A_60 : memref<640x16xf32, #tpu.memory_space<vmem_shared>>)
      tpu.yield
    }) : () -> ()
    %barrier3A = arith.constant 0 : index
    tpu.barrier barrier_id(%barrier3A)
    %scan3A = arith.constant 0 : i32
    %scan3A_7 = arith.constant 0 : i32
    %scan3A_8 = arith.constant 8 : i32
    %scan3A_9 = arith.addi %scan3A_7, %scan3A_8 : i32
    %scan3A_10 = arith.constant 1 : i32
    scf.for %scan3A_54 = %scan3A_7 to %scan3A_9 step %scan3A_10  : i32 {
      %mul3A_55 = arith.constant 2 : i32
      %mul3A_56 = arith.muli %scan3A_54, %mul3A_55 : i32
      %mul3A_57 = arith.constant 5 : i32
      %mul3A_58 = arith.muli %mul3A_56, %mul3A_57 : i32
      %add3A_59 = arith.constant 0 : i32
      %add3A_60 = arith.addi %mul3A_58, %add3A_59 : i32
      %dma_start3A = arith.constant 0 : i32
      %dma_start3A_61 = tpu.memref_slice %arg6[%add3A_60, %dma_start3A] : memref<80x128xi32, #tpu.memory_space<vmem>> -> memref<1x128xi32, #tpu.memory_space<vmem>>
      %dma_start3A_62 = tpu.memref_squeeze %dma_start3A_61 : memref<1x128xi32, #tpu.memory_space<vmem>> -> memref<128xi32, #tpu.memory_space<vmem>>
      %dma_start3A_63 = arith.constant 0 : i32
      %dma_start3A_64 = arith.constant 0 : i32
      %dma_start3A_65 = tpu.memref_slice %arg9[%dma_start3A_63, %dma_start3A_64] : memref<10240x16xf32, #tpu.memory_space<vmem_shared>> -> memref<10240x16xf32, #tpu.memory_space<vmem_shared>>
      tpu.enqueue_indirect_dma source(%arg7 : memref<128x16xf32, #tpu.memory_space<vmem>>) target(%dma_start3A_65 : memref<10240x16xf32, #tpu.memory_space<vmem_shared>>) offsets(%dma_start3A_62 : memref<128xi32, #tpu.memory_space<vmem>>) semaphore(%arg10 : memref<!tpu.dma_semaphore, #tpu.memory_space<semaphore_mem>>) {add = true}
      %mul3A_66 = arith.constant 5 : i32
      %mul3A_67 = arith.muli %mul3A_56, %mul3A_66 : i32
      %add3A_68 = arith.constant 1 : i32
      %add3A_69 = arith.addi %mul3A_67, %add3A_68 : i32
      %dma_start3A_70 = arith.constant 0 : i32
      %dma_start3A_71 = tpu.memref_slice %arg6[%add3A_69, %dma_start3A_70] : memref<80x128xi32, #tpu.memory_space<vmem>> -> memref<1x128xi32, #tpu.memory_space<vmem>>
      %dma_start3A_72 = tpu.memref_squeeze %dma_start3A_71 : memref<1x128xi32, #tpu.memory_space<vmem>> -> memref<128xi32, #tpu.memory_space<vmem>>
      %dma_start3A_73 = arith.constant 0 : i32
      %dma_start3A_74 = arith.constant 0 : i32
      %dma_start3A_75 = tpu.memref_slice %arg9[%dma_start3A_73, %dma_start3A_74] : memref<10240x16xf32, #tpu.memory_space<vmem_shared>> -> memref<10240x16xf32, #tpu.memory_space<vmem_shared>>
      tpu.enqueue_indirect_dma source(%arg7 : memref<128x16xf32, #tpu.memory_space<vmem>>) target(%dma_start3A_75 : memref<10240x16xf32, #tpu.memory_space<vmem_shared>>) offsets(%dma_start3A_72 : memref<128xi32, #tpu.memory_space<vmem>>) semaphore(%arg10 : memref<!tpu.dma_semaphore, #tpu.memory_space<semaphore_mem>>) {add = true}
      %mul3A_76 = arith.constant 5 : i32
      %mul3A_77 = arith.muli %mul3A_56, %mul3A_76 : i32
      %add3A_78 = arith.constant 2 : i32
      %add3A_79 = arith.addi %mul3A_77, %add3A_78 : i32
      %dma_start3A_80 = arith.constant 0 : i32
      %dma_start3A_81 = tpu.memref_slice %arg6[%add3A_79, %dma_start3A_80] : memref<80x128xi32, #tpu.memory_space<vmem>> -> memref<1x128xi32, #tpu.memory_space<vmem>>
      %dma_start3A_82 = tpu.memref_squeeze %dma_start3A_81 : memref<1x128xi32, #tpu.memory_space<vmem>> -> memref<128xi32, #tpu.memory_space<vmem>>
      %dma_start3A_83 = arith.constant 0 : i32
      %dma_start3A_84 = arith.constant 0 : i32
      %dma_start3A_85 = tpu.memref_slice %arg9[%dma_start3A_83, %dma_start3A_84] : memref<10240x16xf32, #tpu.memory_space<vmem_shared>> -> memref<10240x16xf32, #tpu.memory_space<vmem_shared>>
      tpu.enqueue_indirect_dma source(%arg7 : memref<128x16xf32, #tpu.memory_space<vmem>>) target(%dma_start3A_85 : memref<10240x16xf32, #tpu.memory_space<vmem_shared>>) offsets(%dma_start3A_82 : memref<128xi32, #tpu.memory_space<vmem>>) semaphore(%arg10 : memref<!tpu.dma_semaphore, #tpu.memory_space<semaphore_mem>>) {add = true}
      %mul3A_86 = arith.constant 5 : i32
      %mul3A_87 = arith.muli %mul3A_56, %mul3A_86 : i32
      %add3A_88 = arith.constant 3 : i32
      %add3A_89 = arith.addi %mul3A_87, %add3A_88 : i32
      %dma_start3A_90 = arith.constant 0 : i32
      %dma_start3A_91 = tpu.memref_slice %arg6[%add3A_89, %dma_start3A_90] : memref<80x128xi32, #tpu.memory_space<vmem>> -> memref<1x128xi32, #tpu.memory_space<vmem>>
      %dma_start3A_92 = tpu.memref_squeeze %dma_start3A_91 : memref<1x128xi32, #tpu.memory_space<vmem>> -> memref<128xi32, #tpu.memory_space<vmem>>
      %dma_start3A_93 = arith.constant 0 : i32
      %dma_start3A_94 = arith.constant 0 : i32
      %dma_start3A_95 = tpu.memref_slice %arg9[%dma_start3A_93, %dma_start3A_94] : memref<10240x16xf32, #tpu.memory_space<vmem_shared>> -> memref<10240x16xf32, #tpu.memory_space<vmem_shared>>
      tpu.enqueue_indirect_dma source(%arg7 : memref<128x16xf32, #tpu.memory_space<vmem>>) target(%dma_start3A_95 : memref<10240x16xf32, #tpu.memory_space<vmem_shared>>) offsets(%dma_start3A_92 : memref<128xi32, #tpu.memory_space<vmem>>) semaphore(%arg10 : memref<!tpu.dma_semaphore, #tpu.memory_space<semaphore_mem>>) {add = true}
      %mul3A_96 = arith.constant 5 : i32
      %mul3A_97 = arith.muli %mul3A_56, %mul3A_96 : i32
      %add3A_98 = arith.constant 4 : i32
      %add3A_99 = arith.addi %mul3A_97, %add3A_98 : i32
      %dma_start3A_100 = arith.constant 0 : i32
      %dma_start3A_101 = tpu.memref_slice %arg6[%add3A_99, %dma_start3A_100] : memref<80x128xi32, #tpu.memory_space<vmem>> -> memref<1x128xi32, #tpu.memory_space<vmem>>
      %dma_start3A_102 = tpu.memref_squeeze %dma_start3A_101 : memref<1x128xi32, #tpu.memory_space<vmem>> -> memref<128xi32, #tpu.memory_space<vmem>>
      %dma_start3A_103 = arith.constant 0 : i32
      %dma_start3A_104 = arith.constant 0 : i32
      %dma_start3A_105 = tpu.memref_slice %arg9[%dma_start3A_103, %dma_start3A_104] : memref<10240x16xf32, #tpu.memory_space<vmem_shared>> -> memref<10240x16xf32, #tpu.memory_space<vmem_shared>>
      tpu.enqueue_indirect_dma source(%arg7 : memref<128x16xf32, #tpu.memory_space<vmem>>) target(%dma_start3A_105 : memref<10240x16xf32, #tpu.memory_space<vmem_shared>>) offsets(%dma_start3A_102 : memref<128xi32, #tpu.memory_space<vmem>>) semaphore(%arg10 : memref<!tpu.dma_semaphore, #tpu.memory_space<semaphore_mem>>) {add = true}
      %gt3A = arith.constant 0 : i32
      %gt3A_106 = arith.cmpi sgt, %mul3A_56, %gt3A : i32
      %convert_element_type3A = arith.extui %gt3A_106 : i1 to i32
      %cond3A = arith.constant 0 : i32
      %cond3A_107 = arith.cmpi ne, %convert_element_type3A, %cond3A : i32
      scf.if %cond3A_107 {
        %sub3A = arith.constant 1 : i32
        %sub3A_218 = arith.subi %mul3A_56, %sub3A : i32
        %mul3A_219 = arith.constant 5 : i32
        %mul3A_220 = arith.muli %sub3A_218, %mul3A_219 : i32
        %add3A_221 = arith.constant 0 : i32
        %add3A_222 = arith.addi %mul3A_220, %add3A_221 : i32
        %dma_wait3A_223 = arith.constant 0 : i32
        %dma_wait3A_224 = tpu.memref_slice %arg6[%add3A_222, %dma_wait3A_223] : memref<80x128xi32, #tpu.memory_space<vmem>> -> memref<1x128xi32, #tpu.memory_space<vmem>>
        %dma_wait3A_225 = tpu.memref_squeeze %dma_wait3A_224 : memref<1x128xi32, #tpu.memory_space<vmem>> -> memref<128xi32, #tpu.memory_space<vmem>>
        %dma_wait3A_226 = arith.constant 0 : i32
        %dma_wait3A_227 = arith.constant 0 : i32
        %dma_wait3A_228 = tpu.memref_slice %arg9[%dma_wait3A_226, %dma_wait3A_227] : memref<10240x16xf32, #tpu.memory_space<vmem_shared>> -> memref<10240x16xf32, #tpu.memory_space<vmem_shared>>
        tpu.wait_indirect_dma semaphore(%arg11 : memref<!tpu.dma_semaphore, #tpu.memory_space<semaphore_mem>>) src(%arg7 : memref<128x16xf32, #tpu.memory_space<vmem>>) dst(%dma_wait3A_228 : memref<10240x16xf32, #tpu.memory_space<vmem_shared>>)
        %sub3A_229 = arith.constant 1 : i32
        %sub3A_230 = arith.subi %mul3A_56, %sub3A_229 : i32
        %mul3A_231 = arith.constant 5 : i32
        %mul3A_232 = arith.muli %sub3A_230, %mul3A_231 : i32
        %add3A_233 = arith.constant 1 : i32
        %add3A_234 = arith.addi %mul3A_232, %add3A_233 : i32
        %dma_wait3A_235 = arith.constant 0 : i32
        %dma_wait3A_236 = tpu.memref_slice %arg6[%add3A_234, %dma_wait3A_235] : memref<80x128xi32, #tpu.memory_space<vmem>> -> memref<1x128xi32, #tpu.memory_space<vmem>>
        %dma_wait3A_237 = tpu.memref_squeeze %dma_wait3A_236 : memref<1x128xi32, #tpu.memory_space<vmem>> -> memref<128xi32, #tpu.memory_space<vmem>>
        %dma_wait3A_238 = arith.constant 0 : i32
        %dma_wait3A_239 = arith.constant 0 : i32
        %dma_wait3A_240 = tpu.memref_slice %arg9[%dma_wait3A_238, %dma_wait3A_239] : memref<10240x16xf32, #tpu.memory_space<vmem_shared>> -> memref<10240x16xf32, #tpu.memory_space<vmem_shared>>
        tpu.wait_indirect_dma semaphore(%arg11 : memref<!tpu.dma_semaphore, #tpu.memory_space<semaphore_mem>>) src(%arg7 : memref<128x16xf32, #tpu.memory_space<vmem>>) dst(%dma_wait3A_240 : memref<10240x16xf32, #tpu.memory_space<vmem_shared>>)
        %sub3A_241 = arith.constant 1 : i32
        %sub3A_242 = arith.subi %mul3A_56, %sub3A_241 : i32
        %mul3A_243 = arith.constant 5 : i32
        %mul3A_244 = arith.muli %sub3A_242, %mul3A_243 : i32
        %add3A_245 = arith.constant 2 : i32
        %add3A_246 = arith.addi %mul3A_244, %add3A_245 : i32
        %dma_wait3A_247 = arith.constant 0 : i32
        %dma_wait3A_248 = tpu.memref_slice %arg6[%add3A_246, %dma_wait3A_247] : memref<80x128xi32, #tpu.memory_space<vmem>> -> memref<1x128xi32, #tpu.memory_space<vmem>>
        %dma_wait3A_249 = tpu.memref_squeeze %dma_wait3A_248 : memref<1x128xi32, #tpu.memory_space<vmem>> -> memref<128xi32, #tpu.memory_space<vmem>>
        %dma_wait3A_250 = arith.constant 0 : i32
        %dma_wait3A_251 = arith.constant 0 : i32
        %dma_wait3A_252 = tpu.memref_slice %arg9[%dma_wait3A_250, %dma_wait3A_251] : memref<10240x16xf32, #tpu.memory_space<vmem_shared>> -> memref<10240x16xf32, #tpu.memory_space<vmem_shared>>
        tpu.wait_indirect_dma semaphore(%arg11 : memref<!tpu.dma_semaphore, #tpu.memory_space<semaphore_mem>>) src(%arg7 : memref<128x16xf32, #tpu.memory_space<vmem>>) dst(%dma_wait3A_252 : memref<10240x16xf32, #tpu.memory_space<vmem_shared>>)
        %sub3A_253 = arith.constant 1 : i32
        %sub3A_254 = arith.subi %mul3A_56, %sub3A_253 : i32
        %mul3A_255 = arith.constant 5 : i32
        %mul3A_256 = arith.muli %sub3A_254, %mul3A_255 : i32
        %add3A_257 = arith.constant 3 : i32
        %add3A_258 = arith.addi %mul3A_256, %add3A_257 : i32
        %dma_wait3A_259 = arith.constant 0 : i32
        %dma_wait3A_260 = tpu.memref_slice %arg6[%add3A_258, %dma_wait3A_259] : memref<80x128xi32, #tpu.memory_space<vmem>> -> memref<1x128xi32, #tpu.memory_space<vmem>>
        %dma_wait3A_261 = tpu.memref_squeeze %dma_wait3A_260 : memref<1x128xi32, #tpu.memory_space<vmem>> -> memref<128xi32, #tpu.memory_space<vmem>>
        %dma_wait3A_262 = arith.constant 0 : i32
        %dma_wait3A_263 = arith.constant 0 : i32
        %dma_wait3A_264 = tpu.memref_slice %arg9[%dma_wait3A_262, %dma_wait3A_263] : memref<10240x16xf32, #tpu.memory_space<vmem_shared>> -> memref<10240x16xf32, #tpu.memory_space<vmem_shared>>
        tpu.wait_indirect_dma semaphore(%arg11 : memref<!tpu.dma_semaphore, #tpu.memory_space<semaphore_mem>>) src(%arg7 : memref<128x16xf32, #tpu.memory_space<vmem>>) dst(%dma_wait3A_264 : memref<10240x16xf32, #tpu.memory_space<vmem_shared>>)
        %sub3A_265 = arith.constant 1 : i32
        %sub3A_266 = arith.subi %mul3A_56, %sub3A_265 : i32
        %mul3A_267 = arith.constant 5 : i32
        %mul3A_268 = arith.muli %sub3A_266, %mul3A_267 : i32
        %add3A_269 = arith.constant 4 : i32
        %add3A_270 = arith.addi %mul3A_268, %add3A_269 : i32
        %dma_wait3A_271 = arith.constant 0 : i32
        %dma_wait3A_272 = tpu.memref_slice %arg6[%add3A_270, %dma_wait3A_271] : memref<80x128xi32, #tpu.memory_space<vmem>> -> memref<1x128xi32, #tpu.memory_space<vmem>>
        %dma_wait3A_273 = tpu.memref_squeeze %dma_wait3A_272 : memref<1x128xi32, #tpu.memory_space<vmem>> -> memref<128xi32, #tpu.memory_space<vmem>>
        %dma_wait3A_274 = arith.constant 0 : i32
        %dma_wait3A_275 = arith.constant 0 : i32
        %dma_wait3A_276 = tpu.memref_slice %arg9[%dma_wait3A_274, %dma_wait3A_275] : memref<10240x16xf32, #tpu.memory_space<vmem_shared>> -> memref<10240x16xf32, #tpu.memory_space<vmem_shared>>
        tpu.wait_indirect_dma semaphore(%arg11 : memref<!tpu.dma_semaphore, #tpu.memory_space<semaphore_mem>>) src(%arg7 : memref<128x16xf32, #tpu.memory_space<vmem>>) dst(%dma_wait3A_276 : memref<10240x16xf32, #tpu.memory_space<vmem_shared>>)
      } else {
      }
      %add3A_108 = arith.constant 1 : i32
      %add3A_109 = arith.addi %mul3A_56, %add3A_108 : i32
      %mul3A_110 = arith.constant 5 : i32
      %mul3A_111 = arith.muli %add3A_109, %mul3A_110 : i32
      %add3A_112 = arith.constant 0 : i32
      %add3A_113 = arith.addi %mul3A_111, %add3A_112 : i32
      %dma_start3A_114 = arith.constant 0 : i32
      %dma_start3A_115 = tpu.memref_slice %arg6[%add3A_113, %dma_start3A_114] : memref<80x128xi32, #tpu.memory_space<vmem>> -> memref<1x128xi32, #tpu.memory_space<vmem>>
      %dma_start3A_116 = tpu.memref_squeeze %dma_start3A_115 : memref<1x128xi32, #tpu.memory_space<vmem>> -> memref<128xi32, #tpu.memory_space<vmem>>
      %dma_start3A_117 = arith.constant 0 : i32
      %dma_start3A_118 = arith.constant 0 : i32
      %dma_start3A_119 = tpu.memref_slice %arg9[%dma_start3A_117, %dma_start3A_118] : memref<10240x16xf32, #tpu.memory_space<vmem_shared>> -> memref<10240x16xf32, #tpu.memory_space<vmem_shared>>
      tpu.enqueue_indirect_dma source(%arg7 : memref<128x16xf32, #tpu.memory_space<vmem>>) target(%dma_start3A_119 : memref<10240x16xf32, #tpu.memory_space<vmem_shared>>) offsets(%dma_start3A_116 : memref<128xi32, #tpu.memory_space<vmem>>) semaphore(%arg11 : memref<!tpu.dma_semaphore, #tpu.memory_space<semaphore_mem>>) {add = true}
      %add3A_120 = arith.constant 1 : i32
      %add3A_121 = arith.addi %mul3A_56, %add3A_120 : i32
      %mul3A_122 = arith.constant 5 : i32
      %mul3A_123 = arith.muli %add3A_121, %mul3A_122 : i32
      %add3A_124 = arith.constant 1 : i32
      %add3A_125 = arith.addi %mul3A_123, %add3A_124 : i32
      %dma_start3A_126 = arith.constant 0 : i32
      %dma_start3A_127 = tpu.memref_slice %arg6[%add3A_125, %dma_start3A_126] : memref<80x128xi32, #tpu.memory_space<vmem>> -> memref<1x128xi32, #tpu.memory_space<vmem>>
      %dma_start3A_128 = tpu.memref_squeeze %dma_start3A_127 : memref<1x128xi32, #tpu.memory_space<vmem>> -> memref<128xi32, #tpu.memory_space<vmem>>
      %dma_start3A_129 = arith.constant 0 : i32
      %dma_start3A_130 = arith.constant 0 : i32
      %dma_start3A_131 = tpu.memref_slice %arg9[%dma_start3A_129, %dma_start3A_130] : memref<10240x16xf32, #tpu.memory_space<vmem_shared>> -> memref<10240x16xf32, #tpu.memory_space<vmem_shared>>
      tpu.enqueue_indirect_dma source(%arg7 : memref<128x16xf32, #tpu.memory_space<vmem>>) target(%dma_start3A_131 : memref<10240x16xf32, #tpu.memory_space<vmem_shared>>) offsets(%dma_start3A_128 : memref<128xi32, #tpu.memory_space<vmem>>) semaphore(%arg11 : memref<!tpu.dma_semaphore, #tpu.memory_space<semaphore_mem>>) {add = true}
      %add3A_132 = arith.constant 1 : i32
      %add3A_133 = arith.addi %mul3A_56, %add3A_132 : i32
      %mul3A_134 = arith.constant 5 : i32
      %mul3A_135 = arith.muli %add3A_133, %mul3A_134 : i32
      %add3A_136 = arith.constant 2 : i32
      %add3A_137 = arith.addi %mul3A_135, %add3A_136 : i32
      %dma_start3A_138 = arith.constant 0 : i32
      %dma_start3A_139 = tpu.memref_slice %arg6[%add3A_137, %dma_start3A_138] : memref<80x128xi32, #tpu.memory_space<vmem>> -> memref<1x128xi32, #tpu.memory_space<vmem>>
      %dma_start3A_140 = tpu.memref_squeeze %dma_start3A_139 : memref<1x128xi32, #tpu.memory_space<vmem>> -> memref<128xi32, #tpu.memory_space<vmem>>
      %dma_start3A_141 = arith.constant 0 : i32
      %dma_start3A_142 = arith.constant 0 : i32
      %dma_start3A_143 = tpu.memref_slice %arg9[%dma_start3A_141, %dma_start3A_142] : memref<10240x16xf32, #tpu.memory_space<vmem_shared>> -> memref<10240x16xf32, #tpu.memory_space<vmem_shared>>
      tpu.enqueue_indirect_dma source(%arg7 : memref<128x16xf32, #tpu.memory_space<vmem>>) target(%dma_start3A_143 : memref<10240x16xf32, #tpu.memory_space<vmem_shared>>) offsets(%dma_start3A_140 : memref<128xi32, #tpu.memory_space<vmem>>) semaphore(%arg11 : memref<!tpu.dma_semaphore, #tpu.memory_space<semaphore_mem>>) {add = true}
      %add3A_144 = arith.constant 1 : i32
      %add3A_145 = arith.addi %mul3A_56, %add3A_144 : i32
      %mul3A_146 = arith.constant 5 : i32
      %mul3A_147 = arith.muli %add3A_145, %mul3A_146 : i32
      %add3A_148 = arith.constant 3 : i32
      %add3A_149 = arith.addi %mul3A_147, %add3A_148 : i32
      %dma_start3A_150 = arith.constant 0 : i32
      %dma_start3A_151 = tpu.memref_slice %arg6[%add3A_149, %dma_start3A_150] : memref<80x128xi32, #tpu.memory_space<vmem>> -> memref<1x128xi32, #tpu.memory_space<vmem>>
      %dma_start3A_152 = tpu.memref_squeeze %dma_start3A_151 : memref<1x128xi32, #tpu.memory_space<vmem>> -> memref<128xi32, #tpu.memory_space<vmem>>
      %dma_start3A_153 = arith.constant 0 : i32
      %dma_start3A_154 = arith.constant 0 : i32
      %dma_start3A_155 = tpu.memref_slice %arg9[%dma_start3A_153, %dma_start3A_154] : memref<10240x16xf32, #tpu.memory_space<vmem_shared>> -> memref<10240x16xf32, #tpu.memory_space<vmem_shared>>
      tpu.enqueue_indirect_dma source(%arg7 : memref<128x16xf32, #tpu.memory_space<vmem>>) target(%dma_start3A_155 : memref<10240x16xf32, #tpu.memory_space<vmem_shared>>) offsets(%dma_start3A_152 : memref<128xi32, #tpu.memory_space<vmem>>) semaphore(%arg11 : memref<!tpu.dma_semaphore, #tpu.memory_space<semaphore_mem>>) {add = true}
      %add3A_156 = arith.constant 1 : i32
      %add3A_157 = arith.addi %mul3A_56, %add3A_156 : i32
      %mul3A_158 = arith.constant 5 : i32
      %mul3A_159 = arith.muli %add3A_157, %mul3A_158 : i32
      %add3A_160 = arith.constant 4 : i32
      %add3A_161 = arith.addi %mul3A_159, %add3A_160 : i32
      %dma_start3A_162 = arith.constant 0 : i32
      %dma_start3A_163 = tpu.memref_slice %arg6[%add3A_161, %dma_start3A_162] : memref<80x128xi32, #tpu.memory_space<vmem>> -> memref<1x128xi32, #tpu.memory_space<vmem>>
      %dma_start3A_164 = tpu.memref_squeeze %dma_start3A_163 : memref<1x128xi32, #tpu.memory_space<vmem>> -> memref<128xi32, #tpu.memory_space<vmem>>
      %dma_start3A_165 = arith.constant 0 : i32
      %dma_start3A_166 = arith.constant 0 : i32
      %dma_start3A_167 = tpu.memref_slice %arg9[%dma_start3A_165, %dma_start3A_166] : memref<10240x16xf32, #tpu.memory_space<vmem_shared>> -> memref<10240x16xf32, #tpu.memory_space<vmem_shared>>
      tpu.enqueue_indirect_dma source(%arg7 : memref<128x16xf32, #tpu.memory_space<vmem>>) target(%dma_start3A_167 : memref<10240x16xf32, #tpu.memory_space<vmem_shared>>) offsets(%dma_start3A_164 : memref<128xi32, #tpu.memory_space<vmem>>) semaphore(%arg11 : memref<!tpu.dma_semaphore, #tpu.memory_space<semaphore_mem>>) {add = true}
      %mul3A_168 = arith.constant 5 : i32
      %mul3A_169 = arith.muli %mul3A_56, %mul3A_168 : i32
      %add3A_170 = arith.constant 0 : i32
      %add3A_171 = arith.addi %mul3A_169, %add3A_170 : i32
      %dma_wait3A_172 = arith.constant 0 : i32
      %dma_wait3A_173 = tpu.memref_slice %arg6[%add3A_171, %dma_wait3A_172] : memref<80x128xi32, #tpu.memory_space<vmem>> -> memref<1x128xi32, #tpu.memory_space<vmem>>
      %dma_wait3A_174 = tpu.memref_squeeze %dma_wait3A_173 : memref<1x128xi32, #tpu.memory_space<vmem>> -> memref<128xi32, #tpu.memory_space<vmem>>
      %dma_wait3A_175 = arith.constant 0 : i32
      %dma_wait3A_176 = arith.constant 0 : i32
      %dma_wait3A_177 = tpu.memref_slice %arg9[%dma_wait3A_175, %dma_wait3A_176] : memref<10240x16xf32, #tpu.memory_space<vmem_shared>> -> memref<10240x16xf32, #tpu.memory_space<vmem_shared>>
      tpu.wait_indirect_dma semaphore(%arg10 : memref<!tpu.dma_semaphore, #tpu.memory_space<semaphore_mem>>) src(%arg7 : memref<128x16xf32, #tpu.memory_space<vmem>>) dst(%dma_wait3A_177 : memref<10240x16xf32, #tpu.memory_space<vmem_shared>>)
      %mul3A_178 = arith.constant 5 : i32
      %mul3A_179 = arith.muli %mul3A_56, %mul3A_178 : i32
      %add3A_180 = arith.constant 1 : i32
      %add3A_181 = arith.addi %mul3A_179, %add3A_180 : i32
      %dma_wait3A_182 = arith.constant 0 : i32
      %dma_wait3A_183 = tpu.memref_slice %arg6[%add3A_181, %dma_wait3A_182] : memref<80x128xi32, #tpu.memory_space<vmem>> -> memref<1x128xi32, #tpu.memory_space<vmem>>
      %dma_wait3A_184 = tpu.memref_squeeze %dma_wait3A_183 : memref<1x128xi32, #tpu.memory_space<vmem>> -> memref<128xi32, #tpu.memory_space<vmem>>
      %dma_wait3A_185 = arith.constant 0 : i32
      %dma_wait3A_186 = arith.constant 0 : i32
      %dma_wait3A_187 = tpu.memref_slice %arg9[%dma_wait3A_185, %dma_wait3A_186] : memref<10240x16xf32, #tpu.memory_space<vmem_shared>> -> memref<10240x16xf32, #tpu.memory_space<vmem_shared>>
      tpu.wait_indirect_dma semaphore(%arg10 : memref<!tpu.dma_semaphore, #tpu.memory_space<semaphore_mem>>) src(%arg7 : memref<128x16xf32, #tpu.memory_space<vmem>>) dst(%dma_wait3A_187 : memref<10240x16xf32, #tpu.memory_space<vmem_shared>>)
      %mul3A_188 = arith.constant 5 : i32
      %mul3A_189 = arith.muli %mul3A_56, %mul3A_188 : i32
      %add3A_190 = arith.constant 2 : i32
      %add3A_191 = arith.addi %mul3A_189, %add3A_190 : i32
      %dma_wait3A_192 = arith.constant 0 : i32
      %dma_wait3A_193 = tpu.memref_slice %arg6[%add3A_191, %dma_wait3A_192] : memref<80x128xi32, #tpu.memory_space<vmem>> -> memref<1x128xi32, #tpu.memory_space<vmem>>
      %dma_wait3A_194 = tpu.memref_squeeze %dma_wait3A_193 : memref<1x128xi32, #tpu.memory_space<vmem>> -> memref<128xi32, #tpu.memory_space<vmem>>
      %dma_wait3A_195 = arith.constant 0 : i32
      %dma_wait3A_196 = arith.constant 0 : i32
      %dma_wait3A_197 = tpu.memref_slice %arg9[%dma_wait3A_195, %dma_wait3A_196] : memref<10240x16xf32, #tpu.memory_space<vmem_shared>> -> memref<10240x16xf32, #tpu.memory_space<vmem_shared>>
      tpu.wait_indirect_dma semaphore(%arg10 : memref<!tpu.dma_semaphore, #tpu.memory_space<semaphore_mem>>) src(%arg7 : memref<128x16xf32, #tpu.memory_space<vmem>>) dst(%dma_wait3A_197 : memref<10240x16xf32, #tpu.memory_space<vmem_shared>>)
      %mul3A_198 = arith.constant 5 : i32
      %mul3A_199 = arith.muli %mul3A_56, %mul3A_198 : i32
      %add3A_200 = arith.constant 3 : i32
      %add3A_201 = arith.addi %mul3A_199, %add3A_200 : i32
      %dma_wait3A_202 = arith.constant 0 : i32
      %dma_wait3A_203 = tpu.memref_slice %arg6[%add3A_201, %dma_wait3A_202] : memref<80x128xi32, #tpu.memory_space<vmem>> -> memref<1x128xi32, #tpu.memory_space<vmem>>
      %dma_wait3A_204 = tpu.memref_squeeze %dma_wait3A_203 : memref<1x128xi32, #tpu.memory_space<vmem>> -> memref<128xi32, #tpu.memory_space<vmem>>
      %dma_wait3A_205 = arith.constant 0 : i32
      %dma_wait3A_206 = arith.constant 0 : i32
      %dma_wait3A_207 = tpu.memref_slice %arg9[%dma_wait3A_205, %dma_wait3A_206] : memref<10240x16xf32, #tpu.memory_space<vmem_shared>> -> memref<10240x16xf32, #tpu.memory_space<vmem_shared>>
      tpu.wait_indirect_dma semaphore(%arg10 : memref<!tpu.dma_semaphore, #tpu.memory_space<semaphore_mem>>) src(%arg7 : memref<128x16xf32, #tpu.memory_space<vmem>>) dst(%dma_wait3A_207 : memref<10240x16xf32, #tpu.memory_space<vmem_shared>>)
      %mul3A_208 = arith.constant 5 : i32
      %mul3A_209 = arith.muli %mul3A_56, %mul3A_208 : i32
      %add3A_210 = arith.constant 4 : i32
      %add3A_211 = arith.addi %mul3A_209, %add3A_210 : i32
      %dma_wait3A_212 = arith.constant 0 : i32
      %dma_wait3A_213 = tpu.memref_slice %arg6[%add3A_211, %dma_wait3A_212] : memref<80x128xi32, #tpu.memory_space<vmem>> -> memref<1x128xi32, #tpu.memory_space<vmem>>
      %dma_wait3A_214 = tpu.memref_squeeze %dma_wait3A_213 : memref<1x128xi32, #tpu.memory_space<vmem>> -> memref<128xi32, #tpu.memory_space<vmem>>
      %dma_wait3A_215 = arith.constant 0 : i32
      %dma_wait3A_216 = arith.constant 0 : i32
      %dma_wait3A_217 = tpu.memref_slice %arg9[%dma_wait3A_215, %dma_wait3A_216] : memref<10240x16xf32, #tpu.memory_space<vmem_shared>> -> memref<10240x16xf32, #tpu.memory_space<vmem_shared>>
      tpu.wait_indirect_dma semaphore(%arg10 : memref<!tpu.dma_semaphore, #tpu.memory_space<semaphore_mem>>) src(%arg7 : memref<128x16xf32, #tpu.memory_space<vmem>>) dst(%dma_wait3A_217 : memref<10240x16xf32, #tpu.memory_space<vmem_shared>>)
    }
    %scan3A_11 = arith.constant 8 : i32
    %dma_wait3A = arith.constant 75 : i32
    %dma_wait3A_12 = arith.constant 0 : i32
    %dma_wait3A_13 = tpu.memref_slice %arg6[%dma_wait3A, %dma_wait3A_12] : memref<80x128xi32, #tpu.memory_space<vmem>> -> memref<1x128xi32, #tpu.memory_space<vmem>>
    %dma_wait3A_14 = tpu.memref_squeeze %dma_wait3A_13 : memref<1x128xi32, #tpu.memory_space<vmem>> -> memref<128xi32, #tpu.memory_space<vmem>>
    %dma_wait3A_15 = arith.constant 0 : i32
    %dma_wait3A_16 = arith.constant 0 : i32
    %dma_wait3A_17 = tpu.memref_slice %arg9[%dma_wait3A_15, %dma_wait3A_16] : memref<10240x16xf32, #tpu.memory_space<vmem_shared>> -> memref<10240x16xf32, #tpu.memory_space<vmem_shared>>
    tpu.wait_indirect_dma semaphore(%arg11 : memref<!tpu.dma_semaphore, #tpu.memory_space<semaphore_mem>>) src(%arg7 : memref<128x16xf32, #tpu.memory_space<vmem>>) dst(%dma_wait3A_17 : memref<10240x16xf32, #tpu.memory_space<vmem_shared>>)
    %dma_wait3A_18 = arith.constant 76 : i32
    %dma_wait3A_19 = arith.constant 0 : i32
    %dma_wait3A_20 = tpu.memref_slice %arg6[%dma_wait3A_18, %dma_wait3A_19] : memref<80x128xi32, #tpu.memory_space<vmem>> -> memref<1x128xi32, #tpu.memory_space<vmem>>
    %dma_wait3A_21 = tpu.memref_squeeze %dma_wait3A_20 : memref<1x128xi32, #tpu.memory_space<vmem>> -> memref<128xi32, #tpu.memory_space<vmem>>
    %dma_wait3A_22 = arith.constant 0 : i32
    %dma_wait3A_23 = arith.constant 0 : i32
    %dma_wait3A_24 = tpu.memref_slice %arg9[%dma_wait3A_22, %dma_wait3A_23] : memref<10240x16xf32, #tpu.memory_space<vmem_shared>> -> memref<10240x16xf32, #tpu.memory_space<vmem_shared>>
    tpu.wait_indirect_dma semaphore(%arg11 : memref<!tpu.dma_semaphore, #tpu.memory_space<semaphore_mem>>) src(%arg7 : memref<128x16xf32, #tpu.memory_space<vmem>>) dst(%dma_wait3A_24 : memref<10240x16xf32, #tpu.memory_space<vmem_shared>>)
    %dma_wait3A_25 = arith.constant 77 : i32
    %dma_wait3A_26 = arith.constant 0 : i32
    %dma_wait3A_27 = tpu.memref_slice %arg6[%dma_wait3A_25, %dma_wait3A_26] : memref<80x128xi32, #tpu.memory_space<vmem>> -> memref<1x128xi32, #tpu.memory_space<vmem>>
    %dma_wait3A_28 = tpu.memref_squeeze %dma_wait3A_27 : memref<1x128xi32, #tpu.memory_space<vmem>> -> memref<128xi32, #tpu.memory_space<vmem>>
    %dma_wait3A_29 = arith.constant 0 : i32
    %dma_wait3A_30 = arith.constant 0 : i32
    %dma_wait3A_31 = tpu.memref_slice %arg9[%dma_wait3A_29, %dma_wait3A_30] : memref<10240x16xf32, #tpu.memory_space<vmem_shared>> -> memref<10240x16xf32, #tpu.memory_space<vmem_shared>>
    tpu.wait_indirect_dma semaphore(%arg11 : memref<!tpu.dma_semaphore, #tpu.memory_space<semaphore_mem>>) src(%arg7 : memref<128x16xf32, #tpu.memory_space<vmem>>) dst(%dma_wait3A_31 : memref<10240x16xf32, #tpu.memory_space<vmem_shared>>)
    %dma_wait3A_32 = arith.constant 78 : i32
    %dma_wait3A_33 = arith.constant 0 : i32
    %dma_wait3A_34 = tpu.memref_slice %arg6[%dma_wait3A_32, %dma_wait3A_33] : memref<80x128xi32, #tpu.memory_space<vmem>> -> memref<1x128xi32, #tpu.memory_space<vmem>>
    %dma_wait3A_35 = tpu.memref_squeeze %dma_wait3A_34 : memref<1x128xi32, #tpu.memory_space<vmem>> -> memref<128xi32, #tpu.memory_space<vmem>>
    %dma_wait3A_36 = arith.constant 0 : i32
    %dma_wait3A_37 = arith.constant 0 : i32
    %dma_wait3A_38 = tpu.memref_slice %arg9[%dma_wait3A_36, %dma_wait3A_37] : memref<10240x16xf32, #tpu.memory_space<vmem_shared>> -> memref<10240x16xf32, #tpu.memory_space<vmem_shared>>
    tpu.wait_indirect_dma semaphore(%arg11 : memref<!tpu.dma_semaphore, #tpu.memory_space<semaphore_mem>>) src(%arg7 : memref<128x16xf32, #tpu.memory_space<vmem>>) dst(%dma_wait3A_38 : memref<10240x16xf32, #tpu.memory_space<vmem_shared>>)
    %dma_wait3A_39 = arith.constant 79 : i32
    %dma_wait3A_40 = arith.constant 0 : i32
    %dma_wait3A_41 = tpu.memref_slice %arg6[%dma_wait3A_39, %dma_wait3A_40] : memref<80x128xi32, #tpu.memory_space<vmem>> -> memref<1x128xi32, #tpu.memory_space<vmem>>
    %dma_wait3A_42 = tpu.memref_squeeze %dma_wait3A_41 : memref<1x128xi32, #tpu.memory_space<vmem>> -> memref<128xi32, #tpu.memory_space<vmem>>
    %dma_wait3A_43 = arith.constant 0 : i32
    %dma_wait3A_44 = arith.constant 0 : i32
    %dma_wait3A_45 = tpu.memref_slice %arg9[%dma_wait3A_43, %dma_wait3A_44] : memref<10240x16xf32, #tpu.memory_space<vmem_shared>> -> memref<10240x16xf32, #tpu.memory_space<vmem_shared>>
    tpu.wait_indirect_dma semaphore(%arg11 : memref<!tpu.dma_semaphore, #tpu.memory_space<semaphore_mem>>) src(%arg7 : memref<128x16xf32, #tpu.memory_space<vmem>>) dst(%dma_wait3A_45 : memref<10240x16xf32, #tpu.memory_space<vmem_shared>>)
    %barrier3A_46 = arith.constant 0 : index
    tpu.barrier barrier_id(%barrier3A_46)
    %mul3A_47 = arith.constant 640 : i32
    %mul3A_48 = arith.muli %arg1, %mul3A_47 : i32
    "tpu.region"() ({
      %run_scoped3A = tpu.sem_alloc : memref<!tpu.dma_semaphore, #tpu.memory_space<semaphore_mem>>
      %dma_start3A = arith.constant 0 : i32
      %dma_start3A_54 = tpu.memref_slice %arg9[%mul3A_48, %dma_start3A] : memref<10240x16xf32, #tpu.memory_space<vmem_shared>> -> memref<640x16xf32, #tpu.memory_space<vmem_shared>>
      %dma_start3A_55 = arith.constant 0 : i32
      %dma_start3A_56 = tpu.memref_slice %arg9[%mul3A_48, %dma_start3A_55] : memref<10240x16xf32, #tpu.memory_space<vmem_shared>> -> memref<640x16xf32, #tpu.memory_space<vmem_shared>>
      tpu.enqueue_dma source(%dma_start3A_56 : memref<640x16xf32, #tpu.memory_space<vmem_shared>>) target(%arg8 : memref<640x16xf32, #tpu.memory_space<vmem>>) target_semaphore(%run_scoped3A : memref<!tpu.dma_semaphore, #tpu.memory_space<semaphore_mem>>)
      %dma_wait3A_57 = arith.constant 0 : i32
      %dma_wait3A_58 = tpu.memref_slice %arg9[%mul3A_48, %dma_wait3A_57] : memref<10240x16xf32, #tpu.memory_space<vmem_shared>> -> memref<640x16xf32, #tpu.memory_space<vmem_shared>>
      %dma_wait3A_59 = arith.constant 0 : i32
      %dma_wait3A_60 = tpu.memref_slice %arg9[%mul3A_48, %dma_wait3A_59] : memref<10240x16xf32, #tpu.memory_space<vmem_shared>> -> memref<640x16xf32, #tpu.memory_space<vmem_shared>>
      tpu.wait_dma2 semaphore(%run_scoped3A : memref<!tpu.dma_semaphore, #tpu.memory_space<semaphore_mem>>) src(%dma_wait3A_60 : memref<640x16xf32, #tpu.memory_space<vmem_shared>>) dst(%arg8 : memref<640x16xf32, #tpu.memory_space<vmem>>)
      tpu.yield
    }) : () -> ()
    %mul3A_49 = arith.constant 10240 : i32
    %mul3A_50 = arith.muli %arg0, %mul3A_49 : i32
    %mul3A_51 = arith.constant 640 : i32
    %mul3A_52 = arith.muli %arg1, %mul3A_51 : i32
    %add3A_53 = arith.addi %mul3A_50, %mul3A_52 : i32
    "tpu.region"() ({
      %run_scoped3A = tpu.sem_alloc : memref<!tpu.dma_semaphore, #tpu.memory_space<semaphore_mem>>
      %dma_start3A = arith.constant 0 : i32
      %dma_start3A_54 = tpu.memref_slice %arg5[%add3A_53, %dma_start3A] : memref<20480x16xf32, #tpu.memory_space<hbm>> -> memref<640x16xf32, #tpu.memory_space<hbm>>
      %dma_start3A_55 = arith.constant 0 : i32
      %dma_start3A_56 = tpu.memref_slice %arg5[%add3A_53, %dma_start3A_55] : memref<20480x16xf32, #tpu.memory_space<hbm>> -> memref<640x16xf32, #tpu.memory_space<hbm>>
      tpu.enqueue_dma source(%arg8 : memref<640x16xf32, #tpu.memory_space<vmem>>) target(%dma_start3A_56 : memref<640x16xf32, #tpu.memory_space<hbm>>) target_semaphore(%run_scoped3A : memref<!tpu.dma_semaphore, #tpu.memory_space<semaphore_mem>>)
      %dma_wait3A_57 = arith.constant 0 : i32
      %dma_wait3A_58 = tpu.memref_slice %arg5[%add3A_53, %dma_wait3A_57] : memref<20480x16xf32, #tpu.memory_space<hbm>> -> memref<640x16xf32, #tpu.memory_space<hbm>>
      %dma_wait3A_59 = arith.constant 0 : i32
      %dma_wait3A_60 = tpu.memref_slice %arg5[%add3A_53, %dma_wait3A_59] : memref<20480x16xf32, #tpu.memory_space<hbm>> -> memref<640x16xf32, #tpu.memory_space<hbm>>
      tpu.wait_dma2 semaphore(%run_scoped3A : memref<!tpu.dma_semaphore, #tpu.memory_space<semaphore_mem>>) src(%arg8 : memref<640x16xf32, #tpu.memory_space<vmem>>) dst(%dma_wait3A_60 : memref<640x16xf32, #tpu.memory_space<hbm>>)
      tpu.yield
    }) : () -> ()
    return
  }
}

#map = affine_map<(d0, d1) -> (0, 0)>
module attributes {stable_mosaic.version = 14 : i64} {
  func.func @agg_k(%arg0: i32, %arg1: i32, %arg2: memref<5120x128xi32, #tpu.memory_space<hbm>>, %arg3: memref<2560x128xi32, #tpu.memory_space<hbm>>, %arg4: memref<20480x64xf32, #tpu.memory_space<hbm>>, %arg5: memref<20480x64xf32, #tpu.memory_space<hbm>>, %arg6: memref<160x128xi32, #tpu.memory_space<vmem>>, %arg7: memref<160x128xi32, #tpu.memory_space<vmem>>, %arg8: memref<4x128x64xf32, #tpu.memory_space<vmem>>, %arg9: memref<160x64xf32, #tpu.memory_space<vmem>>, %arg10: memref<10240x64xf32, #tpu.memory_space<vmem_shared>>, %arg11: memref<!tpu.dma_semaphore, #tpu.memory_space<semaphore_mem>>, %arg12: memref<!tpu.dma_semaphore, #tpu.memory_space<semaphore_mem>>, %arg13: memref<!tpu.dma_semaphore, #tpu.memory_space<semaphore_mem>>, %arg14: memref<!tpu.dma_semaphore, #tpu.memory_space<semaphore_mem>>) attributes {dimension_semantics = [#tpu.dimension_semantics<core_parallel>, #tpu.dimension_semantics<subcore_parallel>], iteration_bounds = array<i64: 2, 16>, scalar_prefetch = 0 : i64, scratch_operands = 9 : i64, tpu.core_type = #tpu.core_type<sc_vector_subcore>, window_params = [{transform_indices = #map}, {transform_indices = #map}, {transform_indices = #map}, {transform_indices = #map}]} {
    %mul3A = arith.constant 2560 : i32
    %mul3A_0 = arith.muli %arg0, %mul3A : i32
    %mul3A_1 = arith.constant 160 : i32
    %mul3A_2 = arith.muli %arg1, %mul3A_1 : i32
    %add3A = arith.addi %mul3A_0, %mul3A_2 : i32
    %mul3A_3 = arith.constant 160 : i32
    %mul3A_4 = arith.muli %arg1, %mul3A_3 : i32
    "tpu.region"() ({
      %run_scoped3A = tpu.sem_alloc : memref<!tpu.dma_semaphore, #tpu.memory_space<semaphore_mem>>
      %dma_start3A_113 = arith.constant 0 : i32
      %dma_start3A_114 = tpu.memref_slice %arg2[%add3A, %dma_start3A_113] : memref<5120x128xi32, #tpu.memory_space<hbm>> -> memref<160x128xi32, #tpu.memory_space<hbm>>
      %dma_start3A_115 = arith.constant 0 : i32
      %dma_start3A_116 = tpu.memref_slice %arg2[%add3A, %dma_start3A_115] : memref<5120x128xi32, #tpu.memory_space<hbm>> -> memref<160x128xi32, #tpu.memory_space<hbm>>
      tpu.enqueue_dma source(%dma_start3A_116 : memref<160x128xi32, #tpu.memory_space<hbm>>) target(%arg6 : memref<160x128xi32, #tpu.memory_space<vmem>>) target_semaphore(%run_scoped3A : memref<!tpu.dma_semaphore, #tpu.memory_space<semaphore_mem>>)
      %dma_wait3A_117 = arith.constant 0 : i32
      %dma_wait3A_118 = tpu.memref_slice %arg2[%add3A, %dma_wait3A_117] : memref<5120x128xi32, #tpu.memory_space<hbm>> -> memref<160x128xi32, #tpu.memory_space<hbm>>
      %dma_wait3A_119 = arith.constant 0 : i32
      %dma_wait3A_120 = tpu.memref_slice %arg2[%add3A, %dma_wait3A_119] : memref<5120x128xi32, #tpu.memory_space<hbm>> -> memref<160x128xi32, #tpu.memory_space<hbm>>
      tpu.wait_dma2 semaphore(%run_scoped3A : memref<!tpu.dma_semaphore, #tpu.memory_space<semaphore_mem>>) src(%dma_wait3A_120 : memref<160x128xi32, #tpu.memory_space<hbm>>) dst(%arg6 : memref<160x128xi32, #tpu.memory_space<vmem>>)
      tpu.yield
    }) : () -> ()
    "tpu.region"() ({
      %run_scoped3A = tpu.sem_alloc : memref<!tpu.dma_semaphore, #tpu.memory_space<semaphore_mem>>
      %dma_start3A_113 = arith.constant 0 : i32
      %dma_start3A_114 = tpu.memref_slice %arg3[%mul3A_4, %dma_start3A_113] : memref<2560x128xi32, #tpu.memory_space<hbm>> -> memref<160x128xi32, #tpu.memory_space<hbm>>
      %dma_start3A_115 = arith.constant 0 : i32
      %dma_start3A_116 = tpu.memref_slice %arg3[%mul3A_4, %dma_start3A_115] : memref<2560x128xi32, #tpu.memory_space<hbm>> -> memref<160x128xi32, #tpu.memory_space<hbm>>
      tpu.enqueue_dma source(%dma_start3A_116 : memref<160x128xi32, #tpu.memory_space<hbm>>) target(%arg7 : memref<160x128xi32, #tpu.memory_space<vmem>>) target_semaphore(%run_scoped3A : memref<!tpu.dma_semaphore, #tpu.memory_space<semaphore_mem>>)
      %dma_wait3A_117 = arith.constant 0 : i32
      %dma_wait3A_118 = tpu.memref_slice %arg3[%mul3A_4, %dma_wait3A_117] : memref<2560x128xi32, #tpu.memory_space<hbm>> -> memref<160x128xi32, #tpu.memory_space<hbm>>
      %dma_wait3A_119 = arith.constant 0 : i32
      %dma_wait3A_120 = tpu.memref_slice %arg3[%mul3A_4, %dma_wait3A_119] : memref<2560x128xi32, #tpu.memory_space<hbm>> -> memref<160x128xi32, #tpu.memory_space<hbm>>
      tpu.wait_dma2 semaphore(%run_scoped3A : memref<!tpu.dma_semaphore, #tpu.memory_space<semaphore_mem>>) src(%dma_wait3A_120 : memref<160x128xi32, #tpu.memory_space<hbm>>) dst(%arg7 : memref<160x128xi32, #tpu.memory_space<vmem>>)
      tpu.yield
    }) : () -> ()
    %mul3A_5 = arith.constant 640 : i32
    %mul3A_6 = arith.muli %arg1, %mul3A_5 : i32
    %add3A_7 = arith.constant 0 : i32
    %add3A_8 = arith.addi %mul3A_6, %add3A_7 : i32
    %mul3A_9 = arith.constant 10240 : i32
    %mul3A_10 = arith.muli %arg0, %mul3A_9 : i32
    %add3A_11 = arith.addi %mul3A_10, %add3A_8 : i32
    "tpu.region"() ({
      %run_scoped3A = tpu.sem_alloc : memref<!tpu.dma_semaphore, #tpu.memory_space<semaphore_mem>>
      %dma_start3A_113 = arith.constant 0 : i32
      %dma_start3A_114 = tpu.memref_slice %arg4[%add3A_11, %dma_start3A_113] : memref<20480x64xf32, #tpu.memory_space<hbm>> -> memref<160x64xf32, #tpu.memory_space<hbm>>
      %dma_start3A_115 = arith.constant 0 : i32
      %dma_start3A_116 = tpu.memref_slice %arg4[%add3A_11, %dma_start3A_115] : memref<20480x64xf32, #tpu.memory_space<hbm>> -> memref<160x64xf32, #tpu.memory_space<hbm>>
      tpu.enqueue_dma source(%dma_start3A_116 : memref<160x64xf32, #tpu.memory_space<hbm>>) target(%arg9 : memref<160x64xf32, #tpu.memory_space<vmem>>) target_semaphore(%run_scoped3A : memref<!tpu.dma_semaphore, #tpu.memory_space<semaphore_mem>>)
      %dma_wait3A_117 = arith.constant 0 : i32
      %dma_wait3A_118 = tpu.memref_slice %arg4[%add3A_11, %dma_wait3A_117] : memref<20480x64xf32, #tpu.memory_space<hbm>> -> memref<160x64xf32, #tpu.memory_space<hbm>>
      %dma_wait3A_119 = arith.constant 0 : i32
      %dma_wait3A_120 = tpu.memref_slice %arg4[%add3A_11, %dma_wait3A_119] : memref<20480x64xf32, #tpu.memory_space<hbm>> -> memref<160x64xf32, #tpu.memory_space<hbm>>
      tpu.wait_dma2 semaphore(%run_scoped3A : memref<!tpu.dma_semaphore, #tpu.memory_space<semaphore_mem>>) src(%dma_wait3A_120 : memref<160x64xf32, #tpu.memory_space<hbm>>) dst(%arg9 : memref<160x64xf32, #tpu.memory_space<vmem>>)
      tpu.yield
    }) : () -> ()
    "tpu.region"() ({
      %run_scoped3A = tpu.sem_alloc : memref<!tpu.dma_semaphore, #tpu.memory_space<semaphore_mem>>
      %dma_start3A_113 = arith.constant 0 : i32
      %dma_start3A_114 = tpu.memref_slice %arg10[%add3A_8, %dma_start3A_113] : memref<10240x64xf32, #tpu.memory_space<vmem_shared>> -> memref<160x64xf32, #tpu.memory_space<vmem_shared>>
      %dma_start3A_115 = arith.constant 0 : i32
      %dma_start3A_116 = tpu.memref_slice %arg10[%add3A_8, %dma_start3A_115] : memref<10240x64xf32, #tpu.memory_space<vmem_shared>> -> memref<160x64xf32, #tpu.memory_space<vmem_shared>>
      tpu.enqueue_dma source(%arg9 : memref<160x64xf32, #tpu.memory_space<vmem>>) target(%dma_start3A_116 : memref<160x64xf32, #tpu.memory_space<vmem_shared>>) target_semaphore(%run_scoped3A : memref<!tpu.dma_semaphore, #tpu.memory_space<semaphore_mem>>)
      %dma_wait3A_117 = arith.constant 0 : i32
      %dma_wait3A_118 = tpu.memref_slice %arg10[%add3A_8, %dma_wait3A_117] : memref<10240x64xf32, #tpu.memory_space<vmem_shared>> -> memref<160x64xf32, #tpu.memory_space<vmem_shared>>
      %dma_wait3A_119 = arith.constant 0 : i32
      %dma_wait3A_120 = tpu.memref_slice %arg10[%add3A_8, %dma_wait3A_119] : memref<10240x64xf32, #tpu.memory_space<vmem_shared>> -> memref<160x64xf32, #tpu.memory_space<vmem_shared>>
      tpu.wait_dma2 semaphore(%run_scoped3A : memref<!tpu.dma_semaphore, #tpu.memory_space<semaphore_mem>>) src(%arg9 : memref<160x64xf32, #tpu.memory_space<vmem>>) dst(%dma_wait3A_120 : memref<160x64xf32, #tpu.memory_space<vmem_shared>>)
      tpu.yield
    }) : () -> ()
    %mul3A_12 = arith.constant 640 : i32
    %mul3A_13 = arith.muli %arg1, %mul3A_12 : i32
    %add3A_14 = arith.constant 160 : i32
    %add3A_15 = arith.addi %mul3A_13, %add3A_14 : i32
    %mul3A_16 = arith.constant 10240 : i32
    %mul3A_17 = arith.muli %arg0, %mul3A_16 : i32
    %add3A_18 = arith.addi %mul3A_17, %add3A_15 : i32
    "tpu.region"() ({
      %run_scoped3A = tpu.sem_alloc : memref<!tpu.dma_semaphore, #tpu.memory_space<semaphore_mem>>
      %dma_start3A_113 = arith.constant 0 : i32
      %dma_start3A_114 = tpu.memref_slice %arg4[%add3A_18, %dma_start3A_113] : memref<20480x64xf32, #tpu.memory_space<hbm>> -> memref<160x64xf32, #tpu.memory_space<hbm>>
      %dma_start3A_115 = arith.constant 0 : i32
      %dma_start3A_116 = tpu.memref_slice %arg4[%add3A_18, %dma_start3A_115] : memref<20480x64xf32, #tpu.memory_space<hbm>> -> memref<160x64xf32, #tpu.memory_space<hbm>>
      tpu.enqueue_dma source(%dma_start3A_116 : memref<160x64xf32, #tpu.memory_space<hbm>>) target(%arg9 : memref<160x64xf32, #tpu.memory_space<vmem>>) target_semaphore(%run_scoped3A : memref<!tpu.dma_semaphore, #tpu.memory_space<semaphore_mem>>)
      %dma_wait3A_117 = arith.constant 0 : i32
      %dma_wait3A_118 = tpu.memref_slice %arg4[%add3A_18, %dma_wait3A_117] : memref<20480x64xf32, #tpu.memory_space<hbm>> -> memref<160x64xf32, #tpu.memory_space<hbm>>
      %dma_wait3A_119 = arith.constant 0 : i32
      %dma_wait3A_120 = tpu.memref_slice %arg4[%add3A_18, %dma_wait3A_119] : memref<20480x64xf32, #tpu.memory_space<hbm>> -> memref<160x64xf32, #tpu.memory_space<hbm>>
      tpu.wait_dma2 semaphore(%run_scoped3A : memref<!tpu.dma_semaphore, #tpu.memory_space<semaphore_mem>>) src(%dma_wait3A_120 : memref<160x64xf32, #tpu.memory_space<hbm>>) dst(%arg9 : memref<160x64xf32, #tpu.memory_space<vmem>>)
      tpu.yield
    }) : () -> ()
    "tpu.region"() ({
      %run_scoped3A = tpu.sem_alloc : memref<!tpu.dma_semaphore, #tpu.memory_space<semaphore_mem>>
      %dma_start3A_113 = arith.constant 0 : i32
      %dma_start3A_114 = tpu.memref_slice %arg10[%add3A_15, %dma_start3A_113] : memref<10240x64xf32, #tpu.memory_space<vmem_shared>> -> memref<160x64xf32, #tpu.memory_space<vmem_shared>>
      %dma_start3A_115 = arith.constant 0 : i32
      %dma_start3A_116 = tpu.memref_slice %arg10[%add3A_15, %dma_start3A_115] : memref<10240x64xf32, #tpu.memory_space<vmem_shared>> -> memref<160x64xf32, #tpu.memory_space<vmem_shared>>
      tpu.enqueue_dma source(%arg9 : memref<160x64xf32, #tpu.memory_space<vmem>>) target(%dma_start3A_116 : memref<160x64xf32, #tpu.memory_space<vmem_shared>>) target_semaphore(%run_scoped3A : memref<!tpu.dma_semaphore, #tpu.memory_space<semaphore_mem>>)
      %dma_wait3A_117 = arith.constant 0 : i32
      %dma_wait3A_118 = tpu.memref_slice %arg10[%add3A_15, %dma_wait3A_117] : memref<10240x64xf32, #tpu.memory_space<vmem_shared>> -> memref<160x64xf32, #tpu.memory_space<vmem_shared>>
      %dma_wait3A_119 = arith.constant 0 : i32
      %dma_wait3A_120 = tpu.memref_slice %arg10[%add3A_15, %dma_wait3A_119] : memref<10240x64xf32, #tpu.memory_space<vmem_shared>> -> memref<160x64xf32, #tpu.memory_space<vmem_shared>>
      tpu.wait_dma2 semaphore(%run_scoped3A : memref<!tpu.dma_semaphore, #tpu.memory_space<semaphore_mem>>) src(%arg9 : memref<160x64xf32, #tpu.memory_space<vmem>>) dst(%dma_wait3A_120 : memref<160x64xf32, #tpu.memory_space<vmem_shared>>)
      tpu.yield
    }) : () -> ()
    %mul3A_19 = arith.constant 640 : i32
    %mul3A_20 = arith.muli %arg1, %mul3A_19 : i32
    %add3A_21 = arith.constant 320 : i32
    %add3A_22 = arith.addi %mul3A_20, %add3A_21 : i32
    %mul3A_23 = arith.constant 10240 : i32
    %mul3A_24 = arith.muli %arg0, %mul3A_23 : i32
    %add3A_25 = arith.addi %mul3A_24, %add3A_22 : i32
    "tpu.region"() ({
      %run_scoped3A = tpu.sem_alloc : memref<!tpu.dma_semaphore, #tpu.memory_space<semaphore_mem>>
      %dma_start3A_113 = arith.constant 0 : i32
      %dma_start3A_114 = tpu.memref_slice %arg4[%add3A_25, %dma_start3A_113] : memref<20480x64xf32, #tpu.memory_space<hbm>> -> memref<160x64xf32, #tpu.memory_space<hbm>>
      %dma_start3A_115 = arith.constant 0 : i32
      %dma_start3A_116 = tpu.memref_slice %arg4[%add3A_25, %dma_start3A_115] : memref<20480x64xf32, #tpu.memory_space<hbm>> -> memref<160x64xf32, #tpu.memory_space<hbm>>
      tpu.enqueue_dma source(%dma_start3A_116 : memref<160x64xf32, #tpu.memory_space<hbm>>) target(%arg9 : memref<160x64xf32, #tpu.memory_space<vmem>>) target_semaphore(%run_scoped3A : memref<!tpu.dma_semaphore, #tpu.memory_space<semaphore_mem>>)
      %dma_wait3A_117 = arith.constant 0 : i32
      %dma_wait3A_118 = tpu.memref_slice %arg4[%add3A_25, %dma_wait3A_117] : memref<20480x64xf32, #tpu.memory_space<hbm>> -> memref<160x64xf32, #tpu.memory_space<hbm>>
      %dma_wait3A_119 = arith.constant 0 : i32
      %dma_wait3A_120 = tpu.memref_slice %arg4[%add3A_25, %dma_wait3A_119] : memref<20480x64xf32, #tpu.memory_space<hbm>> -> memref<160x64xf32, #tpu.memory_space<hbm>>
      tpu.wait_dma2 semaphore(%run_scoped3A : memref<!tpu.dma_semaphore, #tpu.memory_space<semaphore_mem>>) src(%dma_wait3A_120 : memref<160x64xf32, #tpu.memory_space<hbm>>) dst(%arg9 : memref<160x64xf32, #tpu.memory_space<vmem>>)
      tpu.yield
    }) : () -> ()
    "tpu.region"() ({
      %run_scoped3A = tpu.sem_alloc : memref<!tpu.dma_semaphore, #tpu.memory_space<semaphore_mem>>
      %dma_start3A_113 = arith.constant 0 : i32
      %dma_start3A_114 = tpu.memref_slice %arg10[%add3A_22, %dma_start3A_113] : memref<10240x64xf32, #tpu.memory_space<vmem_shared>> -> memref<160x64xf32, #tpu.memory_space<vmem_shared>>
      %dma_start3A_115 = arith.constant 0 : i32
      %dma_start3A_116 = tpu.memref_slice %arg10[%add3A_22, %dma_start3A_115] : memref<10240x64xf32, #tpu.memory_space<vmem_shared>> -> memref<160x64xf32, #tpu.memory_space<vmem_shared>>
      tpu.enqueue_dma source(%arg9 : memref<160x64xf32, #tpu.memory_space<vmem>>) target(%dma_start3A_116 : memref<160x64xf32, #tpu.memory_space<vmem_shared>>) target_semaphore(%run_scoped3A : memref<!tpu.dma_semaphore, #tpu.memory_space<semaphore_mem>>)
      %dma_wait3A_117 = arith.constant 0 : i32
      %dma_wait3A_118 = tpu.memref_slice %arg10[%add3A_22, %dma_wait3A_117] : memref<10240x64xf32, #tpu.memory_space<vmem_shared>> -> memref<160x64xf32, #tpu.memory_space<vmem_shared>>
      %dma_wait3A_119 = arith.constant 0 : i32
      %dma_wait3A_120 = tpu.memref_slice %arg10[%add3A_22, %dma_wait3A_119] : memref<10240x64xf32, #tpu.memory_space<vmem_shared>> -> memref<160x64xf32, #tpu.memory_space<vmem_shared>>
      tpu.wait_dma2 semaphore(%run_scoped3A : memref<!tpu.dma_semaphore, #tpu.memory_space<semaphore_mem>>) src(%arg9 : memref<160x64xf32, #tpu.memory_space<vmem>>) dst(%dma_wait3A_120 : memref<160x64xf32, #tpu.memory_space<vmem_shared>>)
      tpu.yield
    }) : () -> ()
    %mul3A_26 = arith.constant 640 : i32
    %mul3A_27 = arith.muli %arg1, %mul3A_26 : i32
    %add3A_28 = arith.constant 480 : i32
    %add3A_29 = arith.addi %mul3A_27, %add3A_28 : i32
    %mul3A_30 = arith.constant 10240 : i32
    %mul3A_31 = arith.muli %arg0, %mul3A_30 : i32
    %add3A_32 = arith.addi %mul3A_31, %add3A_29 : i32
    "tpu.region"() ({
      %run_scoped3A = tpu.sem_alloc : memref<!tpu.dma_semaphore, #tpu.memory_space<semaphore_mem>>
      %dma_start3A_113 = arith.constant 0 : i32
      %dma_start3A_114 = tpu.memref_slice %arg4[%add3A_32, %dma_start3A_113] : memref<20480x64xf32, #tpu.memory_space<hbm>> -> memref<160x64xf32, #tpu.memory_space<hbm>>
      %dma_start3A_115 = arith.constant 0 : i32
      %dma_start3A_116 = tpu.memref_slice %arg4[%add3A_32, %dma_start3A_115] : memref<20480x64xf32, #tpu.memory_space<hbm>> -> memref<160x64xf32, #tpu.memory_space<hbm>>
      tpu.enqueue_dma source(%dma_start3A_116 : memref<160x64xf32, #tpu.memory_space<hbm>>) target(%arg9 : memref<160x64xf32, #tpu.memory_space<vmem>>) target_semaphore(%run_scoped3A : memref<!tpu.dma_semaphore, #tpu.memory_space<semaphore_mem>>)
      %dma_wait3A_117 = arith.constant 0 : i32
      %dma_wait3A_118 = tpu.memref_slice %arg4[%add3A_32, %dma_wait3A_117] : memref<20480x64xf32, #tpu.memory_space<hbm>> -> memref<160x64xf32, #tpu.memory_space<hbm>>
      %dma_wait3A_119 = arith.constant 0 : i32
      %dma_wait3A_120 = tpu.memref_slice %arg4[%add3A_32, %dma_wait3A_119] : memref<20480x64xf32, #tpu.memory_space<hbm>> -> memref<160x64xf32, #tpu.memory_space<hbm>>
      tpu.wait_dma2 semaphore(%run_scoped3A : memref<!tpu.dma_semaphore, #tpu.memory_space<semaphore_mem>>) src(%dma_wait3A_120 : memref<160x64xf32, #tpu.memory_space<hbm>>) dst(%arg9 : memref<160x64xf32, #tpu.memory_space<vmem>>)
      tpu.yield
    }) : () -> ()
    "tpu.region"() ({
      %run_scoped3A = tpu.sem_alloc : memref<!tpu.dma_semaphore, #tpu.memory_space<semaphore_mem>>
      %dma_start3A_113 = arith.constant 0 : i32
      %dma_start3A_114 = tpu.memref_slice %arg10[%add3A_29, %dma_start3A_113] : memref<10240x64xf32, #tpu.memory_space<vmem_shared>> -> memref<160x64xf32, #tpu.memory_space<vmem_shared>>
      %dma_start3A_115 = arith.constant 0 : i32
      %dma_start3A_116 = tpu.memref_slice %arg10[%add3A_29, %dma_start3A_115] : memref<10240x64xf32, #tpu.memory_space<vmem_shared>> -> memref<160x64xf32, #tpu.memory_space<vmem_shared>>
      tpu.enqueue_dma source(%arg9 : memref<160x64xf32, #tpu.memory_space<vmem>>) target(%dma_start3A_116 : memref<160x64xf32, #tpu.memory_space<vmem_shared>>) target_semaphore(%run_scoped3A : memref<!tpu.dma_semaphore, #tpu.memory_space<semaphore_mem>>)
      %dma_wait3A_117 = arith.constant 0 : i32
      %dma_wait3A_118 = tpu.memref_slice %arg10[%add3A_29, %dma_wait3A_117] : memref<10240x64xf32, #tpu.memory_space<vmem_shared>> -> memref<160x64xf32, #tpu.memory_space<vmem_shared>>
      %dma_wait3A_119 = arith.constant 0 : i32
      %dma_wait3A_120 = tpu.memref_slice %arg10[%add3A_29, %dma_wait3A_119] : memref<10240x64xf32, #tpu.memory_space<vmem_shared>> -> memref<160x64xf32, #tpu.memory_space<vmem_shared>>
      tpu.wait_dma2 semaphore(%run_scoped3A : memref<!tpu.dma_semaphore, #tpu.memory_space<semaphore_mem>>) src(%arg9 : memref<160x64xf32, #tpu.memory_space<vmem>>) dst(%dma_wait3A_120 : memref<160x64xf32, #tpu.memory_space<vmem_shared>>)
      tpu.yield
    }) : () -> ()
    %barrier3A = arith.constant 0 : index
    tpu.barrier barrier_id(%barrier3A)
    %dma_start3A = arith.constant 0 : i32
    %dma_start3A_33 = arith.constant 0 : i32
    %dma_start3A_34 = arith.constant 0 : i32
    %dma_start3A_35 = arith.constant 0 : i32
    %dma_start3A_36 = tpu.memref_slice %arg8[%dma_start3A_33, %dma_start3A_34, %dma_start3A_35] : memref<4x128x64xf32, #tpu.memory_space<vmem>> -> memref<1x128x64xf32, #tpu.memory_space<vmem>>
    %dma_start3A_37 = tpu.memref_squeeze %dma_start3A_36 : memref<1x128x64xf32, #tpu.memory_space<vmem>> -> memref<128x64xf32, #tpu.memory_space<vmem>>
    %dma_start3A_38 = arith.constant 0 : i32
    %dma_start3A_39 = tpu.memref_slice %arg6[%dma_start3A, %dma_start3A_38] : memref<160x128xi32, #tpu.memory_space<vmem>> -> memref<1x128xi32, #tpu.memory_space<vmem>>
    %dma_start3A_40 = tpu.memref_squeeze %dma_start3A_39 : memref<1x128xi32, #tpu.memory_space<vmem>> -> memref<128xi32, #tpu.memory_space<vmem>>
    %dma_start3A_41 = arith.constant 0 : i32
    %dma_start3A_42 = arith.constant 0 : i32
    %dma_start3A_43 = tpu.memref_slice %arg4[%dma_start3A_41, %dma_start3A_42] : memref<20480x64xf32, #tpu.memory_space<hbm>> -> memref<20480x64xf32, #tpu.memory_space<hbm>>
    tpu.enqueue_indirect_dma source(%dma_start3A_43 : memref<20480x64xf32, #tpu.memory_space<hbm>>) target(%dma_start3A_37 : memref<128x64xf32, #tpu.memory_space<vmem>>) offsets(%dma_start3A_40 : memref<128xi32, #tpu.memory_space<vmem>>) semaphore(%arg11 : memref<!tpu.dma_semaphore, #tpu.memory_space<semaphore_mem>>)
    %dma_start3A_44 = arith.constant 1 : i32
    %dma_start3A_45 = arith.constant 1 : i32
    %dma_start3A_46 = arith.constant 0 : i32
    %dma_start3A_47 = arith.constant 0 : i32
    %dma_start3A_48 = tpu.memref_slice %arg8[%dma_start3A_45, %dma_start3A_46, %dma_start3A_47] : memref<4x128x64xf32, #tpu.memory_space<vmem>> -> memref<1x128x64xf32, #tpu.memory_space<vmem>>
    %dma_start3A_49 = tpu.memref_squeeze %dma_start3A_48 : memref<1x128x64xf32, #tpu.memory_space<vmem>> -> memref<128x64xf32, #tpu.memory_space<vmem>>
    %dma_start3A_50 = arith.constant 0 : i32
    %dma_start3A_51 = tpu.memref_slice %arg6[%dma_start3A_44, %dma_start3A_50] : memref<160x128xi32, #tpu.memory_space<vmem>> -> memref<1x128xi32, #tpu.memory_space<vmem>>
    %dma_start3A_52 = tpu.memref_squeeze %dma_start3A_51 : memref<1x128xi32, #tpu.memory_space<vmem>> -> memref<128xi32, #tpu.memory_space<vmem>>
    %dma_start3A_53 = arith.constant 0 : i32
    %dma_start3A_54 = arith.constant 0 : i32
    %dma_start3A_55 = tpu.memref_slice %arg4[%dma_start3A_53, %dma_start3A_54] : memref<20480x64xf32, #tpu.memory_space<hbm>> -> memref<20480x64xf32, #tpu.memory_space<hbm>>
    tpu.enqueue_indirect_dma source(%dma_start3A_55 : memref<20480x64xf32, #tpu.memory_space<hbm>>) target(%dma_start3A_49 : memref<128x64xf32, #tpu.memory_space<vmem>>) offsets(%dma_start3A_52 : memref<128xi32, #tpu.memory_space<vmem>>) semaphore(%arg11 : memref<!tpu.dma_semaphore, #tpu.memory_space<semaphore_mem>>)
    %scan3A = arith.constant 0 : i32
    %scan3A_56 = arith.constant 0 : i32
    %scan3A_57 = arith.constant 40 : i32
    %scan3A_58 = arith.addi %scan3A_56, %scan3A_57 : i32
    %scan3A_59 = arith.constant 1 : i32
    scf.for %scan3A_113 = %scan3A_56 to %scan3A_58 step %scan3A_59  : i32 {
      %mul3A_114 = arith.constant 2 : i32
      %mul3A_115 = arith.muli %scan3A_113, %mul3A_114 : i32
      %gt3A = arith.constant 0 : i32
      %gt3A_116 = arith.cmpi sgt, %mul3A_115, %gt3A : i32
      %convert_element_type3A = arith.extui %gt3A_116 : i1 to i32
      %cond3A = arith.constant 0 : i32
      %cond3A_117 = arith.cmpi ne, %convert_element_type3A, %cond3A : i32
      scf.if %cond3A_117 {
        %sub3A = arith.constant 1 : i32
        %sub3A_316 = arith.subi %mul3A_115, %sub3A : i32
        %mul3A_317 = arith.constant 2 : i32
        %mul3A_318 = arith.muli %sub3A_316, %mul3A_317 : i32
        %add3A_319 = arith.constant 0 : i32
        %add3A_320 = arith.addi %mul3A_318, %add3A_319 : i32
        %dma_wait3A_321 = arith.constant 2 : i32
        %dma_wait3A_322 = arith.constant 0 : i32
        %dma_wait3A_323 = arith.constant 0 : i32
        %dma_wait3A_324 = tpu.memref_slice %arg8[%dma_wait3A_321, %dma_wait3A_322, %dma_wait3A_323] : memref<4x128x64xf32, #tpu.memory_space<vmem>> -> memref<1x128x64xf32, #tpu.memory_space<vmem>>
        %dma_wait3A_325 = tpu.memref_squeeze %dma_wait3A_324 : memref<1x128x64xf32, #tpu.memory_space<vmem>> -> memref<128x64xf32, #tpu.memory_space<vmem>>
        %dma_wait3A_326 = arith.constant 0 : i32
        %dma_wait3A_327 = tpu.memref_slice %arg7[%add3A_320, %dma_wait3A_326] : memref<160x128xi32, #tpu.memory_space<vmem>> -> memref<1x128xi32, #tpu.memory_space<vmem>>
        %dma_wait3A_328 = tpu.memref_squeeze %dma_wait3A_327 : memref<1x128xi32, #tpu.memory_space<vmem>> -> memref<128xi32, #tpu.memory_space<vmem>>
        %dma_wait3A_329 = arith.constant 0 : i32
        %dma_wait3A_330 = arith.constant 0 : i32
        %dma_wait3A_331 = tpu.memref_slice %arg10[%dma_wait3A_329, %dma_wait3A_330] : memref<10240x64xf32, #tpu.memory_space<vmem_shared>> -> memref<10240x64xf32, #tpu.memory_space<vmem_shared>>
        tpu.wait_indirect_dma semaphore(%arg14 : memref<!tpu.dma_semaphore, #tpu.memory_space<semaphore_mem>>) src(%dma_wait3A_325 : memref<128x64xf32, #tpu.memory_space<vmem>>) dst(%dma_wait3A_331 : memref<10240x64xf32, #tpu.memory_space<vmem_shared>>)
        %sub3A_332 = arith.constant 1 : i32
        %sub3A_333 = arith.subi %mul3A_115, %sub3A_332 : i32
        %mul3A_334 = arith.constant 2 : i32
        %mul3A_335 = arith.muli %sub3A_333, %mul3A_334 : i32
        %add3A_336 = arith.constant 1 : i32
        %add3A_337 = arith.addi %mul3A_335, %add3A_336 : i32
        %dma_wait3A_338 = arith.constant 3 : i32
        %dma_wait3A_339 = arith.constant 0 : i32
        %dma_wait3A_340 = arith.constant 0 : i32
        %dma_wait3A_341 = tpu.memref_slice %arg8[%dma_wait3A_338, %dma_wait3A_339, %dma_wait3A_340] : memref<4x128x64xf32, #tpu.memory_space<vmem>> -> memref<1x128x64xf32, #tpu.memory_space<vmem>>
        %dma_wait3A_342 = tpu.memref_squeeze %dma_wait3A_341 : memref<1x128x64xf32, #tpu.memory_space<vmem>> -> memref<128x64xf32, #tpu.memory_space<vmem>>
        %dma_wait3A_343 = arith.constant 0 : i32
        %dma_wait3A_344 = tpu.memref_slice %arg7[%add3A_337, %dma_wait3A_343] : memref<160x128xi32, #tpu.memory_space<vmem>> -> memref<1x128xi32, #tpu.memory_space<vmem>>
        %dma_wait3A_345 = tpu.memref_squeeze %dma_wait3A_344 : memref<1x128xi32, #tpu.memory_space<vmem>> -> memref<128xi32, #tpu.memory_space<vmem>>
        %dma_wait3A_346 = arith.constant 0 : i32
        %dma_wait3A_347 = arith.constant 0 : i32
        %dma_wait3A_348 = tpu.memref_slice %arg10[%dma_wait3A_346, %dma_wait3A_347] : memref<10240x64xf32, #tpu.memory_space<vmem_shared>> -> memref<10240x64xf32, #tpu.memory_space<vmem_shared>>
        tpu.wait_indirect_dma semaphore(%arg14 : memref<!tpu.dma_semaphore, #tpu.memory_space<semaphore_mem>>) src(%dma_wait3A_342 : memref<128x64xf32, #tpu.memory_space<vmem>>) dst(%dma_wait3A_348 : memref<10240x64xf32, #tpu.memory_space<vmem_shared>>)
      } else {
      }
      %add3A_118 = arith.constant 1 : i32
      %add3A_119 = arith.addi %mul3A_115, %add3A_118 : i32
      %mul3A_120 = arith.constant 2 : i32
      %mul3A_121 = arith.muli %add3A_119, %mul3A_120 : i32
      %add3A_122 = arith.constant 0 : i32
      %add3A_123 = arith.addi %mul3A_121, %add3A_122 : i32
      %dma_start3A_124 = arith.constant 2 : i32
      %dma_start3A_125 = arith.constant 0 : i32
      %dma_start3A_126 = arith.constant 0 : i32
      %dma_start3A_127 = tpu.memref_slice %arg8[%dma_start3A_124, %dma_start3A_125, %dma_start3A_126] : memref<4x128x64xf32, #tpu.memory_space<vmem>> -> memref<1x128x64xf32, #tpu.memory_space<vmem>>
      %dma_start3A_128 = tpu.memref_squeeze %dma_start3A_127 : memref<1x128x64xf32, #tpu.memory_space<vmem>> -> memref<128x64xf32, #tpu.memory_space<vmem>>
      %dma_start3A_129 = arith.constant 0 : i32
      %dma_start3A_130 = tpu.memref_slice %arg6[%add3A_123, %dma_start3A_129] : memref<160x128xi32, #tpu.memory_space<vmem>> -> memref<1x128xi32, #tpu.memory_space<vmem>>
      %dma_start3A_131 = tpu.memref_squeeze %dma_start3A_130 : memref<1x128xi32, #tpu.memory_space<vmem>> -> memref<128xi32, #tpu.memory_space<vmem>>
      %dma_start3A_132 = arith.constant 0 : i32
      %dma_start3A_133 = arith.constant 0 : i32
      %dma_start3A_134 = tpu.memref_slice %arg4[%dma_start3A_132, %dma_start3A_133] : memref<20480x64xf32, #tpu.memory_space<hbm>> -> memref<20480x64xf32, #tpu.memory_space<hbm>>
      tpu.enqueue_indirect_dma source(%dma_start3A_134 : memref<20480x64xf32, #tpu.memory_space<hbm>>) target(%dma_start3A_128 : memref<128x64xf32, #tpu.memory_space<vmem>>) offsets(%dma_start3A_131 : memref<128xi32, #tpu.memory_space<vmem>>) semaphore(%arg12 : memref<!tpu.dma_semaphore, #tpu.memory_space<semaphore_mem>>)
      %add3A_135 = arith.constant 1 : i32
      %add3A_136 = arith.addi %mul3A_115, %add3A_135 : i32
      %mul3A_137 = arith.constant 2 : i32
      %mul3A_138 = arith.muli %add3A_136, %mul3A_137 : i32
      %add3A_139 = arith.constant 1 : i32
      %add3A_140 = arith.addi %mul3A_138, %add3A_139 : i32
      %dma_start3A_141 = arith.constant 3 : i32
      %dma_start3A_142 = arith.constant 0 : i32
      %dma_start3A_143 = arith.constant 0 : i32
      %dma_start3A_144 = tpu.memref_slice %arg8[%dma_start3A_141, %dma_start3A_142, %dma_start3A_143] : memref<4x128x64xf32, #tpu.memory_space<vmem>> -> memref<1x128x64xf32, #tpu.memory_space<vmem>>
      %dma_start3A_145 = tpu.memref_squeeze %dma_start3A_144 : memref<1x128x64xf32, #tpu.memory_space<vmem>> -> memref<128x64xf32, #tpu.memory_space<vmem>>
      %dma_start3A_146 = arith.constant 0 : i32
      %dma_start3A_147 = tpu.memref_slice %arg6[%add3A_140, %dma_start3A_146] : memref<160x128xi32, #tpu.memory_space<vmem>> -> memref<1x128xi32, #tpu.memory_space<vmem>>
      %dma_start3A_148 = tpu.memref_squeeze %dma_start3A_147 : memref<1x128xi32, #tpu.memory_space<vmem>> -> memref<128xi32, #tpu.memory_space<vmem>>
      %dma_start3A_149 = arith.constant 0 : i32
      %dma_start3A_150 = arith.constant 0 : i32
      %dma_start3A_151 = tpu.memref_slice %arg4[%dma_start3A_149, %dma_start3A_150] : memref<20480x64xf32, #tpu.memory_space<hbm>> -> memref<20480x64xf32, #tpu.memory_space<hbm>>
      tpu.enqueue_indirect_dma source(%dma_start3A_151 : memref<20480x64xf32, #tpu.memory_space<hbm>>) target(%dma_start3A_145 : memref<128x64xf32, #tpu.memory_space<vmem>>) offsets(%dma_start3A_148 : memref<128xi32, #tpu.memory_space<vmem>>) semaphore(%arg12 : memref<!tpu.dma_semaphore, #tpu.memory_space<semaphore_mem>>)
      %mul3A_152 = arith.constant 2 : i32
      %mul3A_153 = arith.muli %mul3A_115, %mul3A_152 : i32
      %add3A_154 = arith.constant 0 : i32
      %add3A_155 = arith.addi %mul3A_153, %add3A_154 : i32
      %dma_wait3A_156 = arith.constant 0 : i32
      %dma_wait3A_157 = arith.constant 0 : i32
      %dma_wait3A_158 = arith.constant 0 : i32
      %dma_wait3A_159 = tpu.memref_slice %arg8[%dma_wait3A_156, %dma_wait3A_157, %dma_wait3A_158] : memref<4x128x64xf32, #tpu.memory_space<vmem>> -> memref<1x128x64xf32, #tpu.memory_space<vmem>>
      %dma_wait3A_160 = tpu.memref_squeeze %dma_wait3A_159 : memref<1x128x64xf32, #tpu.memory_space<vmem>> -> memref<128x64xf32, #tpu.memory_space<vmem>>
      %dma_wait3A_161 = arith.constant 0 : i32
      %dma_wait3A_162 = tpu.memref_slice %arg6[%add3A_155, %dma_wait3A_161] : memref<160x128xi32, #tpu.memory_space<vmem>> -> memref<1x128xi32, #tpu.memory_space<vmem>>
      %dma_wait3A_163 = tpu.memref_squeeze %dma_wait3A_162 : memref<1x128xi32, #tpu.memory_space<vmem>> -> memref<128xi32, #tpu.memory_space<vmem>>
      %dma_wait3A_164 = arith.constant 0 : i32
      %dma_wait3A_165 = arith.constant 0 : i32
      %dma_wait3A_166 = tpu.memref_slice %arg4[%dma_wait3A_164, %dma_wait3A_165] : memref<20480x64xf32, #tpu.memory_space<hbm>> -> memref<20480x64xf32, #tpu.memory_space<hbm>>
      tpu.wait_indirect_dma semaphore(%arg11 : memref<!tpu.dma_semaphore, #tpu.memory_space<semaphore_mem>>) src(%dma_wait3A_166 : memref<20480x64xf32, #tpu.memory_space<hbm>>) dst(%dma_wait3A_160 : memref<128x64xf32, #tpu.memory_space<vmem>>)
      %mul3A_167 = arith.constant 2 : i32
      %mul3A_168 = arith.muli %mul3A_115, %mul3A_167 : i32
      %add3A_169 = arith.constant 1 : i32
      %add3A_170 = arith.addi %mul3A_168, %add3A_169 : i32
      %dma_wait3A_171 = arith.constant 1 : i32
      %dma_wait3A_172 = arith.constant 0 : i32
      %dma_wait3A_173 = arith.constant 0 : i32
      %dma_wait3A_174 = tpu.memref_slice %arg8[%dma_wait3A_171, %dma_wait3A_172, %dma_wait3A_173] : memref<4x128x64xf32, #tpu.memory_space<vmem>> -> memref<1x128x64xf32, #tpu.memory_space<vmem>>
      %dma_wait3A_175 = tpu.memref_squeeze %dma_wait3A_174 : memref<1x128x64xf32, #tpu.memory_space<vmem>> -> memref<128x64xf32, #tpu.memory_space<vmem>>
      %dma_wait3A_176 = arith.constant 0 : i32
      %dma_wait3A_177 = tpu.memref_slice %arg6[%add3A_170, %dma_wait3A_176] : memref<160x128xi32, #tpu.memory_space<vmem>> -> memref<1x128xi32, #tpu.memory_space<vmem>>
      %dma_wait3A_178 = tpu.memref_squeeze %dma_wait3A_177 : memref<1x128xi32, #tpu.memory_space<vmem>> -> memref<128xi32, #tpu.memory_space<vmem>>
      %dma_wait3A_179 = arith.constant 0 : i32
      %dma_wait3A_180 = arith.constant 0 : i32
      %dma_wait3A_181 = tpu.memref_slice %arg4[%dma_wait3A_179, %dma_wait3A_180] : memref<20480x64xf32, #tpu.memory_space<hbm>> -> memref<20480x64xf32, #tpu.memory_space<hbm>>
      tpu.wait_indirect_dma semaphore(%arg11 : memref<!tpu.dma_semaphore, #tpu.memory_space<semaphore_mem>>) src(%dma_wait3A_181 : memref<20480x64xf32, #tpu.memory_space<hbm>>) dst(%dma_wait3A_175 : memref<128x64xf32, #tpu.memory_space<vmem>>)
      %mul3A_182 = arith.constant 2 : i32
      %mul3A_183 = arith.muli %mul3A_115, %mul3A_182 : i32
      %add3A_184 = arith.constant 0 : i32
      %add3A_185 = arith.addi %mul3A_183, %add3A_184 : i32
      %dma_start3A_186 = arith.constant 0 : i32
      %dma_start3A_187 = arith.constant 0 : i32
      %dma_start3A_188 = arith.constant 0 : i32
      %dma_start3A_189 = tpu.memref_slice %arg8[%dma_start3A_186, %dma_start3A_187, %dma_start3A_188] : memref<4x128x64xf32, #tpu.memory_space<vmem>> -> memref<1x128x64xf32, #tpu.memory_space<vmem>>
      %dma_start3A_190 = tpu.memref_squeeze %dma_start3A_189 : memref<1x128x64xf32, #tpu.memory_space<vmem>> -> memref<128x64xf32, #tpu.memory_space<vmem>>
      %dma_start3A_191 = arith.constant 0 : i32
      %dma_start3A_192 = tpu.memref_slice %arg7[%add3A_185, %dma_start3A_191] : memref<160x128xi32, #tpu.memory_space<vmem>> -> memref<1x128xi32, #tpu.memory_space<vmem>>
      %dma_start3A_193 = tpu.memref_squeeze %dma_start3A_192 : memref<1x128xi32, #tpu.memory_space<vmem>> -> memref<128xi32, #tpu.memory_space<vmem>>
      %dma_start3A_194 = arith.constant 0 : i32
      %dma_start3A_195 = arith.constant 0 : i32
      %dma_start3A_196 = tpu.memref_slice %arg10[%dma_start3A_194, %dma_start3A_195] : memref<10240x64xf32, #tpu.memory_space<vmem_shared>> -> memref<10240x64xf32, #tpu.memory_space<vmem_shared>>
      tpu.enqueue_indirect_dma source(%dma_start3A_190 : memref<128x64xf32, #tpu.memory_space<vmem>>) target(%dma_start3A_196 : memref<10240x64xf32, #tpu.memory_space<vmem_shared>>) offsets(%dma_start3A_193 : memref<128xi32, #tpu.memory_space<vmem>>) semaphore(%arg13 : memref<!tpu.dma_semaphore, #tpu.memory_space<semaphore_mem>>) {add = true}
      %mul3A_197 = arith.constant 2 : i32
      %mul3A_198 = arith.muli %mul3A_115, %mul3A_197 : i32
      %add3A_199 = arith.constant 1 : i32
      %add3A_200 = arith.addi %mul3A_198, %add3A_199 : i32
      %dma_start3A_201 = arith.constant 1 : i32
      %dma_start3A_202 = arith.constant 0 : i32
      %dma_start3A_203 = arith.constant 0 : i32
      %dma_start3A_204 = tpu.memref_slice %arg8[%dma_start3A_201, %dma_start3A_202, %dma_start3A_203] : memref<4x128x64xf32, #tpu.memory_space<vmem>> -> memref<1x128x64xf32, #tpu.memory_space<vmem>>
      %dma_start3A_205 = tpu.memref_squeeze %dma_start3A_204 : memref<1x128x64xf32, #tpu.memory_space<vmem>> -> memref<128x64xf32, #tpu.memory_space<vmem>>
      %dma_start3A_206 = arith.constant 0 : i32
      %dma_start3A_207 = tpu.memref_slice %arg7[%add3A_200, %dma_start3A_206] : memref<160x128xi32, #tpu.memory_space<vmem>> -> memref<1x128xi32, #tpu.memory_space<vmem>>
      %dma_start3A_208 = tpu.memref_squeeze %dma_start3A_207 : memref<1x128xi32, #tpu.memory_space<vmem>> -> memref<128xi32, #tpu.memory_space<vmem>>
      %dma_start3A_209 = arith.constant 0 : i32
      %dma_start3A_210 = arith.constant 0 : i32
      %dma_start3A_211 = tpu.memref_slice %arg10[%dma_start3A_209, %dma_start3A_210] : memref<10240x64xf32, #tpu.memory_space<vmem_shared>> -> memref<10240x64xf32, #tpu.memory_space<vmem_shared>>
      tpu.enqueue_indirect_dma source(%dma_start3A_205 : memref<128x64xf32, #tpu.memory_space<vmem>>) target(%dma_start3A_211 : memref<10240x64xf32, #tpu.memory_space<vmem_shared>>) offsets(%dma_start3A_208 : memref<128xi32, #tpu.memory_space<vmem>>) semaphore(%arg13 : memref<!tpu.dma_semaphore, #tpu.memory_space<semaphore_mem>>) {add = true}
      %mul3A_212 = arith.constant 2 : i32
      %mul3A_213 = arith.muli %mul3A_115, %mul3A_212 : i32
      %add3A_214 = arith.constant 0 : i32
      %add3A_215 = arith.addi %mul3A_213, %add3A_214 : i32
      %dma_wait3A_216 = arith.constant 0 : i32
      %dma_wait3A_217 = arith.constant 0 : i32
      %dma_wait3A_218 = arith.constant 0 : i32
      %dma_wait3A_219 = tpu.memref_slice %arg8[%dma_wait3A_216, %dma_wait3A_217, %dma_wait3A_218] : memref<4x128x64xf32, #tpu.memory_space<vmem>> -> memref<1x128x64xf32, #tpu.memory_space<vmem>>
      %dma_wait3A_220 = tpu.memref_squeeze %dma_wait3A_219 : memref<1x128x64xf32, #tpu.memory_space<vmem>> -> memref<128x64xf32, #tpu.memory_space<vmem>>
      %dma_wait3A_221 = arith.constant 0 : i32
      %dma_wait3A_222 = tpu.memref_slice %arg7[%add3A_215, %dma_wait3A_221] : memref<160x128xi32, #tpu.memory_space<vmem>> -> memref<1x128xi32, #tpu.memory_space<vmem>>
      %dma_wait3A_223 = tpu.memref_squeeze %dma_wait3A_222 : memref<1x128xi32, #tpu.memory_space<vmem>> -> memref<128xi32, #tpu.memory_space<vmem>>
      %dma_wait3A_224 = arith.constant 0 : i32
      %dma_wait3A_225 = arith.constant 0 : i32
      %dma_wait3A_226 = tpu.memref_slice %arg10[%dma_wait3A_224, %dma_wait3A_225] : memref<10240x64xf32, #tpu.memory_space<vmem_shared>> -> memref<10240x64xf32, #tpu.memory_space<vmem_shared>>
      tpu.wait_indirect_dma semaphore(%arg13 : memref<!tpu.dma_semaphore, #tpu.memory_space<semaphore_mem>>) src(%dma_wait3A_220 : memref<128x64xf32, #tpu.memory_space<vmem>>) dst(%dma_wait3A_226 : memref<10240x64xf32, #tpu.memory_space<vmem_shared>>)
      %mul3A_227 = arith.constant 2 : i32
      %mul3A_228 = arith.muli %mul3A_115, %mul3A_227 : i32
      %add3A_229 = arith.constant 1 : i32
      %add3A_230 = arith.addi %mul3A_228, %add3A_229 : i32
      %dma_wait3A_231 = arith.constant 1 : i32
      %dma_wait3A_232 = arith.constant 0 : i32
      %dma_wait3A_233 = arith.constant 0 : i32
      %dma_wait3A_234 = tpu.memref_slice %arg8[%dma_wait3A_231, %dma_wait3A_232, %dma_wait3A_233] : memref<4x128x64xf32, #tpu.memory_space<vmem>> -> memref<1x128x64xf32, #tpu.memory_space<vmem>>
      %dma_wait3A_235 = tpu.memref_squeeze %dma_wait3A_234 : memref<1x128x64xf32, #tpu.memory_space<vmem>> -> memref<128x64xf32, #tpu.memory_space<vmem>>
      %dma_wait3A_236 = arith.constant 0 : i32
      %dma_wait3A_237 = tpu.memref_slice %arg7[%add3A_230, %dma_wait3A_236] : memref<160x128xi32, #tpu.memory_space<vmem>> -> memref<1x128xi32, #tpu.memory_space<vmem>>
      %dma_wait3A_238 = tpu.memref_squeeze %dma_wait3A_237 : memref<1x128xi32, #tpu.memory_space<vmem>> -> memref<128xi32, #tpu.memory_space<vmem>>
      %dma_wait3A_239 = arith.constant 0 : i32
      %dma_wait3A_240 = arith.constant 0 : i32
      %dma_wait3A_241 = tpu.memref_slice %arg10[%dma_wait3A_239, %dma_wait3A_240] : memref<10240x64xf32, #tpu.memory_space<vmem_shared>> -> memref<10240x64xf32, #tpu.memory_space<vmem_shared>>
      tpu.wait_indirect_dma semaphore(%arg13 : memref<!tpu.dma_semaphore, #tpu.memory_space<semaphore_mem>>) src(%dma_wait3A_235 : memref<128x64xf32, #tpu.memory_space<vmem>>) dst(%dma_wait3A_241 : memref<10240x64xf32, #tpu.memory_space<vmem_shared>>)
      %add3A_242 = arith.constant 2 : i32
      %add3A_243 = arith.addi %mul3A_115, %add3A_242 : i32
      %lt3A = arith.constant 80 : i32
      %lt3A_244 = arith.cmpi slt, %add3A_243, %lt3A : i32
      %convert_element_type3A_245 = arith.extui %lt3A_244 : i1 to i32
      %cond3A_246 = arith.constant 0 : i32
      %cond3A_247 = arith.cmpi ne, %convert_element_type3A_245, %cond3A_246 : i32
      scf.if %cond3A_247 {
        %add3A_316 = arith.constant 2 : i32
        %add3A_317 = arith.addi %mul3A_115, %add3A_316 : i32
        %mul3A_318 = arith.constant 2 : i32
        %mul3A_319 = arith.muli %add3A_317, %mul3A_318 : i32
        %add3A_320 = arith.constant 0 : i32
        %add3A_321 = arith.addi %mul3A_319, %add3A_320 : i32
        %dma_start3A_322 = arith.constant 0 : i32
        %dma_start3A_323 = arith.constant 0 : i32
        %dma_start3A_324 = arith.constant 0 : i32
        %dma_start3A_325 = tpu.memref_slice %arg8[%dma_start3A_322, %dma_start3A_323, %dma_start3A_324] : memref<4x128x64xf32, #tpu.memory_space<vmem>> -> memref<1x128x64xf32, #tpu.memory_space<vmem>>
        %dma_start3A_326 = tpu.memref_squeeze %dma_start3A_325 : memref<1x128x64xf32, #tpu.memory_space<vmem>> -> memref<128x64xf32, #tpu.memory_space<vmem>>
        %dma_start3A_327 = arith.constant 0 : i32
        %dma_start3A_328 = tpu.memref_slice %arg6[%add3A_321, %dma_start3A_327] : memref<160x128xi32, #tpu.memory_space<vmem>> -> memref<1x128xi32, #tpu.memory_space<vmem>>
        %dma_start3A_329 = tpu.memref_squeeze %dma_start3A_328 : memref<1x128xi32, #tpu.memory_space<vmem>> -> memref<128xi32, #tpu.memory_space<vmem>>
        %dma_start3A_330 = arith.constant 0 : i32
        %dma_start3A_331 = arith.constant 0 : i32
        %dma_start3A_332 = tpu.memref_slice %arg4[%dma_start3A_330, %dma_start3A_331] : memref<20480x64xf32, #tpu.memory_space<hbm>> -> memref<20480x64xf32, #tpu.memory_space<hbm>>
        tpu.enqueue_indirect_dma source(%dma_start3A_332 : memref<20480x64xf32, #tpu.memory_space<hbm>>) target(%dma_start3A_326 : memref<128x64xf32, #tpu.memory_space<vmem>>) offsets(%dma_start3A_329 : memref<128xi32, #tpu.memory_space<vmem>>) semaphore(%arg11 : memref<!tpu.dma_semaphore, #tpu.memory_space<semaphore_mem>>)
        %add3A_333 = arith.constant 2 : i32
        %add3A_334 = arith.addi %mul3A_115, %add3A_333 : i32
        %mul3A_335 = arith.constant 2 : i32
        %mul3A_336 = arith.muli %add3A_334, %mul3A_335 : i32
        %add3A_337 = arith.constant 1 : i32
        %add3A_338 = arith.addi %mul3A_336, %add3A_337 : i32
        %dma_start3A_339 = arith.constant 1 : i32
        %dma_start3A_340 = arith.constant 0 : i32
        %dma_start3A_341 = arith.constant 0 : i32
        %dma_start3A_342 = tpu.memref_slice %arg8[%dma_start3A_339, %dma_start3A_340, %dma_start3A_341] : memref<4x128x64xf32, #tpu.memory_space<vmem>> -> memref<1x128x64xf32, #tpu.memory_space<vmem>>
        %dma_start3A_343 = tpu.memref_squeeze %dma_start3A_342 : memref<1x128x64xf32, #tpu.memory_space<vmem>> -> memref<128x64xf32, #tpu.memory_space<vmem>>
        %dma_start3A_344 = arith.constant 0 : i32
        %dma_start3A_345 = tpu.memref_slice %arg6[%add3A_338, %dma_start3A_344] : memref<160x128xi32, #tpu.memory_space<vmem>> -> memref<1x128xi32, #tpu.memory_space<vmem>>
        %dma_start3A_346 = tpu.memref_squeeze %dma_start3A_345 : memref<1x128xi32, #tpu.memory_space<vmem>> -> memref<128xi32, #tpu.memory_space<vmem>>
        %dma_start3A_347 = arith.constant 0 : i32
        %dma_start3A_348 = arith.constant 0 : i32
        %dma_start3A_349 = tpu.memref_slice %arg4[%dma_start3A_347, %dma_start3A_348] : memref<20480x64xf32, #tpu.memory_space<hbm>> -> memref<20480x64xf32, #tpu.memory_space<hbm>>
        tpu.enqueue_indirect_dma source(%dma_start3A_349 : memref<20480x64xf32, #tpu.memory_space<hbm>>) target(%dma_start3A_343 : memref<128x64xf32, #tpu.memory_space<vmem>>) offsets(%dma_start3A_346 : memref<128xi32, #tpu.memory_space<vmem>>) semaphore(%arg11 : memref<!tpu.dma_semaphore, #tpu.memory_space<semaphore_mem>>)
      } else {
      }
      %add3A_248 = arith.constant 1 : i32
      %add3A_249 = arith.addi %mul3A_115, %add3A_248 : i32
      %mul3A_250 = arith.constant 2 : i32
      %mul3A_251 = arith.muli %add3A_249, %mul3A_250 : i32
      %add3A_252 = arith.constant 0 : i32
      %add3A_253 = arith.addi %mul3A_251, %add3A_252 : i32
      %dma_wait3A_254 = arith.constant 2 : i32
      %dma_wait3A_255 = arith.constant 0 : i32
      %dma_wait3A_256 = arith.constant 0 : i32
      %dma_wait3A_257 = tpu.memref_slice %arg8[%dma_wait3A_254, %dma_wait3A_255, %dma_wait3A_256] : memref<4x128x64xf32, #tpu.memory_space<vmem>> -> memref<1x128x64xf32, #tpu.memory_space<vmem>>
      %dma_wait3A_258 = tpu.memref_squeeze %dma_wait3A_257 : memref<1x128x64xf32, #tpu.memory_space<vmem>> -> memref<128x64xf32, #tpu.memory_space<vmem>>
      %dma_wait3A_259 = arith.constant 0 : i32
      %dma_wait3A_260 = tpu.memref_slice %arg6[%add3A_253, %dma_wait3A_259] : memref<160x128xi32, #tpu.memory_space<vmem>> -> memref<1x128xi32, #tpu.memory_space<vmem>>
      %dma_wait3A_261 = tpu.memref_squeeze %dma_wait3A_260 : memref<1x128xi32, #tpu.memory_space<vmem>> -> memref<128xi32, #tpu.memory_space<vmem>>
      %dma_wait3A_262 = arith.constant 0 : i32
      %dma_wait3A_263 = arith.constant 0 : i32
      %dma_wait3A_264 = tpu.memref_slice %arg4[%dma_wait3A_262, %dma_wait3A_263] : memref<20480x64xf32, #tpu.memory_space<hbm>> -> memref<20480x64xf32, #tpu.memory_space<hbm>>
      tpu.wait_indirect_dma semaphore(%arg12 : memref<!tpu.dma_semaphore, #tpu.memory_space<semaphore_mem>>) src(%dma_wait3A_264 : memref<20480x64xf32, #tpu.memory_space<hbm>>) dst(%dma_wait3A_258 : memref<128x64xf32, #tpu.memory_space<vmem>>)
      %add3A_265 = arith.constant 1 : i32
      %add3A_266 = arith.addi %mul3A_115, %add3A_265 : i32
      %mul3A_267 = arith.constant 2 : i32
      %mul3A_268 = arith.muli %add3A_266, %mul3A_267 : i32
      %add3A_269 = arith.constant 1 : i32
      %add3A_270 = arith.addi %mul3A_268, %add3A_269 : i32
      %dma_wait3A_271 = arith.constant 3 : i32
      %dma_wait3A_272 = arith.constant 0 : i32
      %dma_wait3A_273 = arith.constant 0 : i32
      %dma_wait3A_274 = tpu.memref_slice %arg8[%dma_wait3A_271, %dma_wait3A_272, %dma_wait3A_273] : memref<4x128x64xf32, #tpu.memory_space<vmem>> -> memref<1x128x64xf32, #tpu.memory_space<vmem>>
      %dma_wait3A_275 = tpu.memref_squeeze %dma_wait3A_274 : memref<1x128x64xf32, #tpu.memory_space<vmem>> -> memref<128x64xf32, #tpu.memory_space<vmem>>
      %dma_wait3A_276 = arith.constant 0 : i32
      %dma_wait3A_277 = tpu.memref_slice %arg6[%add3A_270, %dma_wait3A_276] : memref<160x128xi32, #tpu.memory_space<vmem>> -> memref<1x128xi32, #tpu.memory_space<vmem>>
      %dma_wait3A_278 = tpu.memref_squeeze %dma_wait3A_277 : memref<1x128xi32, #tpu.memory_space<vmem>> -> memref<128xi32, #tpu.memory_space<vmem>>
      %dma_wait3A_279 = arith.constant 0 : i32
      %dma_wait3A_280 = arith.constant 0 : i32
      %dma_wait3A_281 = tpu.memref_slice %arg4[%dma_wait3A_279, %dma_wait3A_280] : memref<20480x64xf32, #tpu.memory_space<hbm>> -> memref<20480x64xf32, #tpu.memory_space<hbm>>
      tpu.wait_indirect_dma semaphore(%arg12 : memref<!tpu.dma_semaphore, #tpu.memory_space<semaphore_mem>>) src(%dma_wait3A_281 : memref<20480x64xf32, #tpu.memory_space<hbm>>) dst(%dma_wait3A_275 : memref<128x64xf32, #tpu.memory_space<vmem>>)
      %add3A_282 = arith.constant 1 : i32
      %add3A_283 = arith.addi %mul3A_115, %add3A_282 : i32
      %mul3A_284 = arith.constant 2 : i32
      %mul3A_285 = arith.muli %add3A_283, %mul3A_284 : i32
      %add3A_286 = arith.constant 0 : i32
      %add3A_287 = arith.addi %mul3A_285, %add3A_286 : i32
      %dma_start3A_288 = arith.constant 2 : i32
      %dma_start3A_289 = arith.constant 0 : i32
      %dma_start3A_290 = arith.constant 0 : i32
      %dma_start3A_291 = tpu.memref_slice %arg8[%dma_start3A_288, %dma_start3A_289, %dma_start3A_290] : memref<4x128x64xf32, #tpu.memory_space<vmem>> -> memref<1x128x64xf32, #tpu.memory_space<vmem>>
      %dma_start3A_292 = tpu.memref_squeeze %dma_start3A_291 : memref<1x128x64xf32, #tpu.memory_space<vmem>> -> memref<128x64xf32, #tpu.memory_space<vmem>>
      %dma_start3A_293 = arith.constant 0 : i32
      %dma_start3A_294 = tpu.memref_slice %arg7[%add3A_287, %dma_start3A_293] : memref<160x128xi32, #tpu.memory_space<vmem>> -> memref<1x128xi32, #tpu.memory_space<vmem>>
      %dma_start3A_295 = tpu.memref_squeeze %dma_start3A_294 : memref<1x128xi32, #tpu.memory_space<vmem>> -> memref<128xi32, #tpu.memory_space<vmem>>
      %dma_start3A_296 = arith.constant 0 : i32
      %dma_start3A_297 = arith.constant 0 : i32
      %dma_start3A_298 = tpu.memref_slice %arg10[%dma_start3A_296, %dma_start3A_297] : memref<10240x64xf32, #tpu.memory_space<vmem_shared>> -> memref<10240x64xf32, #tpu.memory_space<vmem_shared>>
      tpu.enqueue_indirect_dma source(%dma_start3A_292 : memref<128x64xf32, #tpu.memory_space<vmem>>) target(%dma_start3A_298 : memref<10240x64xf32, #tpu.memory_space<vmem_shared>>) offsets(%dma_start3A_295 : memref<128xi32, #tpu.memory_space<vmem>>) semaphore(%arg14 : memref<!tpu.dma_semaphore, #tpu.memory_space<semaphore_mem>>) {add = true}
      %add3A_299 = arith.constant 1 : i32
      %add3A_300 = arith.addi %mul3A_115, %add3A_299 : i32
      %mul3A_301 = arith.constant 2 : i32
      %mul3A_302 = arith.muli %add3A_300, %mul3A_301 : i32
      %add3A_303 = arith.constant 1 : i32
      %add3A_304 = arith.addi %mul3A_302, %add3A_303 : i32
      %dma_start3A_305 = arith.constant 3 : i32
      %dma_start3A_306 = arith.constant 0 : i32
      %dma_start3A_307 = arith.constant 0 : i32
      %dma_start3A_308 = tpu.memref_slice %arg8[%dma_start3A_305, %dma_start3A_306, %dma_start3A_307] : memref<4x128x64xf32, #tpu.memory_space<vmem>> -> memref<1x128x64xf32, #tpu.memory_space<vmem>>
      %dma_start3A_309 = tpu.memref_squeeze %dma_start3A_308 : memref<1x128x64xf32, #tpu.memory_space<vmem>> -> memref<128x64xf32, #tpu.memory_space<vmem>>
      %dma_start3A_310 = arith.constant 0 : i32
      %dma_start3A_311 = tpu.memref_slice %arg7[%add3A_304, %dma_start3A_310] : memref<160x128xi32, #tpu.memory_space<vmem>> -> memref<1x128xi32, #tpu.memory_space<vmem>>
      %dma_start3A_312 = tpu.memref_squeeze %dma_start3A_311 : memref<1x128xi32, #tpu.memory_space<vmem>> -> memref<128xi32, #tpu.memory_space<vmem>>
      %dma_start3A_313 = arith.constant 0 : i32
      %dma_start3A_314 = arith.constant 0 : i32
      %dma_start3A_315 = tpu.memref_slice %arg10[%dma_start3A_313, %dma_start3A_314] : memref<10240x64xf32, #tpu.memory_space<vmem_shared>> -> memref<10240x64xf32, #tpu.memory_space<vmem_shared>>
      tpu.enqueue_indirect_dma source(%dma_start3A_309 : memref<128x64xf32, #tpu.memory_space<vmem>>) target(%dma_start3A_315 : memref<10240x64xf32, #tpu.memory_space<vmem_shared>>) offsets(%dma_start3A_312 : memref<128xi32, #tpu.memory_space<vmem>>) semaphore(%arg14 : memref<!tpu.dma_semaphore, #tpu.memory_space<semaphore_mem>>) {add = true}
    }
    %scan3A_60 = arith.constant 40 : i32
    %dma_wait3A = arith.constant 2 : i32
    %dma_wait3A_61 = arith.constant 158 : i32
    %dma_wait3A_62 = arith.constant 0 : i32
    %dma_wait3A_63 = arith.constant 0 : i32
    %dma_wait3A_64 = tpu.memref_slice %arg8[%dma_wait3A, %dma_wait3A_62, %dma_wait3A_63] : memref<4x128x64xf32, #tpu.memory_space<vmem>> -> memref<1x128x64xf32, #tpu.memory_space<vmem>>
    %dma_wait3A_65 = tpu.memref_squeeze %dma_wait3A_64 : memref<1x128x64xf32, #tpu.memory_space<vmem>> -> memref<128x64xf32, #tpu.memory_space<vmem>>
    %dma_wait3A_66 = arith.constant 0 : i32
    %dma_wait3A_67 = tpu.memref_slice %arg7[%dma_wait3A_61, %dma_wait3A_66] : memref<160x128xi32, #tpu.memory_space<vmem>> -> memref<1x128xi32, #tpu.memory_space<vmem>>
    %dma_wait3A_68 = tpu.memref_squeeze %dma_wait3A_67 : memref<1x128xi32, #tpu.memory_space<vmem>> -> memref<128xi32, #tpu.memory_space<vmem>>
    %dma_wait3A_69 = arith.constant 0 : i32
    %dma_wait3A_70 = arith.constant 0 : i32
    %dma_wait3A_71 = tpu.memref_slice %arg10[%dma_wait3A_69, %dma_wait3A_70] : memref<10240x64xf32, #tpu.memory_space<vmem_shared>> -> memref<10240x64xf32, #tpu.memory_space<vmem_shared>>
    tpu.wait_indirect_dma semaphore(%arg14 : memref<!tpu.dma_semaphore, #tpu.memory_space<semaphore_mem>>) src(%dma_wait3A_65 : memref<128x64xf32, #tpu.memory_space<vmem>>) dst(%dma_wait3A_71 : memref<10240x64xf32, #tpu.memory_space<vmem_shared>>)
    %dma_wait3A_72 = arith.constant 3 : i32
    %dma_wait3A_73 = arith.constant 159 : i32
    %dma_wait3A_74 = arith.constant 0 : i32
    %dma_wait3A_75 = arith.constant 0 : i32
    %dma_wait3A_76 = tpu.memref_slice %arg8[%dma_wait3A_72, %dma_wait3A_74, %dma_wait3A_75] : memref<4x128x64xf32, #tpu.memory_space<vmem>> -> memref<1x128x64xf32, #tpu.memory_space<vmem>>
    %dma_wait3A_77 = tpu.memref_squeeze %dma_wait3A_76 : memref<1x128x64xf32, #tpu.memory_space<vmem>> -> memref<128x64xf32, #tpu.memory_space<vmem>>
    %dma_wait3A_78 = arith.constant 0 : i32
    %dma_wait3A_79 = tpu.memref_slice %arg7[%dma_wait3A_73, %dma_wait3A_78] : memref<160x128xi32, #tpu.memory_space<vmem>> -> memref<1x128xi32, #tpu.memory_space<vmem>>
    %dma_wait3A_80 = tpu.memref_squeeze %dma_wait3A_79 : memref<1x128xi32, #tpu.memory_space<vmem>> -> memref<128xi32, #tpu.memory_space<vmem>>
    %dma_wait3A_81 = arith.constant 0 : i32
    %dma_wait3A_82 = arith.constant 0 : i32
    %dma_wait3A_83 = tpu.memref_slice %arg10[%dma_wait3A_81, %dma_wait3A_82] : memref<10240x64xf32, #tpu.memory_space<vmem_shared>> -> memref<10240x64xf32, #tpu.memory_space<vmem_shared>>
    tpu.wait_indirect_dma semaphore(%arg14 : memref<!tpu.dma_semaphore, #tpu.memory_space<semaphore_mem>>) src(%dma_wait3A_77 : memref<128x64xf32, #tpu.memory_space<vmem>>) dst(%dma_wait3A_83 : memref<10240x64xf32, #tpu.memory_space<vmem_shared>>)
    %barrier3A_84 = arith.constant 0 : index
    tpu.barrier barrier_id(%barrier3A_84)
    %mul3A_85 = arith.constant 640 : i32
    %mul3A_86 = arith.muli %arg1, %mul3A_85 : i32
    %add3A_87 = arith.constant 0 : i32
    %add3A_88 = arith.addi %mul3A_86, %add3A_87 : i32
    "tpu.region"() ({
      %run_scoped3A = tpu.sem_alloc : memref<!tpu.dma_semaphore, #tpu.memory_space<semaphore_mem>>
      %dma_start3A_113 = arith.constant 0 : i32
      %dma_start3A_114 = tpu.memref_slice %arg10[%add3A_88, %dma_start3A_113] : memref<10240x64xf32, #tpu.memory_space<vmem_shared>> -> memref<160x64xf32, #tpu.memory_space<vmem_shared>>
      %dma_start3A_115 = arith.constant 0 : i32
      %dma_start3A_116 = tpu.memref_slice %arg10[%add3A_88, %dma_start3A_115] : memref<10240x64xf32, #tpu.memory_space<vmem_shared>> -> memref<160x64xf32, #tpu.memory_space<vmem_shared>>
      tpu.enqueue_dma source(%dma_start3A_116 : memref<160x64xf32, #tpu.memory_space<vmem_shared>>) target(%arg9 : memref<160x64xf32, #tpu.memory_space<vmem>>) target_semaphore(%run_scoped3A : memref<!tpu.dma_semaphore, #tpu.memory_space<semaphore_mem>>)
      %dma_wait3A_117 = arith.constant 0 : i32
      %dma_wait3A_118 = tpu.memref_slice %arg10[%add3A_88, %dma_wait3A_117] : memref<10240x64xf32, #tpu.memory_space<vmem_shared>> -> memref<160x64xf32, #tpu.memory_space<vmem_shared>>
      %dma_wait3A_119 = arith.constant 0 : i32
      %dma_wait3A_120 = tpu.memref_slice %arg10[%add3A_88, %dma_wait3A_119] : memref<10240x64xf32, #tpu.memory_space<vmem_shared>> -> memref<160x64xf32, #tpu.memory_space<vmem_shared>>
      tpu.wait_dma2 semaphore(%run_scoped3A : memref<!tpu.dma_semaphore, #tpu.memory_space<semaphore_mem>>) src(%dma_wait3A_120 : memref<160x64xf32, #tpu.memory_space<vmem_shared>>) dst(%arg9 : memref<160x64xf32, #tpu.memory_space<vmem>>)
      tpu.yield
    }) : () -> ()
    %mul3A_89 = arith.constant 10240 : i32
    %mul3A_90 = arith.muli %arg0, %mul3A_89 : i32
    %add3A_91 = arith.addi %mul3A_90, %add3A_88 : i32
    "tpu.region"() ({
      %run_scoped3A = tpu.sem_alloc : memref<!tpu.dma_semaphore, #tpu.memory_space<semaphore_mem>>
      %dma_start3A_113 = arith.constant 0 : i32
      %dma_start3A_114 = tpu.memref_slice %arg5[%add3A_91, %dma_start3A_113] : memref<20480x64xf32, #tpu.memory_space<hbm>> -> memref<160x64xf32, #tpu.memory_space<hbm>>
      %dma_start3A_115 = arith.constant 0 : i32
      %dma_start3A_116 = tpu.memref_slice %arg5[%add3A_91, %dma_start3A_115] : memref<20480x64xf32, #tpu.memory_space<hbm>> -> memref<160x64xf32, #tpu.memory_space<hbm>>
      tpu.enqueue_dma source(%arg9 : memref<160x64xf32, #tpu.memory_space<vmem>>) target(%dma_start3A_116 : memref<160x64xf32, #tpu.memory_space<hbm>>) target_semaphore(%run_scoped3A : memref<!tpu.dma_semaphore, #tpu.memory_space<semaphore_mem>>)
      %dma_wait3A_117 = arith.constant 0 : i32
      %dma_wait3A_118 = tpu.memref_slice %arg5[%add3A_91, %dma_wait3A_117] : memref<20480x64xf32, #tpu.memory_space<hbm>> -> memref<160x64xf32, #tpu.memory_space<hbm>>
      %dma_wait3A_119 = arith.constant 0 : i32
      %dma_wait3A_120 = tpu.memref_slice %arg5[%add3A_91, %dma_wait3A_119] : memref<20480x64xf32, #tpu.memory_space<hbm>> -> memref<160x64xf32, #tpu.memory_space<hbm>>
      tpu.wait_dma2 semaphore(%run_scoped3A : memref<!tpu.dma_semaphore, #tpu.memory_space<semaphore_mem>>) src(%arg9 : memref<160x64xf32, #tpu.memory_space<vmem>>) dst(%dma_wait3A_120 : memref<160x64xf32, #tpu.memory_space<hbm>>)
      tpu.yield
    }) : () -> ()
    %mul3A_92 = arith.constant 640 : i32
    %mul3A_93 = arith.muli %arg1, %mul3A_92 : i32
    %add3A_94 = arith.constant 160 : i32
    %add3A_95 = arith.addi %mul3A_93, %add3A_94 : i32
    "tpu.region"() ({
      %run_scoped3A = tpu.sem_alloc : memref<!tpu.dma_semaphore, #tpu.memory_space<semaphore_mem>>
      %dma_start3A_113 = arith.constant 0 : i32
      %dma_start3A_114 = tpu.memref_slice %arg10[%add3A_95, %dma_start3A_113] : memref<10240x64xf32, #tpu.memory_space<vmem_shared>> -> memref<160x64xf32, #tpu.memory_space<vmem_shared>>
      %dma_start3A_115 = arith.constant 0 : i32
      %dma_start3A_116 = tpu.memref_slice %arg10[%add3A_95, %dma_start3A_115] : memref<10240x64xf32, #tpu.memory_space<vmem_shared>> -> memref<160x64xf32, #tpu.memory_space<vmem_shared>>
      tpu.enqueue_dma source(%dma_start3A_116 : memref<160x64xf32, #tpu.memory_space<vmem_shared>>) target(%arg9 : memref<160x64xf32, #tpu.memory_space<vmem>>) target_semaphore(%run_scoped3A : memref<!tpu.dma_semaphore, #tpu.memory_space<semaphore_mem>>)
      %dma_wait3A_117 = arith.constant 0 : i32
      %dma_wait3A_118 = tpu.memref_slice %arg10[%add3A_95, %dma_wait3A_117] : memref<10240x64xf32, #tpu.memory_space<vmem_shared>> -> memref<160x64xf32, #tpu.memory_space<vmem_shared>>
      %dma_wait3A_119 = arith.constant 0 : i32
      %dma_wait3A_120 = tpu.memref_slice %arg10[%add3A_95, %dma_wait3A_119] : memref<10240x64xf32, #tpu.memory_space<vmem_shared>> -> memref<160x64xf32, #tpu.memory_space<vmem_shared>>
      tpu.wait_dma2 semaphore(%run_scoped3A : memref<!tpu.dma_semaphore, #tpu.memory_space<semaphore_mem>>) src(%dma_wait3A_120 : memref<160x64xf32, #tpu.memory_space<vmem_shared>>) dst(%arg9 : memref<160x64xf32, #tpu.memory_space<vmem>>)
      tpu.yield
    }) : () -> ()
    %mul3A_96 = arith.constant 10240 : i32
    %mul3A_97 = arith.muli %arg0, %mul3A_96 : i32
    %add3A_98 = arith.addi %mul3A_97, %add3A_95 : i32
    "tpu.region"() ({
      %run_scoped3A = tpu.sem_alloc : memref<!tpu.dma_semaphore, #tpu.memory_space<semaphore_mem>>
      %dma_start3A_113 = arith.constant 0 : i32
      %dma_start3A_114 = tpu.memref_slice %arg5[%add3A_98, %dma_start3A_113] : memref<20480x64xf32, #tpu.memory_space<hbm>> -> memref<160x64xf32, #tpu.memory_space<hbm>>
      %dma_start3A_115 = arith.constant 0 : i32
      %dma_start3A_116 = tpu.memref_slice %arg5[%add3A_98, %dma_start3A_115] : memref<20480x64xf32, #tpu.memory_space<hbm>> -> memref<160x64xf32, #tpu.memory_space<hbm>>
      tpu.enqueue_dma source(%arg9 : memref<160x64xf32, #tpu.memory_space<vmem>>) target(%dma_start3A_116 : memref<160x64xf32, #tpu.memory_space<hbm>>) target_semaphore(%run_scoped3A : memref<!tpu.dma_semaphore, #tpu.memory_space<semaphore_mem>>)
      %dma_wait3A_117 = arith.constant 0 : i32
      %dma_wait3A_118 = tpu.memref_slice %arg5[%add3A_98, %dma_wait3A_117] : memref<20480x64xf32, #tpu.memory_space<hbm>> -> memref<160x64xf32, #tpu.memory_space<hbm>>
      %dma_wait3A_119 = arith.constant 0 : i32
      %dma_wait3A_120 = tpu.memref_slice %arg5[%add3A_98, %dma_wait3A_119] : memref<20480x64xf32, #tpu.memory_space<hbm>> -> memref<160x64xf32, #tpu.memory_space<hbm>>
      tpu.wait_dma2 semaphore(%run_scoped3A : memref<!tpu.dma_semaphore, #tpu.memory_space<semaphore_mem>>) src(%arg9 : memref<160x64xf32, #tpu.memory_space<vmem>>) dst(%dma_wait3A_120 : memref<160x64xf32, #tpu.memory_space<hbm>>)
      tpu.yield
    }) : () -> ()
    %mul3A_99 = arith.constant 640 : i32
    %mul3A_100 = arith.muli %arg1, %mul3A_99 : i32
    %add3A_101 = arith.constant 320 : i32
    %add3A_102 = arith.addi %mul3A_100, %add3A_101 : i32
    "tpu.region"() ({
      %run_scoped3A = tpu.sem_alloc : memref<!tpu.dma_semaphore, #tpu.memory_space<semaphore_mem>>
      %dma_start3A_113 = arith.constant 0 : i32
      %dma_start3A_114 = tpu.memref_slice %arg10[%add3A_102, %dma_start3A_113] : memref<10240x64xf32, #tpu.memory_space<vmem_shared>> -> memref<160x64xf32, #tpu.memory_space<vmem_shared>>
      %dma_start3A_115 = arith.constant 0 : i32
      %dma_start3A_116 = tpu.memref_slice %arg10[%add3A_102, %dma_start3A_115] : memref<10240x64xf32, #tpu.memory_space<vmem_shared>> -> memref<160x64xf32, #tpu.memory_space<vmem_shared>>
      tpu.enqueue_dma source(%dma_start3A_116 : memref<160x64xf32, #tpu.memory_space<vmem_shared>>) target(%arg9 : memref<160x64xf32, #tpu.memory_space<vmem>>) target_semaphore(%run_scoped3A : memref<!tpu.dma_semaphore, #tpu.memory_space<semaphore_mem>>)
      %dma_wait3A_117 = arith.constant 0 : i32
      %dma_wait3A_118 = tpu.memref_slice %arg10[%add3A_102, %dma_wait3A_117] : memref<10240x64xf32, #tpu.memory_space<vmem_shared>> -> memref<160x64xf32, #tpu.memory_space<vmem_shared>>
      %dma_wait3A_119 = arith.constant 0 : i32
      %dma_wait3A_120 = tpu.memref_slice %arg10[%add3A_102, %dma_wait3A_119] : memref<10240x64xf32, #tpu.memory_space<vmem_shared>> -> memref<160x64xf32, #tpu.memory_space<vmem_shared>>
      tpu.wait_dma2 semaphore(%run_scoped3A : memref<!tpu.dma_semaphore, #tpu.memory_space<semaphore_mem>>) src(%dma_wait3A_120 : memref<160x64xf32, #tpu.memory_space<vmem_shared>>) dst(%arg9 : memref<160x64xf32, #tpu.memory_space<vmem>>)
      tpu.yield
    }) : () -> ()
    %mul3A_103 = arith.constant 10240 : i32
    %mul3A_104 = arith.muli %arg0, %mul3A_103 : i32
    %add3A_105 = arith.addi %mul3A_104, %add3A_102 : i32
    "tpu.region"() ({
      %run_scoped3A = tpu.sem_alloc : memref<!tpu.dma_semaphore, #tpu.memory_space<semaphore_mem>>
      %dma_start3A_113 = arith.constant 0 : i32
      %dma_start3A_114 = tpu.memref_slice %arg5[%add3A_105, %dma_start3A_113] : memref<20480x64xf32, #tpu.memory_space<hbm>> -> memref<160x64xf32, #tpu.memory_space<hbm>>
      %dma_start3A_115 = arith.constant 0 : i32
      %dma_start3A_116 = tpu.memref_slice %arg5[%add3A_105, %dma_start3A_115] : memref<20480x64xf32, #tpu.memory_space<hbm>> -> memref<160x64xf32, #tpu.memory_space<hbm>>
      tpu.enqueue_dma source(%arg9 : memref<160x64xf32, #tpu.memory_space<vmem>>) target(%dma_start3A_116 : memref<160x64xf32, #tpu.memory_space<hbm>>) target_semaphore(%run_scoped3A : memref<!tpu.dma_semaphore, #tpu.memory_space<semaphore_mem>>)
      %dma_wait3A_117 = arith.constant 0 : i32
      %dma_wait3A_118 = tpu.memref_slice %arg5[%add3A_105, %dma_wait3A_117] : memref<20480x64xf32, #tpu.memory_space<hbm>> -> memref<160x64xf32, #tpu.memory_space<hbm>>
      %dma_wait3A_119 = arith.constant 0 : i32
      %dma_wait3A_120 = tpu.memref_slice %arg5[%add3A_105, %dma_wait3A_119] : memref<20480x64xf32, #tpu.memory_space<hbm>> -> memref<160x64xf32, #tpu.memory_space<hbm>>
      tpu.wait_dma2 semaphore(%run_scoped3A : memref<!tpu.dma_semaphore, #tpu.memory_space<semaphore_mem>>) src(%arg9 : memref<160x64xf32, #tpu.memory_space<vmem>>) dst(%dma_wait3A_120 : memref<160x64xf32, #tpu.memory_space<hbm>>)
      tpu.yield
    }) : () -> ()
    %mul3A_106 = arith.constant 640 : i32
    %mul3A_107 = arith.muli %arg1, %mul3A_106 : i32
    %add3A_108 = arith.constant 480 : i32
    %add3A_109 = arith.addi %mul3A_107, %add3A_108 : i32
    "tpu.region"() ({
      %run_scoped3A = tpu.sem_alloc : memref<!tpu.dma_semaphore, #tpu.memory_space<semaphore_mem>>
      %dma_start3A_113 = arith.constant 0 : i32
      %dma_start3A_114 = tpu.memref_slice %arg10[%add3A_109, %dma_start3A_113] : memref<10240x64xf32, #tpu.memory_space<vmem_shared>> -> memref<160x64xf32, #tpu.memory_space<vmem_shared>>
      %dma_start3A_115 = arith.constant 0 : i32
      %dma_start3A_116 = tpu.memref_slice %arg10[%add3A_109, %dma_start3A_115] : memref<10240x64xf32, #tpu.memory_space<vmem_shared>> -> memref<160x64xf32, #tpu.memory_space<vmem_shared>>
      tpu.enqueue_dma source(%dma_start3A_116 : memref<160x64xf32, #tpu.memory_space<vmem_shared>>) target(%arg9 : memref<160x64xf32, #tpu.memory_space<vmem>>) target_semaphore(%run_scoped3A : memref<!tpu.dma_semaphore, #tpu.memory_space<semaphore_mem>>)
      %dma_wait3A_117 = arith.constant 0 : i32
      %dma_wait3A_118 = tpu.memref_slice %arg10[%add3A_109, %dma_wait3A_117] : memref<10240x64xf32, #tpu.memory_space<vmem_shared>> -> memref<160x64xf32, #tpu.memory_space<vmem_shared>>
      %dma_wait3A_119 = arith.constant 0 : i32
      %dma_wait3A_120 = tpu.memref_slice %arg10[%add3A_109, %dma_wait3A_119] : memref<10240x64xf32, #tpu.memory_space<vmem_shared>> -> memref<160x64xf32, #tpu.memory_space<vmem_shared>>
      tpu.wait_dma2 semaphore(%run_scoped3A : memref<!tpu.dma_semaphore, #tpu.memory_space<semaphore_mem>>) src(%dma_wait3A_120 : memref<160x64xf32, #tpu.memory_space<vmem_shared>>) dst(%arg9 : memref<160x64xf32, #tpu.memory_space<vmem>>)
      tpu.yield
    }) : () -> ()
    %mul3A_110 = arith.constant 10240 : i32
    %mul3A_111 = arith.muli %arg0, %mul3A_110 : i32
    %add3A_112 = arith.addi %mul3A_111, %add3A_109 : i32
    "tpu.region"() ({
      %run_scoped3A = tpu.sem_alloc : memref<!tpu.dma_semaphore, #tpu.memory_space<semaphore_mem>>
      %dma_start3A_113 = arith.constant 0 : i32
      %dma_start3A_114 = tpu.memref_slice %arg5[%add3A_112, %dma_start3A_113] : memref<20480x64xf32, #tpu.memory_space<hbm>> -> memref<160x64xf32, #tpu.memory_space<hbm>>
      %dma_start3A_115 = arith.constant 0 : i32
      %dma_start3A_116 = tpu.memref_slice %arg5[%add3A_112, %dma_start3A_115] : memref<20480x64xf32, #tpu.memory_space<hbm>> -> memref<160x64xf32, #tpu.memory_space<hbm>>
      tpu.enqueue_dma source(%arg9 : memref<160x64xf32, #tpu.memory_space<vmem>>) target(%dma_start3A_116 : memref<160x64xf32, #tpu.memory_space<hbm>>) target_semaphore(%run_scoped3A : memref<!tpu.dma_semaphore, #tpu.memory_space<semaphore_mem>>)
      %dma_wait3A_117 = arith.constant 0 : i32
      %dma_wait3A_118 = tpu.memref_slice %arg5[%add3A_112, %dma_wait3A_117] : memref<20480x64xf32, #tpu.memory_space<hbm>> -> memref<160x64xf32, #tpu.memory_space<hbm>>
      %dma_wait3A_119 = arith.constant 0 : i32
      %dma_wait3A_120 = tpu.memref_slice %arg5[%add3A_112, %dma_wait3A_119] : memref<20480x64xf32, #tpu.memory_space<hbm>> -> memref<160x64xf32, #tpu.memory_space<hbm>>
      tpu.wait_dma2 semaphore(%run_scoped3A : memref<!tpu.dma_semaphore, #tpu.memory_space<semaphore_mem>>) src(%arg9 : memref<160x64xf32, #tpu.memory_space<vmem>>) dst(%dma_wait3A_120 : memref<160x64xf32, #tpu.memory_space<hbm>>)
      tpu.yield
    }) : () -> ()
    return
  }
}

module attributes {stable_mosaic.version = 14 : i64} {
  func.func @body(%arg0: i32, %arg1: memref<640x128xf32, #tpu.memory_space<vmem>>, %arg2: memref<128x128xf32, #tpu.memory_space<vmem>>, %arg3: memref<2x640x16xf32, #tpu.memory_space<vmem>>, %arg4: memref<2x640x64xf32, #tpu.memory_space<vmem>>, %arg5: memref<640x1xf32, #tpu.memory_space<vmem>>) attributes {dimension_semantics = [#tpu.dimension_semantics<arbitrary>], iteration_bounds = array<i64: 16>, scalar_prefetch = 0 : i64, scratch_operands = 0 : i64, tpu.core_type = #tpu.core_type<tc>, window_params = [{transform_indices = @transform_0, window_bounds = array<i64: 640, 128>}, {pipeline_mode = #tpu.pipeline_mode<synchronous>, transform_indices = @transform_1, window_bounds = array<i64: 128, 128>}, {transform_indices = @transform_2, window_bounds = array<i64: 2, 640, 16>}, {transform_indices = @transform_3, window_bounds = array<i64: 2, 640, 64>}, {transform_indices = @transform_4, window_bounds = array<i64: 640, 1>}]} {
    %get3A = arith.constant 0 : index
    %get3A_0 = arith.constant 0 : index
    %get3A_1 = arith.constant 0 : index
    %get3A_2 = vector.load %arg3[%get3A, %get3A_0, %get3A_1] : memref<2x640x16xf32, #tpu.memory_space<vmem>>, vector<1x640x1xf32>
    %get3A_3 = vector.shape_cast %get3A_2 : vector<1x640x1xf32> to vector<640xf32>
    %get3A_4 = arith.constant 1 : index
    %get3A_5 = arith.constant 0 : index
    %get3A_6 = arith.constant 0 : index
    %get3A_7 = vector.load %arg3[%get3A_4, %get3A_5, %get3A_6] : memref<2x640x16xf32, #tpu.memory_space<vmem>>, vector<1x640x1xf32>
    %get3A_8 = vector.shape_cast %get3A_7 : vector<1x640x1xf32> to vector<640xf32>
    %add3A = arith.addf %get3A_3, %get3A_8 : vector<640xf32>
    %add3A_9 = arith.constant 1.000000e+00 : f32
    %add3A_10 = vector.broadcast %add3A_9 : f32 to vector<640xf32>
    %add3A_11 = arith.addf %add3A, %add3A_10 : vector<640xf32>
    %rsqrt3A = math.rsqrt %add3A_11 : vector<640xf32>
    %get3A_12 = arith.constant 0 : index
    %get3A_13 = arith.constant 0 : index
    %get3A_14 = vector.load %arg1[%get3A_12, %get3A_13] : memref<640x128xf32, #tpu.memory_space<vmem>>, vector<640x128xf32>
    %get3A_15 = arith.constant 0 : index
    %get3A_16 = arith.constant 0 : index
    %get3A_17 = vector.load %arg2[%get3A_15, %get3A_16] : memref<128x128xf32, #tpu.memory_space<vmem>>, vector<128x128xf32>
    %dot_general3A = arith.constant dense<0.000000e+00> : vector<640x128xf32>
    %dot_general3A_18 = tpu.matmul %get3A_14, %get3A_17, %dot_general3A {dimension_numbers = #tpu.dot_dimension_numbers<[1], [1], [0], [0], [0, 0, 1, 0], [], []>, precision = #tpu.contract_precision<fp32>, transpose_lhs_hint = false} : vector<640x128xf32>, vector<128x128xf32>, vector<640x128xf32> -> vector<640x128xf32>
    %broadcast_in_dim3A = vector.shape_cast %rsqrt3A : vector<640xf32> to vector<640x1xf32>
    %mul3A = vector.broadcast %broadcast_in_dim3A : vector<640x1xf32> to vector<640x128xf32>
    %mul3A_19 = arith.mulf %dot_general3A_18, %mul3A : vector<640x128xf32>
    %slice3A = vector.extract_strided_slice %mul3A_19 {offsets = [0, 0], sizes = [640, 64], strides = [1, 1]} : vector<640x128xf32> to vector<640x64xf32>
    %swap3A = arith.constant 0 : index
    %swap3A_20 = arith.constant 0 : index
    %swap3A_21 = arith.constant 0 : index
    %swap3A_22 = vector.load %arg4[%swap3A, %swap3A_20, %swap3A_21] : memref<2x640x64xf32, #tpu.memory_space<vmem>>, vector<1x640x64xf32>
    %swap3A_23 = vector.shape_cast %swap3A_22 : vector<1x640x64xf32> to vector<640x64xf32>
    %swap3A_24 = vector.shape_cast %slice3A : vector<640x64xf32> to vector<1x640x64xf32>
    tpu.vector_store %arg4[%swap3A, %swap3A_20, %swap3A_21], %swap3A_24 {strides = array<i32>} : memref<2x640x64xf32, #tpu.memory_space<vmem>>, vector<1x640x64xf32>,
    %slice3A_25 = vector.extract_strided_slice %mul3A_19 {offsets = [0, 64], sizes = [640, 64], strides = [1, 1]} : vector<640x128xf32> to vector<640x64xf32>
    %swap3A_26 = arith.constant 1 : index
    %swap3A_27 = arith.constant 0 : index
    %swap3A_28 = arith.constant 0 : index
    %swap3A_29 = vector.load %arg4[%swap3A_26, %swap3A_27, %swap3A_28] : memref<2x640x64xf32, #tpu.memory_space<vmem>>, vector<1x640x64xf32>
    %swap3A_30 = vector.shape_cast %swap3A_29 : vector<1x640x64xf32> to vector<640x64xf32>
    %swap3A_31 = vector.shape_cast %slice3A_25 : vector<640x64xf32> to vector<1x640x64xf32>
    tpu.vector_store %arg4[%swap3A_26, %swap3A_27, %swap3A_28], %swap3A_31 {strides = array<i32>} : memref<2x640x64xf32, #tpu.memory_space<vmem>>, vector<1x640x64xf32>,
    %broadcast_in_dim3A_32 = vector.shape_cast %rsqrt3A : vector<640xf32> to vector<640x1xf32>
    %swap3A_33 = arith.constant 0 : index
    %swap3A_34 = arith.constant 0 : index
    %swap3A_35 = vector.load %arg5[%swap3A_33, %swap3A_34] : memref<640x1xf32, #tpu.memory_space<vmem>>, vector<640x1xf32>
    tpu.vector_store %arg5[%swap3A_33, %swap3A_34], %broadcast_in_dim3A_32 {strides = array<i32>} : memref<640x1xf32, #tpu.memory_space<vmem>>, vector<640x1xf32>,
    return
  }
  func.func @transform_0(%arg0: i32) -> (i32, i32) {
    %c0_i32 = arith.constant 0 : i32
    %c0_i32_0 = arith.constant 0 : i32
    return %arg0, %c0_i32 : i32, i32
  }
  func.func @transform_1(%arg0: i32) -> (i32, i32) {
    %c0_i32 = arith.constant 0 : i32
    %c0_i32_0 = arith.constant 0 : i32
    %c0_i32_1 = arith.constant 0 : i32
    return %c0_i32, %c0_i32_0 : i32, i32
  }
  func.func @transform_2(%arg0: i32) -> (i32, i32, i32) {
    %c0_i32 = arith.constant 0 : i32
    %c0_i32_0 = arith.constant 0 : i32
    %c0_i32_1 = arith.constant 0 : i32
    return %c0_i32, %arg0, %c0_i32_0 : i32, i32, i32
  }
  func.func @transform_3(%arg0: i32) -> (i32, i32, i32) {
    %c0_i32 = arith.constant 0 : i32
    %c0_i32_0 = arith.constant 0 : i32
    %c0_i32_1 = arith.constant 0 : i32
    return %c0_i32, %arg0, %c0_i32_0 : i32, i32, i32
  }
  func.func @transform_4(%arg0: i32) -> (i32, i32) {
    %c0_i32 = arith.constant 0 : i32
    %c0_i32_0 = arith.constant 0 : i32
    return %arg0, %c0_i32 : i32, i32
  }
}

module attributes {stable_mosaic.version = 14 : i64} {
  func.func @body(%arg0: i32, %arg1: memref<2x640x64xf32, #tpu.memory_space<vmem>>, %arg2: memref<640x1xf32, #tpu.memory_space<vmem>>, %arg3: memref<1x128xf32, #tpu.memory_space<vmem>>, %arg4: memref<16x128xf32, #tpu.memory_space<vmem>>, %arg5: memref<2x640x16xf32, #tpu.memory_space<vmem>>) attributes {dimension_semantics = [#tpu.dimension_semantics<arbitrary>], iteration_bounds = array<i64: 16>, scalar_prefetch = 0 : i64, scratch_operands = 0 : i64, tpu.core_type = #tpu.core_type<tc>, window_params = [{transform_indices = @transform_0, window_bounds = array<i64: 2, 640, 64>}, {transform_indices = @transform_1, window_bounds = array<i64: 640, 1>}, {pipeline_mode = #tpu.pipeline_mode<synchronous>, transform_indices = @transform_2, window_bounds = array<i64: 1, 128>}, {pipeline_mode = #tpu.pipeline_mode<synchronous>, transform_indices = @transform_3, window_bounds = array<i64: 16, 128>}, {transform_indices = @transform_4, window_bounds = array<i64: 2, 640, 16>}]} {
    %get3A = arith.constant 0 : index
    %get3A_0 = arith.constant 0 : index
    %get3A_1 = vector.load %arg2[%get3A, %get3A_0] : memref<640x1xf32, #tpu.memory_space<vmem>>, vector<640x1xf32>
    %get3A_2 = arith.constant 0 : index
    %get3A_3 = arith.constant 0 : index
    %get3A_4 = arith.constant 0 : index
    %get3A_5 = vector.load %arg1[%get3A_2, %get3A_3, %get3A_4] : memref<2x640x64xf32, #tpu.memory_space<vmem>>, vector<1x640x64xf32>
    %get3A_6 = vector.shape_cast %get3A_5 : vector<1x640x64xf32> to vector<640x64xf32>
    %get3A_7 = arith.constant 1 : index
    %get3A_8 = arith.constant 0 : index
    %get3A_9 = arith.constant 0 : index
    %get3A_10 = vector.load %arg1[%get3A_7, %get3A_8, %get3A_9] : memref<2x640x64xf32, #tpu.memory_space<vmem>>, vector<1x640x64xf32>
    %get3A_11 = vector.shape_cast %get3A_10 : vector<1x640x64xf32> to vector<640x64xf32>
    %concatenate3A = tpu.concatenate %get3A_6, %get3A_11 in 1 : vector<640x64xf32>, vector<640x64xf32> -> vector<640x128xf32>
    %mul3A = vector.broadcast %get3A_1 : vector<640x1xf32> to vector<640x128xf32>
    %mul3A_12 = arith.mulf %concatenate3A, %mul3A : vector<640x128xf32>
    %get3A_13 = arith.constant 0 : index
    %get3A_14 = arith.constant 0 : index
    %get3A_15 = vector.load %arg3[%get3A_13, %get3A_14] : memref<1x128xf32, #tpu.memory_space<vmem>>, vector<1x128xf32>
    %add3A = vector.broadcast %get3A_15 : vector<1x128xf32> to vector<640x128xf32>
    %add3A_16 = arith.addf %mul3A_12, %add3A : vector<640x128xf32>
    %max3A = arith.constant 0.000000e+00 : f32
    %max3A_17 = vector.broadcast %max3A : f32 to vector<640x128xf32>
    %max3A_18 = arith.maximumf %add3A_16, %max3A_17 : vector<640x128xf32>
    %get3A_19 = arith.constant 0 : index
    %get3A_20 = arith.constant 0 : index
    %get3A_21 = vector.load %arg4[%get3A_19, %get3A_20] : memref<16x128xf32, #tpu.memory_space<vmem>>, vector<16x128xf32>
    %dot_general3A = arith.constant dense<0.000000e+00> : vector<640x16xf32>
    %dot_general3A_22 = tpu.matmul %max3A_18, %get3A_21, %dot_general3A {dimension_numbers = #tpu.dot_dimension_numbers<[1], [1], [0], [0], [0, 0, 1, 0], [], []>, precision = #tpu.contract_precision<fp32>, transpose_lhs_hint = false} : vector<640x128xf32>, vector<16x128xf32>, vector<640x16xf32> -> vector<640x16xf32>
    %mul3A_23 = vector.broadcast %get3A_1 : vector<640x1xf32> to vector<640x16xf32>
    %mul3A_24 = arith.mulf %dot_general3A_22, %mul3A_23 : vector<640x16xf32>
    %swap3A = arith.constant 0 : index
    %swap3A_25 = arith.constant 0 : index
    %swap3A_26 = arith.constant 0 : index
    %swap3A_27 = vector.load %arg5[%swap3A, %swap3A_25, %swap3A_26] : memref<2x640x16xf32, #tpu.memory_space<vmem>>, vector<1x640x16xf32>
    %swap3A_28 = vector.shape_cast %swap3A_27 : vector<1x640x16xf32> to vector<640x16xf32>
    %swap3A_29 = vector.shape_cast %mul3A_24 : vector<640x16xf32> to vector<1x640x16xf32>
    tpu.vector_store %arg5[%swap3A, %swap3A_25, %swap3A_26], %swap3A_29 {strides = array<i32>} : memref<2x640x16xf32, #tpu.memory_space<vmem>>, vector<1x640x16xf32>,
    %broadcast_in_dim3A = arith.constant 0.000000e+00 : f32
    %broadcast_in_dim3A_30 = vector.broadcast %broadcast_in_dim3A : f32 to vector<640x16xf32>
    %swap3A_31 = arith.constant 1 : index
    %swap3A_32 = arith.constant 0 : index
    %swap3A_33 = arith.constant 0 : index
    %swap3A_34 = vector.load %arg5[%swap3A_31, %swap3A_32, %swap3A_33] : memref<2x640x16xf32, #tpu.memory_space<vmem>>, vector<1x640x16xf32>
    %swap3A_35 = vector.shape_cast %swap3A_34 : vector<1x640x16xf32> to vector<640x16xf32>
    %swap3A_36 = vector.shape_cast %broadcast_in_dim3A_30 : vector<640x16xf32> to vector<1x640x16xf32>
    tpu.vector_store %arg5[%swap3A_31, %swap3A_32, %swap3A_33], %swap3A_36 {strides = array<i32>} : memref<2x640x16xf32, #tpu.memory_space<vmem>>, vector<1x640x16xf32>,
    return
  }
  func.func @transform_0(%arg0: i32) -> (i32, i32, i32) {
    %c0_i32 = arith.constant 0 : i32
    %c0_i32_0 = arith.constant 0 : i32
    %c0_i32_1 = arith.constant 0 : i32
    return %c0_i32, %arg0, %c0_i32_0 : i32, i32, i32
  }
  func.func @transform_1(%arg0: i32) -> (i32, i32) {
    %c0_i32 = arith.constant 0 : i32
    %c0_i32_0 = arith.constant 0 : i32
    return %arg0, %c0_i32 : i32, i32
  }
  func.func @transform_2(%arg0: i32) -> (i32, i32) {
    %c0_i32 = arith.constant 0 : i32
    %c0_i32_0 = arith.constant 0 : i32
    %c0_i32_1 = arith.constant 0 : i32
    return %c0_i32, %c0_i32_0 : i32, i32
  }
  func.func @transform_3(%arg0: i32) -> (i32, i32) {
    %c0_i32 = arith.constant 0 : i32
    %c0_i32_0 = arith.constant 0 : i32
    %c0_i32_1 = arith.constant 0 : i32
    return %c0_i32, %c0_i32_0 : i32, i32
  }
  func.func @transform_4(%arg0: i32) -> (i32, i32, i32) {
    %c0_i32 = arith.constant 0 : i32
    %c0_i32_0 = arith.constant 0 : i32
    %c0_i32_1 = arith.constant 0 : i32
    return %c0_i32, %arg0, %c0_i32_0 : i32, i32, i32
  }
}

module attributes {stable_mosaic.version = 14 : i64} {
  func.func @body(%arg0: i32, %arg1: memref<2x640x16xf32, #tpu.memory_space<vmem>>, %arg2: memref<640x1xf32, #tpu.memory_space<vmem>>, %arg3: memref<1x16xf32, #tpu.memory_space<vmem>>, %arg4: memref<640x16xf32, #tpu.memory_space<vmem>>) attributes {dimension_semantics = [#tpu.dimension_semantics<arbitrary>], iteration_bounds = array<i64: 16>, scalar_prefetch = 0 : i64, scratch_operands = 0 : i64, tpu.core_type = #tpu.core_type<tc>, window_params = [{transform_indices = @transform_0, window_bounds = array<i64: 2, 640, 16>}, {transform_indices = @transform_1, window_bounds = array<i64: 640, 1>}, {pipeline_mode = #tpu.pipeline_mode<synchronous>, transform_indices = @transform_2, window_bounds = array<i64: 1, 16>}, {transform_indices = @transform_3, window_bounds = array<i64: 640, 16>}]} {
    %get3A = arith.constant 0 : index
    %get3A_0 = arith.constant 0 : index
    %get3A_1 = arith.constant 0 : index
    %get3A_2 = vector.load %arg1[%get3A, %get3A_0, %get3A_1] : memref<2x640x16xf32, #tpu.memory_space<vmem>>, vector<1x640x16xf32>
    %get3A_3 = vector.shape_cast %get3A_2 : vector<1x640x16xf32> to vector<640x16xf32>
    %get3A_4 = arith.constant 1 : index
    %get3A_5 = arith.constant 0 : index
    %get3A_6 = arith.constant 0 : index
    %get3A_7 = vector.load %arg1[%get3A_4, %get3A_5, %get3A_6] : memref<2x640x16xf32, #tpu.memory_space<vmem>>, vector<1x640x16xf32>
    %get3A_8 = vector.shape_cast %get3A_7 : vector<1x640x16xf32> to vector<640x16xf32>
    %add3A = arith.addf %get3A_3, %get3A_8 : vector<640x16xf32>
    %get3A_9 = arith.constant 0 : index
    %get3A_10 = arith.constant 0 : index
    %get3A_11 = vector.load %arg2[%get3A_9, %get3A_10] : memref<640x1xf32, #tpu.memory_space<vmem>>, vector<640x1xf32>
    %mul3A = vector.broadcast %get3A_11 : vector<640x1xf32> to vector<640x16xf32>
    %mul3A_12 = arith.mulf %add3A, %mul3A : vector<640x16xf32>
    %get3A_13 = arith.constant 0 : index
    %get3A_14 = arith.constant 0 : index
    %get3A_15 = vector.load %arg3[%get3A_13, %get3A_14] : memref<1x16xf32, #tpu.memory_space<vmem>>, vector<1x16xf32>
    %add3A_16 = vector.broadcast %get3A_15 : vector<1x16xf32> to vector<640x16xf32>
    %add3A_17 = arith.addf %mul3A_12, %add3A_16 : vector<640x16xf32>
    %swap3A = arith.constant 0 : index
    %swap3A_18 = arith.constant 0 : index
    %swap3A_19 = vector.load %arg4[%swap3A, %swap3A_18] : memref<640x16xf32, #tpu.memory_space<vmem>>, vector<640x16xf32>
    tpu.vector_store %arg4[%swap3A, %swap3A_18], %add3A_17 {strides = array<i32>} : memref<640x16xf32, #tpu.memory_space<vmem>>, vector<640x16xf32>,
    return
  }
  func.func @transform_0(%arg0: i32) -> (i32, i32, i32) {
    %c0_i32 = arith.constant 0 : i32
    %c0_i32_0 = arith.constant 0 : i32
    %c0_i32_1 = arith.constant 0 : i32
    return %c0_i32, %arg0, %c0_i32_0 : i32, i32, i32
  }
  func.func @transform_1(%arg0: i32) -> (i32, i32) {
    %c0_i32 = arith.constant 0 : i32
    %c0_i32_0 = arith.constant 0 : i32
    return %arg0, %c0_i32 : i32, i32
  }
  func.func @transform_2(%arg0: i32) -> (i32, i32) {
    %c0_i32 = arith.constant 0 : i32
    %c0_i32_0 = arith.constant 0 : i32
    %c0_i32_1 = arith.constant 0 : i32
    return %c0_i32, %c0_i32_0 : i32, i32
  }
  func.func @transform_3(%arg0: i32) -> (i32, i32) {
    %c0_i32 = arith.constant 0 : i32
    %c0_i32_0 = arith.constant 0 : i32
    return %arg0, %c0_i32 : i32, i32
  }
}

</mosaic_0001>

<sc_bundles>
// kernel: kernel.11.cloned.1.call-start
scs
__scs_entry_jumppad:
0x0: {  	(pc) =	sbr.rel $0x88, $3  }
0x1: {  	(tag) =	ssettag $0x0;
	lr =	simm.s32 $0x1  }
0x2: {  	[smem:$0x3F9B] =	sst lr;
	_ =	strace $0xD0000000  }
0x3: {  	_ = 	snop  }
0x4: {  	_ = 	snop  }
0x5: {  	_ = 	snop  }
0x6: {  	_ = 	snop  }
0x7: {  	_ = 	snop  }
__scs_overlays_trampoline_lowered:
0x8: {  	[smem:$0x3FAA] =	sst s0  }
0x9: {  	[smem:$0x3FAB] =	sst s1  }
0xa: {  	[smem:$0x3FAC] =	sst s2  }
0xb: {  	[smem:$0x3FAD] =	sst s3  }
0xc: {  	[smem:$0x3FAE] =	sst s4  }
0xd: {  	[smem:$0x3FAF] =	sst s5  }
0xe: {  	[smem:$0x3FB0] =	sst s6  }
0xf: {  	[smem:$0x3FB1] =	sst s7  }
0x10: {  	[smem:$0x3FB2] =	sst s8  }
0x11: {  	[smem:$0x3FB3] =	sst s9;
	s0 =	simm.s32 @!p0 $0x0  }
0x12: {  	s1 =	sld [smem:$0x3F99];
	s0 =	simm.s32 @p0 $0x1  }
0x13: {  	[smem:$0x3FB4] =	sst s0;
	s0 =	simm.s32 @!p1 $0x0  }
0x14: {  	s2 =	sld [smem:$0x3F98];
	s0 =	simm.s32 @p1 $0x1  }
0x15: {  	[smem:$0x3FB5] =	sst s0;
	s0 =	simm.s32 @!p2 $0x0  }
0x16: {  	s3 =	sld [smem:$0x3FDB];
	s0 =	simm.s32 @p2 $0x1  }
0x17: {  	s4 =	simm.s32 $0x1BF5;
	[smem:$0x3FB7] =	sst s0  }
0x18: {  	s0 =	sld [smem:$0x3F9A];
	_ =	swait.ge [sflag:s4], $0x0  }
0x19: {  	s7 =	sld [smem:$0x3F9B]  }
0x1a: {  	s8 =	sadd.s32 $0xFFFFE003, lr  }
0x1b: {  	s9 =	sadd.s32 $0xFFFFFEF7, lr;
	s5 =	simm.s32 $0xFFFFFFFF;
	p2 =	slt.u32 s8, $0xFFFFF086  }
0x1c: {  	p1 =	slt.u32 s9, $0xF7A;
	s5 =	simm.s32 @!p2 $0x0  }
0x1d: {  	s5 =	simm.s32 @p1 $0x1;
	p0 =	seq.s32 s7, s2  }
0x1e: {  	s7 =	smul.u32 @!p0 $0xF7A, s2;
	p2 =	seq.s32 @!p0 s5, $0x0  }
0x1f: {  	s9 =	smul.u32 $0xF7A, s1;
	s8 =	simm.s32 @!p0 $0x1BF5;
	p2 =	por !p2, p0  }
0x20: {  	[sflag:s8] =	ssyncset.s32 @!p0 $0xFFFFF086;
	s6 =	sadd.s32 @!p0 s3, s7;
	s7 =	simm.s32 @!p0 $0x108  }
0x21: {  	s3 =	sadd.s32 s3, s9;
	s6 =	sadd.s32 @!p0 $0x88, s6;
	s7 =	simm.s32 @p2 $0x1082  }
0x22: {  	[simem:s7], [sflag:s8] =	dma.local @!p0 [hbm:s6], $0xF7A  }
0x23: {  	s9 =	sor.u32 $0xD0000000, s2;
	s6 =	simm.s32 $0x108;
	_ =	swait.ge @!p0 [sflag:s8], $0x0  }
0x24: {  	s3 =	sadd.s32 $0x88, s3;
	s6 =	simm.s32 @!p1 $0x1082;
	[sflag:s4] =	ssyncset.s32 $0xFFFFF086  }
0x25: {  	[simem:s6], [sflag:s4] =	dma.local [hbm:s3], $0xF7A  }
0x26: {  	[smem:$0x3F9B] =	sst s1;
	(tag) =	ssettag s2;
	_ =	strace s9  }
0x27: {  	s1 =	sld [smem:$0x3FAB]  }
0x28: {  	s2 =	sld [smem:$0x3FAC]  }
0x29: {  	s4 =	sld [smem:$0x3FAE]  }
0x2a: {  	p0 =	seq.s32 s5, $0x0;
	s5 =	sld [smem:$0x3FAF]  }
0x2b: {  	s6 =	sld [smem:$0x3FB0]  }
0x2c: {  	s7 =	sld [smem:$0x3FB1]  }
0x2d: {  	s3 =	simm.s32 $0x108;
	s8 =	sld [smem:$0x3FB2]  }
0x2e: {  	s3 =	simm.s32 @!p0 $0x1082;
	s9 =	sld [smem:$0x3FB3]  }
0x2f: {  	lr =	sadd.s32 s0, s3;
	s0 =	sld [smem:$0x3FAA]  }
0x30: {  	s3 =	sld [smem:$0x3FAD]  }
0x31: {  	[smem:$0x3FB6] =	sst s10  }
0x32: {  	s10 =	sld [smem:$0x3FB4];
	_ =	sdelay $0x3  }
0x33: {  	p0 =	seq.s32 s10, $0x1;
	s10 =	sld [smem:$0x3FB6];
	_ =	sdelay $0x3  }
0x34: {  	[smem:$0x3FB6] =	sst s10  }
0x35: {  	s10 =	sld [smem:$0x3FB5];
	_ =	sdelay $0x3  }
0x36: {  	p1 =	seq.s32 s10, $0x1;
	s10 =	sld [smem:$0x3FB6];
	_ =	sdelay $0x3  }
0x37: {  	[smem:$0x3FB6] =	sst s10  }
0x38: {  	s10 =	sld [smem:$0x3FB7]  }
0x39: {  	_ = 	snop;
	(pc) =	sbr.ind lr, $3  }
0x3a: {  	_ = 	snop  }
0x3b: {  	_ = 	snop  }
0x3c: {  	p2 =	seq.s32 s10, $0x1;
	s10 =	sld [smem:$0x3FB6]  }
0x3d: {  	_ =	shalt  }
0x3e: {  	_ =	shalt  }
0x3f: {  	_ =	shalt  }
0x40: {  	_ =	shalt  }
0x41: {  	_ =	shalt  }
0x42: {  	_ =	shalt  }
0x43: {  	_ =	shalt  }
0x44: {  	_ =	shalt  }
0x45: {  	_ =	shalt  }
0x46: {  	_ =	shalt  }
0x47: {  	_ =	shalt  }
0x48: {  	_ =	shalt  }
0x49: {  	_ =	shalt  }
0x4a: {  	_ =	shalt  }
0x4b: {  	_ =	shalt  }
0x4c: {  	_ =	shalt  }
0x4d: {  	_ =	shalt  }
0x4e: {  	_ =	shalt  }
0x4f: {  	_ =	shalt  }
0x50: {  	_ =	shalt  }
0x51: {  	_ =	shalt  }
0x52: {  	_ =	shalt  }
0x53: {  	_ =	shalt  }
0x54: {  	_ =	shalt  }
0x55: {  	_ =	shalt  }
0x56: {  	_ =	shalt  }
0x57: {  	_ =	shalt  }
0x58: {  	_ =	shalt  }
0x59: {  	_ =	shalt  }
0x5a: {  	_ =	shalt  }
0x5b: {  	_ =	shalt  }
0x5c: {  	_ =	shalt  }
0x5d: {  	_ =	shalt  }
0x5e: {  	_ =	shalt  }
0x5f: {  	_ =	shalt  }
0x60: {  	_ =	shalt  }
0x61: {  	_ =	shalt  }
0x62: {  	_ =	shalt  }
0x63: {  	_ =	shalt  }
0x64: {  	_ =	shalt  }
0x65: {  	_ =	shalt  }
0x66: {  	_ =	shalt  }
0x67: {  	_ =	shalt  }
0x68: {  	_ =	shalt  }
0x69: {  	_ =	shalt  }
0x6a: {  	_ =	shalt  }
0x6b: {  	_ =	shalt  }
0x6c: {  	_ =	shalt  }
0x6d: {  	_ =	shalt  }
0x6e: {  	_ =	shalt  }
0x6f: {  	_ =	shalt  }
0x70: {  	_ =	shalt  }
0x71: {  	_ =	shalt  }
0x72: {  	_ =	shalt  }
0x73: {  	_ =	shalt  }
0x74: {  	_ =	shalt  }
0x75: {  	_ =	shalt  }
0x76: {  	_ =	shalt  }
0x77: {  	_ =	shalt  }
0x78: {  	_ =	shalt  }
0x79: {  	_ =	shalt  }
0x7a: {  	_ =	shalt  }
0x7b: {  	_ =	shalt  }
0x7c: {  	_ =	shalt  }
0x7d: {  	_ =	shalt  }
0x7e: {  	_ =	shalt  }
0x7f: {  	_ =	shalt  }
0x80: {  	_ =	shalt  }
0x81: {  	_ =	shalt  }
0x82: {  	_ =	shalt  }
0x83: {  	_ =	shalt  }
0x84: {  	_ =	shalt  }
0x85: {  	_ =	shalt  }
0x86: {  	_ =	shalt  }
0x87: {  	_ =	shalt  }
.Lfunc_end0:
.L_simem_size_0:
called_computation.1_lowered:
.L_overlay_start_0:
0x88: {  	s2 =	sld [smem:$0x3FD9]  }
0x89: {  	s3 =	sld [smem:$0x3FFE];
	_ =	sdelay $0x1  }
0x8a: {  	s1 =	srdreg.scid  }
0x8b: {  	s0 =	sand.u32 $0x1, s1  }
0x8c: {  	s16 =	sshll.u32 s0, $0xA;
	s2 =	sadd.s32 s3, s2  }
0x8d: {  	s2 =	sadd.s32 s2, s16  }
0x8e: {  	[smem:$0x3FC2] =	sst s2  }
0x8f: {  	_ = 	snop  }
0x90: {  	(tm) =	ssettm $0x1  }
0x91: {  	s17 =	sld [smem:$0x3FFB];
	_ =	sdelay $0x3  }
0x92: {  	_ =	strace s17  }
0x93: {  	s2 =	sld [smem:$0x3FFC];
	_ =	sdelay $0x3  }
0x94: {  	_ =	strace s2  }
0x95: {  	s2 =	sld [smem:$0x3FFD];
	_ =	sdelay $0x3  }
0x96: {  	_ =	strace s2  }
0x97: {  	_ =	strace $0x8FFFFFFF  }
0x98: {  	s18 =	sld [smem:$0x3FDB];
	_ =	sdelay $0x1  }
0x99: {  	s19 =	simm.s32 $_scs_section_size  }
0x9a: {  	s4 =	simm.s32 $_size__tile_overlayer_lowered;
	s5 =	simm.s32 $_tile_overlayer_lowered  }
0x9b: {  	s22 =	simm.s32 $0x1BFF;
	s21 =	sshll.u32 s5, $0x1;
	s2 =	sadd.s32 s19, s18  }
0x9c: {  	s6 =	simm.s32 $0x0;
	s20 =	sshll.u32 s4, $0x1;
	s4 =	sadd.s32 s21, s2  }
0x9d: {  	[timem:s6], [sflag:s22] =	dma.local [hbm:s4], s20  }
0x9e: {  	_ =	swait.ge [sflag:s22], s20  }
0x9f: {  	s3 =	ssub.s32 $0x0, s20;
	[sflag:s22] =	ssyncset.done $0x0  }
0xa0: {  	[sflag:s22] =	ssyncadd.s32 s3;
	_ =	sdelay $0x1  }
0xa1: {  	s23 =	simm.s32 $0x1B8B  }
0xa2: {  	_ =	swait.ge [sflag:s23], $0x1  }
0xa3: {  	[sflag:s23] =	ssyncset.done $0x0  }
0xa4: {  	s25 =	simm.s32 $0x1B8E;
	s24 =	sld [smem:$0x3FFE];
	[sflag:s23] =	ssyncadd.s32 $0xFFFFFFFF  }
0xa5: {  	s26 =	simm.s32 $execute0_lowered;
	[smem:$0x3FD2] =	sst s25  }
0xa6: {  	s4 =	sshll.u32 s26, $0x1;
	_ =	strace $0x80000049;
	[dreg:$0x1] =	wrdreg $0xFFFFFFFF  }
0xa7: {  	s28 =	simm.s32 $_size_execute0_lowered;
	s2 =	sadd.s32 s2, s4;
	[dreg:$0x0] =	wrdreg $0x0  }
0xa8: {  	s4 =	sshll.u32 s28, $0x1;
	[dreg:$0x2] =	wrdreg s2  }
0xa9: {  	[dreg:$0x3] =	wrdreg s4  }
0xaa: {  	[dreg:$0x4] =	wrdreg $0xC0  }
0xab: {  	_ =	task [dreg:s6], $0x5FFFF  }
0xac: {  	[dreg:$0x1] =	wrdreg $0xFFFFFFFF  }
0xad: {  	[dreg:$0x0] =	wrdreg $0x60  }
0xae: {  	[dreg:$0x2] =	wrdreg s24  }
0xaf: {  	[dreg:$0x3] =	wrdreg $0x148000  }
0xb0: {  	[dreg:$0x4] =	wrdreg $0x9  }
0xb1: {  	_ =	task.clear_ibuf [dreg:s6], $0x5FFFF;
	_ =	strace $0x90000049  }
0xb2: {  	s29 =	simm.s32 $0x9;
	_ =	strace $0x8000004B  }
0xb3: {  	_ =	swait.ge [sflag:s29], $0x1  }
0xb4: {  	[sflag:s29] =	ssyncadd.s32 $0xFFFFFFFF  }
0xb5: {  	_ =	strace $0x9000004B  }
0xb6: {  	_ =	sfence  }
0xb7: {  	s30 =	sld [smem:$0x0];
	_ =	sdelay $0x2  }
0xb8: {  	s31 =	sshll.u32 s1, $0xD;
	s1 =	sshrl.u32 s1, $0x2  }
0xb9: {  	s3 =	sand.u32 $0x4000, s31;
	s1 =	sadd.s32 s1, s30  }
0xba: {  	s0 =	sor.u32 s3, s0;
	s1 =	sshll.u32 s1, $0x11  }
0xbb: {  	s0 =	sor.u32 s1, s0  }
0xbc: {  	s0 =	sadd.s32 $0x8F2B, s0  }
0xbd: {  	[sflag:s0] =	ssyncadd.remote.s32 $0x1  }
0xbe: {  	_ =	sfence.sel $0xFFFF  }
0xbf: {  	[dreg:$0x0] =	wrdreg $0xFFFFFFFF;
	(pc) =	sbr.abs _section_cstart, $3  }
0xc0: {  	[dreg:$0x1] =	wrdreg $0xFFFFFFFF  }
0xc1: {  	_ =	task.clear_ibuf [dreg:s6], $0x2FFFF;
	_ =	strace $0x9FFFFFFF  }
0xc2: {  	(tm) =	ssettm $0x7FFFFFFF  }
0xc3: {  	_ =	shalt  }
tec
execute0_lowered:
.L_overlay_start_1:
0x0: {  	(tag) =	ssettag $0x1  }
0x1: {  	s0 =	rddreg [dreg:$0x0];
	s1 =	srdreg.scid  }
0x2: {  	s2 =	rddreg [dreg:$0x1];
	s9 =	stileid.u32  }
0x3: {  	s3 =	simm.s32 $0x0;
	s28 =	simm.s32 $0xE000;
	s5 =	smul.u32 $0xA00, s9  }
0x4: {  	s30 =	simm.s32 $0x10000;
	s31 =	simm.s32 $0x1;
	s11 =	smul.u32 $0x280, s9  }
0x5: {  	s29 =	simm.s32 $0x0;
	s1 =	sand.u32 $0x1, s1;
	s20 =	smul.u32 $0x28000, s9  }
0x6: {  	[smem:$0x7FF] =	sst s3;
	s4 =	smul.u32 $0xA000, s1;
	s7 =	ssub.s32 $0x2, s1  }
0x7: {  	_ =	strace $0x8000004A;
	s1 =	smul.u32 $0x2800, s1;
	s8 =	sshrl.u32 s7, $0x1  }
0x8: {  	s22 =	sadd.s32 $0xA0, s11;
	s12 =	sadd.s32 $0x140, s11;
	s26 =	sadd.s32 $0x1E0, s11  }
0x9: {  	s4 =	sadd.s32 s5, s4;
	s5 =	sadd.s32 s5, s0;
	s19 =	ssub.s32 s7, s8  }
0xa: {  	s18 =	sadd.s32 s11, s1;
	s8 =	sshrl.u32 s20, $0x2;
	s24 =	sadd.s32 s1, s22  }
0xb: {  	s13 =	sadd.s32 s1, s12;
	s12 =	sshll.u32 s12, $0x6;
	s1 =	sadd.s32 s1, s26  }
0xc: {  	s14 =	sshll.u32 s26, $0x6;
	s20 =	simm.s32 $0x5;
	s26 =	simm.s32 $0x4  }
0xd: {  	s6 =	sadd.s32 s4, s0;
	s4 =	sadd.s32 $0x2E600, s0;
	s0 =	sadd.s32 $0x56600, s0  }
0xe: {  	s5 =	sadd.s32 $0x1600, s5;
	s21 =	sshll.u32 s18, $0x3;
	s8 =	sadd.s32 s8, s2  }
0xf: {  	s16 =	sshll.u32 s24, $0x3;
	s25 =	sshll.u32 s13, $0x3;
	s12 =	sadd.s32 s12, s2  }
0x10: {  	s1 =	sshll.u32 s1, $0x3;
	s14 =	sadd.s32 s14, s2;
	s19 =	smax.u32 s19, $0x1  }
0x11: {  	s24 =	simm.s32 $0xA000;
	s6 =	sadd.s32 $0x1A600, s6;
	[dreg:$0x4] =	wrdreg s5  }
0x12: {  	s23 =	sadd.s32 s4, s21;
	s9 =	sadd.s32 s4, s16;
	s11 =	sadd.s32 s4, s25  }
0x13: {  	s13 =	sadd.s32 s4, s1;
	s15 =	sadd.s32 s0, s21;
	s16 =	sadd.s32 s0, s16  }
0x14: {  	s17 =	sadd.s32 s0, s25;
	s18 =	sadd.s32 s0, s1;
	s21 =	simm.s32 $0x5000  }
0x15: {  	s25 =	simm.s32 $0xC000;
	s1 =	simm.s32 $0x3;
	[dreg:$0x3] =	wrdreg s6  }
0x16: {  	s0 =	simm.s32 $0x2;
	[dreg:$0x5] =	wrdreg s23;
	s6 =	sshll.u32 s22, $0x6  }
0x17: {  	s22 =	simm.s32 $0x12000;
	s23 =	simm.s32 $0x80;
	s10 =	sadd.s32 s6, s2  }
.LBB2_1:
0x18: {  	s5 =	rddreg [dreg:$0x3]  }
0x19: {  	[tilespmem:s3], [sflag:$0x5] =	stream.linear.gather [hbm4b:s5+s3], $0x5000, $0x38;
	[tilespmem:$0x1E800] =	vst v63  }
0x1a: {  	_ =	swait.ge [sflag:s20], $0x5000  }
0x1b: {  	[sflag:s20] =	ssyncset.done $0x0  }
0x1c: {  	s6 =	rddreg [dreg:$0x4];
	[sflag:s20] =	ssyncadd.s32 $0xFFFFB000  }
0x1d: {  	[tilespmem:s21], [sflag:$0x5] =	stream.linear.gather [hbm4b:s6+s3], $0x5000, $0x38;
	[tilespmem:$0x1E800] =	vst v63  }
0x1e: {  	_ =	swait.ge [sflag:s20], $0x5000  }
0x1f: {  	[sflag:s20] =	ssyncset.done $0x0  }
0x20: {  	s7 =	rddreg [dreg:$0x5];
	[sflag:s20] =	ssyncadd.s32 $0xFFFFB000  }
0x21: {  	[tilespmem:s22], [sflag:$0x5] =	stream.linear.gather [hbm4b:s7+s3], $0x2800, $0x38;
	[tilespmem:$0x1E800] =	vst v63  }
0x22: {  	_ =	swait.ge [sflag:s20], $0x2800  }
0x23: {  	[sflag:s20] =	ssyncset.done $0x0  }
0x24: {  	[sflag:s20] =	ssyncadd.s32 $0xFFFFD800  }
0x25: {  	[spmem:s8] =	stream.linear.scatter [tilespmem:s22], [sflag:$0x5], $0x2800, $0x38;
	[tilespmem:$0x1E800] =	vst v63  }
0x26: {  	_ =	swait.ge [sflag:s20], $0x2800  }
0x27: {  	[sflag:s20] =	ssyncset.done $0x0  }
0x28: {  	[sflag:s20] =	ssyncadd.s32 $0xFFFFD800  }
0x29: {  	[tilespmem:s22], [sflag:$0x5] =	stream.linear.gather [hbm4b:s9+s3], $0x2800, $0x38;
	[tilespmem:$0x1E800] =	vst v63  }
0x2a: {  	_ =	swait.ge [sflag:s20], $0x2800  }
0x2b: {  	[sflag:s20] =	ssyncset.done $0x0  }
0x2c: {  	[sflag:s20] =	ssyncadd.s32 $0xFFFFD800  }
0x2d: {  	[spmem:s10] =	stream.linear.scatter [tilespmem:s22], [sflag:$0x5], $0x2800, $0x38;
	[tilespmem:$0x1E800] =	vst v63  }
0x2e: {  	_ =	swait.ge [sflag:s20], $0x2800  }
0x2f: {  	[sflag:s20] =	ssyncset.done $0x0  }
0x30: {  	[sflag:s20] =	ssyncadd.s32 $0xFFFFD800  }
0x31: {  	[tilespmem:s22], [sflag:$0x5] =	stream.linear.gather [hbm4b:s11+s3], $0x2800, $0x38;
	[tilespmem:$0x1E800] =	vst v63  }
0x32: {  	_ =	swait.ge [sflag:s20], $0x2800  }
0x33: {  	[sflag:s20] =	ssyncset.done $0x0  }
0x34: {  	[sflag:s20] =	ssyncadd.s32 $0xFFFFD800  }
0x35: {  	[spmem:s12] =	stream.linear.scatter [tilespmem:s22], [sflag:$0x5], $0x2800, $0x38;
	[tilespmem:$0x1E800] =	vst v63  }
0x36: {  	_ =	swait.ge [sflag:s20], $0x2800  }
0x37: {  	[sflag:s20] =	ssyncset.done $0x0  }
0x38: {  	[sflag:s20] =	ssyncadd.s32 $0xFFFFD800  }
0x39: {  	[tilespmem:s22], [sflag:$0x5] =	stream.linear.gather [hbm4b:s13+s3], $0x2800, $0x38;
	[tilespmem:$0x1E800] =	vst v63  }
0x3a: {  	_ =	swait.ge [sflag:s20], $0x2800  }
0x3b: {  	[sflag:s20] =	ssyncset.done $0x0  }
0x3c: {  	[sflag:s20] =	ssyncadd.s32 $0xFFFFD800  }
0x3d: {  	[spmem:s14] =	stream.linear.scatter [tilespmem:s22], [sflag:$0x5], $0x2800, $0x38;
	[tilespmem:$0x1E800] =	vst v63  }
0x3e: {  	_ =	swait.ge [sflag:s20], $0x2800  }
0x3f: {  	[sflag:s20] =	ssyncset.done $0x0  }
0x40: {  	[sflag:s20] =	ssyncadd.s32 $0xFFFFD800  }
0x41: {  	[bflag:$0x0] =	sbarrier.arrive $0xFFFF  }
0x42: {  	[tilespmem:s24], [sflag:$0x1] =	stream.indirect.gather [hbm4b:s4+s23], $0x40, s3, s23, $0xb8;
	[tilespmem:$0x1E800] =	vst v63  }
0x43: {  	_ = 	snop  }
0x44: {  	[tilespmem:s25], [sflag:$0x1] =	stream.indirect.gather [hbm4b:s4+s23], $0x40, s23, s23, $0xb8;
	[tilespmem:$0x1E800] =	vst v63  }
0x45: {  	s6 =	simm.s32 $0x100  }
0x46: {  	[tilespmem:s28], [sflag:$0x2] =	stream.indirect.gather [hbm4b:s4+s23], $0x40, s6, s23, $0xb8;
	[tilespmem:$0x1E800] =	vst v63  }
0x47: {  	s7 =	simm.s32 $0x180  }
0x48: {  	[tilespmem:s30], [sflag:$0x2] =	stream.indirect.gather [hbm4b:s4+s23], $0x40, s7, s23, $0xb8;
	[tilespmem:$0x1E800] =	vst v63  }
0x49: {  	_ =	swait.ge [sflag:s31], $0x2000  }
0x4a: {  	[sflag:s31] =	ssyncset.done $0x0  }
0x4b: {  	[sflag:s31] =	ssyncadd.s32 $0xFFFFE000  }
0x4c: {  	_ =	swait.ge [sflag:s31], $0x2000  }
0x4d: {  	[sflag:s31] =	ssyncset.done $0x0  }
0x4e: {  	[sflag:s31] =	ssyncadd.s32 $0xFFFFE000  }
0x4f: {  	[spmem:s2] =	stream.indirect.scatter.add.f32 [tilespmem:s24], [sflag:$0x3], $0x40, s21, s23, $0xb8;
	[tilespmem:$0x1E800] =	vst v63  }
0x50: {  	s6 =	simm.s32 $0x5080  }
0x51: {  	[spmem:s2] =	stream.indirect.scatter.add.f32 [tilespmem:s25], [sflag:$0x3], $0x40, s6, s23, $0xb8;
	[tilespmem:$0x1E800] =	vst v63  }
0x52: {  	_ =	swait.ge [sflag:s1], $0x2000  }
0x53: {  	[sflag:s1] =	ssyncset.done $0x0  }
0x54: {  	[sflag:s1] =	ssyncadd.s32 $0xFFFFE000  }
0x55: {  	_ =	swait.ge [sflag:s1], $0x2000  }
0x56: {  	[sflag:s1] =	ssyncset.done $0x0  }
0x57: {  	s7 =	simm.s32 $0x200;
	[sflag:s1] =	ssyncadd.s32 $0xFFFFE000  }
0x58: {  	[tilespmem:s24], [sflag:$0x1] =	stream.indirect.gather [hbm4b:s4+s23], $0x40, s7, s23, $0xb8;
	[tilespmem:$0x1E800] =	vst v63  }
0x59: {  	s6 =	simm.s32 $0x280  }
0x5a: {  	[tilespmem:s25], [sflag:$0x1] =	stream.indirect.gather [hbm4b:s4+s23], $0x40, s6, s23, $0xb8;
	[tilespmem:$0x1E800] =	vst v63  }
0x5b: {  	_ =	swait.ge [sflag:s0], $0x2000  }
0x5c: {  	[sflag:s0] =	ssyncset.done $0x0  }
0x5d: {  	[sflag:s0] =	ssyncadd.s32 $0xFFFFE000  }
0x5e: {  	_ =	swait.ge [sflag:s0], $0x2000  }
0x5f: {  	[sflag:s0] =	ssyncset.done $0x0  }
0x60: {  	s7 =	simm.s32 $0x5100;
	[sflag:s0] =	ssyncadd.s32 $0xFFFFE000  }
0x61: {  	[spmem:s2] =	stream.indirect.scatter.add.f32 [tilespmem:s28], [sflag:$0x4], $0x40, s7, s23, $0xb8;
	[tilespmem:$0x1E800] =	vst v63  }
0x62: {  	s6 =	simm.s32 $0x5180  }
0x63: {  	[spmem:s2] =	stream.indirect.scatter.add.f32 [tilespmem:s30], [sflag:$0x4], $0x40, s6, s23, $0xb8;
	[tilespmem:$0x1E800] =	vst v63  }
0x64: {  	_ =	swait.ge [sflag:s26], $0x2000  }
0x65: {  	[sflag:s26] =	ssyncset.done $0x0  }
0x66: {  	[sflag:s26] =	ssyncadd.s32 $0xFFFFE000  }
0x67: {  	_ =	swait.ge [sflag:s26], $0x2000  }
0x68: {  	[sflag:s26] =	ssyncset.done $0x0  }
0x69: {  	s7 =	simm.s32 $0x300;
	[sflag:s26] =	ssyncadd.s32 $0xFFFFE000  }
0x6a: {  	[tilespmem:s28], [sflag:$0x2] =	stream.indirect.gather [hbm4b:s4+s23], $0x40, s7, s23, $0xb8;
	[tilespmem:$0x1E800] =	vst v63  }
0x6b: {  	s6 =	simm.s32 $0x380  }
0x6c: {  	[tilespmem:s30], [sflag:$0x2] =	stream.indirect.gather [hbm4b:s4+s23], $0x40, s6, s23, $0xb8;
	[tilespmem:$0x1E800] =	vst v63  }
0x6d: {  	_ =	swait.ge [sflag:s31], $0x2000  }
0x6e: {  	[sflag:s31] =	ssyncset.done $0x0  }
0x6f: {  	[sflag:s31] =	ssyncadd.s32 $0xFFFFE000  }
0x70: {  	_ =	swait.ge [sflag:s31], $0x2000  }
0x71: {  	[sflag:s31] =	ssyncset.done $0x0  }
0x72: {  	s7 =	simm.s32 $0x5200;
	[sflag:s31] =	ssyncadd.s32 $0xFFFFE000  }
0x73: {  	[spmem:s2] =	stream.indirect.scatter.add.f32 [tilespmem:s24], [sflag:$0x3], $0x40, s7, s23, $0xb8;
	[tilespmem:$0x1E800] =	vst v63  }
0x74: {  	s6 =	simm.s32 $0x5280  }
0x75: {  	[spmem:s2] =	stream.indirect.scatter.add.f32 [tilespmem:s25], [sflag:$0x3], $0x40, s6, s23, $0xb8;
	[tilespmem:$0x1E800] =	vst v63  }
0x76: {  	_ =	swait.ge [sflag:s1], $0x2000  }
0x77: {  	[sflag:s1] =	ssyncset.done $0x0  }
0x78: {  	[sflag:s1] =	ssyncadd.s32 $0xFFFFE000  }
0x79: {  	_ =	swait.ge [sflag:s1], $0x2000  }
0x7a: {  	[sflag:s1] =	ssyncset.done $0x0  }
0x7b: {  	s7 =	simm.s32 $0x400;
	[sflag:s1] =	ssyncadd.s32 $0xFFFFE000  }
0x7c: {  	[tilespmem:s24], [sflag:$0x1] =	stream.indirect.gather [hbm4b:s4+s23], $0x40, s7, s23, $0xb8;
	[tilespmem:$0x1E800] =	vst v63  }
0x7d: {  	s6 =	simm.s32 $0x480  }
0x7e: {  	[tilespmem:s25], [sflag:$0x1] =	stream.indirect.gather [hbm4b:s4+s23], $0x40, s6, s23, $0xb8;
	[tilespmem:$0x1E800] =	vst v63  }
0x7f: {  	_ =	swait.ge [sflag:s0], $0x2000  }
0x80: {  	[sflag:s0] =	ssyncset.done $0x0  }
0x81: {  	[sflag:s0] =	ssyncadd.s32 $0xFFFFE000  }
0x82: {  	_ =	swait.ge [sflag:s0], $0x2000  }
0x83: {  	s5 =	simm.s32 $0x800;
	[sflag:s0] =	ssyncset.done $0x0  }
0x84: {  	s7 =	simm.s32 $0x5300;
	s6 =	simm.s32 $0x5380;
	[sflag:s0] =	ssyncadd.s32 $0xFFFFE000  }
0x85: {  	[spmem:s2] =	stream.indirect.scatter.add.f32 [tilespmem:s28], [sflag:$0x4], $0x40, s7, s23, $0xb8;
	[tilespmem:$0x1E800] =	vst v63  }
.LBB2_2:
0x86: {  	[spmem:s2] =	stream.indirect.scatter.add.f32 [tilespmem:s30], [sflag:$0x4], $0x40, s6, s23, $0xb8;
	[tilespmem:$0x1E800] =	vst v63  }
0x87: {  	s6 =	smov.u32 s5  }
0x88: {  	p0 =	sne.s32 s5, $0x12800;
	s5 =	sadd.s32 $0x800, s5;
	_ =	swait.ge [sflag:s26], $0x2000  }
0x89: {  	[sflag:s26] =	ssyncset.done $0x0  }
0x8a: {  	[sflag:s26] =	ssyncadd.s32 $0xFFFFE000  }
0x8b: {  	_ =	swait.ge [sflag:s26], $0x2000  }
0x8c: {  	s6 =	sshra.s32 s6, $0x2;
	[sflag:s26] =	ssyncset.done $0x0  }
0x8d: {  	s7 =	sadd.s32 $0x300, s6;
	[sflag:s26] =	ssyncadd.s32 $0xFFFFE000  }
0x8e: {  	[tilespmem:s28], [sflag:$0x2] =	stream.indirect.gather [hbm4b:s4+s23], $0x40, s7, s23, $0xb8;
	[tilespmem:$0x1E800] =	vst v63  }
0x8f: {  	s7 =	sadd.s32 $0x380, s6  }
0x90: {  	[tilespmem:s30], [sflag:$0x2] =	stream.indirect.gather [hbm4b:s4+s23], $0x40, s7, s23, $0xb8;
	[tilespmem:$0x1E800] =	vst v63  }
0x91: {  	_ =	swait.ge [sflag:s31], $0x2000  }
0x92: {  	[sflag:s31] =	ssyncset.done $0x0  }
0x93: {  	[sflag:s31] =	ssyncadd.s32 $0xFFFFE000  }
0x94: {  	_ =	swait.ge [sflag:s31], $0x2000  }
0x95: {  	[sflag:s31] =	ssyncset.done $0x0  }
0x96: {  	s7 =	sadd.s32 $0x5200, s6;
	[sflag:s31] =	ssyncadd.s32 $0xFFFFE000  }
0x97: {  	[spmem:s2] =	stream.indirect.scatter.add.f32 [tilespmem:s24], [sflag:$0x3], $0x40, s7, s23, $0xb8;
	[tilespmem:$0x1E800] =	vst v63  }
0x98: {  	s7 =	sadd.s32 $0x5280, s6  }
0x99: {  	[spmem:s2] =	stream.indirect.scatter.add.f32 [tilespmem:s25], [sflag:$0x3], $0x40, s7, s23, $0xb8;
	[tilespmem:$0x1E800] =	vst v63  }
0x9a: {  	_ =	swait.ge [sflag:s1], $0x2000  }
0x9b: {  	[sflag:s1] =	ssyncset.done $0x0  }
0x9c: {  	[sflag:s1] =	ssyncadd.s32 $0xFFFFE000  }
0x9d: {  	_ =	swait.ge [sflag:s1], $0x2000  }
0x9e: {  	[sflag:s1] =	ssyncset.done $0x0  }
0x9f: {  	s7 =	sadd.s32 $0x400, s6;
	[sflag:s1] =	ssyncadd.s32 $0xFFFFE000  }
0xa0: {  	[tilespmem:s24], [sflag:$0x1] =	stream.indirect.gather [hbm4b:s4+s23], $0x40, s7, s23, $0xb8;
	[tilespmem:$0x1E800] =	vst v63  }
0xa1: {  	s7 =	sadd.s32 $0x480, s6  }
0xa2: {  	[tilespmem:s25], [sflag:$0x1] =	stream.indirect.gather [hbm4b:s4+s23], $0x40, s7, s23, $0xb8;
	[tilespmem:$0x1E800] =	vst v63  }
0xa3: {  	_ =	swait.ge [sflag:s0], $0x2000  }
0xa4: {  	[sflag:s0] =	ssyncset.done $0x0  }
0xa5: {  	[sflag:s0] =	ssyncadd.s32 $0xFFFFE000  }
.Ltmp0:
0xa6: {  	_ =	swait.ge [sflag:s0], $0x2000;
	(pc) =	sbr.rel @p0 .LBB2_2-.Ltmp0, $4  }
0xa7: {  	[sflag:s0] =	ssyncset.done $0x0  }
0xa8: {  	s7 =	sadd.s32 $0x5300, s6;
	[sflag:s0] =	ssyncadd.s32 $0xFFFFE000  }
0xa9: {  	[spmem:s2] =	stream.indirect.scatter.add.f32 [tilespmem:s28], [sflag:$0x4], $0x40, s7, s23, $0xb8;
	[tilespmem:$0x1E800] =	vst v63  }
0xaa: {  	s6 =	sadd.s32 $0x5380, s6  }
0xab: {  	[spmem:s2] =	stream.indirect.scatter.add.f32 [tilespmem:s30], [sflag:$0x4], $0x40, s6, s23, $0xb8;
	[tilespmem:$0x1E800] =	vst v63  }
0xac: {  	_ =	swait.ge [sflag:s26], $0x2000  }
0xad: {  	[sflag:s26] =	ssyncset.done $0x0  }
0xae: {  	[sflag:s26] =	ssyncadd.s32 $0xFFFFE000  }
0xaf: {  	_ =	swait.ge [sflag:s26], $0x2000  }
0xb0: {  	[sflag:s26] =	ssyncset.done $0x0  }
0xb1: {  	s5 =	simm.s32 $0x4F00;
	[sflag:s26] =	ssyncadd.s32 $0xFFFFE000  }
0xb2: {  	[tilespmem:s28], [sflag:$0x2] =	stream.indirect.gather [hbm4b:s4+s23], $0x40, s5, s23, $0xb8;
	[tilespmem:$0x1E800] =	vst v63  }
0xb3: {  	s7 =	simm.s32 $0x4F80  }
0xb4: {  	[tilespmem:s30], [sflag:$0x2] =	stream.indirect.gather [hbm4b:s4+s23], $0x40, s7, s23, $0xb8;
	[tilespmem:$0x1E800] =	vst v63  }
0xb5: {  	_ =	swait.ge [sflag:s31], $0x2000  }
0xb6: {  	[sflag:s31] =	ssyncset.done $0x0  }
0xb7: {  	[sflag:s31] =	ssyncadd.s32 $0xFFFFE000  }
0xb8: {  	_ =	swait.ge [sflag:s31], $0x2000  }
0xb9: {  	[sflag:s31] =	ssyncset.done $0x0  }
0xba: {  	s6 =	simm.s32 $0x9E00;
	[sflag:s31] =	ssyncadd.s32 $0xFFFFE000  }
0xbb: {  	[spmem:s2] =	stream.indirect.scatter.add.f32 [tilespmem:s24], [sflag:$0x3], $0x40, s6, s23, $0xb8;
	[tilespmem:$0x1E800] =	vst v63  }
0xbc: {  	s7 =	simm.s32 $0x9E80  }
0xbd: {  	[spmem:s2] =	stream.indirect.scatter.add.f32 [tilespmem:s25], [sflag:$0x3], $0x40, s7, s23, $0xb8;
	[tilespmem:$0x1E800] =	vst v63  }
0xbe: {  	_ =	swait.ge [sflag:s1], $0x2000  }
0xbf: {  	[sflag:s1] =	ssyncset.done $0x0  }
0xc0: {  	[sflag:s1] =	ssyncadd.s32 $0xFFFFE000  }
0xc1: {  	_ =	swait.ge [sflag:s1], $0x2000  }
0xc2: {  	[sflag:s1] =	ssyncset.done $0x0  }
0xc3: {  	[sflag:s1] =	ssyncadd.s32 $0xFFFFE000  }
0xc4: {  	_ =	swait.ge [sflag:s0], $0x2000  }
0xc5: {  	[sflag:s0] =	ssyncset.done $0x0  }
0xc6: {  	[sflag:s0] =	ssyncadd.s32 $0xFFFFE000  }
0xc7: {  	_ =	swait.ge [sflag:s0], $0x2000  }
0xc8: {  	[sflag:s0] =	ssyncset.done $0x0  }
0xc9: {  	s6 =	simm.s32 $0x9F00;
	[sflag:s0] =	ssyncadd.s32 $0xFFFFE000  }
0xca: {  	[spmem:s2] =	stream.indirect.scatter.add.f32 [tilespmem:s28], [sflag:$0x4], $0x40, s6, s23, $0xb8;
	[tilespmem:$0x1E800] =	vst v63  }
0xcb: {  	s7 =	simm.s32 $0x9F80  }
0xcc: {  	[spmem:s2] =	stream.indirect.scatter.add.f32 [tilespmem:s30], [sflag:$0x4], $0x40, s7, s23, $0xb8;
	[tilespmem:$0x1E800] =	vst v63  }
0xcd: {  	_ =	swait.ge [sflag:s26], $0x2000  }
0xce: {  	[sflag:s26] =	ssyncset.done $0x0  }
0xcf: {  	[sflag:s26] =	ssyncadd.s32 $0xFFFFE000  }
0xd0: {  	_ =	swait.ge [sflag:s26], $0x2000  }
0xd1: {  	[sflag:s26] =	ssyncset.done $0x0  }
0xd2: {  	[sflag:s26] =	ssyncadd.s32 $0xFFFFE000  }
0xd3: {  	[bflag:$0x0] =	sbarrier.arrive $0xFFFF  }
0xd4: {  	[tilespmem:s22], [sflag:$0x5] =	stream.linear.gather [spmem:s8], $0x2800, $0x38;
	[tilespmem:$0x1E800] =	vst v63  }
0xd5: {  	_ =	swait.ge [sflag:s20], $0x2800  }
0xd6: {  	[sflag:s20] =	ssyncset.done $0x0  }
0xd7: {  	[sflag:s20] =	ssyncadd.s32 $0xFFFFD800  }
0xd8: {  	[hbm4b:s15+s3] =	stream.linear.scatter [tilespmem:s22], [sflag:$0x5], $0x2800, $0x38;
	[tilespmem:$0x1E800] =	vst v63  }
0xd9: {  	_ =	swait.ge [sflag:s20], $0x2800  }
0xda: {  	[sflag:s20] =	ssyncset.done $0x0  }
0xdb: {  	[sflag:s20] =	ssyncadd.s32 $0xFFFFD800  }
0xdc: {  	[tilespmem:s22], [sflag:$0x5] =	stream.linear.gather [spmem:s10], $0x2800, $0x38;
	[tilespmem:$0x1E800] =	vst v63  }
0xdd: {  	_ =	swait.ge [sflag:s20], $0x2800  }
0xde: {  	[sflag:s20] =	ssyncset.done $0x0  }
0xdf: {  	[sflag:s20] =	ssyncadd.s32 $0xFFFFD800  }
0xe0: {  	[hbm4b:s16+s3] =	stream.linear.scatter [tilespmem:s22], [sflag:$0x5], $0x2800, $0x38;
	[tilespmem:$0x1E800] =	vst v63  }
0xe1: {  	_ =	swait.ge [sflag:s20], $0x2800  }
0xe2: {  	[sflag:s20] =	ssyncset.done $0x0  }
0xe3: {  	[sflag:s20] =	ssyncadd.s32 $0xFFFFD800  }
0xe4: {  	[tilespmem:s22], [sflag:$0x5] =	stream.linear.gather [spmem:s12], $0x2800, $0x38;
	[tilespmem:$0x1E800] =	vst v63  }
0xe5: {  	_ =	swait.ge [sflag:s20], $0x2800  }
0xe6: {  	[sflag:s20] =	ssyncset.done $0x0  }
0xe7: {  	[sflag:s20] =	ssyncadd.s32 $0xFFFFD800  }
0xe8: {  	[hbm4b:s17+s3] =	stream.linear.scatter [tilespmem:s22], [sflag:$0x5], $0x2800, $0x38;
	[tilespmem:$0x1E800] =	vst v63  }
0xe9: {  	_ =	swait.ge [sflag:s20], $0x2800  }
0xea: {  	[sflag:s20] =	ssyncset.done $0x0  }
0xeb: {  	[sflag:s20] =	ssyncadd.s32 $0xFFFFD800  }
0xec: {  	[tilespmem:s22], [sflag:$0x5] =	stream.linear.gather [spmem:s14], $0x2800, $0x38;
	[tilespmem:$0x1E800] =	vst v63  }
0xed: {  	s29 =	sadd.s32 $0x1, s29;
	_ =	swait.ge [sflag:s20], $0x2800  }
0xee: {  	p0 =	sne.s32 s29, s19;
	[sflag:s20] =	ssyncset.done $0x0  }
.Ltmp1:
0xef: {  	[sflag:s20] =	ssyncadd.s32 $0xFFFFD800;
	(pc) =	sbr.rel @p0 .LBB2_1-.Ltmp1, $4  }
0xf0: {  	[hbm4b:s18+s3] =	stream.linear.scatter [tilespmem:s22], [sflag:$0x5], $0x2800, $0x38;
	[tilespmem:$0x1E800] =	vst v63  }
0xf1: {  	_ =	swait.ge [sflag:s20], $0x2800  }
0xf2: {  	[sflag:s20] =	ssyncset.done $0x0  }
0xf3: {  	[sflag:s20] =	ssyncadd.s32 $0xFFFFD800  }
0xf4: {  	_ =	sfence.sel $0x180000  }
0xf5: {  	[bflag:$0x0] =	sbarrier.arrive $0xFFFF  }
0xf6: {  	_ =	strace $0x9000004A  }
0xf7: {  	s0 =	stileid.u32;
	[bflag:$0x2] =	sbarrier.arrive $0xFFFF  }
0xf8: {  	p0 =	sne.s32 s0, $0x0;
	s0 =	rddreg [dreg:$0x2]  }
0xf9: {  	s0 =	sadd.s32 @!p0 $0x100000, s0  }
0xfa: {  	[sflag:s0] =	ssyncadd.tile.s32 @!p0 $0x1;
	_ =	shalt  }
.Lfunc_end2:
_tile_overlayer_lowered:
.L_overlay_start_2:
0xfb: {  	(tag) =	ssettag $0x2  }
0xfc: {  	s0 =	rddreg [dreg:$0x0];
	s2 =	stileid.u32  }
0xfd: {  	s1 =	rddreg [dreg:$0x1];
	p0 =	sne.s32 s2, $0x0  }
0xfe: {  	s3 =	rddreg [dreg:$0x2];
	[bflag:$0x3] =	sbarrier.arrive $0xFFFF;
	s2 =	simm.s32 @!p0 $0x1C05  }
0xff: {  	[timem:s3], [sflag:s2] =	dma.local @!p0 [hbm:s0], s1  }
0x100: {  	s0 =	simm.s32 @!p0 $0x5  }
0x101: {  	_ =	swait.ge @!p0 [sflag:s0], s1  }
0x102: {  	s1 =	ssub.s32 @!p0 $0x0, s1;
	[sflag:s0] =	ssyncset.done @!p0 $0x0  }
0x103: {  	[sflag:s0] =	ssyncadd.s32 @!p0 s1  }
0x104: {  	[bflag:$0x3] =	sbarrier.arrive $0xFFFF  }
0x105: {  	_ =	shalt  }

// kernel: kernel.14.cloned.1.call-start
scs
__scs_entry_jumppad:
0x0: {  	(pc) =	sbr.rel $0x88, $3  }
0x1: {  	(tag) =	ssettag $0x0;
	lr =	simm.s32 $0x1  }
0x2: {  	[smem:$0x3F9B] =	sst lr;
	_ =	strace $0xD0000000  }
0x3: {  	_ = 	snop  }
0x4: {  	_ = 	snop  }
0x5: {  	_ = 	snop  }
0x6: {  	_ = 	snop  }
0x7: {  	_ = 	snop  }
__scs_overlays_trampoline_lowered:
0x8: {  	[smem:$0x3FAA] =	sst s0  }
0x9: {  	[smem:$0x3FAB] =	sst s1  }
0xa: {  	[smem:$0x3FAC] =	sst s2  }
0xb: {  	[smem:$0x3FAD] =	sst s3  }
0xc: {  	[smem:$0x3FAE] =	sst s4  }
0xd: {  	[smem:$0x3FAF] =	sst s5  }
0xe: {  	[smem:$0x3FB0] =	sst s6  }
0xf: {  	[smem:$0x3FB1] =	sst s7  }
0x10: {  	[smem:$0x3FB2] =	sst s8  }
0x11: {  	[smem:$0x3FB3] =	sst s9;
	s0 =	simm.s32 @!p0 $0x0  }
0x12: {  	s1 =	sld [smem:$0x3F99];
	s0 =	simm.s32 @p0 $0x1  }
0x13: {  	[smem:$0x3FB4] =	sst s0;
	s0 =	simm.s32 @!p1 $0x0  }
0x14: {  	s2 =	sld [smem:$0x3F98];
	s0 =	simm.s32 @p1 $0x1  }
0x15: {  	[smem:$0x3FB5] =	sst s0;
	s0 =	simm.s32 @!p2 $0x0  }
0x16: {  	s3 =	sld [smem:$0x3FDB];
	s0 =	simm.s32 @p2 $0x1  }
0x17: {  	s4 =	simm.s32 $0x1BF5;
	[smem:$0x3FB7] =	sst s0  }
0x18: {  	s0 =	sld [smem:$0x3F9A];
	_ =	swait.ge [sflag:s4], $0x0  }
0x19: {  	s7 =	sld [smem:$0x3F9B]  }
0x1a: {  	s8 =	sadd.s32 $0xFFFFE003, lr  }
0x1b: {  	s9 =	sadd.s32 $0xFFFFFEF7, lr;
	s5 =	simm.s32 $0xFFFFFFFF;
	p2 =	slt.u32 s8, $0xFFFFF086  }
0x1c: {  	p1 =	slt.u32 s9, $0xF7A;
	s5 =	simm.s32 @!p2 $0x0  }
0x1d: {  	s5 =	simm.s32 @p1 $0x1;
	p0 =	seq.s32 s7, s2  }
0x1e: {  	s7 =	smul.u32 @!p0 $0xF7A, s2;
	p2 =	seq.s32 @!p0 s5, $0x0  }
0x1f: {  	s9 =	smul.u32 $0xF7A, s1;
	s8 =	simm.s32 @!p0 $0x1BF5;
	p2 =	por !p2, p0  }
0x20: {  	[sflag:s8] =	ssyncset.s32 @!p0 $0xFFFFF086;
	s6 =	sadd.s32 @!p0 s3, s7;
	s7 =	simm.s32 @!p0 $0x108  }
0x21: {  	s3 =	sadd.s32 s3, s9;
	s6 =	sadd.s32 @!p0 $0x88, s6;
	s7 =	simm.s32 @p2 $0x1082  }
0x22: {  	[simem:s7], [sflag:s8] =	dma.local @!p0 [hbm:s6], $0xF7A  }
0x23: {  	s9 =	sor.u32 $0xD0000000, s2;
	s6 =	simm.s32 $0x108;
	_ =	swait.ge @!p0 [sflag:s8], $0x0  }
0x24: {  	s3 =	sadd.s32 $0x88, s3;
	s6 =	simm.s32 @!p1 $0x1082;
	[sflag:s4] =	ssyncset.s32 $0xFFFFF086  }
0x25: {  	[simem:s6], [sflag:s4] =	dma.local [hbm:s3], $0xF7A  }
0x26: {  	[smem:$0x3F9B] =	sst s1;
	(tag) =	ssettag s2;
	_ =	strace s9  }
0x27: {  	s1 =	sld [smem:$0x3FAB]  }
0x28: {  	s2 =	sld [smem:$0x3FAC]  }
0x29: {  	s4 =	sld [smem:$0x3FAE]  }
0x2a: {  	p0 =	seq.s32 s5, $0x0;
	s5 =	sld [smem:$0x3FAF]  }
0x2b: {  	s6 =	sld [smem:$0x3FB0]  }
0x2c: {  	s7 =	sld [smem:$0x3FB1]  }
0x2d: {  	s3 =	simm.s32 $0x108;
	s8 =	sld [smem:$0x3FB2]  }
0x2e: {  	s3 =	simm.s32 @!p0 $0x1082;
	s9 =	sld [smem:$0x3FB3]  }
0x2f: {  	lr =	sadd.s32 s0, s3;
	s0 =	sld [smem:$0x3FAA]  }
0x30: {  	s3 =	sld [smem:$0x3FAD]  }
0x31: {  	[smem:$0x3FB6] =	sst s10  }
0x32: {  	s10 =	sld [smem:$0x3FB4];
	_ =	sdelay $0x3  }
0x33: {  	p0 =	seq.s32 s10, $0x1;
	s10 =	sld [smem:$0x3FB6];
	_ =	sdelay $0x3  }
0x34: {  	[smem:$0x3FB6] =	sst s10  }
0x35: {  	s10 =	sld [smem:$0x3FB5];
	_ =	sdelay $0x3  }
0x36: {  	p1 =	seq.s32 s10, $0x1;
	s10 =	sld [smem:$0x3FB6];
	_ =	sdelay $0x3  }
0x37: {  	[smem:$0x3FB6] =	sst s10  }
0x38: {  	s10 =	sld [smem:$0x3FB7]  }
0x39: {  	_ = 	snop;
	(pc) =	sbr.ind lr, $3  }
0x3a: {  	_ = 	snop  }
0x3b: {  	_ = 	snop  }
0x3c: {  	p2 =	seq.s32 s10, $0x1;
	s10 =	sld [smem:$0x3FB6]  }
0x3d: {  	_ =	shalt  }
0x3e: {  	_ =	shalt  }
0x3f: {  	_ =	shalt  }
0x40: {  	_ =	shalt  }
0x41: {  	_ =	shalt  }
0x42: {  	_ =	shalt  }
0x43: {  	_ =	shalt  }
0x44: {  	_ =	shalt  }
0x45: {  	_ =	shalt  }
0x46: {  	_ =	shalt  }
0x47: {  	_ =	shalt  }
0x48: {  	_ =	shalt  }
0x49: {  	_ =	shalt  }
0x4a: {  	_ =	shalt  }
0x4b: {  	_ =	shalt  }
0x4c: {  	_ =	shalt  }
0x4d: {  	_ =	shalt  }
0x4e: {  	_ =	shalt  }
0x4f: {  	_ =	shalt  }
0x50: {  	_ =	shalt  }
0x51: {  	_ =	shalt  }
0x52: {  	_ =	shalt  }
0x53: {  	_ =	shalt  }
0x54: {  	_ =	shalt  }
0x55: {  	_ =	shalt  }
0x56: {  	_ =	shalt  }
0x57: {  	_ =	shalt  }
0x58: {  	_ =	shalt  }
0x59: {  	_ =	shalt  }
0x5a: {  	_ =	shalt  }
0x5b: {  	_ =	shalt  }
0x5c: {  	_ =	shalt  }
0x5d: {  	_ =	shalt  }
0x5e: {  	_ =	shalt  }
0x5f: {  	_ =	shalt  }
0x60: {  	_ =	shalt  }
0x61: {  	_ =	shalt  }
0x62: {  	_ =	shalt  }
0x63: {  	_ =	shalt  }
0x64: {  	_ =	shalt  }
0x65: {  	_ =	shalt  }
0x66: {  	_ =	shalt  }
0x67: {  	_ =	shalt  }
0x68: {  	_ =	shalt  }
0x69: {  	_ =	shalt  }
0x6a: {  	_ =	shalt  }
0x6b: {  	_ =	shalt  }
0x6c: {  	_ =	shalt  }
0x6d: {  	_ =	shalt  }
0x6e: {  	_ =	shalt  }
0x6f: {  	_ =	shalt  }
0x70: {  	_ =	shalt  }
0x71: {  	_ =	shalt  }
0x72: {  	_ =	shalt  }
0x73: {  	_ =	shalt  }
0x74: {  	_ =	shalt  }
0x75: {  	_ =	shalt  }
0x76: {  	_ =	shalt  }
0x77: {  	_ =	shalt  }
0x78: {  	_ =	shalt  }
0x79: {  	_ =	shalt  }
0x7a: {  	_ =	shalt  }
0x7b: {  	_ =	shalt  }
0x7c: {  	_ =	shalt  }
0x7d: {  	_ =	shalt  }
0x7e: {  	_ =	shalt  }
0x7f: {  	_ =	shalt  }
0x80: {  	_ =	shalt  }
0x81: {  	_ =	shalt  }
0x82: {  	_ =	shalt  }
0x83: {  	_ =	shalt  }
0x84: {  	_ =	shalt  }
0x85: {  	_ =	shalt  }
0x86: {  	_ =	shalt  }
0x87: {  	_ =	shalt  }
.Lfunc_end0:
.L_simem_size_0:
called_computation.2_lowered:
.L_overlay_start_0:
0x88: {  	s2 =	sld [smem:$0x3FD9]  }
0x89: {  	s3 =	sld [smem:$0x3FFE];
	_ =	sdelay $0x1  }
0x8a: {  	s1 =	srdreg.scid  }
0x8b: {  	s0 =	sand.u32 $0x1, s1  }
0x8c: {  	s16 =	sshll.u32 s0, $0xA;
	s2 =	sadd.s32 s3, s2  }
0x8d: {  	s2 =	sadd.s32 s2, s16  }
0x8e: {  	[smem:$0x3FC2] =	sst s2  }
0x8f: {  	_ = 	snop  }
0x90: {  	(tm) =	ssettm $0x1  }
0x91: {  	s17 =	sld [smem:$0x3FFB];
	_ =	sdelay $0x3  }
0x92: {  	_ =	strace s17  }
0x93: {  	s2 =	sld [smem:$0x3FFC];
	_ =	sdelay $0x3  }
0x94: {  	_ =	strace s2  }
0x95: {  	s2 =	sld [smem:$0x3FFD];
	_ =	sdelay $0x3  }
0x96: {  	_ =	strace s2  }
0x97: {  	_ =	strace $0x8FFFFFFF  }
0x98: {  	s18 =	sld [smem:$0x3FDB];
	_ =	sdelay $0x1  }
0x99: {  	s19 =	simm.s32 $_scs_section_size  }
0x9a: {  	s4 =	simm.s32 $_size__tile_overlayer_lowered;
	s5 =	simm.s32 $_tile_overlayer_lowered  }
0x9b: {  	s22 =	simm.s32 $0x1BFF;
	s21 =	sshll.u32 s5, $0x1;
	s2 =	sadd.s32 s19, s18  }
0x9c: {  	s6 =	simm.s32 $0x0;
	s20 =	sshll.u32 s4, $0x1;
	s4 =	sadd.s32 s21, s2  }
0x9d: {  	[timem:s6], [sflag:s22] =	dma.local [hbm:s4], s20  }
0x9e: {  	_ =	swait.ge [sflag:s22], s20  }
0x9f: {  	s3 =	ssub.s32 $0x0, s20;
	[sflag:s22] =	ssyncset.done $0x0  }
0xa0: {  	[sflag:s22] =	ssyncadd.s32 s3;
	_ =	sdelay $0x1  }
0xa1: {  	s23 =	simm.s32 $0x1B8B  }
0xa2: {  	_ =	swait.ge [sflag:s23], $0x1  }
0xa3: {  	[sflag:s23] =	ssyncset.done $0x0  }
0xa4: {  	s25 =	simm.s32 $0x1B8E;
	s24 =	sld [smem:$0x3FFE];
	[sflag:s23] =	ssyncadd.s32 $0xFFFFFFFF  }
0xa5: {  	s26 =	simm.s32 $execute0_lowered;
	[smem:$0x3FD2] =	sst s25  }
0xa6: {  	s4 =	sshll.u32 s26, $0x1;
	_ =	strace $0x8000004C;
	[dreg:$0x1] =	wrdreg $0xFFFFFFFF  }
0xa7: {  	s28 =	simm.s32 $_size_execute0_lowered;
	s2 =	sadd.s32 s2, s4;
	[dreg:$0x0] =	wrdreg $0x0  }
0xa8: {  	s4 =	sshll.u32 s28, $0x1;
	[dreg:$0x2] =	wrdreg s2  }
0xa9: {  	[dreg:$0x3] =	wrdreg s4  }
0xaa: {  	[dreg:$0x4] =	wrdreg $0xC0  }
0xab: {  	_ =	task [dreg:s6], $0x5FFFF  }
0xac: {  	[dreg:$0x1] =	wrdreg $0xFFFFFFFF  }
0xad: {  	[dreg:$0x0] =	wrdreg $0x60  }
0xae: {  	[dreg:$0x2] =	wrdreg s24  }
0xaf: {  	[dreg:$0x3] =	wrdreg $0x118000  }
0xb0: {  	[dreg:$0x4] =	wrdreg $0x9  }
0xb1: {  	_ =	task.clear_ibuf [dreg:s6], $0x5FFFF;
	_ =	strace $0x9000004C  }
0xb2: {  	s29 =	simm.s32 $0x9;
	_ =	strace $0x8000004E  }
0xb3: {  	_ =	swait.ge [sflag:s29], $0x1  }
0xb4: {  	[sflag:s29] =	ssyncadd.s32 $0xFFFFFFFF  }
0xb5: {  	_ =	strace $0x9000004E  }
0xb6: {  	_ =	sfence  }
0xb7: {  	s30 =	sld [smem:$0x0];
	_ =	sdelay $0x2  }
0xb8: {  	s31 =	sshll.u32 s1, $0xD;
	s1 =	sshrl.u32 s1, $0x2  }
0xb9: {  	s3 =	sand.u32 $0x4000, s31;
	s1 =	sadd.s32 s1, s30  }
0xba: {  	s0 =	sor.u32 s3, s0;
	s1 =	sshll.u32 s1, $0x11  }
0xbb: {  	s0 =	sor.u32 s1, s0  }
0xbc: {  	s0 =	sadd.s32 $0x8F2B, s0  }
0xbd: {  	[sflag:s0] =	ssyncadd.remote.s32 $0x1  }
0xbe: {  	_ =	sfence.sel $0xFFFF  }
0xbf: {  	[dreg:$0x0] =	wrdreg $0xFFFFFFFF;
	(pc) =	sbr.abs _section_cstart, $3  }
0xc0: {  	[dreg:$0x1] =	wrdreg $0xFFFFFFFF  }
0xc1: {  	_ =	task.clear_ibuf [dreg:s6], $0x2FFFF;
	_ =	strace $0x9FFFFFFF  }
0xc2: {  	(tm) =	ssettm $0x7FFFFFFF  }
0xc3: {  	_ =	shalt  }
tec
execute0_lowered:
.L_overlay_start_1:
0x0: {  	(tag) =	ssettag $0x1  }
0x1: {  	s0 =	srdreg.scid;
	s3 =	rddreg [dreg:$0x0]  }
0x2: {  	s6 =	stileid.u32;
	s2 =	rddreg [dreg:$0x1]  }
0x3: {  	s8 =	simm.s32 $0x0;
	s11 =	simm.s32 $0x5;
	s15 =	simm.s32 $0xF000  }
0x4: {  	s14 =	simm.s32 $0x80;
	s12 =	simm.s32 $0xA000;
	s17 =	simm.s32 $0xA800  }
0x5: {  	s19 =	simm.s32 $0xB000;
	s21 =	simm.s32 $0xB800;
	s23 =	simm.s32 $0xC000  }
0x6: {  	s25 =	simm.s32 $0xC800;
	s28 =	simm.s32 $0xD000;
	s30 =	simm.s32 $0xD800  }
0x7: {  	s9 =	simm.s32 $0x2;
	s0 =	sand.u32 $0x1, s0;
	s5 =	smul.u32 $0x280, s6  }
0x8: {  	[smem:$0x7FF] =	sst s8;
	s1 =	sshll.u32 s0, $0x4;
	s4 =	smul.u32 $0x2800, s0  }
0x9: {  	s0 =	ssub.s32 $0x2, s0;
	s1 =	sor.u32 s6, s1;
	s6 =	smul.u32 $0xA000, s6  }
0xa: {  	_ =	strace $0x8000004D;
	s7 =	sshrl.u32 s0, $0x1;
	s1 =	smul.u32 $0x500, s1  }
0xb: {  	s4 =	sadd.s32 s5, s4;
	s0 =	ssub.s32 s0, s7;
	s7 =	simm.s32 $0x3  }
0xc: {  	s5 =	sshll.u32 s4, $0x1;
	s4 =	sadd.s32 $0xB600, s3;
	s0 =	smax.u32 s0, $0x1  }
0xd: {  	s6 =	sshrl.u32 s6, $0x2;
	s29 =	sadd.s32 s4, s5;
	[dreg:$0x8] =	wrdreg s0  }
0xe: {  	s1 =	sadd.s32 s1, s3;
	s10 =	sadd.s32 s6, s2;
	[dreg:$0x5] =	wrdreg s29  }
0xf: {  	s3 =	sadd.s32 s5, s3;
	s26 =	sadd.s32 $0x1A600, s1;
	[dreg:$0x6] =	wrdreg s10  }
0x10: {  	s5 =	simm.s32 $0xE800;
	s1 =	sadd.s32 $0x1600, s1;
	[dreg:$0x3] =	wrdreg s26  }
0x11: {  	s6 =	simm.s32 $0x1;
	s31 =	sadd.s32 $0x2E600, s3;
	[dreg:$0x4] =	wrdreg s1  }
0x12: {  	s0 =	simm.s32 $0x0;
	[dreg:$0x7] =	wrdreg s31;
	s1 =	simm.s32 $0xE000  }
.LBB2_1:
0x13: {  	[dreg:$0x9] =	wrdreg s0  }
0x14: {  	s3 =	rddreg [dreg:$0x3]  }
0x15: {  	[tilespmem:s8], [sflag:$0x5] =	stream.linear.gather [hbm4b:s3+s8], $0x2800, $0x38;
	[tilespmem:$0x14000] =	vst v63  }
0x16: {  	_ =	swait.ge [sflag:s11], $0x2800  }
0x17: {  	[sflag:s11] =	ssyncset.done $0x0  }
0x18: {  	s13 =	simm.s32 $0x2800;
	s0 =	rddreg [dreg:$0x4];
	[sflag:s11] =	ssyncadd.s32 $0xFFFFD800  }
0x19: {  	[tilespmem:s13], [sflag:$0x5] =	stream.linear.gather [hbm4b:s0+s8], $0x2800, $0x38;
	[tilespmem:$0x14000] =	vst v63  }
0x1a: {  	_ =	swait.ge [sflag:s11], $0x2800  }
0x1b: {  	[sflag:s11] =	ssyncset.done $0x0  }
0x1c: {  	s13 =	rddreg [dreg:$0x5];
	[sflag:s11] =	ssyncadd.s32 $0xFFFFD800  }
0x1d: {  	[tilespmem:s15], [sflag:$0x5] =	stream.linear.gather [hbm4b:s13+s8], $0x2800, $0x38;
	[tilespmem:$0x14000] =	vst v63  }
0x1e: {  	_ =	swait.ge [sflag:s11], $0x2800  }
0x1f: {  	[sflag:s11] =	ssyncset.done $0x0  }
0x20: {  	[sflag:s11] =	ssyncadd.s32 $0xFFFFD800  }
0x21: {  	[spmem:s10] =	stream.linear.scatter [tilespmem:s15], [sflag:$0x5], $0x2800, $0x38;
	[tilespmem:$0x14000] =	vst v63  }
0x22: {  	_ =	swait.ge [sflag:s11], $0x2800  }
0x23: {  	[sflag:s11] =	ssyncset.done $0x0  }
0x24: {  	[sflag:s11] =	ssyncadd.s32 $0xFFFFD800  }
0x25: {  	s10 =	simm.s32 $0x5000;
	[bflag:$0x0] =	sbarrier.arrive $0xFFFF  }
0x26: {  	[tilespmem:s10], [sflag:$0x1] =	stream.indirect.gather [hbm4b:s4+s14], $0x10, s8, s14, $0xb8;
	[tilespmem:$0x14000] =	vst v63  }
0x27: {  	s8 =	simm.s32 $0x5800  }
0x28: {  	[tilespmem:s8], [sflag:$0x1] =	stream.indirect.gather [hbm4b:s4+s14], $0x10, s14, s14, $0xb8;
	[tilespmem:$0x14000] =	vst v63  }
0x29: {  	s16 =	simm.s32 $0x100;
	s11 =	simm.s32 $0x6000  }
0x2a: {  	[tilespmem:s11], [sflag:$0x1] =	stream.indirect.gather [hbm4b:s4+s14], $0x10, s16, s14, $0xb8;
	[tilespmem:$0x14000] =	vst v63  }
0x2b: {  	s18 =	simm.s32 $0x180;
	s13 =	simm.s32 $0x6800  }
0x2c: {  	[tilespmem:s13], [sflag:$0x1] =	stream.indirect.gather [hbm4b:s4+s14], $0x10, s18, s14, $0xb8;
	[tilespmem:$0x14000] =	vst v63  }
0x2d: {  	s20 =	simm.s32 $0x200;
	s15 =	simm.s32 $0x7000  }
0x2e: {  	[tilespmem:s15], [sflag:$0x1] =	stream.indirect.gather [hbm4b:s4+s14], $0x10, s20, s14, $0xb8;
	[tilespmem:$0x14000] =	vst v63  }
0x2f: {  	s22 =	simm.s32 $0x280;
	s16 =	simm.s32 $0x7800  }
0x30: {  	[tilespmem:s16], [sflag:$0x1] =	stream.indirect.gather [hbm4b:s4+s14], $0x10, s22, s14, $0xb8;
	[tilespmem:$0x14000] =	vst v63  }
0x31: {  	s24 =	simm.s32 $0x300;
	s18 =	simm.s32 $0x8000  }
0x32: {  	[tilespmem:s18], [sflag:$0x1] =	stream.indirect.gather [hbm4b:s4+s14], $0x10, s24, s14, $0xb8;
	[tilespmem:$0x14000] =	vst v63  }
0x33: {  	s26 =	simm.s32 $0x380;
	p0 =	por $0x1, $0x1;
	s20 =	simm.s32 $0x8800  }
0x34: {  	[tilespmem:s20], [sflag:$0x1] =	stream.indirect.gather [hbm4b:s4+s14], $0x10, s26, s14, $0xb8;
	[tilespmem:$0x14000] =	vst v63  }
0x35: {  	s29 =	simm.s32 $0x400;
	p0 =	por p0, p0;
	s22 =	simm.s32 $0x9000  }
0x36: {  	[tilespmem:s22], [sflag:$0x1] =	stream.indirect.gather [hbm4b:s4+s14], $0x10, s29, s14, $0xb8;
	[tilespmem:$0x14000] =	vst v63  }
0x37: {  	s31 =	simm.s32 $0x480;
	s3 =	simm.s32 @!p0 $0x4;
	s24 =	simm.s32 $0x9800  }
0x38: {  	[tilespmem:s24], [sflag:$0x1] =	stream.indirect.gather [hbm4b:s4+s14], $0x10, s31, s14, $0xb8;
	[tilespmem:$0x14000] =	vst v63  }
0x39: {  	_ =	swait.ge @!p0 [sflag:s3], $0x800  }
0x3a: {  	[sflag:s3] =	ssyncset.done @!p0 $0x0  }
0x3b: {  	[sflag:s3] =	ssyncadd.s32 @!p0 $0xFFFFF800  }
0x3c: {  	_ =	swait.ge @!p0 [sflag:s3], $0x800  }
0x3d: {  	[sflag:s3] =	ssyncset.done @!p0 $0x0  }
0x3e: {  	[sflag:s3] =	ssyncadd.s32 @!p0 $0xFFFFF800  }
0x3f: {  	_ =	swait.ge @!p0 [sflag:s3], $0x800  }
0x40: {  	[sflag:s3] =	ssyncset.done @!p0 $0x0  }
0x41: {  	[sflag:s3] =	ssyncadd.s32 @!p0 $0xFFFFF800  }
0x42: {  	_ =	swait.ge @!p0 [sflag:s3], $0x800  }
0x43: {  	[sflag:s3] =	ssyncset.done @!p0 $0x0  }
0x44: {  	[sflag:s3] =	ssyncadd.s32 @!p0 $0xFFFFF800  }
0x45: {  	_ =	swait.ge @!p0 [sflag:s3], $0x800  }
0x46: {  	[sflag:s3] =	ssyncset.done @!p0 $0x0  }
0x47: {  	[sflag:s3] =	ssyncadd.s32 @!p0 $0xFFFFF800  }
0x48: {  	_ =	swait.ge @!p0 [sflag:s3], $0x800  }
0x49: {  	[sflag:s3] =	ssyncset.done @!p0 $0x0  }
0x4a: {  	[sflag:s3] =	ssyncadd.s32 @!p0 $0xFFFFF800  }
0x4b: {  	_ =	swait.ge @!p0 [sflag:s3], $0x800  }
0x4c: {  	[sflag:s3] =	ssyncset.done @!p0 $0x0  }
0x4d: {  	[sflag:s3] =	ssyncadd.s32 @!p0 $0xFFFFF800  }
0x4e: {  	_ =	swait.ge @!p0 [sflag:s3], $0x800  }
0x4f: {  	[sflag:s3] =	ssyncset.done @!p0 $0x0  }
0x50: {  	[sflag:s3] =	ssyncadd.s32 @!p0 $0xFFFFF800  }
0x51: {  	_ =	swait.ge @!p0 [sflag:s3], $0x800  }
0x52: {  	[sflag:s3] =	ssyncset.done @!p0 $0x0  }
0x53: {  	[sflag:s3] =	ssyncadd.s32 @!p0 $0xFFFFF800  }
0x54: {  	_ =	swait.ge @!p0 [sflag:s3], $0x800  }
0x55: {  	[sflag:s3] =	ssyncset.done @!p0 $0x0  }
0x56: {  	s0 =	simm.s32 $0x500;
	[sflag:s3] =	ssyncadd.s32 @!p0 $0xFFFFF800  }
0x57: {  	[tilespmem:s12], [sflag:$0x2] =	stream.indirect.gather [hbm4b:s4+s14], $0x10, s0, s14, $0xb8;
	[tilespmem:$0x14000] =	vst v63  }
0x58: {  	s26 =	simm.s32 $0x580  }
0x59: {  	[tilespmem:s17], [sflag:$0x2] =	stream.indirect.gather [hbm4b:s4+s14], $0x10, s26, s14, $0xb8;
	[tilespmem:$0x14000] =	vst v63  }
0x5a: {  	s29 =	simm.s32 $0x600  }
0x5b: {  	[tilespmem:s19], [sflag:$0x2] =	stream.indirect.gather [hbm4b:s4+s14], $0x10, s29, s14, $0xb8;
	[tilespmem:$0x14000] =	vst v63  }
0x5c: {  	s31 =	simm.s32 $0x680  }
0x5d: {  	[tilespmem:s21], [sflag:$0x2] =	stream.indirect.gather [hbm4b:s4+s14], $0x10, s31, s14, $0xb8;
	[tilespmem:$0x14000] =	vst v63  }
0x5e: {  	s0 =	simm.s32 $0x700  }
0x5f: {  	[tilespmem:s23], [sflag:$0x2] =	stream.indirect.gather [hbm4b:s4+s14], $0x10, s0, s14, $0xb8;
	[tilespmem:$0x14000] =	vst v63  }
0x60: {  	s26 =	simm.s32 $0x780  }
0x61: {  	[tilespmem:s25], [sflag:$0x2] =	stream.indirect.gather [hbm4b:s4+s14], $0x10, s26, s14, $0xb8;
	[tilespmem:$0x14000] =	vst v63  }
0x62: {  	s29 =	simm.s32 $0x800  }
0x63: {  	[tilespmem:s28], [sflag:$0x2] =	stream.indirect.gather [hbm4b:s4+s14], $0x10, s29, s14, $0xb8;
	[tilespmem:$0x14000] =	vst v63  }
0x64: {  	s31 =	simm.s32 $0x880  }
0x65: {  	[tilespmem:s30], [sflag:$0x2] =	stream.indirect.gather [hbm4b:s4+s14], $0x10, s31, s14, $0xb8;
	[tilespmem:$0x14000] =	vst v63  }
0x66: {  	s0 =	simm.s32 $0x900  }
0x67: {  	[tilespmem:s1], [sflag:$0x2] =	stream.indirect.gather [hbm4b:s4+s14], $0x10, s0, s14, $0xb8;
	[tilespmem:$0x14000] =	vst v63  }
0x68: {  	s26 =	simm.s32 $0x980  }
0x69: {  	[tilespmem:s5], [sflag:$0x2] =	stream.indirect.gather [hbm4b:s4+s14], $0x10, s26, s14, $0xb8;
	[tilespmem:$0x14000] =	vst v63  }
0x6a: {  	_ =	swait.ge [sflag:s6], $0x800  }
0x6b: {  	[sflag:s6] =	ssyncset.done $0x0  }
0x6c: {  	[sflag:s6] =	ssyncadd.s32 $0xFFFFF800  }
0x6d: {  	_ =	swait.ge [sflag:s6], $0x800  }
0x6e: {  	[sflag:s6] =	ssyncset.done $0x0  }
0x6f: {  	[sflag:s6] =	ssyncadd.s32 $0xFFFFF800  }
0x70: {  	_ =	swait.ge [sflag:s6], $0x800  }
0x71: {  	[sflag:s6] =	ssyncset.done $0x0  }
0x72: {  	[sflag:s6] =	ssyncadd.s32 $0xFFFFF800  }
0x73: {  	_ =	swait.ge [sflag:s6], $0x800  }
0x74: {  	[sflag:s6] =	ssyncset.done $0x0  }
0x75: {  	[sflag:s6] =	ssyncadd.s32 $0xFFFFF800  }
0x76: {  	_ =	swait.ge [sflag:s6], $0x800  }
0x77: {  	[sflag:s6] =	ssyncset.done $0x0  }
0x78: {  	[sflag:s6] =	ssyncadd.s32 $0xFFFFF800  }
0x79: {  	_ =	swait.ge [sflag:s6], $0x800  }
0x7a: {  	[sflag:s6] =	ssyncset.done $0x0  }
0x7b: {  	[sflag:s6] =	ssyncadd.s32 $0xFFFFF800  }
0x7c: {  	_ =	swait.ge [sflag:s6], $0x800  }
0x7d: {  	[sflag:s6] =	ssyncset.done $0x0  }
0x7e: {  	[sflag:s6] =	ssyncadd.s32 $0xFFFFF800  }
0x7f: {  	_ =	swait.ge [sflag:s6], $0x800  }
0x80: {  	[sflag:s6] =	ssyncset.done $0x0  }
0x81: {  	[sflag:s6] =	ssyncadd.s32 $0xFFFFF800  }
0x82: {  	_ =	swait.ge [sflag:s6], $0x800  }
0x83: {  	[sflag:s6] =	ssyncset.done $0x0  }
0x84: {  	[sflag:s6] =	ssyncadd.s32 $0xFFFFF800  }
0x85: {  	_ =	swait.ge [sflag:s6], $0x800  }
0x86: {  	[sflag:s6] =	ssyncset.done $0x0  }
0x87: {  	s29 =	simm.s32 $0x2800;
	[sflag:s6] =	ssyncadd.s32 $0xFFFFF800  }
0x88: {  	[spmem:s2] =	stream.indirect.scatter.add.f32 [tilespmem:s10], [sflag:$0x3], $0x10, s29, s14, $0xb8;
	[tilespmem:$0x14000] =	vst v63  }
0x89: {  	s31 =	simm.s32 $0x2880  }
0x8a: {  	[spmem:s2] =	stream.indirect.scatter.add.f32 [tilespmem:s8], [sflag:$0x3], $0x10, s31, s14, $0xb8;
	[tilespmem:$0x14000] =	vst v63  }
0x8b: {  	s10 =	simm.s32 $0x2900  }
0x8c: {  	[spmem:s2] =	stream.indirect.scatter.add.f32 [tilespmem:s11], [sflag:$0x3], $0x10, s10, s14, $0xb8;
	[tilespmem:$0x14000] =	vst v63  }
0x8d: {  	s26 =	simm.s32 $0x2980  }
0x8e: {  	[spmem:s2] =	stream.indirect.scatter.add.f32 [tilespmem:s13], [sflag:$0x3], $0x10, s26, s14, $0xb8;
	[tilespmem:$0x14000] =	vst v63  }
0x8f: {  	s29 =	simm.s32 $0x2A00  }
0x90: {  	[spmem:s2] =	stream.indirect.scatter.add.f32 [tilespmem:s15], [sflag:$0x3], $0x10, s29, s14, $0xb8;
	[tilespmem:$0x14000] =	vst v63  }
0x91: {  	s31 =	simm.s32 $0x2A80  }
0x92: {  	[spmem:s2] =	stream.indirect.scatter.add.f32 [tilespmem:s16], [sflag:$0x3], $0x10, s31, s14, $0xb8;
	[tilespmem:$0x14000] =	vst v63  }
0x93: {  	s8 =	simm.s32 $0x2B00  }
0x94: {  	[spmem:s2] =	stream.indirect.scatter.add.f32 [tilespmem:s18], [sflag:$0x3], $0x10, s8, s14, $0xb8;
	[tilespmem:$0x14000] =	vst v63  }
0x95: {  	s10 =	simm.s32 $0x2B80  }
0x96: {  	[spmem:s2] =	stream.indirect.scatter.add.f32 [tilespmem:s20], [sflag:$0x3], $0x10, s10, s14, $0xb8;
	[tilespmem:$0x14000] =	vst v63  }
0x97: {  	s11 =	simm.s32 $0x2C00  }
0x98: {  	[spmem:s2] =	stream.indirect.scatter.add.f32 [tilespmem:s22], [sflag:$0x3], $0x10, s11, s14, $0xb8;
	[tilespmem:$0x14000] =	vst v63  }
0x99: {  	s13 =	simm.s32 $0x2C80  }
0x9a: {  	[spmem:s2] =	stream.indirect.scatter.add.f32 [tilespmem:s24], [sflag:$0x3], $0x10, s13, s14, $0xb8;
	[tilespmem:$0x14000] =	vst v63  }
0x9b: {  	_ =	swait.ge [sflag:s7], $0x800  }
0x9c: {  	[sflag:s7] =	ssyncset.done $0x0  }
0x9d: {  	[sflag:s7] =	ssyncadd.s32 $0xFFFFF800  }
0x9e: {  	_ =	swait.ge [sflag:s7], $0x800  }
0x9f: {  	[sflag:s7] =	ssyncset.done $0x0  }
0xa0: {  	[sflag:s7] =	ssyncadd.s32 $0xFFFFF800  }
0xa1: {  	_ =	swait.ge [sflag:s7], $0x800  }
0xa2: {  	[sflag:s7] =	ssyncset.done $0x0  }
0xa3: {  	[sflag:s7] =	ssyncadd.s32 $0xFFFFF800  }
0xa4: {  	_ =	swait.ge [sflag:s7], $0x800  }
0xa5: {  	[sflag:s7] =	ssyncset.done $0x0  }
0xa6: {  	[sflag:s7] =	ssyncadd.s32 $0xFFFFF800  }
0xa7: {  	_ =	swait.ge [sflag:s7], $0x800  }
0xa8: {  	[sflag:s7] =	ssyncset.done $0x0  }
0xa9: {  	[sflag:s7] =	ssyncadd.s32 $0xFFFFF800  }
0xaa: {  	_ =	swait.ge [sflag:s7], $0x800  }
0xab: {  	[sflag:s7] =	ssyncset.done $0x0  }
0xac: {  	[sflag:s7] =	ssyncadd.s32 $0xFFFFF800  }
0xad: {  	_ =	swait.ge [sflag:s7], $0x800  }
0xae: {  	[sflag:s7] =	ssyncset.done $0x0  }
0xaf: {  	[sflag:s7] =	ssyncadd.s32 $0xFFFFF800  }
0xb0: {  	_ =	swait.ge [sflag:s7], $0x800  }
0xb1: {  	[sflag:s7] =	ssyncset.done $0x0  }
0xb2: {  	[sflag:s7] =	ssyncadd.s32 $0xFFFFF800  }
0xb3: {  	_ =	swait.ge [sflag:s7], $0x800  }
0xb4: {  	[sflag:s7] =	ssyncset.done $0x0  }
0xb5: {  	[sflag:s7] =	ssyncadd.s32 $0xFFFFF800  }
0xb6: {  	p0 =	por $0x0, $0x0;
	_ =	swait.ge [sflag:s7], $0x800  }
0xb7: {  	s3 =	simm.s32 @!p0 $0x80;
	[sflag:s7] =	ssyncset.done $0x0  }
0xb8: {  	s8 =	simm.s32 @!p0 $0x5000;
	s10 =	simm.s32 @!p0 $0xA00;
	[sflag:s7] =	ssyncadd.s32 $0xFFFFF800  }
0xb9: {  	[tilespmem:s8], [sflag:$0x1] =	stream.indirect.gather @!p0 [hbm4b:s4+s3], $0x10, s10, s3, $0xb8;
	[tilespmem:$0x14000] =	vst v63  }
0xba: {  	s8 =	simm.s32 @!p0 $0xA80;
	s10 =	simm.s32 @!p0 $0x5800  }
0xbb: {  	[tilespmem:s10], [sflag:$0x1] =	stream.indirect.gather @!p0 [hbm4b:s4+s3], $0x10, s8, s3, $0xb8;
	[tilespmem:$0x14000] =	vst v63  }
0xbc: {  	s8 =	simm.s32 @!p0 $0xB00;
	s10 =	simm.s32 @!p0 $0x6000  }
0xbd: {  	[tilespmem:s10], [sflag:$0x1] =	stream.indirect.gather @!p0 [hbm4b:s4+s3], $0x10, s8, s3, $0xb8;
	[tilespmem:$0x14000] =	vst v63  }
0xbe: {  	s8 =	simm.s32 @!p0 $0xB80;
	s10 =	simm.s32 @!p0 $0x6800  }
0xbf: {  	[tilespmem:s10], [sflag:$0x1] =	stream.indirect.gather @!p0 [hbm4b:s4+s3], $0x10, s8, s3, $0xb8;
	[tilespmem:$0x14000] =	vst v63  }
0xc0: {  	s8 =	simm.s32 @!p0 $0xC00;
	s10 =	simm.s32 @!p0 $0x7000  }
0xc1: {  	[tilespmem:s10], [sflag:$0x1] =	stream.indirect.gather @!p0 [hbm4b:s4+s3], $0x10, s8, s3, $0xb8;
	[tilespmem:$0x14000] =	vst v63  }
0xc2: {  	s8 =	simm.s32 @!p0 $0xC80;
	s10 =	simm.s32 @!p0 $0x7800  }
0xc3: {  	[tilespmem:s10], [sflag:$0x1] =	stream.indirect.gather @!p0 [hbm4b:s4+s3], $0x10, s8, s3, $0xb8;
	[tilespmem:$0x14000] =	vst v63  }
0xc4: {  	s8 =	simm.s32 @!p0 $0xD00;
	s10 =	simm.s32 @!p0 $0x8000  }
0xc5: {  	[tilespmem:s10], [sflag:$0x1] =	stream.indirect.gather @!p0 [hbm4b:s4+s3], $0x10, s8, s3, $0xb8;
	[tilespmem:$0x14000] =	vst v63  }
0xc6: {  	s8 =	simm.s32 @!p0 $0xD80;
	s10 =	simm.s32 @!p0 $0x8800  }
0xc7: {  	[tilespmem:s10], [sflag:$0x1] =	stream.indirect.gather @!p0 [hbm4b:s4+s3], $0x10, s8, s3, $0xb8;
	[tilespmem:$0x14000] =	vst v63  }
0xc8: {  	s8 =	simm.s32 @!p0 $0xE00;
	s10 =	simm.s32 @!p0 $0x9000  }
0xc9: {  	[tilespmem:s10], [sflag:$0x1] =	stream.indirect.gather @!p0 [hbm4b:s4+s3], $0x10, s8, s3, $0xb8;
	[tilespmem:$0x14000] =	vst v63  }
0xca: {  	s8 =	simm.s32 @!p0 $0xE80;
	s10 =	simm.s32 @!p0 $0x9800  }
0xcb: {  	[tilespmem:s10], [sflag:$0x1] =	stream.indirect.gather @!p0 [hbm4b:s4+s3], $0x10, s8, s3, $0xb8;
	[tilespmem:$0x14000] =	vst v63  }
0xcc: {  	_ =	swait.ge [sflag:s9], $0x800  }
0xcd: {  	[sflag:s9] =	ssyncset.done $0x0  }
0xce: {  	[sflag:s9] =	ssyncadd.s32 $0xFFFFF800  }
0xcf: {  	_ =	swait.ge [sflag:s9], $0x800  }
0xd0: {  	[sflag:s9] =	ssyncset.done $0x0  }
0xd1: {  	[sflag:s9] =	ssyncadd.s32 $0xFFFFF800  }
0xd2: {  	_ =	swait.ge [sflag:s9], $0x800  }
0xd3: {  	[sflag:s9] =	ssyncset.done $0x0  }
0xd4: {  	[sflag:s9] =	ssyncadd.s32 $0xFFFFF800  }
0xd5: {  	_ =	swait.ge [sflag:s9], $0x800  }
0xd6: {  	[sflag:s9] =	ssyncset.done $0x0  }
0xd7: {  	[sflag:s9] =	ssyncadd.s32 $0xFFFFF800  }
0xd8: {  	_ =	swait.ge [sflag:s9], $0x800  }
0xd9: {  	[sflag:s9] =	ssyncset.done $0x0  }
0xda: {  	[sflag:s9] =	ssyncadd.s32 $0xFFFFF800  }
0xdb: {  	_ =	swait.ge [sflag:s9], $0x800  }
0xdc: {  	[sflag:s9] =	ssyncset.done $0x0  }
0xdd: {  	[sflag:s9] =	ssyncadd.s32 $0xFFFFF800  }
0xde: {  	_ =	swait.ge [sflag:s9], $0x800  }
0xdf: {  	[sflag:s9] =	ssyncset.done $0x0  }
0xe0: {  	[sflag:s9] =	ssyncadd.s32 $0xFFFFF800  }
0xe1: {  	_ =	swait.ge [sflag:s9], $0x800  }
0xe2: {  	[sflag:s9] =	ssyncset.done $0x0  }
0xe3: {  	[sflag:s9] =	ssyncadd.s32 $0xFFFFF800  }
0xe4: {  	_ =	swait.ge [sflag:s9], $0x800  }
0xe5: {  	[sflag:s9] =	ssyncset.done $0x0  }
0xe6: {  	[sflag:s9] =	ssyncadd.s32 $0xFFFFF800  }
0xe7: {  	_ =	swait.ge [sflag:s9], $0x800  }
0xe8: {  	[sflag:s9] =	ssyncset.done $0x0  }
0xe9: {  	s15 =	simm.s32 $0x2D00;
	[sflag:s9] =	ssyncadd.s32 $0xFFFFF800  }
0xea: {  	[spmem:s2] =	stream.indirect.scatter.add.f32 [tilespmem:s12], [sflag:$0x4], $0x10, s15, s14, $0xb8;
	[tilespmem:$0x14000] =	vst v63  }
0xeb: {  	s16 =	simm.s32 $0x2D80  }
0xec: {  	[spmem:s2] =	stream.indirect.scatter.add.f32 [tilespmem:s17], [sflag:$0x4], $0x10, s16, s14, $0xb8;
	[tilespmem:$0x14000] =	vst v63  }
0xed: {  	s18 =	simm.s32 $0x2E00  }
0xee: {  	[spmem:s2] =	stream.indirect.scatter.add.f32 [tilespmem:s19], [sflag:$0x4], $0x10, s18, s14, $0xb8;
	[tilespmem:$0x14000] =	vst v63  }
0xef: {  	s20 =	simm.s32 $0x2E80  }
0xf0: {  	[spmem:s2] =	stream.indirect.scatter.add.f32 [tilespmem:s21], [sflag:$0x4], $0x10, s20, s14, $0xb8;
	[tilespmem:$0x14000] =	vst v63  }
0xf1: {  	s22 =	simm.s32 $0x2F00  }
0xf2: {  	[spmem:s2] =	stream.indirect.scatter.add.f32 [tilespmem:s23], [sflag:$0x4], $0x10, s22, s14, $0xb8;
	[tilespmem:$0x14000] =	vst v63  }
0xf3: {  	s24 =	simm.s32 $0x2F80  }
0xf4: {  	[spmem:s2] =	stream.indirect.scatter.add.f32 [tilespmem:s25], [sflag:$0x4], $0x10, s24, s14, $0xb8;
	[tilespmem:$0x14000] =	vst v63  }
0xf5: {  	p6 =	por $0x0, $0x0;
	s0 =	simm.s32 $0x5000;
	s26 =	simm.s32 $0x3000  }
0xf6: {  	[spmem:s2] =	stream.indirect.scatter.add.f32 [tilespmem:s28], [sflag:$0x4], $0x10, s26, s14, $0xb8;
	[tilespmem:$0x14000] =	vst v63  }
0xf7: {  	s29 =	simm.s32 $0x3080;
	s31 =	simm.s32 $0x3100;
	s13 =	simm.s32 $0x3180  }
0xf8: {  	[spmem:s2] =	stream.indirect.scatter.add.f32 [tilespmem:s30], [sflag:$0x4], $0x10, s29, s14, $0xb8;
	[tilespmem:$0x14000] =	vst v63  }
0xf9: {  	s8 =	simm.s32 $0x2800;
	s3 =	simm.s32 $0x5000;
	p0 =	por p6, p6  }
0xfa: {  	[spmem:s2] =	stream.indirect.scatter.add.f32 [tilespmem:s1], [sflag:$0x4], $0x10, s31, s14, $0xb8;
	[tilespmem:$0x14000] =	vst v63  }
.LBB2_2:
0xfb: {  	p2 =	seq.s32 s3, $0x0  }
0xfc: {  	s15 =	simm.s32 @!p0 $0x4;
	s10 =	smov.u32 s3;
	s3 =	sadd.s32 $0x2800, s3  }
0xfd: {  	[spmem:s2] =	stream.indirect.scatter.add.f32 [tilespmem:s5], [sflag:$0x4], $0x10, s13, s14, $0xb8;
	[tilespmem:$0x14000] =	vst v63  }
0xfe: {  	p1 =	sne.s32 s3, $0xA000;
	_ =	swait.ge @!p0 [sflag:s15], $0x800  }
0xff: {  	[sflag:s15] =	ssyncset.done @!p0 $0x0  }
0x100: {  	[sflag:s15] =	ssyncadd.s32 @!p0 $0xFFFFF800  }
0x101: {  	_ =	swait.ge @!p0 [sflag:s15], $0x800  }
0x102: {  	[sflag:s15] =	ssyncset.done @!p0 $0x0  }
0x103: {  	[sflag:s15] =	ssyncadd.s32 @!p0 $0xFFFFF800  }
0x104: {  	_ =	swait.ge @!p0 [sflag:s15], $0x800  }
0x105: {  	[sflag:s15] =	ssyncset.done @!p0 $0x0  }
0x106: {  	[sflag:s15] =	ssyncadd.s32 @!p0 $0xFFFFF800  }
0x107: {  	_ =	swait.ge @!p0 [sflag:s15], $0x800  }
0x108: {  	[sflag:s15] =	ssyncset.done @!p0 $0x0  }
0x109: {  	[sflag:s15] =	ssyncadd.s32 @!p0 $0xFFFFF800  }
0x10a: {  	_ =	swait.ge @!p0 [sflag:s15], $0x800  }
0x10b: {  	[sflag:s15] =	ssyncset.done @!p0 $0x0  }
0x10c: {  	[sflag:s15] =	ssyncadd.s32 @!p0 $0xFFFFF800  }
0x10d: {  	_ =	swait.ge @!p0 [sflag:s15], $0x800  }
0x10e: {  	[sflag:s15] =	ssyncset.done @!p0 $0x0  }
0x10f: {  	[sflag:s15] =	ssyncadd.s32 @!p0 $0xFFFFF800  }
0x110: {  	_ =	swait.ge @!p0 [sflag:s15], $0x800  }
0x111: {  	[sflag:s15] =	ssyncset.done @!p0 $0x0  }
0x112: {  	[sflag:s15] =	ssyncadd.s32 @!p0 $0xFFFFF800  }
0x113: {  	_ =	swait.ge @!p0 [sflag:s15], $0x800  }
0x114: {  	[sflag:s15] =	ssyncset.done @!p0 $0x0  }
0x115: {  	[sflag:s15] =	ssyncadd.s32 @!p0 $0xFFFFF800  }
0x116: {  	_ =	swait.ge @!p0 [sflag:s15], $0x800  }
0x117: {  	[sflag:s15] =	ssyncset.done @!p0 $0x0  }
0x118: {  	[sflag:s15] =	ssyncadd.s32 @!p0 $0xFFFFF800  }
0x119: {  	_ =	swait.ge @!p0 [sflag:s15], $0x800  }
0x11a: {  	s11 =	sshra.s32 s8, $0x2;
	[sflag:s15] =	ssyncset.done @!p0 $0x0  }
0x11b: {  	s13 =	sadd.s32 $0x3180, s11;
	[sflag:s15] =	ssyncadd.s32 @!p0 $0xFFFFF800;
	s15 =	sadd.s32 $0x500, s11  }
0x11c: {  	[tilespmem:s12], [sflag:$0x2] =	stream.indirect.gather [hbm4b:s4+s14], $0x10, s15, s14, $0xb8;
	[tilespmem:$0x14000] =	vst v63  }
0x11d: {  	p0 =	por p2, p2;
	s15 =	sadd.s32 $0x580, s11  }
0x11e: {  	[tilespmem:s17], [sflag:$0x2] =	stream.indirect.gather [hbm4b:s4+s14], $0x10, s15, s14, $0xb8;
	[tilespmem:$0x14000] =	vst v63  }
0x11f: {  	s15 =	sadd.s32 $0x600, s11  }
0x120: {  	[tilespmem:s19], [sflag:$0x2] =	stream.indirect.gather [hbm4b:s4+s14], $0x10, s15, s14, $0xb8;
	[tilespmem:$0x14000] =	vst v63  }
0x121: {  	s15 =	sadd.s32 $0x680, s11  }
0x122: {  	[tilespmem:s21], [sflag:$0x2] =	stream.indirect.gather [hbm4b:s4+s14], $0x10, s15, s14, $0xb8;
	[tilespmem:$0x14000] =	vst v63  }
0x123: {  	s15 =	sadd.s32 $0x700, s11  }
0x124: {  	[tilespmem:s23], [sflag:$0x2] =	stream.indirect.gather [hbm4b:s4+s14], $0x10, s15, s14, $0xb8;
	[tilespmem:$0x14000] =	vst v63  }
0x125: {  	s15 =	sadd.s32 $0x780, s11  }
0x126: {  	[tilespmem:s25], [sflag:$0x2] =	stream.indirect.gather [hbm4b:s4+s14], $0x10, s15, s14, $0xb8;
	[tilespmem:$0x14000] =	vst v63  }
0x127: {  	s15 =	sadd.s32 $0x800, s11  }
0x128: {  	[tilespmem:s28], [sflag:$0x2] =	stream.indirect.gather [hbm4b:s4+s14], $0x10, s15, s14, $0xb8;
	[tilespmem:$0x14000] =	vst v63  }
0x129: {  	s15 =	sadd.s32 $0x880, s11  }
0x12a: {  	[tilespmem:s30], [sflag:$0x2] =	stream.indirect.gather [hbm4b:s4+s14], $0x10, s15, s14, $0xb8;
	[tilespmem:$0x14000] =	vst v63  }
0x12b: {  	s15 =	sadd.s32 $0x900, s11  }
0x12c: {  	[tilespmem:s1], [sflag:$0x2] =	stream.indirect.gather [hbm4b:s4+s14], $0x10, s15, s14, $0xb8;
	[tilespmem:$0x14000] =	vst v63  }
0x12d: {  	s15 =	sadd.s32 $0x980, s11  }
0x12e: {  	[tilespmem:s5], [sflag:$0x2] =	stream.indirect.gather [hbm4b:s4+s14], $0x10, s15, s14, $0xb8;
	[tilespmem:$0x14000] =	vst v63  }
0x12f: {  	_ =	swait.ge [sflag:s6], $0x800  }
0x130: {  	[sflag:s6] =	ssyncset.done $0x0  }
0x131: {  	[sflag:s6] =	ssyncadd.s32 $0xFFFFF800  }
0x132: {  	_ =	swait.ge [sflag:s6], $0x800  }
0x133: {  	[sflag:s6] =	ssyncset.done $0x0  }
0x134: {  	[sflag:s6] =	ssyncadd.s32 $0xFFFFF800  }
0x135: {  	_ =	swait.ge [sflag:s6], $0x800  }
0x136: {  	[sflag:s6] =	ssyncset.done $0x0  }
0x137: {  	[sflag:s6] =	ssyncadd.s32 $0xFFFFF800  }
0x138: {  	_ =	swait.ge [sflag:s6], $0x800  }
0x139: {  	[sflag:s6] =	ssyncset.done $0x0  }
0x13a: {  	[sflag:s6] =	ssyncadd.s32 $0xFFFFF800  }
0x13b: {  	_ =	swait.ge [sflag:s6], $0x800  }
0x13c: {  	[sflag:s6] =	ssyncset.done $0x0  }
0x13d: {  	[sflag:s6] =	ssyncadd.s32 $0xFFFFF800  }
0x13e: {  	_ =	swait.ge [sflag:s6], $0x800  }
0x13f: {  	[sflag:s6] =	ssyncset.done $0x0  }
0x140: {  	[sflag:s6] =	ssyncadd.s32 $0xFFFFF800  }
0x141: {  	_ =	swait.ge [sflag:s6], $0x800  }
0x142: {  	[sflag:s6] =	ssyncset.done $0x0  }
0x143: {  	[sflag:s6] =	ssyncadd.s32 $0xFFFFF800  }
0x144: {  	_ =	swait.ge [sflag:s6], $0x800  }
0x145: {  	[sflag:s6] =	ssyncset.done $0x0  }
0x146: {  	[sflag:s6] =	ssyncadd.s32 $0xFFFFF800  }
0x147: {  	_ =	swait.ge [sflag:s6], $0x800  }
0x148: {  	[sflag:s6] =	ssyncset.done $0x0  }
0x149: {  	[sflag:s6] =	ssyncadd.s32 $0xFFFFF800  }
0x14a: {  	_ =	swait.ge [sflag:s6], $0x800  }
0x14b: {  	[sflag:s6] =	ssyncset.done $0x0  }
0x14c: {  	s15 =	sadd.s32 $0x2800, s11;
	[sflag:s6] =	ssyncadd.s32 $0xFFFFF800  }
0x14d: {  	[spmem:s2] =	stream.indirect.scatter.add.f32 [tilespmem:s0], [sflag:$0x3], $0x10, s15, s14, $0xb8;
	[tilespmem:$0x14000] =	vst v63  }
0x14e: {  	s16 =	simm.s32 $0x5800;
	s15 =	sadd.s32 $0x2880, s11  }
0x14f: {  	[spmem:s2] =	stream.indirect.scatter.add.f32 [tilespmem:s16], [sflag:$0x3], $0x10, s15, s14, $0xb8;
	[tilespmem:$0x14000] =	vst v63  }
0x150: {  	s15 =	sadd.s32 $0x2900, s11;
	s16 =	simm.s32 $0x6000  }
0x151: {  	[spmem:s2] =	stream.indirect.scatter.add.f32 [tilespmem:s16], [sflag:$0x3], $0x10, s15, s14, $0xb8;
	[tilespmem:$0x14000] =	vst v63  }
0x152: {  	s15 =	sadd.s32 $0x2980, s11;
	s16 =	simm.s32 $0x6800  }
0x153: {  	[spmem:s2] =	stream.indirect.scatter.add.f32 [tilespmem:s16], [sflag:$0x3], $0x10, s15, s14, $0xb8;
	[tilespmem:$0x14000] =	vst v63  }
0x154: {  	s15 =	sadd.s32 $0x2A00, s11;
	s16 =	simm.s32 $0x7000  }
0x155: {  	[spmem:s2] =	stream.indirect.scatter.add.f32 [tilespmem:s16], [sflag:$0x3], $0x10, s15, s14, $0xb8;
	[tilespmem:$0x14000] =	vst v63  }
0x156: {  	s15 =	sadd.s32 $0x2A80, s11;
	s16 =	simm.s32 $0x7800  }
0x157: {  	[spmem:s2] =	stream.indirect.scatter.add.f32 [tilespmem:s16], [sflag:$0x3], $0x10, s15, s14, $0xb8;
	[tilespmem:$0x14000] =	vst v63  }
0x158: {  	s15 =	sadd.s32 $0x2B00, s11;
	s16 =	simm.s32 $0x8000  }
0x159: {  	[spmem:s2] =	stream.indirect.scatter.add.f32 [tilespmem:s16], [sflag:$0x3], $0x10, s15, s14, $0xb8;
	[tilespmem:$0x14000] =	vst v63  }
0x15a: {  	s15 =	sadd.s32 $0x2B80, s11;
	s16 =	simm.s32 $0x8800  }
0x15b: {  	[spmem:s2] =	stream.indirect.scatter.add.f32 [tilespmem:s16], [sflag:$0x3], $0x10, s15, s14, $0xb8;
	[tilespmem:$0x14000] =	vst v63  }
0x15c: {  	s15 =	sadd.s32 $0x2C00, s11;
	s16 =	simm.s32 $0x9000  }
0x15d: {  	[spmem:s2] =	stream.indirect.scatter.add.f32 [tilespmem:s16], [sflag:$0x3], $0x10, s15, s14, $0xb8;
	[tilespmem:$0x14000] =	vst v63  }
0x15e: {  	s15 =	sadd.s32 $0x2C80, s11;
	s16 =	simm.s32 $0x9800  }
0x15f: {  	[spmem:s2] =	stream.indirect.scatter.add.f32 [tilespmem:s16], [sflag:$0x3], $0x10, s15, s14, $0xb8;
	[tilespmem:$0x14000] =	vst v63  }
0x160: {  	_ =	swait.ge [sflag:s7], $0x800  }
0x161: {  	[sflag:s7] =	ssyncset.done $0x0  }
0x162: {  	[sflag:s7] =	ssyncadd.s32 $0xFFFFF800  }
0x163: {  	_ =	swait.ge [sflag:s7], $0x800  }
0x164: {  	[sflag:s7] =	ssyncset.done $0x0  }
0x165: {  	[sflag:s7] =	ssyncadd.s32 $0xFFFFF800  }
0x166: {  	_ =	swait.ge [sflag:s7], $0x800  }
0x167: {  	[sflag:s7] =	ssyncset.done $0x0  }
0x168: {  	[sflag:s7] =	ssyncadd.s32 $0xFFFFF800  }
0x169: {  	_ =	swait.ge [sflag:s7], $0x800  }
0x16a: {  	[sflag:s7] =	ssyncset.done $0x0  }
0x16b: {  	[sflag:s7] =	ssyncadd.s32 $0xFFFFF800  }
0x16c: {  	_ =	swait.ge [sflag:s7], $0x800  }
0x16d: {  	[sflag:s7] =	ssyncset.done $0x0  }
0x16e: {  	[sflag:s7] =	ssyncadd.s32 $0xFFFFF800  }
0x16f: {  	_ =	swait.ge [sflag:s7], $0x800  }
0x170: {  	[sflag:s7] =	ssyncset.done $0x0  }
0x171: {  	[sflag:s7] =	ssyncadd.s32 $0xFFFFF800  }
0x172: {  	_ =	swait.ge [sflag:s7], $0x800  }
0x173: {  	[sflag:s7] =	ssyncset.done $0x0  }
0x174: {  	[sflag:s7] =	ssyncadd.s32 $0xFFFFF800  }
0x175: {  	_ =	swait.ge [sflag:s7], $0x800  }
0x176: {  	[sflag:s7] =	ssyncset.done $0x0  }
0x177: {  	[sflag:s7] =	ssyncadd.s32 $0xFFFFF800  }
0x178: {  	_ =	swait.ge [sflag:s7], $0x800  }
0x179: {  	[sflag:s7] =	ssyncset.done $0x0  }
0x17a: {  	[sflag:s7] =	ssyncadd.s32 $0xFFFFF800  }
0x17b: {  	p2 =	seq.s32 s8, $0x7800;
	_ =	swait.ge [sflag:s7], $0x800  }
0x17c: {  	s8 =	sshra.s32 @!p2 s8, $0x2;
	s15 =	simm.s32 @!p2 $0x80;
	[sflag:s7] =	ssyncset.done $0x0  }
0x17d: {  	s18 =	sadd.s32 @!p2 $0xA80, s8;
	s16 =	simm.s32 @!p2 $0x5000;
	[sflag:s7] =	ssyncadd.s32 $0xFFFFF800  }
0x17e: {  	s20 =	sadd.s32 @!p2 $0xA00, s8;
	s22 =	sadd.s32 @!p2 $0xB00, s8;
	s24 =	sadd.s32 @!p2 $0xB80, s8  }
0x17f: {  	[tilespmem:s16], [sflag:$0x1] =	stream.indirect.gather @!p2 [hbm4b:s4+s15], $0x10, s20, s15, $0xb8;
	[tilespmem:$0x14000] =	vst v63  }
0x180: {  	s26 =	sadd.s32 @!p2 $0xC80, s8;
	s16 =	simm.s32 @!p2 $0x5800;
	s20 =	sadd.s32 @!p2 $0xC00, s8  }
0x181: {  	[tilespmem:s16], [sflag:$0x1] =	stream.indirect.gather @!p2 [hbm4b:s4+s15], $0x10, s18, s15, $0xb8;
	[tilespmem:$0x14000] =	vst v63  }
0x182: {  	s29 =	sadd.s32 @!p2 $0xD80, s8;
	s16 =	simm.s32 @!p2 $0x6000;
	s18 =	sadd.s32 @!p2 $0xD00, s8  }
0x183: {  	[tilespmem:s16], [sflag:$0x1] =	stream.indirect.gather @!p2 [hbm4b:s4+s15], $0x10, s22, s15, $0xb8;
	[tilespmem:$0x14000] =	vst v63  }
0x184: {  	s31 =	sadd.s32 @!p2 $0xE80, s8;
	s16 =	simm.s32 @!p2 $0x6800;
	s22 =	sadd.s32 @!p2 $0xE00, s8  }
0x185: {  	[tilespmem:s16], [sflag:$0x1] =	stream.indirect.gather @!p2 [hbm4b:s4+s15], $0x10, s24, s15, $0xb8;
	[tilespmem:$0x14000] =	vst v63  }
0x186: {  	s8 =	smov.u32 s10;
	s16 =	simm.s32 @!p2 $0x7000  }
0x187: {  	[tilespmem:s16], [sflag:$0x1] =	stream.indirect.gather @!p2 [hbm4b:s4+s15], $0x10, s20, s15, $0xb8;
	[tilespmem:$0x14000] =	vst v63  }
0x188: {  	s10 =	simm.s32 @!p2 $0x7800;
	s16 =	simm.s32 @!p2 $0x8000  }
0x189: {  	[tilespmem:s10], [sflag:$0x1] =	stream.indirect.gather @!p2 [hbm4b:s4+s15], $0x10, s26, s15, $0xb8;
	[tilespmem:$0x14000] =	vst v63  }
0x18a: {  	s10 =	simm.s32 @!p2 $0x8800  }
0x18b: {  	[tilespmem:s16], [sflag:$0x1] =	stream.indirect.gather @!p2 [hbm4b:s4+s15], $0x10, s18, s15, $0xb8;
	[tilespmem:$0x14000] =	vst v63  }
0x18c: {  	s16 =	simm.s32 @!p2 $0x9000  }
0x18d: {  	[tilespmem:s10], [sflag:$0x1] =	stream.indirect.gather @!p2 [hbm4b:s4+s15], $0x10, s29, s15, $0xb8;
	[tilespmem:$0x14000] =	vst v63  }
0x18e: {  	s10 =	simm.s32 @!p2 $0x9800  }
0x18f: {  	[tilespmem:s16], [sflag:$0x1] =	stream.indirect.gather @!p2 [hbm4b:s4+s15], $0x10, s22, s15, $0xb8;
	[tilespmem:$0x14000] =	vst v63  }
0x190: {  	_ = 	snop  }
0x191: {  	[tilespmem:s10], [sflag:$0x1] =	stream.indirect.gather @!p2 [hbm4b:s4+s15], $0x10, s31, s15, $0xb8;
	[tilespmem:$0x14000] =	vst v63  }
0x192: {  	_ =	swait.ge [sflag:s9], $0x800  }
0x193: {  	[sflag:s9] =	ssyncset.done $0x0  }
0x194: {  	[sflag:s9] =	ssyncadd.s32 $0xFFFFF800  }
0x195: {  	_ =	swait.ge [sflag:s9], $0x800  }
0x196: {  	[sflag:s9] =	ssyncset.done $0x0  }
0x197: {  	[sflag:s9] =	ssyncadd.s32 $0xFFFFF800  }
0x198: {  	_ =	swait.ge [sflag:s9], $0x800  }
0x199: {  	[sflag:s9] =	ssyncset.done $0x0  }
0x19a: {  	[sflag:s9] =	ssyncadd.s32 $0xFFFFF800  }
0x19b: {  	_ =	swait.ge [sflag:s9], $0x800  }
0x19c: {  	[sflag:s9] =	ssyncset.done $0x0  }
0x19d: {  	[sflag:s9] =	ssyncadd.s32 $0xFFFFF800  }
0x19e: {  	_ =	swait.ge [sflag:s9], $0x800  }
0x19f: {  	[sflag:s9] =	ssyncset.done $0x0  }
0x1a0: {  	[sflag:s9] =	ssyncadd.s32 $0xFFFFF800  }
0x1a1: {  	_ =	swait.ge [sflag:s9], $0x800  }
0x1a2: {  	[sflag:s9] =	ssyncset.done $0x0  }
0x1a3: {  	[sflag:s9] =	ssyncadd.s32 $0xFFFFF800  }
0x1a4: {  	_ =	swait.ge [sflag:s9], $0x800  }
0x1a5: {  	[sflag:s9] =	ssyncset.done $0x0  }
0x1a6: {  	[sflag:s9] =	ssyncadd.s32 $0xFFFFF800  }
0x1a7: {  	_ =	swait.ge [sflag:s9], $0x800  }
0x1a8: {  	[sflag:s9] =	ssyncset.done $0x0  }
0x1a9: {  	[sflag:s9] =	ssyncadd.s32 $0xFFFFF800  }
0x1aa: {  	_ =	swait.ge [sflag:s9], $0x800  }
0x1ab: {  	[sflag:s9] =	ssyncset.done $0x0  }
0x1ac: {  	[sflag:s9] =	ssyncadd.s32 $0xFFFFF800  }
0x1ad: {  	_ =	swait.ge [sflag:s9], $0x800  }
0x1ae: {  	s10 =	sadd.s32 $0x2D00, s11;
	[sflag:s9] =	ssyncset.done $0x0  }
0x1af: {  	[sflag:s9] =	ssyncadd.s32 $0xFFFFF800  }
0x1b0: {  	[spmem:s2] =	stream.indirect.scatter.add.f32 [tilespmem:s12], [sflag:$0x4], $0x10, s10, s14, $0xb8;
	[tilespmem:$0x14000] =	vst v63  }
0x1b1: {  	s15 =	sadd.s32 $0x2E00, s11;
	s10 =	sadd.s32 $0x2D80, s11  }
0x1b2: {  	[spmem:s2] =	stream.indirect.scatter.add.f32 [tilespmem:s17], [sflag:$0x4], $0x10, s10, s14, $0xb8;
	[tilespmem:$0x14000] =	vst v63  }
0x1b3: {  	_ = 	snop  }
0x1b4: {  	[spmem:s2] =	stream.indirect.scatter.add.f32 [tilespmem:s19], [sflag:$0x4], $0x10, s15, s14, $0xb8;
	[tilespmem:$0x14000] =	vst v63  }
0x1b5: {  	s10 =	sadd.s32 $0x2E80, s11  }
0x1b6: {  	[spmem:s2] =	stream.indirect.scatter.add.f32 [tilespmem:s21], [sflag:$0x4], $0x10, s10, s14, $0xb8;
	[tilespmem:$0x14000] =	vst v63  }
0x1b7: {  	s10 =	sadd.s32 $0x2F00, s11  }
0x1b8: {  	[spmem:s2] =	stream.indirect.scatter.add.f32 [tilespmem:s23], [sflag:$0x4], $0x10, s10, s14, $0xb8;
	[tilespmem:$0x14000] =	vst v63  }
0x1b9: {  	s15 =	sadd.s32 $0x3000, s11;
	s10 =	sadd.s32 $0x2F80, s11  }
0x1ba: {  	[spmem:s2] =	stream.indirect.scatter.add.f32 [tilespmem:s25], [sflag:$0x4], $0x10, s10, s14, $0xb8;
	[tilespmem:$0x14000] =	vst v63  }
0x1bb: {  	_ = 	snop  }
0x1bc: {  	[spmem:s2] =	stream.indirect.scatter.add.f32 [tilespmem:s28], [sflag:$0x4], $0x10, s15, s14, $0xb8;
	[tilespmem:$0x14000] =	vst v63  }
.Ltmp0:
0x1bd: {  	_ = 	snop;
	(pc) =	sbr.rel @p1 .LBB2_2-.Ltmp0, $4  }
0x1be: {  	s10 =	sadd.s32 $0x3080, s11  }
0x1bf: {  	[spmem:s2] =	stream.indirect.scatter.add.f32 [tilespmem:s30], [sflag:$0x4], $0x10, s10, s14, $0xb8;
	[tilespmem:$0x14000] =	vst v63  }
0x1c0: {  	s10 =	sadd.s32 $0x3100, s11  }
0x1c1: {  	[spmem:s2] =	stream.indirect.scatter.add.f32 [tilespmem:s1], [sflag:$0x4], $0x10, s10, s14, $0xb8;
	[tilespmem:$0x14000] =	vst v63  }
0x1c2: {  	s10 =	simm.s32 @!p0 $0x4  }
0x1c3: {  	[spmem:s2] =	stream.indirect.scatter.add.f32 [tilespmem:s5], [sflag:$0x4], $0x10, s13, s14, $0xb8;
	[tilespmem:$0x14000] =	vst v63  }
0x1c4: {  	_ =	swait.ge @!p0 [sflag:s10], $0x800  }
0x1c5: {  	[sflag:s10] =	ssyncset.done @!p0 $0x0  }
0x1c6: {  	[sflag:s10] =	ssyncadd.s32 @!p0 $0xFFFFF800  }
0x1c7: {  	_ =	swait.ge @!p0 [sflag:s10], $0x800  }
0x1c8: {  	[sflag:s10] =	ssyncset.done @!p0 $0x0  }
0x1c9: {  	[sflag:s10] =	ssyncadd.s32 @!p0 $0xFFFFF800  }
0x1ca: {  	_ =	swait.ge @!p0 [sflag:s10], $0x800  }
0x1cb: {  	[sflag:s10] =	ssyncset.done @!p0 $0x0  }
0x1cc: {  	[sflag:s10] =	ssyncadd.s32 @!p0 $0xFFFFF800  }
0x1cd: {  	_ =	swait.ge @!p0 [sflag:s10], $0x800  }
0x1ce: {  	[sflag:s10] =	ssyncset.done @!p0 $0x0  }
0x1cf: {  	[sflag:s10] =	ssyncadd.s32 @!p0 $0xFFFFF800  }
0x1d0: {  	_ =	swait.ge @!p0 [sflag:s10], $0x800  }
0x1d1: {  	[sflag:s10] =	ssyncset.done @!p0 $0x0  }
0x1d2: {  	[sflag:s10] =	ssyncadd.s32 @!p0 $0xFFFFF800  }
0x1d3: {  	_ =	swait.ge @!p0 [sflag:s10], $0x800  }
0x1d4: {  	[sflag:s10] =	ssyncset.done @!p0 $0x0  }
0x1d5: {  	[sflag:s10] =	ssyncadd.s32 @!p0 $0xFFFFF800  }
0x1d6: {  	_ =	swait.ge @!p0 [sflag:s10], $0x800  }
0x1d7: {  	[sflag:s10] =	ssyncset.done @!p0 $0x0  }
0x1d8: {  	[sflag:s10] =	ssyncadd.s32 @!p0 $0xFFFFF800  }
0x1d9: {  	_ =	swait.ge @!p0 [sflag:s10], $0x800  }
0x1da: {  	[sflag:s10] =	ssyncset.done @!p0 $0x0  }
0x1db: {  	[sflag:s10] =	ssyncadd.s32 @!p0 $0xFFFFF800  }
0x1dc: {  	_ =	swait.ge @!p0 [sflag:s10], $0x800  }
0x1dd: {  	[sflag:s10] =	ssyncset.done @!p0 $0x0  }
0x1de: {  	[sflag:s10] =	ssyncadd.s32 @!p0 $0xFFFFF800  }
0x1df: {  	_ =	swait.ge @!p0 [sflag:s10], $0x800  }
0x1e0: {  	s3 =	sshra.s32 s8, $0x2;
	[sflag:s10] =	ssyncset.done @!p0 $0x0  }
0x1e1: {  	s20 =	sadd.s32 $0x500, s3;
	[sflag:s10] =	ssyncadd.s32 @!p0 $0xFFFFF800  }
0x1e2: {  	[tilespmem:s12], [sflag:$0x2] =	stream.indirect.gather [hbm4b:s4+s14], $0x10, s20, s14, $0xb8;
	[tilespmem:$0x14000] =	vst v63  }
0x1e3: {  	s22 =	sadd.s32 $0x580, s3  }
0x1e4: {  	[tilespmem:s17], [sflag:$0x2] =	stream.indirect.gather [hbm4b:s4+s14], $0x10, s22, s14, $0xb8;
	[tilespmem:$0x14000] =	vst v63  }
0x1e5: {  	s24 =	sadd.s32 $0x600, s3  }
0x1e6: {  	[tilespmem:s19], [sflag:$0x2] =	stream.indirect.gather [hbm4b:s4+s14], $0x10, s24, s14, $0xb8;
	[tilespmem:$0x14000] =	vst v63  }
0x1e7: {  	s26 =	sadd.s32 $0x680, s3  }
0x1e8: {  	[tilespmem:s21], [sflag:$0x2] =	stream.indirect.gather [hbm4b:s4+s14], $0x10, s26, s14, $0xb8;
	[tilespmem:$0x14000] =	vst v63  }
0x1e9: {  	s29 =	sadd.s32 $0x700, s3  }
0x1ea: {  	[tilespmem:s23], [sflag:$0x2] =	stream.indirect.gather [hbm4b:s4+s14], $0x10, s29, s14, $0xb8;
	[tilespmem:$0x14000] =	vst v63  }
0x1eb: {  	s31 =	sadd.s32 $0x780, s3  }
0x1ec: {  	[tilespmem:s25], [sflag:$0x2] =	stream.indirect.gather [hbm4b:s4+s14], $0x10, s31, s14, $0xb8;
	[tilespmem:$0x14000] =	vst v63  }
0x1ed: {  	s11 =	sadd.s32 $0x800, s3  }
0x1ee: {  	[tilespmem:s28], [sflag:$0x2] =	stream.indirect.gather [hbm4b:s4+s14], $0x10, s11, s14, $0xb8;
	[tilespmem:$0x14000] =	vst v63  }
0x1ef: {  	s13 =	sadd.s32 $0x880, s3  }
0x1f0: {  	[tilespmem:s30], [sflag:$0x2] =	stream.indirect.gather [hbm4b:s4+s14], $0x10, s13, s14, $0xb8;
	[tilespmem:$0x14000] =	vst v63  }
0x1f1: {  	s15 =	sadd.s32 $0x900, s3  }
0x1f2: {  	[tilespmem:s1], [sflag:$0x2] =	stream.indirect.gather [hbm4b:s4+s14], $0x10, s15, s14, $0xb8;
	[tilespmem:$0x14000] =	vst v63  }
0x1f3: {  	s16 =	sadd.s32 $0x980, s3  }
0x1f4: {  	[tilespmem:s5], [sflag:$0x2] =	stream.indirect.gather [hbm4b:s4+s14], $0x10, s16, s14, $0xb8;
	[tilespmem:$0x14000] =	vst v63  }
0x1f5: {  	_ =	swait.ge [sflag:s6], $0x800  }
0x1f6: {  	[sflag:s6] =	ssyncset.done $0x0  }
0x1f7: {  	[sflag:s6] =	ssyncadd.s32 $0xFFFFF800  }
0x1f8: {  	_ =	swait.ge [sflag:s6], $0x800  }
0x1f9: {  	[sflag:s6] =	ssyncset.done $0x0  }
0x1fa: {  	[sflag:s6] =	ssyncadd.s32 $0xFFFFF800  }
0x1fb: {  	_ =	swait.ge [sflag:s6], $0x800  }
0x1fc: {  	[sflag:s6] =	ssyncset.done $0x0  }
0x1fd: {  	[sflag:s6] =	ssyncadd.s32 $0xFFFFF800  }
0x1fe: {  	_ =	swait.ge [sflag:s6], $0x800  }
0x1ff: {  	[sflag:s6] =	ssyncset.done $0x0  }
0x200: {  	[sflag:s6] =	ssyncadd.s32 $0xFFFFF800  }
0x201: {  	_ =	swait.ge [sflag:s6], $0x800  }
0x202: {  	[sflag:s6] =	ssyncset.done $0x0  }
0x203: {  	[sflag:s6] =	ssyncadd.s32 $0xFFFFF800  }
0x204: {  	_ =	swait.ge [sflag:s6], $0x800  }
0x205: {  	[sflag:s6] =	ssyncset.done $0x0  }
0x206: {  	[sflag:s6] =	ssyncadd.s32 $0xFFFFF800  }
0x207: {  	_ =	swait.ge [sflag:s6], $0x800  }
0x208: {  	[sflag:s6] =	ssyncset.done $0x0  }
0x209: {  	[sflag:s6] =	ssyncadd.s32 $0xFFFFF800  }
0x20a: {  	_ =	swait.ge [sflag:s6], $0x800  }
0x20b: {  	[sflag:s6] =	ssyncset.done $0x0  }
0x20c: {  	[sflag:s6] =	ssyncadd.s32 $0xFFFFF800  }
0x20d: {  	_ =	swait.ge [sflag:s6], $0x800  }
0x20e: {  	[sflag:s6] =	ssyncset.done $0x0  }
0x20f: {  	[sflag:s6] =	ssyncadd.s32 $0xFFFFF800  }
0x210: {  	_ =	swait.ge [sflag:s6], $0x800  }
0x211: {  	[sflag:s6] =	ssyncset.done $0x0  }
0x212: {  	s18 =	sadd.s32 $0x2800, s3;
	[sflag:s6] =	ssyncadd.s32 $0xFFFFF800  }
0x213: {  	[spmem:s2] =	stream.indirect.scatter.add.f32 [tilespmem:s0], [sflag:$0x3], $0x10, s18, s14, $0xb8;
	[tilespmem:$0x14000] =	vst v63  }
0x214: {  	s20 =	sadd.s32 $0x2880, s3;
	s22 =	simm.s32 $0x5800  }
0x215: {  	[spmem:s2] =	stream.indirect.scatter.add.f32 [tilespmem:s22], [sflag:$0x3], $0x10, s20, s14, $0xb8;
	[tilespmem:$0x14000] =	vst v63  }
0x216: {  	s24 =	sadd.s32 $0x2900, s3;
	s26 =	simm.s32 $0x6000  }
0x217: {  	[spmem:s2] =	stream.indirect.scatter.add.f32 [tilespmem:s26], [sflag:$0x3], $0x10, s24, s14, $0xb8;
	[tilespmem:$0x14000] =	vst v63  }
0x218: {  	s29 =	sadd.s32 $0x2980, s3;
	s31 =	simm.s32 $0x6800  }
0x219: {  	[spmem:s2] =	stream.indirect.scatter.add.f32 [tilespmem:s31], [sflag:$0x3], $0x10, s29, s14, $0xb8;
	[tilespmem:$0x14000] =	vst v63  }
0x21a: {  	s11 =	simm.s32 $0x7000;
	s0 =	sadd.s32 $0x2A00, s3  }
0x21b: {  	[spmem:s2] =	stream.indirect.scatter.add.f32 [tilespmem:s11], [sflag:$0x3], $0x10, s0, s14, $0xb8;
	[tilespmem:$0x14000] =	vst v63  }
0x21c: {  	s13 =	sadd.s32 $0x2A80, s3;
	s15 =	simm.s32 $0x7800  }
0x21d: {  	[spmem:s2] =	stream.indirect.scatter.add.f32 [tilespmem:s15], [sflag:$0x3], $0x10, s13, s14, $0xb8;
	[tilespmem:$0x14000] =	vst v63  }
0x21e: {  	s16 =	sadd.s32 $0x2B00, s3;
	s18 =	simm.s32 $0x8000  }
0x21f: {  	[spmem:s2] =	stream.indirect.scatter.add.f32 [tilespmem:s18], [sflag:$0x3], $0x10, s16, s14, $0xb8;
	[tilespmem:$0x14000] =	vst v63  }
0x220: {  	s20 =	sadd.s32 $0x2B80, s3;
	s22 =	simm.s32 $0x8800  }
0x221: {  	[spmem:s2] =	stream.indirect.scatter.add.f32 [tilespmem:s22], [sflag:$0x3], $0x10, s20, s14, $0xb8;
	[tilespmem:$0x14000] =	vst v63  }
0x222: {  	s24 =	sadd.s32 $0x2C00, s3;
	s26 =	simm.s32 $0x9000  }
0x223: {  	[spmem:s2] =	stream.indirect.scatter.add.f32 [tilespmem:s26], [sflag:$0x3], $0x10, s24, s14, $0xb8;
	[tilespmem:$0x14000] =	vst v63  }
0x224: {  	s29 =	sadd.s32 $0x2C80, s3;
	s31 =	simm.s32 $0x9800  }
0x225: {  	[spmem:s2] =	stream.indirect.scatter.add.f32 [tilespmem:s31], [sflag:$0x3], $0x10, s29, s14, $0xb8;
	[tilespmem:$0x14000] =	vst v63  }
0x226: {  	_ =	swait.ge [sflag:s7], $0x800  }
0x227: {  	[sflag:s7] =	ssyncset.done $0x0  }
0x228: {  	[sflag:s7] =	ssyncadd.s32 $0xFFFFF800  }
0x229: {  	_ =	swait.ge [sflag:s7], $0x800  }
0x22a: {  	[sflag:s7] =	ssyncset.done $0x0  }
0x22b: {  	[sflag:s7] =	ssyncadd.s32 $0xFFFFF800  }
0x22c: {  	_ =	swait.ge [sflag:s7], $0x800  }
0x22d: {  	[sflag:s7] =	ssyncset.done $0x0  }
0x22e: {  	[sflag:s7] =	ssyncadd.s32 $0xFFFFF800  }
0x22f: {  	_ =	swait.ge [sflag:s7], $0x800  }
0x230: {  	[sflag:s7] =	ssyncset.done $0x0  }
0x231: {  	[sflag:s7] =	ssyncadd.s32 $0xFFFFF800  }
0x232: {  	_ =	swait.ge [sflag:s7], $0x800  }
0x233: {  	[sflag:s7] =	ssyncset.done $0x0  }
0x234: {  	[sflag:s7] =	ssyncadd.s32 $0xFFFFF800  }
0x235: {  	_ =	swait.ge [sflag:s7], $0x800  }
0x236: {  	[sflag:s7] =	ssyncset.done $0x0  }
0x237: {  	[sflag:s7] =	ssyncadd.s32 $0xFFFFF800  }
0x238: {  	_ =	swait.ge [sflag:s7], $0x800  }
0x239: {  	[sflag:s7] =	ssyncset.done $0x0  }
0x23a: {  	[sflag:s7] =	ssyncadd.s32 $0xFFFFF800  }
0x23b: {  	_ =	swait.ge [sflag:s7], $0x800  }
0x23c: {  	[sflag:s7] =	ssyncset.done $0x0  }
0x23d: {  	[sflag:s7] =	ssyncadd.s32 $0xFFFFF800  }
0x23e: {  	_ =	swait.ge [sflag:s7], $0x800  }
0x23f: {  	[sflag:s7] =	ssyncset.done $0x0  }
0x240: {  	[sflag:s7] =	ssyncadd.s32 $0xFFFFF800  }
0x241: {  	p0 =	seq.s32 s8, $0x7800;
	_ =	swait.ge [sflag:s7], $0x800  }
0x242: {  	s8 =	sshra.s32 @!p0 s8, $0x2;
	s10 =	simm.s32 @!p0 $0x80;
	[sflag:s7] =	ssyncset.done $0x0  }
0x243: {  	s11 =	simm.s32 @!p0 $0x5000;
	s13 =	sadd.s32 @!p0 $0xA00, s8;
	[sflag:s7] =	ssyncadd.s32 $0xFFFFF800  }
0x244: {  	[tilespmem:s11], [sflag:$0x1] =	stream.indirect.gather @!p0 [hbm4b:s4+s10], $0x10, s13, s10, $0xb8;
	[tilespmem:$0x14000] =	vst v63  }
0x245: {  	s11 =	sadd.s32 @!p0 $0xA80, s8;
	s13 =	simm.s32 @!p0 $0x5800  }
0x246: {  	[tilespmem:s13], [sflag:$0x1] =	stream.indirect.gather @!p0 [hbm4b:s4+s10], $0x10, s11, s10, $0xb8;
	[tilespmem:$0x14000] =	vst v63  }
0x247: {  	s11 =	sadd.s32 @!p0 $0xB00, s8;
	s13 =	simm.s32 @!p0 $0x6000  }
0x248: {  	[tilespmem:s13], [sflag:$0x1] =	stream.indirect.gather @!p0 [hbm4b:s4+s10], $0x10, s11, s10, $0xb8;
	[tilespmem:$0x14000] =	vst v63  }
0x249: {  	s11 =	sadd.s32 @!p0 $0xB80, s8;
	s13 =	simm.s32 @!p0 $0x6800  }
0x24a: {  	[tilespmem:s13], [sflag:$0x1] =	stream.indirect.gather @!p0 [hbm4b:s4+s10], $0x10, s11, s10, $0xb8;
	[tilespmem:$0x14000] =	vst v63  }
0x24b: {  	s11 =	sadd.s32 @!p0 $0xC00, s8;
	s13 =	simm.s32 @!p0 $0x7000  }
0x24c: {  	[tilespmem:s13], [sflag:$0x1] =	stream.indirect.gather @!p0 [hbm4b:s4+s10], $0x10, s11, s10, $0xb8;
	[tilespmem:$0x14000] =	vst v63  }
0x24d: {  	s11 =	sadd.s32 @!p0 $0xC80, s8;
	s13 =	simm.s32 @!p0 $0x7800  }
0x24e: {  	[tilespmem:s13], [sflag:$0x1] =	stream.indirect.gather @!p0 [hbm4b:s4+s10], $0x10, s11, s10, $0xb8;
	[tilespmem:$0x14000] =	vst v63  }
0x24f: {  	s11 =	sadd.s32 @!p0 $0xD00, s8;
	s13 =	simm.s32 @!p0 $0x8000  }
0x250: {  	[tilespmem:s13], [sflag:$0x1] =	stream.indirect.gather @!p0 [hbm4b:s4+s10], $0x10, s11, s10, $0xb8;
	[tilespmem:$0x14000] =	vst v63  }
0x251: {  	s11 =	sadd.s32 @!p0 $0xD80, s8;
	s13 =	simm.s32 @!p0 $0x8800  }
0x252: {  	[tilespmem:s13], [sflag:$0x1] =	stream.indirect.gather @!p0 [hbm4b:s4+s10], $0x10, s11, s10, $0xb8;
	[tilespmem:$0x14000] =	vst v63  }
0x253: {  	s11 =	sadd.s32 @!p0 $0xE00, s8;
	s13 =	simm.s32 @!p0 $0x9000  }
0x254: {  	[tilespmem:s13], [sflag:$0x1] =	stream.indirect.gather @!p0 [hbm4b:s4+s10], $0x10, s11, s10, $0xb8;
	[tilespmem:$0x14000] =	vst v63  }
0x255: {  	s8 =	sadd.s32 @!p0 $0xE80, s8;
	s11 =	simm.s32 @!p0 $0x9800  }
0x256: {  	[tilespmem:s11], [sflag:$0x1] =	stream.indirect.gather @!p0 [hbm4b:s4+s10], $0x10, s8, s10, $0xb8;
	[tilespmem:$0x14000] =	vst v63  }
0x257: {  	_ =	swait.ge [sflag:s9], $0x800  }
0x258: {  	[sflag:s9] =	ssyncset.done $0x0  }
0x259: {  	[sflag:s9] =	ssyncadd.s32 $0xFFFFF800  }
0x25a: {  	_ =	swait.ge [sflag:s9], $0x800  }
0x25b: {  	[sflag:s9] =	ssyncset.done $0x0  }
0x25c: {  	[sflag:s9] =	ssyncadd.s32 $0xFFFFF800  }
0x25d: {  	_ =	swait.ge [sflag:s9], $0x800  }
0x25e: {  	[sflag:s9] =	ssyncset.done $0x0  }
0x25f: {  	[sflag:s9] =	ssyncadd.s32 $0xFFFFF800  }
0x260: {  	_ =	swait.ge [sflag:s9], $0x800  }
0x261: {  	[sflag:s9] =	ssyncset.done $0x0  }
0x262: {  	[sflag:s9] =	ssyncadd.s32 $0xFFFFF800  }
0x263: {  	_ =	swait.ge [sflag:s9], $0x800  }
0x264: {  	[sflag:s9] =	ssyncset.done $0x0  }
0x265: {  	[sflag:s9] =	ssyncadd.s32 $0xFFFFF800  }
0x266: {  	_ =	swait.ge [sflag:s9], $0x800  }
0x267: {  	[sflag:s9] =	ssyncset.done $0x0  }
0x268: {  	[sflag:s9] =	ssyncadd.s32 $0xFFFFF800  }
0x269: {  	_ =	swait.ge [sflag:s9], $0x800  }
0x26a: {  	[sflag:s9] =	ssyncset.done $0x0  }
0x26b: {  	[sflag:s9] =	ssyncadd.s32 $0xFFFFF800  }
0x26c: {  	_ =	swait.ge [sflag:s9], $0x800  }
0x26d: {  	[sflag:s9] =	ssyncset.done $0x0  }
0x26e: {  	[sflag:s9] =	ssyncadd.s32 $0xFFFFF800  }
0x26f: {  	_ =	swait.ge [sflag:s9], $0x800  }
0x270: {  	[sflag:s9] =	ssyncset.done $0x0  }
0x271: {  	[sflag:s9] =	ssyncadd.s32 $0xFFFFF800  }
0x272: {  	_ =	swait.ge [sflag:s9], $0x800  }
0x273: {  	[sflag:s9] =	ssyncset.done $0x0  }
0x274: {  	s0 =	sadd.s32 $0x2D00, s3;
	[sflag:s9] =	ssyncadd.s32 $0xFFFFF800  }
0x275: {  	[spmem:s2] =	stream.indirect.scatter.add.f32 [tilespmem:s12], [sflag:$0x4], $0x10, s0, s14, $0xb8;
	[tilespmem:$0x14000] =	vst v63  }
0x276: {  	s10 =	sadd.s32 $0x2D80, s3  }
0x277: {  	[spmem:s2] =	stream.indirect.scatter.add.f32 [tilespmem:s17], [sflag:$0x4], $0x10, s10, s14, $0xb8;
	[tilespmem:$0x14000] =	vst v63  }
0x278: {  	s11 =	sadd.s32 $0x2E00, s3  }
0x279: {  	[spmem:s2] =	stream.indirect.scatter.add.f32 [tilespmem:s19], [sflag:$0x4], $0x10, s11, s14, $0xb8;
	[tilespmem:$0x14000] =	vst v63  }
0x27a: {  	s13 =	sadd.s32 $0x2E80, s3  }
0x27b: {  	[spmem:s2] =	stream.indirect.scatter.add.f32 [tilespmem:s21], [sflag:$0x4], $0x10, s13, s14, $0xb8;
	[tilespmem:$0x14000] =	vst v63  }
0x27c: {  	s15 =	sadd.s32 $0x2F00, s3  }
0x27d: {  	[spmem:s2] =	stream.indirect.scatter.add.f32 [tilespmem:s23], [sflag:$0x4], $0x10, s15, s14, $0xb8;
	[tilespmem:$0x14000] =	vst v63  }
0x27e: {  	s16 =	sadd.s32 $0x2F80, s3  }
0x27f: {  	[spmem:s2] =	stream.indirect.scatter.add.f32 [tilespmem:s25], [sflag:$0x4], $0x10, s16, s14, $0xb8;
	[tilespmem:$0x14000] =	vst v63  }
0x280: {  	s18 =	sadd.s32 $0x3000, s3  }
0x281: {  	[spmem:s2] =	stream.indirect.scatter.add.f32 [tilespmem:s28], [sflag:$0x4], $0x10, s18, s14, $0xb8;
	[tilespmem:$0x14000] =	vst v63  }
0x282: {  	s20 =	sadd.s32 $0x3080, s3  }
0x283: {  	[spmem:s2] =	stream.indirect.scatter.add.f32 [tilespmem:s30], [sflag:$0x4], $0x10, s20, s14, $0xb8;
	[tilespmem:$0x14000] =	vst v63  }
0x284: {  	s22 =	sadd.s32 $0x3100, s3  }
0x285: {  	[spmem:s2] =	stream.indirect.scatter.add.f32 [tilespmem:s1], [sflag:$0x4], $0x10, s22, s14, $0xb8;
	[tilespmem:$0x14000] =	vst v63  }
0x286: {  	s24 =	simm.s32 $0x4;
	s3 =	sadd.s32 $0x3180, s3  }
0x287: {  	[spmem:s2] =	stream.indirect.scatter.add.f32 [tilespmem:s5], [sflag:$0x4], $0x10, s3, s14, $0xb8;
	[tilespmem:$0x14000] =	vst v63  }
0x288: {  	_ =	swait.ge [sflag:s24], $0x800  }
0x289: {  	[sflag:s24] =	ssyncset.done $0x0  }
0x28a: {  	[sflag:s24] =	ssyncadd.s32 $0xFFFFF800  }
0x28b: {  	_ =	swait.ge [sflag:s24], $0x800  }
0x28c: {  	[sflag:s24] =	ssyncset.done $0x0  }
0x28d: {  	[sflag:s24] =	ssyncadd.s32 $0xFFFFF800  }
0x28e: {  	_ =	swait.ge [sflag:s24], $0x800  }
0x28f: {  	[sflag:s24] =	ssyncset.done $0x0  }
0x290: {  	[sflag:s24] =	ssyncadd.s32 $0xFFFFF800  }
0x291: {  	_ =	swait.ge [sflag:s24], $0x800  }
0x292: {  	[sflag:s24] =	ssyncset.done $0x0  }
0x293: {  	[sflag:s24] =	ssyncadd.s32 $0xFFFFF800  }
0x294: {  	_ =	swait.ge [sflag:s24], $0x800  }
0x295: {  	[sflag:s24] =	ssyncset.done $0x0  }
0x296: {  	[sflag:s24] =	ssyncadd.s32 $0xFFFFF800  }
0x297: {  	_ =	swait.ge [sflag:s24], $0x800  }
0x298: {  	[sflag:s24] =	ssyncset.done $0x0  }
0x299: {  	[sflag:s24] =	ssyncadd.s32 $0xFFFFF800  }
0x29a: {  	_ =	swait.ge [sflag:s24], $0x800  }
0x29b: {  	[sflag:s24] =	ssyncset.done $0x0  }
0x29c: {  	[sflag:s24] =	ssyncadd.s32 $0xFFFFF800  }
0x29d: {  	_ =	swait.ge [sflag:s24], $0x800  }
0x29e: {  	[sflag:s24] =	ssyncset.done $0x0  }
0x29f: {  	[sflag:s24] =	ssyncadd.s32 $0xFFFFF800  }
0x2a0: {  	_ =	swait.ge [sflag:s24], $0x800  }
0x2a1: {  	[sflag:s24] =	ssyncset.done $0x0  }
0x2a2: {  	[sflag:s24] =	ssyncadd.s32 $0xFFFFF800  }
0x2a3: {  	_ =	swait.ge [sflag:s24], $0x800  }
0x2a4: {  	[sflag:s24] =	ssyncset.done $0x0  }
0x2a5: {  	[sflag:s24] =	ssyncadd.s32 $0xFFFFF800  }
0x2a6: {  	[bflag:$0x0] =	sbarrier.arrive $0xFFFF  }
0x2a7: {  	s11 =	simm.s32 $0x5;
	s15 =	simm.s32 $0xF000;
	s10 =	rddreg [dreg:$0x6]  }
0x2a8: {  	[tilespmem:s15], [sflag:$0x5] =	stream.linear.gather [spmem:s10], $0x2800, $0x38;
	[tilespmem:$0x14000] =	vst v63  }
0x2a9: {  	_ =	swait.ge [sflag:s11], $0x2800  }
0x2aa: {  	[sflag:s11] =	ssyncset.done $0x0  }
0x2ab: {  	s8 =	simm.s32 $0x0;
	s26 =	rddreg [dreg:$0x7];
	[sflag:s11] =	ssyncadd.s32 $0xFFFFD800  }
0x2ac: {  	[hbm4b:s26+s8] =	stream.linear.scatter [tilespmem:s15], [sflag:$0x5], $0x2800, $0x38;
	[tilespmem:$0x14000] =	vst v63  }
0x2ad: {  	_ =	swait.ge [sflag:s11], $0x2800  }
0x2ae: {  	s29 =	rddreg [dreg:$0x9]  }
0x2af: {  	s31 =	rddreg [dreg:$0x8];
	s0 =	sadd.s32 $0x1, s29  }
0x2b0: {  	p0 =	sne.s32 s0, s31  }
.Ltmp1:
0x2b1: {  	_ = 	snop;
	(pc) =	sbr.rel @p0 .LBB2_1-.Ltmp1, $3  }
0x2b2: {  	_ =	sdelay $0x1  }
0x2b3: {  	[sflag:s11] =	ssyncset.done $0x0  }
0x2b4: {  	[sflag:s11] =	ssyncadd.s32 $0xFFFFD800  }
0x2b5: {  	_ =	sfence.sel $0x180000  }
0x2b6: {  	[bflag:$0x0] =	sbarrier.arrive $0xFFFF  }
0x2b7: {  	_ =	strace $0x9000004D  }
0x2b8: {  	s0 =	stileid.u32;
	[bflag:$0x2] =	sbarrier.arrive $0xFFFF  }
0x2b9: {  	p0 =	sne.s32 s0, $0x0;
	s0 =	rddreg [dreg:$0x2]  }
0x2ba: {  	s0 =	sadd.s32 @!p0 $0x100000, s0  }
0x2bb: {  	[sflag:s0] =	ssyncadd.tile.s32 @!p0 $0x1;
	_ =	shalt  }
.Lfunc_end2:
_tile_overlayer_lowered:
.L_overlay_start_2:
0x2bc: {  	(tag) =	ssettag $0x2  }
0x2bd: {  	s0 =	rddreg [dreg:$0x0];
	s2 =	stileid.u32  }
0x2be: {  	s1 =	rddreg [dreg:$0x1];
	p0 =	sne.s32 s2, $0x0  }
0x2bf: {  	s3 =	rddreg [dreg:$0x2];
	[bflag:$0x3] =	sbarrier.arrive $0xFFFF;
	s2 =	simm.s32 @!p0 $0x1C05  }
0x2c0: {  	[timem:s3], [sflag:s2] =	dma.local @!p0 [hbm:s0], s1  }
0x2c1: {  	s0 =	simm.s32 @!p0 $0x5  }
0x2c2: {  	_ =	swait.ge @!p0 [sflag:s0], s1  }
0x2c3: {  	s1 =	ssub.s32 @!p0 $0x0, s1;
	[sflag:s0] =	ssyncset.done @!p0 $0x0  }
0x2c4: {  	[sflag:s0] =	ssyncadd.s32 @!p0 s1  }
0x2c5: {  	[bflag:$0x3] =	sbarrier.arrive $0xFFFF  }
0x2c6: {  	_ =	shalt  }

// kernel: kernel.8.cloned.1.call-start
scs
__scs_entry_jumppad:
0x0: {  	(pc) =	sbr.rel $0x88, $3  }
0x1: {  	(tag) =	ssettag $0x0;
	lr =	simm.s32 $0x1  }
0x2: {  	[smem:$0x3F9B] =	sst lr;
	_ =	strace $0xD0000000  }
0x3: {  	_ = 	snop  }
0x4: {  	_ = 	snop  }
0x5: {  	_ = 	snop  }
0x6: {  	_ = 	snop  }
0x7: {  	_ = 	snop  }
__scs_overlays_trampoline_lowered:
0x8: {  	[smem:$0x3FAA] =	sst s0  }
0x9: {  	[smem:$0x3FAB] =	sst s1  }
0xa: {  	[smem:$0x3FAC] =	sst s2  }
0xb: {  	[smem:$0x3FAD] =	sst s3  }
0xc: {  	[smem:$0x3FAE] =	sst s4  }
0xd: {  	[smem:$0x3FAF] =	sst s5  }
0xe: {  	[smem:$0x3FB0] =	sst s6  }
0xf: {  	[smem:$0x3FB1] =	sst s7  }
0x10: {  	[smem:$0x3FB2] =	sst s8  }
0x11: {  	[smem:$0x3FB3] =	sst s9;
	s0 =	simm.s32 @!p0 $0x0  }
0x12: {  	s1 =	sld [smem:$0x3F99];
	s0 =	simm.s32 @p0 $0x1  }
0x13: {  	[smem:$0x3FB4] =	sst s0;
	s0 =	simm.s32 @!p1 $0x0  }
0x14: {  	s2 =	sld [smem:$0x3F98];
	s0 =	simm.s32 @p1 $0x1  }
0x15: {  	[smem:$0x3FB5] =	sst s0;
	s0 =	simm.s32 @!p2 $0x0  }
0x16: {  	s3 =	sld [smem:$0x3FDB];
	s0 =	simm.s32 @p2 $0x1  }
0x17: {  	s4 =	simm.s32 $0x1BF5;
	[smem:$0x3FB7] =	sst s0  }
0x18: {  	s0 =	sld [smem:$0x3F9A];
	_ =	swait.ge [sflag:s4], $0x0  }
0x19: {  	s7 =	sld [smem:$0x3F9B]  }
0x1a: {  	s8 =	sadd.s32 $0xFFFFE003, lr  }
0x1b: {  	s9 =	sadd.s32 $0xFFFFFEF7, lr;
	s5 =	simm.s32 $0xFFFFFFFF;
	p2 =	slt.u32 s8, $0xFFFFF086  }
0x1c: {  	p1 =	slt.u32 s9, $0xF7A;
	s5 =	simm.s32 @!p2 $0x0  }
0x1d: {  	s5 =	simm.s32 @p1 $0x1;
	p0 =	seq.s32 s7, s2  }
0x1e: {  	s7 =	smul.u32 @!p0 $0xF7A, s2;
	p2 =	seq.s32 @!p0 s5, $0x0  }
0x1f: {  	s9 =	smul.u32 $0xF7A, s1;
	s8 =	simm.s32 @!p0 $0x1BF5;
	p2 =	por !p2, p0  }
0x20: {  	[sflag:s8] =	ssyncset.s32 @!p0 $0xFFFFF086;
	s6 =	sadd.s32 @!p0 s3, s7;
	s7 =	simm.s32 @!p0 $0x108  }
0x21: {  	s3 =	sadd.s32 s3, s9;
	s6 =	sadd.s32 @!p0 $0x88, s6;
	s7 =	simm.s32 @p2 $0x1082  }
0x22: {  	[simem:s7], [sflag:s8] =	dma.local @!p0 [hbm:s6], $0xF7A  }
0x23: {  	s9 =	sor.u32 $0xD0000000, s2;
	s6 =	simm.s32 $0x108;
	_ =	swait.ge @!p0 [sflag:s8], $0x0  }
0x24: {  	s3 =	sadd.s32 $0x88, s3;
	s6 =	simm.s32 @!p1 $0x1082;
	[sflag:s4] =	ssyncset.s32 $0xFFFFF086  }
0x25: {  	[simem:s6], [sflag:s4] =	dma.local [hbm:s3], $0xF7A  }
0x26: {  	[smem:$0x3F9B] =	sst s1;
	(tag) =	ssettag s2;
	_ =	strace s9  }
0x27: {  	s1 =	sld [smem:$0x3FAB]  }
0x28: {  	s2 =	sld [smem:$0x3FAC]  }
0x29: {  	s4 =	sld [smem:$0x3FAE]  }
0x2a: {  	p0 =	seq.s32 s5, $0x0;
	s5 =	sld [smem:$0x3FAF]  }
0x2b: {  	s6 =	sld [smem:$0x3FB0]  }
0x2c: {  	s7 =	sld [smem:$0x3FB1]  }
0x2d: {  	s3 =	simm.s32 $0x108;
	s8 =	sld [smem:$0x3FB2]  }
0x2e: {  	s3 =	simm.s32 @!p0 $0x1082;
	s9 =	sld [smem:$0x3FB3]  }
0x2f: {  	lr =	sadd.s32 s0, s3;
	s0 =	sld [smem:$0x3FAA]  }
0x30: {  	s3 =	sld [smem:$0x3FAD]  }
0x31: {  	[smem:$0x3FB6] =	sst s10  }
0x32: {  	s10 =	sld [smem:$0x3FB4];
	_ =	sdelay $0x3  }
0x33: {  	p0 =	seq.s32 s10, $0x1;
	s10 =	sld [smem:$0x3FB6];
	_ =	sdelay $0x3  }
0x34: {  	[smem:$0x3FB6] =	sst s10  }
0x35: {  	s10 =	sld [smem:$0x3FB5];
	_ =	sdelay $0x3  }
0x36: {  	p1 =	seq.s32 s10, $0x1;
	s10 =	sld [smem:$0x3FB6];
	_ =	sdelay $0x3  }
0x37: {  	[smem:$0x3FB6] =	sst s10  }
0x38: {  	s10 =	sld [smem:$0x3FB7]  }
0x39: {  	_ = 	snop;
	(pc) =	sbr.ind lr, $3  }
0x3a: {  	_ = 	snop  }
0x3b: {  	_ = 	snop  }
0x3c: {  	p2 =	seq.s32 s10, $0x1;
	s10 =	sld [smem:$0x3FB6]  }
0x3d: {  	_ =	shalt  }
0x3e: {  	_ =	shalt  }
0x3f: {  	_ =	shalt  }
0x40: {  	_ =	shalt  }
0x41: {  	_ =	shalt  }
0x42: {  	_ =	shalt  }
0x43: {  	_ =	shalt  }
0x44: {  	_ =	shalt  }
0x45: {  	_ =	shalt  }
0x46: {  	_ =	shalt  }
0x47: {  	_ =	shalt  }
0x48: {  	_ =	shalt  }
0x49: {  	_ =	shalt  }
0x4a: {  	_ =	shalt  }
0x4b: {  	_ =	shalt  }
0x4c: {  	_ =	shalt  }
0x4d: {  	_ =	shalt  }
0x4e: {  	_ =	shalt  }
0x4f: {  	_ =	shalt  }
0x50: {  	_ =	shalt  }
0x51: {  	_ =	shalt  }
0x52: {  	_ =	shalt  }
0x53: {  	_ =	shalt  }
0x54: {  	_ =	shalt  }
0x55: {  	_ =	shalt  }
0x56: {  	_ =	shalt  }
0x57: {  	_ =	shalt  }
0x58: {  	_ =	shalt  }
0x59: {  	_ =	shalt  }
0x5a: {  	_ =	shalt  }
0x5b: {  	_ =	shalt  }
0x5c: {  	_ =	shalt  }
0x5d: {  	_ =	shalt  }
0x5e: {  	_ =	shalt  }
0x5f: {  	_ =	shalt  }
0x60: {  	_ =	shalt  }
0x61: {  	_ =	shalt  }
0x62: {  	_ =	shalt  }
0x63: {  	_ =	shalt  }
0x64: {  	_ =	shalt  }
0x65: {  	_ =	shalt  }
0x66: {  	_ =	shalt  }
0x67: {  	_ =	shalt  }
0x68: {  	_ =	shalt  }
0x69: {  	_ =	shalt  }
0x6a: {  	_ =	shalt  }
0x6b: {  	_ =	shalt  }
0x6c: {  	_ =	shalt  }
0x6d: {  	_ =	shalt  }
0x6e: {  	_ =	shalt  }
0x6f: {  	_ =	shalt  }
0x70: {  	_ =	shalt  }
0x71: {  	_ =	shalt  }
0x72: {  	_ =	shalt  }
0x73: {  	_ =	shalt  }
0x74: {  	_ =	shalt  }
0x75: {  	_ =	shalt  }
0x76: {  	_ =	shalt  }
0x77: {  	_ =	shalt  }
0x78: {  	_ =	shalt  }
0x79: {  	_ =	shalt  }
0x7a: {  	_ =	shalt  }
0x7b: {  	_ =	shalt  }
0x7c: {  	_ =	shalt  }
0x7d: {  	_ =	shalt  }
0x7e: {  	_ =	shalt  }
0x7f: {  	_ =	shalt  }
0x80: {  	_ =	shalt  }
0x81: {  	_ =	shalt  }
0x82: {  	_ =	shalt  }
0x83: {  	_ =	shalt  }
0x84: {  	_ =	shalt  }
0x85: {  	_ =	shalt  }
0x86: {  	_ =	shalt  }
0x87: {  	_ =	shalt  }
.Lfunc_end0:
.L_simem_size_0:
called_computation_lowered:
.L_overlay_start_0:
0x88: {  	s2 =	sld [smem:$0x3FD9]  }
0x89: {  	s3 =	sld [smem:$0x3FFE];
	_ =	sdelay $0x1  }
0x8a: {  	s1 =	srdreg.scid  }
0x8b: {  	s0 =	sand.u32 $0x1, s1  }
0x8c: {  	s17 =	sshll.u32 s0, $0xA;
	s2 =	sadd.s32 s3, s2  }
0x8d: {  	s2 =	sadd.s32 s2, s17  }
0x8e: {  	[smem:$0x3FC2] =	sst s2  }
0x8f: {  	_ = 	snop  }
0x90: {  	s2 =	sld [smem:$0x3FD0];
	(tm) =	ssettm $0x1  }
0x91: {  	s18 =	sld [smem:$0x3FFB];
	_ =	sdelay $0x3  }
0x92: {  	_ =	strace s18  }
0x93: {  	s3 =	sld [smem:$0x3FFC];
	_ =	sdelay $0x3  }
0x94: {  	_ =	strace s3  }
0x95: {  	s3 =	sld [smem:$0x3FFD];
	_ =	sdelay $0x3  }
0x96: {  	_ =	strace s3  }
0x97: {  	_ =	strace $0x8FFFFFFF  }
0x98: {  	s19 =	sld [smem:$0x3FDB];
	_ =	sdelay $0x1  }
0x99: {  	s4 =	simm.s32 $_scs_section_size  }
0x9a: {  	s5 =	simm.s32 $_size__tile_overlayer_lowered;
	s6 =	simm.s32 $_tile_overlayer_lowered  }
0x9b: {  	s22 =	simm.s32 $0x1BFF;
	s21 =	sshll.u32 s6, $0x1;
	s3 =	sadd.s32 s4, s19  }
0x9c: {  	s7 =	simm.s32 $0x0;
	s20 =	sshll.u32 s5, $0x1;
	s5 =	sadd.s32 s21, s3  }
0x9d: {  	[timem:s7], [sflag:s22] =	dma.local [hbm:s5], s20  }
0x9e: {  	_ =	swait.ge [sflag:s22], s20  }
0x9f: {  	s4 =	ssub.s32 $0x0, s20;
	[sflag:s22] =	ssyncset.done $0x0  }
0xa0: {  	[sflag:s22] =	ssyncadd.s32 s4;
	_ =	sdelay $0x1  }
0xa1: {  	s23 =	simm.s32 $0x1B8B  }
0xa2: {  	_ =	swait.ge [sflag:s23], $0x1  }
0xa3: {  	[sflag:s23] =	ssyncset.done $0x0  }
0xa4: {  	s25 =	simm.s32 $0x1B8E;
	s24 =	sld [smem:$0x3FFE];
	[sflag:s23] =	ssyncadd.s32 $0xFFFFFFFF  }
0xa5: {  	s26 =	simm.s32 $execute0_lowered;
	[smem:$0x3FD2] =	sst s25  }
0xa6: {  	s5 =	sshll.u32 s26, $0x1;
	_ =	strace $0x80000046;
	[dreg:$0x1] =	wrdreg $0xFFFFFFFF  }
0xa7: {  	s28 =	simm.s32 $_size_execute0_lowered;
	s3 =	sadd.s32 s3, s5;
	[dreg:$0x0] =	wrdreg $0x0  }
0xa8: {  	s5 =	sshll.u32 s28, $0x1;
	[dreg:$0x2] =	wrdreg s3  }
0xa9: {  	[dreg:$0x3] =	wrdreg s5  }
0xaa: {  	[dreg:$0x4] =	wrdreg $0xC0  }
0xab: {  	_ =	task [dreg:s7], $0x5FFFF  }
0xac: {  	[dreg:$0x1] =	wrdreg $0xFFFFFFFF  }
0xad: {  	[dreg:$0x0] =	wrdreg $0x60  }
0xae: {  	[dreg:$0x2] =	wrdreg s24  }
0xaf: {  	[dreg:$0x3] =	wrdreg s2  }
0xb0: {  	[dreg:$0x4] =	wrdreg $0x58000  }
0xb1: {  	[dreg:$0x5] =	wrdreg $0x9  }
0xb2: {  	_ =	task.clear_ibuf [dreg:s7], $0x6FFFF;
	_ =	strace $0x90000046  }
0xb3: {  	s29 =	simm.s32 $0x9;
	_ =	strace $0x80000048  }
0xb4: {  	_ =	swait.ge [sflag:s29], $0x1  }
0xb5: {  	[sflag:s29] =	ssyncadd.s32 $0xFFFFFFFF  }
0xb6: {  	_ =	strace $0x90000048  }
0xb7: {  	_ =	sfence  }
0xb8: {  	s30 =	sld [smem:$0x0];
	_ =	sdelay $0x2  }
0xb9: {  	s31 =	sshll.u32 s1, $0xD;
	s1 =	sshrl.u32 s1, $0x2  }
0xba: {  	s3 =	sand.u32 $0x4000, s31;
	s1 =	sadd.s32 s1, s30  }
0xbb: {  	s0 =	sor.u32 s3, s0;
	s1 =	sshll.u32 s1, $0x11  }
0xbc: {  	s0 =	sor.u32 s1, s0  }
0xbd: {  	s0 =	sadd.s32 $0x8F2B, s0  }
0xbe: {  	[sflag:s0] =	ssyncadd.remote.s32 $0x1  }
0xbf: {  	_ =	sfence.sel $0xFFFF  }
0xc0: {  	[dreg:$0x0] =	wrdreg $0xFFFFFFFF;
	(pc) =	sbr.abs _section_cstart, $3  }
0xc1: {  	[dreg:$0x1] =	wrdreg $0xFFFFFFFF  }
0xc2: {  	_ =	task.clear_ibuf [dreg:s7], $0x2FFFF;
	_ =	strace $0x9FFFFFFF  }
0xc3: {  	(tm) =	ssettm $0x7FFFFFFF  }
tec
execute0_lowered:
.L_overlay_start_1:
0x0: {  	(tag) =	ssettag $0x1  }
0x1: {  	s6 =	rddreg [dreg:$0x0]  }
0x2: {  	s2 =	rddreg [dreg:$0x1]  }
0x3: {  	s0 =	srdreg.scid;
	s3 =	rddreg [dreg:$0x2];
	s4 =	simm.s32 $0x0  }
0x4: {  	s12 =	simm.s32 $0x3000;
	s13 =	simm.s32 $0x80;
	s14 =	simm.s32 $0x100  }
0x5: {  	s15 =	simm.s32 $0x180;
	s16 =	simm.s32 $0x200;
	s17 =	simm.s32 $0x280  }
0x6: {  	s18 =	simm.s32 $0x300;
	s19 =	simm.s32 $0x380;
	s20 =	simm.s32 $0x400  }
0x7: {  	s21 =	simm.s32 $0x480;
	s5 =	sand.u32 $0x1, s0;
	s0 =	stileid.u32  }
0x8: {  	s22 =	simm.s32 $0x1;
	s23 =	simm.s32 $0x2;
	s8 =	smul.u32 $0x2800, s0  }
0x9: {  	s24 =	simm.s32 $0x0;
	s1 =	sshll.u32 s5, $0x4;
	s9 =	smul.u32 $0x500, s0  }
0xa: {  	s10 =	smul.u32 $0x5000, s5;
	s5 =	ssub.s32 $0x2, s5;
	s1 =	sor.u32 s0, s1  }
0xb: {  	[smem:$0x7FF] =	sst s4;
	s30 =	sshrl.u32 s5, $0x1;
	s7 =	smul.u32 $0x500, s1  }
0xc: {  	s1 =	rddreg [dreg:$0x3];
	_ =	strace $0x80000047;
	s11 =	sshrl.u32 s8, $0x3  }
0xd: {  	s9 =	sadd.s32 s9, s10;
	s31 =	ssub.s32 s5, s30;
	s10 =	simm.s32 $0x3  }
0xe: {  	s29 =	sadd.s32 s11, s6;
	s9 =	sadd.s32 s9, s6;
	s7 =	sadd.s32 s7, s6  }
0xf: {  	s11 =	simm.s32 $0x2800;
	s6 =	sadd.s32 $0xB600, s29;
	s5 =	sadd.s32 $0x1600, s7  }
0x10: {  	s7 =	sadd.s32 s8, s3;
	s8 =	sadd.s32 $0x10600, s9;
	s9 =	smax.u32 s31, $0x1  }
.LBB2_1:
0x11: {  	[tilespmem:s4], [sflag:$0x3] =	stream.linear.gather [hbm4b:s5+s4], $0x2800, $0x38;
	[tilespmem:$0x8000] =	vst v63  }
0x12: {  	_ =	swait.ge [sflag:s10], $0x2800  }
0x13: {  	[sflag:s10] =	ssyncset.done $0x0  }
0x14: {  	[sflag:s10] =	ssyncadd.s32 $0xFFFFD800  }
0x15: {  	[tilespmem:s11], [sflag:$0x3] =	stream.linear.gather [hbm4b:s2+s4], $0x800, $0x38;
	[tilespmem:$0x8000] =	vst v63  }
0x16: {  	_ =	swait.ge [sflag:s10], $0x800  }
0x17: {  	[sflag:s10] =	ssyncset.done $0x0  }
0x18: {  	[sflag:s10] =	ssyncadd.s32 $0xFFFFF800  }
0x19: {  	[tilespmem:s12], [sflag:$0x3] =	stream.linear.gather [hbm4b:s6+s4], $0x2800, $0x38;
	[tilespmem:$0x8000] =	vst v63  }
0x1a: {  	_ =	swait.ge [sflag:s10], $0x2800  }
0x1b: {  	[sflag:s10] =	ssyncset.done $0x0  }
0x1c: {  	[sflag:s10] =	ssyncadd.s32 $0xFFFFD800  }
0x1d: {  	[spmem:s7] =	stream.linear.scatter [tilespmem:s12], [sflag:$0x3], $0x2800, $0x38;
	[tilespmem:$0x8000] =	vst v63  }
0x1e: {  	_ =	swait.ge [sflag:s10], $0x2800  }
0x1f: {  	[sflag:s10] =	ssyncset.done $0x0  }
0x20: {  	[sflag:s10] =	ssyncadd.s32 $0xFFFFD800  }
0x21: {  	[bflag:$0x0] =	sbarrier.arrive $0xFFFF  }
0x22: {  	[spmem:s3] =	stream.indirect.scatter.add.f32 [tilespmem:s11], [sflag:$0x1], $0x10, s4, s13, $0xb8;
	[tilespmem:$0x8000] =	vst v63  }
0x23: {  	_ = 	snop  }
0x24: {  	[spmem:s3] =	stream.indirect.scatter.add.f32 [tilespmem:s11], [sflag:$0x1], $0x10, s13, s13, $0xb8;
	[tilespmem:$0x8000] =	vst v63  }
0x25: {  	_ = 	snop  }
0x26: {  	[spmem:s3] =	stream.indirect.scatter.add.f32 [tilespmem:s11], [sflag:$0x1], $0x10, s14, s13, $0xb8;
	[tilespmem:$0x8000] =	vst v63  }
0x27: {  	_ = 	snop  }
0x28: {  	[spmem:s3] =	stream.indirect.scatter.add.f32 [tilespmem:s11], [sflag:$0x1], $0x10, s15, s13, $0xb8;
	[tilespmem:$0x8000] =	vst v63  }
0x29: {  	_ = 	snop  }
0x2a: {  	[spmem:s3] =	stream.indirect.scatter.add.f32 [tilespmem:s11], [sflag:$0x1], $0x10, s16, s13, $0xb8;
	[tilespmem:$0x8000] =	vst v63  }
0x2b: {  	_ = 	snop  }
0x2c: {  	[spmem:s3] =	stream.indirect.scatter.add.f32 [tilespmem:s11], [sflag:$0x2], $0x10, s17, s13, $0xb8;
	[tilespmem:$0x8000] =	vst v63  }
0x2d: {  	_ = 	snop  }
0x2e: {  	[spmem:s3] =	stream.indirect.scatter.add.f32 [tilespmem:s11], [sflag:$0x2], $0x10, s18, s13, $0xb8;
	[tilespmem:$0x8000] =	vst v63  }
0x2f: {  	_ = 	snop  }
0x30: {  	[spmem:s3] =	stream.indirect.scatter.add.f32 [tilespmem:s11], [sflag:$0x2], $0x10, s19, s13, $0xb8;
	[tilespmem:$0x8000] =	vst v63  }
0x31: {  	_ = 	snop  }
0x32: {  	[spmem:s3] =	stream.indirect.scatter.add.f32 [tilespmem:s11], [sflag:$0x2], $0x10, s20, s13, $0xb8;
	[tilespmem:$0x8000] =	vst v63  }
0x33: {  	_ = 	snop  }
0x34: {  	[spmem:s3] =	stream.indirect.scatter.add.f32 [tilespmem:s11], [sflag:$0x2], $0x10, s21, s13, $0xb8;
	[tilespmem:$0x8000] =	vst v63  }
0x35: {  	_ =	swait.ge [sflag:s22], $0x800  }
0x36: {  	[sflag:s22] =	ssyncset.done $0x0  }
0x37: {  	[sflag:s22] =	ssyncadd.s32 $0xFFFFF800  }
0x38: {  	_ =	swait.ge [sflag:s22], $0x800  }
0x39: {  	[sflag:s22] =	ssyncset.done $0x0  }
0x3a: {  	[sflag:s22] =	ssyncadd.s32 $0xFFFFF800  }
0x3b: {  	_ =	swait.ge [sflag:s22], $0x800  }
0x3c: {  	[sflag:s22] =	ssyncset.done $0x0  }
0x3d: {  	[sflag:s22] =	ssyncadd.s32 $0xFFFFF800  }
0x3e: {  	_ =	swait.ge [sflag:s22], $0x800  }
0x3f: {  	[sflag:s22] =	ssyncset.done $0x0  }
0x40: {  	[sflag:s22] =	ssyncadd.s32 $0xFFFFF800  }
0x41: {  	_ =	swait.ge [sflag:s22], $0x800  }
0x42: {  	[sflag:s22] =	ssyncset.done $0x0  }
0x43: {  	s25 =	simm.s32 $0x500;
	[sflag:s22] =	ssyncadd.s32 $0xFFFFF800  }
0x44: {  	[spmem:s3] =	stream.indirect.scatter.add.f32 [tilespmem:s11], [sflag:$0x1], $0x10, s25, s13, $0xb8;
	[tilespmem:$0x8000] =	vst v63  }
0x45: {  	s31 =	simm.s32 $0x580  }
0x46: {  	[spmem:s3] =	stream.indirect.scatter.add.f32 [tilespmem:s11], [sflag:$0x1], $0x10, s31, s13, $0xb8;
	[tilespmem:$0x8000] =	vst v63  }
0x47: {  	s26 =	simm.s32 $0x600  }
0x48: {  	[spmem:s3] =	stream.indirect.scatter.add.f32 [tilespmem:s11], [sflag:$0x1], $0x10, s26, s13, $0xb8;
	[tilespmem:$0x8000] =	vst v63  }
0x49: {  	s28 =	simm.s32 $0x680  }
0x4a: {  	[spmem:s3] =	stream.indirect.scatter.add.f32 [tilespmem:s11], [sflag:$0x1], $0x10, s28, s13, $0xb8;
	[tilespmem:$0x8000] =	vst v63  }
0x4b: {  	s30 =	simm.s32 $0x700  }
0x4c: {  	[spmem:s3] =	stream.indirect.scatter.add.f32 [tilespmem:s11], [sflag:$0x1], $0x10, s30, s13, $0xb8;
	[tilespmem:$0x8000] =	vst v63  }
0x4d: {  	_ =	swait.ge [sflag:s23], $0x800  }
0x4e: {  	[sflag:s23] =	ssyncset.done $0x0  }
0x4f: {  	[sflag:s23] =	ssyncadd.s32 $0xFFFFF800  }
0x50: {  	_ =	swait.ge [sflag:s23], $0x800  }
0x51: {  	[sflag:s23] =	ssyncset.done $0x0  }
0x52: {  	[sflag:s23] =	ssyncadd.s32 $0xFFFFF800  }
0x53: {  	_ =	swait.ge [sflag:s23], $0x800  }
0x54: {  	[sflag:s23] =	ssyncset.done $0x0  }
0x55: {  	[sflag:s23] =	ssyncadd.s32 $0xFFFFF800  }
0x56: {  	_ =	swait.ge [sflag:s23], $0x800  }
0x57: {  	[sflag:s23] =	ssyncset.done $0x0  }
0x58: {  	[sflag:s23] =	ssyncadd.s32 $0xFFFFF800  }
0x59: {  	_ =	swait.ge [sflag:s23], $0x800  }
0x5a: {  	[sflag:s23] =	ssyncset.done $0x0  }
0x5b: {  	s31 =	simm.s32 $0x780;
	[sflag:s23] =	ssyncadd.s32 $0xFFFFF800  }
0x5c: {  	[spmem:s3] =	stream.indirect.scatter.add.f32 [tilespmem:s11], [sflag:$0x2], $0x10, s31, s13, $0xb8;
	[tilespmem:$0x8000] =	vst v63  }
0x5d: {  	s26 =	simm.s32 $0x800  }
0x5e: {  	[spmem:s3] =	stream.indirect.scatter.add.f32 [tilespmem:s11], [sflag:$0x2], $0x10, s26, s13, $0xb8;
	[tilespmem:$0x8000] =	vst v63  }
0x5f: {  	s28 =	simm.s32 $0x880  }
0x60: {  	[spmem:s3] =	stream.indirect.scatter.add.f32 [tilespmem:s11], [sflag:$0x2], $0x10, s28, s13, $0xb8;
	[tilespmem:$0x8000] =	vst v63  }
0x61: {  	s30 =	simm.s32 $0x900  }
0x62: {  	[spmem:s3] =	stream.indirect.scatter.add.f32 [tilespmem:s11], [sflag:$0x2], $0x10, s30, s13, $0xb8;
	[tilespmem:$0x8000] =	vst v63  }
0x63: {  	s31 =	simm.s32 $0x980  }
0x64: {  	[spmem:s3] =	stream.indirect.scatter.add.f32 [tilespmem:s11], [sflag:$0x2], $0x10, s31, s13, $0xb8;
	[tilespmem:$0x8000] =	vst v63  }
0x65: {  	_ =	swait.ge [sflag:s22], $0x800  }
0x66: {  	[sflag:s22] =	ssyncset.done $0x0  }
0x67: {  	[sflag:s22] =	ssyncadd.s32 $0xFFFFF800  }
0x68: {  	_ =	swait.ge [sflag:s22], $0x800  }
0x69: {  	[sflag:s22] =	ssyncset.done $0x0  }
0x6a: {  	[sflag:s22] =	ssyncadd.s32 $0xFFFFF800  }
0x6b: {  	_ =	swait.ge [sflag:s22], $0x800  }
0x6c: {  	[sflag:s22] =	ssyncset.done $0x0  }
0x6d: {  	[sflag:s22] =	ssyncadd.s32 $0xFFFFF800  }
0x6e: {  	_ =	swait.ge [sflag:s22], $0x800  }
0x6f: {  	[sflag:s22] =	ssyncset.done $0x0  }
0x70: {  	[sflag:s22] =	ssyncadd.s32 $0xFFFFF800  }
0x71: {  	_ =	swait.ge [sflag:s22], $0x800  }
0x72: {  	s29 =	simm.s32 $0x2800;
	s25 =	simm.s32 $0x500;
	[sflag:s22] =	ssyncset.done $0x0  }
.LBB2_2:
0x73: {  	s30 =	sadd.s32 $0x500, s25  }
0x74: {  	[sflag:s22] =	ssyncadd.s32 $0xFFFFF800;
	s28 =	smov.u32 s29;
	s26 =	sadd.s32 $0x1400, s29  }
0x75: {  	[spmem:s3] =	stream.indirect.scatter.add.f32 [tilespmem:s11], [sflag:$0x1], $0x10, s30, s13, $0xb8;
	[tilespmem:$0x8000] =	vst v63  }
0x76: {  	p0 =	sne.s32 s29, $0x7800;
	s29 =	sadd.s32 $0x580, s25  }
0x77: {  	[spmem:s3] =	stream.indirect.scatter.add.f32 [tilespmem:s11], [sflag:$0x1], $0x10, s29, s13, $0xb8;
	[tilespmem:$0x8000] =	vst v63  }
0x78: {  	s29 =	sadd.s32 $0x600, s25  }
0x79: {  	[spmem:s3] =	stream.indirect.scatter.add.f32 [tilespmem:s11], [sflag:$0x1], $0x10, s29, s13, $0xb8;
	[tilespmem:$0x8000] =	vst v63  }
0x7a: {  	s29 =	sadd.s32 $0x680, s25  }
0x7b: {  	[spmem:s3] =	stream.indirect.scatter.add.f32 [tilespmem:s11], [sflag:$0x1], $0x10, s29, s13, $0xb8;
	[tilespmem:$0x8000] =	vst v63  }
0x7c: {  	s29 =	sadd.s32 $0x700, s25  }
0x7d: {  	[spmem:s3] =	stream.indirect.scatter.add.f32 [tilespmem:s11], [sflag:$0x1], $0x10, s29, s13, $0xb8;
	[tilespmem:$0x8000] =	vst v63  }
0x7e: {  	_ =	swait.ge [sflag:s23], $0x800  }
0x7f: {  	[sflag:s23] =	ssyncset.done $0x0  }
0x80: {  	[sflag:s23] =	ssyncadd.s32 $0xFFFFF800  }
0x81: {  	_ =	swait.ge [sflag:s23], $0x800  }
0x82: {  	[sflag:s23] =	ssyncset.done $0x0  }
0x83: {  	[sflag:s23] =	ssyncadd.s32 $0xFFFFF800  }
0x84: {  	_ =	swait.ge [sflag:s23], $0x800  }
0x85: {  	[sflag:s23] =	ssyncset.done $0x0  }
0x86: {  	[sflag:s23] =	ssyncadd.s32 $0xFFFFF800  }
0x87: {  	_ =	swait.ge [sflag:s23], $0x800  }
0x88: {  	[sflag:s23] =	ssyncset.done $0x0  }
0x89: {  	[sflag:s23] =	ssyncadd.s32 $0xFFFFF800  }
0x8a: {  	_ =	swait.ge [sflag:s23], $0x800  }
0x8b: {  	[sflag:s23] =	ssyncset.done $0x0  }
0x8c: {  	s29 =	sadd.s32 $0x780, s25;
	[sflag:s23] =	ssyncadd.s32 $0xFFFFF800  }
0x8d: {  	[spmem:s3] =	stream.indirect.scatter.add.f32 [tilespmem:s11], [sflag:$0x2], $0x10, s29, s13, $0xb8;
	[tilespmem:$0x8000] =	vst v63  }
0x8e: {  	s29 =	sadd.s32 $0x800, s25  }
0x8f: {  	[spmem:s3] =	stream.indirect.scatter.add.f32 [tilespmem:s11], [sflag:$0x2], $0x10, s29, s13, $0xb8;
	[tilespmem:$0x8000] =	vst v63  }
0x90: {  	s29 =	sadd.s32 $0x880, s25  }
0x91: {  	[spmem:s3] =	stream.indirect.scatter.add.f32 [tilespmem:s11], [sflag:$0x2], $0x10, s29, s13, $0xb8;
	[tilespmem:$0x8000] =	vst v63  }
0x92: {  	s29 =	sadd.s32 $0x900, s25  }
0x93: {  	[spmem:s3] =	stream.indirect.scatter.add.f32 [tilespmem:s11], [sflag:$0x2], $0x10, s29, s13, $0xb8;
	[tilespmem:$0x8000] =	vst v63  }
0x94: {  	s25 =	sadd.s32 $0x980, s25  }
0x95: {  	[spmem:s3] =	stream.indirect.scatter.add.f32 [tilespmem:s11], [sflag:$0x2], $0x10, s25, s13, $0xb8;
	[tilespmem:$0x8000] =	vst v63  }
0x96: {  	_ =	swait.ge [sflag:s22], $0x800  }
0x97: {  	[sflag:s22] =	ssyncset.done $0x0  }
0x98: {  	[sflag:s22] =	ssyncadd.s32 $0xFFFFF800  }
0x99: {  	_ =	swait.ge [sflag:s22], $0x800  }
0x9a: {  	[sflag:s22] =	ssyncset.done $0x0  }
0x9b: {  	[sflag:s22] =	ssyncadd.s32 $0xFFFFF800  }
0x9c: {  	_ =	swait.ge [sflag:s22], $0x800  }
0x9d: {  	[sflag:s22] =	ssyncset.done $0x0  }
0x9e: {  	[sflag:s22] =	ssyncadd.s32 $0xFFFFF800  }
.Ltmp0:
0x9f: {  	_ =	swait.ge [sflag:s22], $0x800;
	(pc) =	sbr.rel @p0 .LBB2_2-.Ltmp0, $4  }
0xa0: {  	[sflag:s22] =	ssyncset.done $0x0  }
0xa1: {  	[sflag:s22] =	ssyncadd.s32 $0xFFFFF800  }
0xa2: {  	_ =	swait.ge [sflag:s22], $0x800  }
0xa3: {  	s29 =	smov.u32 s26;
	s25 =	sshra.s32 s28, $0x2;
	[sflag:s22] =	ssyncset.done $0x0  }
0xa4: {  	s26 =	sadd.s32 $0x500, s25;
	[sflag:s22] =	ssyncadd.s32 $0xFFFFF800  }
0xa5: {  	[spmem:s3] =	stream.indirect.scatter.add.f32 [tilespmem:s11], [sflag:$0x1], $0x10, s26, s13, $0xb8;
	[tilespmem:$0x8000] =	vst v63  }
0xa6: {  	s31 =	sadd.s32 $0x580, s25  }
0xa7: {  	[spmem:s3] =	stream.indirect.scatter.add.f32 [tilespmem:s11], [sflag:$0x1], $0x10, s31, s13, $0xb8;
	[tilespmem:$0x8000] =	vst v63  }
0xa8: {  	s28 =	sadd.s32 $0x600, s25  }
0xa9: {  	[spmem:s3] =	stream.indirect.scatter.add.f32 [tilespmem:s11], [sflag:$0x1], $0x10, s28, s13, $0xb8;
	[tilespmem:$0x8000] =	vst v63  }
0xaa: {  	s29 =	sadd.s32 $0x680, s25  }
0xab: {  	[spmem:s3] =	stream.indirect.scatter.add.f32 [tilespmem:s11], [sflag:$0x1], $0x10, s29, s13, $0xb8;
	[tilespmem:$0x8000] =	vst v63  }
0xac: {  	s30 =	sadd.s32 $0x700, s25  }
0xad: {  	[spmem:s3] =	stream.indirect.scatter.add.f32 [tilespmem:s11], [sflag:$0x1], $0x10, s30, s13, $0xb8;
	[tilespmem:$0x8000] =	vst v63  }
0xae: {  	_ =	swait.ge [sflag:s23], $0x800  }
0xaf: {  	[sflag:s23] =	ssyncset.done $0x0  }
0xb0: {  	[sflag:s23] =	ssyncadd.s32 $0xFFFFF800  }
0xb1: {  	_ =	swait.ge [sflag:s23], $0x800  }
0xb2: {  	[sflag:s23] =	ssyncset.done $0x0  }
0xb3: {  	[sflag:s23] =	ssyncadd.s32 $0xFFFFF800  }
0xb4: {  	_ =	swait.ge [sflag:s23], $0x800  }
0xb5: {  	[sflag:s23] =	ssyncset.done $0x0  }
0xb6: {  	[sflag:s23] =	ssyncadd.s32 $0xFFFFF800  }
0xb7: {  	_ =	swait.ge [sflag:s23], $0x800  }
0xb8: {  	[sflag:s23] =	ssyncset.done $0x0  }
0xb9: {  	[sflag:s23] =	ssyncadd.s32 $0xFFFFF800  }
0xba: {  	_ =	swait.ge [sflag:s23], $0x800  }
0xbb: {  	[sflag:s23] =	ssyncset.done $0x0  }
0xbc: {  	s31 =	sadd.s32 $0x780, s25;
	[sflag:s23] =	ssyncadd.s32 $0xFFFFF800  }
0xbd: {  	[spmem:s3] =	stream.indirect.scatter.add.f32 [tilespmem:s11], [sflag:$0x2], $0x10, s31, s13, $0xb8;
	[tilespmem:$0x8000] =	vst v63  }
0xbe: {  	s28 =	sadd.s32 $0x800, s25  }
0xbf: {  	[spmem:s3] =	stream.indirect.scatter.add.f32 [tilespmem:s11], [sflag:$0x2], $0x10, s28, s13, $0xb8;
	[tilespmem:$0x8000] =	vst v63  }
0xc0: {  	s29 =	sadd.s32 $0x880, s25  }
0xc1: {  	[spmem:s3] =	stream.indirect.scatter.add.f32 [tilespmem:s11], [sflag:$0x2], $0x10, s29, s13, $0xb8;
	[tilespmem:$0x8000] =	vst v63  }
0xc2: {  	s30 =	sadd.s32 $0x900, s25  }
0xc3: {  	[spmem:s3] =	stream.indirect.scatter.add.f32 [tilespmem:s11], [sflag:$0x2], $0x10, s30, s13, $0xb8;
	[tilespmem:$0x8000] =	vst v63  }
0xc4: {  	s31 =	sadd.s32 $0x980, s25  }
0xc5: {  	[spmem:s3] =	stream.indirect.scatter.add.f32 [tilespmem:s11], [sflag:$0x2], $0x10, s31, s13, $0xb8;
	[tilespmem:$0x8000] =	vst v63  }
0xc6: {  	_ =	swait.ge [sflag:s22], $0x800  }
0xc7: {  	[sflag:s22] =	ssyncset.done $0x0  }
0xc8: {  	[sflag:s22] =	ssyncadd.s32 $0xFFFFF800  }
0xc9: {  	_ =	swait.ge [sflag:s22], $0x800  }
0xca: {  	[sflag:s22] =	ssyncset.done $0x0  }
0xcb: {  	[sflag:s22] =	ssyncadd.s32 $0xFFFFF800  }
0xcc: {  	_ =	swait.ge [sflag:s22], $0x800  }
0xcd: {  	[sflag:s22] =	ssyncset.done $0x0  }
0xce: {  	[sflag:s22] =	ssyncadd.s32 $0xFFFFF800  }
0xcf: {  	_ =	swait.ge [sflag:s22], $0x800  }
0xd0: {  	[sflag:s22] =	ssyncset.done $0x0  }
0xd1: {  	[sflag:s22] =	ssyncadd.s32 $0xFFFFF800  }
0xd2: {  	_ =	swait.ge [sflag:s22], $0x800  }
0xd3: {  	[sflag:s22] =	ssyncset.done $0x0  }
0xd4: {  	[sflag:s22] =	ssyncadd.s32 $0xFFFFF800  }
0xd5: {  	_ =	swait.ge [sflag:s23], $0x800  }
0xd6: {  	[sflag:s23] =	ssyncset.done $0x0  }
0xd7: {  	[sflag:s23] =	ssyncadd.s32 $0xFFFFF800  }
0xd8: {  	_ =	swait.ge [sflag:s23], $0x800  }
0xd9: {  	[sflag:s23] =	ssyncset.done $0x0  }
0xda: {  	[sflag:s23] =	ssyncadd.s32 $0xFFFFF800  }
0xdb: {  	_ =	swait.ge [sflag:s23], $0x800  }
0xdc: {  	[sflag:s23] =	ssyncset.done $0x0  }
0xdd: {  	[sflag:s23] =	ssyncadd.s32 $0xFFFFF800  }
0xde: {  	_ =	swait.ge [sflag:s23], $0x800  }
0xdf: {  	[sflag:s23] =	ssyncset.done $0x0  }
0xe0: {  	[sflag:s23] =	ssyncadd.s32 $0xFFFFF800  }
0xe1: {  	_ =	swait.ge [sflag:s23], $0x800  }
0xe2: {  	[sflag:s23] =	ssyncset.done $0x0  }
0xe3: {  	[sflag:s23] =	ssyncadd.s32 $0xFFFFF800  }
0xe4: {  	[bflag:$0x0] =	sbarrier.arrive $0xFFFF  }
0xe5: {  	[tilespmem:s12], [sflag:$0x3] =	stream.linear.gather [spmem:s7], $0x2800, $0x38;
	[tilespmem:$0x8000] =	vst v63  }
0xe6: {  	s24 =	sadd.s32 $0x1, s24;
	_ =	swait.ge [sflag:s10], $0x2800  }
0xe7: {  	p0 =	sne.s32 s24, s9;
	[sflag:s10] =	ssyncset.done $0x0  }
.Ltmp1:
0xe8: {  	[sflag:s10] =	ssyncadd.s32 $0xFFFFD800;
	(pc) =	sbr.rel @p0 .LBB2_1-.Ltmp1, $4  }
0xe9: {  	[hbm4b:s8+s4] =	stream.linear.scatter [tilespmem:s12], [sflag:$0x3], $0x2800, $0x38;
	[tilespmem:$0x8000] =	vst v63  }
0xea: {  	_ =	swait.ge [sflag:s10], $0x2800  }
0xeb: {  	[sflag:s10] =	ssyncset.done $0x0  }
0xec: {  	[sflag:s10] =	ssyncadd.s32 $0xFFFFD800  }
0xed: {  	_ =	sfence.sel $0x180000  }
0xee: {  	[bflag:$0x0] =	sbarrier.arrive $0xFFFF  }
0xef: {  	p0 =	sne.s32 s0, $0x0;
	_ =	strace $0x90000047  }
0xf0: {  	s0 =	sadd.s32 @!p0 $0x100000, s1;
	[bflag:$0x2] =	sbarrier.arrive $0xFFFF  }
0xf1: {  	[sflag:s0] =	ssyncadd.tile.s32 @!p0 $0x1;
	_ =	shalt  }
.Lfunc_end2:
_tile_overlayer_lowered:
.L_overlay_start_2:
0xf2: {  	(tag) =	ssettag $0x2  }
0xf3: {  	s0 =	rddreg [dreg:$0x0];
	s2 =	stileid.u32  }
0xf4: {  	s1 =	rddreg [dreg:$0x1];
	p0 =	sne.s32 s2, $0x0  }
0xf5: {  	s3 =	rddreg [dreg:$0x2];
	[bflag:$0x3] =	sbarrier.arrive $0xFFFF;
	s2 =	simm.s32 @!p0 $0x1C03  }
0xf6: {  	[timem:s3], [sflag:s2] =	dma.local @!p0 [hbm:s0], s1  }
0xf7: {  	s0 =	simm.s32 @!p0 $0x3  }
0xf8: {  	_ =	swait.ge @!p0 [sflag:s0], s1  }
0xf9: {  	s1 =	ssub.s32 @!p0 $0x0, s1;
	[sflag:s0] =	ssyncset.done @!p0 $0x0  }
0xfa: {  	[sflag:s0] =	ssyncadd.s32 @!p0 s1  }
0xfb: {  	[bflag:$0x3] =	sbarrier.arrive $0xFFFF  }
0xfc: {  	_ =	shalt  }

</sc_bundles>
